<compile_context>
chip_gen: v7x
topology: tpu7x:2x2x1
jax: 0.10.2.dev20260603
libtpu: 0.0.44.dev20260713+nightly
codegen_flags: <defaults>
</compile_context>

<pallas_src>
import functools

import jax
import jax.numpy as jnp
from jax import lax
from jax.experimental import pallas as pl
from jax.experimental.pallas import tpu as pltpu
from jax.experimental.pallas import tpu_sc as plsc

NUM_EMB = 1_000_000
DIM = 64
BATCH = 4096
SEQ_LEN = 200

NC = 2
NS = 16
NW = NC * NS
BW = BATCH // NW
L = 16


@functools.partial(
    pl.kernel,
    mesh=plsc.VectorSubcoreMesh(core_axis_name="c", subcore_axis_name="s"),
    compiler_params=pltpu.CompilerParams(
        use_tc_tiling_on_sc=False, needs_layout_passes=False
    ),
    out_type=jax.ShapeDtypeStruct((SEQ_LEN, DIM, BATCH), jnp.float32),
    scratch_types=[
        pltpu.VMEM((SEQ_LEN, BW), jnp.int32),
        pltpu.VMEM((4, BW, DIM), jnp.float32),
        pltpu.VMEM((2, DIM, BW + 1), jnp.float32),
        pltpu.SemaphoreType.DMA,
        pltpu.SemaphoreType.DMA,
    ],
)
def _gather(w_hbm, idx_hbm, out_hbm, idx_v, rows_v, tr_v, gsem, osem):
    wid = lax.axis_index("s") * NC + lax.axis_index("c")
    c0 = wid * BW

    pltpu.sync_copy(idx_hbm.at[pl.ds(0, SEQ_LEN), pl.ds(c0, BW)], idx_v)

    def fire_gather(s, b):
        pltpu.async_copy(w_hbm.at[idx_v.at[s]], rows_v.at[b], gsem)

    for b in range(4):
        fire_gather(b, b)

    def transpose(b):
        rf = rows_v.at[b]
        tf = tr_v.at[b]

        def rbody(r8, carry):
            for u in range(8):
                r = r8 * 8 + u
                colv = jnp.broadcast_to(r, (L,))
                for q in range(DIM // L):
                    rowv = lax.iota(jnp.int32, L) + q * L
                    plsc.store_scatter(tf, [rowv, colv], rf[r, pl.ds(q * L, L)])
            return carry

        lax.fori_loop(0, BW // 8, rbody, 0)

    def body(sblk, carry):
        for b in range(4):
            s = sblk * 4 + b
            tb = b % 2
            pltpu.make_async_copy(
                w_hbm.at[idx_v.at[s]], rows_v.at[b], gsem
            ).wait()

            @pl.when(s >= 2)
            def _():
                pltpu.make_async_copy(
                    tr_v.at[tb, pl.ds(0, DIM), pl.ds(0, BW)],
                    out_hbm.at[0, pl.ds(0, DIM), pl.ds(c0, BW)],
                    osem,
                ).wait()

            transpose(b)
            pltpu.async_copy(
                tr_v.at[tb, pl.ds(0, DIM), pl.ds(0, BW)],
                out_hbm.at[s, pl.ds(0, DIM), pl.ds(c0, BW)],
                osem,
            )

            @pl.when(s + 4 < SEQ_LEN)
            def _():
                fire_gather(s + 4, b)
        return carry

    lax.fori_loop(0, SEQ_LEN // 4, body, 0)
    for tb in range(2):
        pltpu.make_async_copy(
            tr_v.at[tb, pl.ds(0, DIM), pl.ds(0, BW)],
            out_hbm.at[0, pl.ds(0, DIM), pl.ds(c0, BW)],
            osem,
        ).wait()


def kernel(token_ids, W):
    tok_t = token_ids.astype(jnp.int32).T
    out = _gather(W, tok_t)
    return out.transpose(2, 0, 1)

# --- scband reference (transcript-rebuilt; emitter-appended) ---
"""Pipeline reference for scband-embedding-19963007991919 (READ-ONLY COPY).

The authoritative reference and input builder live on the scoring server;
editing this copy changes nothing except your own understanding.
"""

import jax, jax.numpy as jnp
import numpy as np

NUM_EMBEDDINGS = 1000000
EMBEDDING_DIM = 64
BATCH = 4096
SEQ_LEN = 200


def setup_inputs(seed: int = 0) -> dict:
    key = jax.random.key(seed)
    k_idx, k_w = jax.random.split(key)
    token_ids = jax.random.randint(k_idx, (BATCH, SEQ_LEN), 0, NUM_EMBEDDINGS, dtype=jnp.int64 if jax.config.read('jax_enable_x64') else jnp.int32)
    # Learned parameter: embedding table, trunc-normal std=1 approximated by normal clipped to [-3, 3]
    W = jnp.clip(jax.random.normal(k_w, (NUM_EMBEDDINGS, EMBEDDING_DIM), dtype=jnp.float32), -3.0, 3.0)
    return {"token_ids": token_ids, "W": W}


def reference(token_ids, W):
    # Faithful translation of Embedding.forward: self.W[token_ids]
    return jnp.take(W, token_ids, axis=0)

if __name__ == "__main__":
    import jax
    _d = setup_inputs()
    print(jax.jit(kernel)(*tuple(_d.values())))

</pallas_src>

<mosaic_0001>
#map = affine_map<(d0, d1) -> (0, 0)>
#map1 = affine_map<(d0, d1) -> (0, 0, 0)>
module attributes {stable_mosaic.version = 14 : i64} {
  func.func @_gather(%arg0: i32, %arg1: i32, %arg2: memref<1000000x64xf32, #tpu.memory_space<hbm>>, %arg3: memref<200x4096xi32, #tpu.memory_space<hbm>>, %arg4: memref<200x64x4096xf32, #tpu.memory_space<hbm>>, %arg5: memref<200x128xi32, #tpu.memory_space<vmem>>, %arg6: memref<4x128x64xf32, #tpu.memory_space<vmem>>, %arg7: memref<2x64x129xf32, #tpu.memory_space<vmem>>, %arg8: memref<!tpu.dma_semaphore, #tpu.memory_space<semaphore_mem>>, %arg9: memref<!tpu.dma_semaphore, #tpu.memory_space<semaphore_mem>>) attributes {dimension_semantics = [#tpu.dimension_semantics<core_parallel>, #tpu.dimension_semantics<subcore_parallel>], iteration_bounds = array<i64: 2, 16>, scalar_prefetch = 0 : i64, scratch_operands = 5 : i64, tpu.core_type = #tpu.core_type<sc_vector_subcore>, window_params = [{transform_indices = #map}, {transform_indices = #map}, {transform_indices = #map1}]} {
    %mul3A = arith.constant 2 : i32
    %mul3A_0 = arith.muli %arg1, %mul3A : i32
    %add3A = arith.addi %mul3A_0, %arg0 : i32
    %mul3A_1 = arith.constant 128 : i32
    %mul3A_2 = arith.muli %add3A, %mul3A_1 : i32
    "tpu.region"() ({
      %run_scoped3A = tpu.sem_alloc : memref<!tpu.dma_semaphore, #tpu.memory_space<semaphore_mem>>
      %dma_start3A_86 = arith.constant 0 : i32
      %dma_start3A_87 = tpu.memref_slice %arg3[%dma_start3A_86, %mul3A_2] : memref<200x4096xi32, #tpu.memory_space<hbm>> -> memref<200x128xi32, #tpu.memory_space<hbm>>
      %dma_start3A_88 = arith.constant 0 : i32
      %dma_start3A_89 = tpu.memref_slice %arg3[%dma_start3A_88, %mul3A_2] : memref<200x4096xi32, #tpu.memory_space<hbm>> -> memref<200x128xi32, #tpu.memory_space<hbm>>
      tpu.enqueue_dma source(%dma_start3A_89 : memref<200x128xi32, #tpu.memory_space<hbm>>) target(%arg5 : memref<200x128xi32, #tpu.memory_space<vmem>>) target_semaphore(%run_scoped3A : memref<!tpu.dma_semaphore, #tpu.memory_space<semaphore_mem>>)
      %dma_wait3A_90 = arith.constant 0 : i32
      %dma_wait3A_91 = tpu.memref_slice %arg3[%dma_wait3A_90, %mul3A_2] : memref<200x4096xi32, #tpu.memory_space<hbm>> -> memref<200x128xi32, #tpu.memory_space<hbm>>
      %dma_wait3A_92 = arith.constant 0 : i32
      %dma_wait3A_93 = tpu.memref_slice %arg3[%dma_wait3A_92, %mul3A_2] : memref<200x4096xi32, #tpu.memory_space<hbm>> -> memref<200x128xi32, #tpu.memory_space<hbm>>
      tpu.wait_dma2 semaphore(%run_scoped3A : memref<!tpu.dma_semaphore, #tpu.memory_space<semaphore_mem>>) src(%dma_wait3A_93 : memref<200x128xi32, #tpu.memory_space<hbm>>) dst(%arg5 : memref<200x128xi32, #tpu.memory_space<vmem>>)
      tpu.yield
    }) : () -> ()
    %dma_start3A = arith.constant 0 : i32
    %dma_start3A_3 = arith.constant 0 : i32
    %dma_start3A_4 = arith.constant 0 : i32
    %dma_start3A_5 = arith.constant 0 : i32
    %dma_start3A_6 = tpu.memref_slice %arg6[%dma_start3A_3, %dma_start3A_4, %dma_start3A_5] : memref<4x128x64xf32, #tpu.memory_space<vmem>> -> memref<1x128x64xf32, #tpu.memory_space<vmem>>
    %dma_start3A_7 = tpu.memref_squeeze %dma_start3A_6 : memref<1x128x64xf32, #tpu.memory_space<vmem>> -> memref<128x64xf32, #tpu.memory_space<vmem>>
    %dma_start3A_8 = arith.constant 0 : i32
    %dma_start3A_9 = tpu.memref_slice %arg5[%dma_start3A, %dma_start3A_8] : memref<200x128xi32, #tpu.memory_space<vmem>> -> memref<1x128xi32, #tpu.memory_space<vmem>>
    %dma_start3A_10 = tpu.memref_squeeze %dma_start3A_9 : memref<1x128xi32, #tpu.memory_space<vmem>> -> memref<128xi32, #tpu.memory_space<vmem>>
    %dma_start3A_11 = arith.constant 0 : i32
    %dma_start3A_12 = arith.constant 0 : i32
    %dma_start3A_13 = tpu.memref_slice %arg2[%dma_start3A_11, %dma_start3A_12] : memref<1000000x64xf32, #tpu.memory_space<hbm>> -> memref<1000000x64xf32, #tpu.memory_space<hbm>>
    tpu.enqueue_indirect_dma source(%dma_start3A_13 : memref<1000000x64xf32, #tpu.memory_space<hbm>>) target(%dma_start3A_7 : memref<128x64xf32, #tpu.memory_space<vmem>>) offsets(%dma_start3A_10 : memref<128xi32, #tpu.memory_space<vmem>>) semaphore(%arg8 : memref<!tpu.dma_semaphore, #tpu.memory_space<semaphore_mem>>)
    %dma_start3A_14 = arith.constant 1 : i32
    %dma_start3A_15 = arith.constant 1 : i32
    %dma_start3A_16 = arith.constant 0 : i32
    %dma_start3A_17 = arith.constant 0 : i32
    %dma_start3A_18 = tpu.memref_slice %arg6[%dma_start3A_15, %dma_start3A_16, %dma_start3A_17] : memref<4x128x64xf32, #tpu.memory_space<vmem>> -> memref<1x128x64xf32, #tpu.memory_space<vmem>>
    %dma_start3A_19 = tpu.memref_squeeze %dma_start3A_18 : memref<1x128x64xf32, #tpu.memory_space<vmem>> -> memref<128x64xf32, #tpu.memory_space<vmem>>
    %dma_start3A_20 = arith.constant 0 : i32
    %dma_start3A_21 = tpu.memref_slice %arg5[%dma_start3A_14, %dma_start3A_20] : memref<200x128xi32, #tpu.memory_space<vmem>> -> memref<1x128xi32, #tpu.memory_space<vmem>>
    %dma_start3A_22 = tpu.memref_squeeze %dma_start3A_21 : memref<1x128xi32, #tpu.memory_space<vmem>> -> memref<128xi32, #tpu.memory_space<vmem>>
    %dma_start3A_23 = arith.constant 0 : i32
    %dma_start3A_24 = arith.constant 0 : i32
    %dma_start3A_25 = tpu.memref_slice %arg2[%dma_start3A_23, %dma_start3A_24] : memref<1000000x64xf32, #tpu.memory_space<hbm>> -> memref<1000000x64xf32, #tpu.memory_space<hbm>>
    tpu.enqueue_indirect_dma source(%dma_start3A_25 : memref<1000000x64xf32, #tpu.memory_space<hbm>>) target(%dma_start3A_19 : memref<128x64xf32, #tpu.memory_space<vmem>>) offsets(%dma_start3A_22 : memref<128xi32, #tpu.memory_space<vmem>>) semaphore(%arg8 : memref<!tpu.dma_semaphore, #tpu.memory_space<semaphore_mem>>)
    %dma_start3A_26 = arith.constant 2 : i32
    %dma_start3A_27 = arith.constant 2 : i32
    %dma_start3A_28 = arith.constant 0 : i32
    %dma_start3A_29 = arith.constant 0 : i32
    %dma_start3A_30 = tpu.memref_slice %arg6[%dma_start3A_27, %dma_start3A_28, %dma_start3A_29] : memref<4x128x64xf32, #tpu.memory_space<vmem>> -> memref<1x128x64xf32, #tpu.memory_space<vmem>>
    %dma_start3A_31 = tpu.memref_squeeze %dma_start3A_30 : memref<1x128x64xf32, #tpu.memory_space<vmem>> -> memref<128x64xf32, #tpu.memory_space<vmem>>
    %dma_start3A_32 = arith.constant 0 : i32
    %dma_start3A_33 = tpu.memref_slice %arg5[%dma_start3A_26, %dma_start3A_32] : memref<200x128xi32, #tpu.memory_space<vmem>> -> memref<1x128xi32, #tpu.memory_space<vmem>>
    %dma_start3A_34 = tpu.memref_squeeze %dma_start3A_33 : memref<1x128xi32, #tpu.memory_space<vmem>> -> memref<128xi32, #tpu.memory_space<vmem>>
    %dma_start3A_35 = arith.constant 0 : i32
    %dma_start3A_36 = arith.constant 0 : i32
    %dma_start3A_37 = tpu.memref_slice %arg2[%dma_start3A_35, %dma_start3A_36] : memref<1000000x64xf32, #tpu.memory_space<hbm>> -> memref<1000000x64xf32, #tpu.memory_space<hbm>>
    tpu.enqueue_indirect_dma source(%dma_start3A_37 : memref<1000000x64xf32, #tpu.memory_space<hbm>>) target(%dma_start3A_31 : memref<128x64xf32, #tpu.memory_space<vmem>>) offsets(%dma_start3A_34 : memref<128xi32, #tpu.memory_space<vmem>>) semaphore(%arg8 : memref<!tpu.dma_semaphore, #tpu.memory_space<semaphore_mem>>)
    %dma_start3A_38 = arith.constant 3 : i32
    %dma_start3A_39 = arith.constant 3 : i32
    %dma_start3A_40 = arith.constant 0 : i32
    %dma_start3A_41 = arith.constant 0 : i32
    %dma_start3A_42 = tpu.memref_slice %arg6[%dma_start3A_39, %dma_start3A_40, %dma_start3A_41] : memref<4x128x64xf32, #tpu.memory_space<vmem>> -> memref<1x128x64xf32, #tpu.memory_space<vmem>>
    %dma_start3A_43 = tpu.memref_squeeze %dma_start3A_42 : memref<1x128x64xf32, #tpu.memory_space<vmem>> -> memref<128x64xf32, #tpu.memory_space<vmem>>
    %dma_start3A_44 = arith.constant 0 : i32
    %dma_start3A_45 = tpu.memref_slice %arg5[%dma_start3A_38, %dma_start3A_44] : memref<200x128xi32, #tpu.memory_space<vmem>> -> memref<1x128xi32, #tpu.memory_space<vmem>>
    %dma_start3A_46 = tpu.memref_squeeze %dma_start3A_45 : memref<1x128xi32, #tpu.memory_space<vmem>> -> memref<128xi32, #tpu.memory_space<vmem>>
    %dma_start3A_47 = arith.constant 0 : i32
    %dma_start3A_48 = arith.constant 0 : i32
    %dma_start3A_49 = tpu.memref_slice %arg2[%dma_start3A_47, %dma_start3A_48] : memref<1000000x64xf32, #tpu.memory_space<hbm>> -> memref<1000000x64xf32, #tpu.memory_space<hbm>>
    tpu.enqueue_indirect_dma source(%dma_start3A_49 : memref<1000000x64xf32, #tpu.memory_space<hbm>>) target(%dma_start3A_43 : memref<128x64xf32, #tpu.memory_space<vmem>>) offsets(%dma_start3A_46 : memref<128xi32, #tpu.memory_space<vmem>>) semaphore(%arg8 : memref<!tpu.dma_semaphore, #tpu.memory_space<semaphore_mem>>)
    %scan3A = arith.constant 0 : i32
    %scan3A_50 = arith.constant 0 : i32
    %scan3A_51 = arith.constant 50 : i32
    %scan3A_52 = arith.addi %scan3A_50, %scan3A_51 : i32
    %scan3A_53 = arith.constant 1 : i32
    scf.for %scan3A_86 = %scan3A_50 to %scan3A_52 step %scan3A_53  : i32 {
      %mul3A_87 = arith.constant 4 : i32
      %mul3A_88 = arith.muli %scan3A_86, %mul3A_87 : i32
      %add3A_89 = arith.constant 0 : i32
      %add3A_90 = arith.addi %mul3A_88, %add3A_89 : i32
      %dma_wait3A_91 = arith.constant 0 : i32
      %dma_wait3A_92 = arith.constant 0 : i32
      %dma_wait3A_93 = arith.constant 0 : i32
      %dma_wait3A_94 = tpu.memref_slice %arg6[%dma_wait3A_91, %dma_wait3A_92, %dma_wait3A_93] : memref<4x128x64xf32, #tpu.memory_space<vmem>> -> memref<1x128x64xf32, #tpu.memory_space<vmem>>
      %dma_wait3A_95 = tpu.memref_squeeze %dma_wait3A_94 : memref<1x128x64xf32, #tpu.memory_space<vmem>> -> memref<128x64xf32, #tpu.memory_space<vmem>>
      %dma_wait3A_96 = arith.constant 0 : i32
      %dma_wait3A_97 = tpu.memref_slice %arg5[%add3A_90, %dma_wait3A_96] : memref<200x128xi32, #tpu.memory_space<vmem>> -> memref<1x128xi32, #tpu.memory_space<vmem>>
      %dma_wait3A_98 = tpu.memref_squeeze %dma_wait3A_97 : memref<1x128xi32, #tpu.memory_space<vmem>> -> memref<128xi32, #tpu.memory_space<vmem>>
      %dma_wait3A_99 = arith.constant 0 : i32
      %dma_wait3A_100 = arith.constant 0 : i32
      %dma_wait3A_101 = tpu.memref_slice %arg2[%dma_wait3A_99, %dma_wait3A_100] : memref<1000000x64xf32, #tpu.memory_space<hbm>> -> memref<1000000x64xf32, #tpu.memory_space<hbm>>
      tpu.wait_indirect_dma semaphore(%arg8 : memref<!tpu.dma_semaphore, #tpu.memory_space<semaphore_mem>>) src(%dma_wait3A_101 : memref<1000000x64xf32, #tpu.memory_space<hbm>>) dst(%dma_wait3A_95 : memref<128x64xf32, #tpu.memory_space<vmem>>)
      %ge3A = arith.constant 2 : i32
      %ge3A_102 = arith.cmpi sge, %add3A_90, %ge3A : i32
      %convert_element_type3A = arith.extui %ge3A_102 : i1 to i32
      %cond3A = arith.constant 0 : i32
      %cond3A_103 = arith.cmpi ne, %convert_element_type3A, %cond3A : i32
      scf.if %cond3A_103 {
        %dma_wait3A_283 = arith.constant 0 : i32
        %dma_wait3A_284 = arith.constant 0 : i32
        %dma_wait3A_285 = arith.constant 0 : i32
        %dma_wait3A_286 = arith.constant 0 : i32
        %dma_wait3A_287 = tpu.memref_slice %arg7[%dma_wait3A_283, %dma_wait3A_285, %dma_wait3A_286] : memref<2x64x129xf32, #tpu.memory_space<vmem>> -> memref<1x64x128xf32, #tpu.memory_space<vmem>>
        %dma_wait3A_288 = tpu.memref_squeeze %dma_wait3A_287 : memref<1x64x128xf32, #tpu.memory_space<vmem>> -> memref<64x128xf32, #tpu.memory_space<vmem>>
        %dma_wait3A_289 = arith.constant 0 : i32
        %dma_wait3A_290 = tpu.memref_slice %arg4[%dma_wait3A_284, %dma_wait3A_289, %mul3A_2] : memref<200x64x4096xf32, #tpu.memory_space<hbm>> -> memref<1x64x128xf32, #tpu.memory_space<hbm>>
        %dma_wait3A_291 = tpu.memref_squeeze %dma_wait3A_290 : memref<1x64x128xf32, #tpu.memory_space<hbm>> -> memref<64x128xf32, #tpu.memory_space<hbm>>
        %dma_wait3A_292 = arith.constant 0 : i32
        %dma_wait3A_293 = tpu.memref_slice %arg4[%dma_wait3A_284, %dma_wait3A_292, %mul3A_2] : memref<200x64x4096xf32, #tpu.memory_space<hbm>> -> memref<1x64x128xf32, #tpu.memory_space<hbm>>
        %dma_wait3A_294 = tpu.memref_squeeze %dma_wait3A_293 : memref<1x64x128xf32, #tpu.memory_space<hbm>> -> memref<64x128xf32, #tpu.memory_space<hbm>>
        %dma_wait3A_295 = arith.constant 0 : i32
        %dma_wait3A_296 = arith.constant 0 : i32
        %dma_wait3A_297 = tpu.memref_slice %arg7[%dma_wait3A_283, %dma_wait3A_295, %dma_wait3A_296] : memref<2x64x129xf32, #tpu.memory_space<vmem>> -> memref<1x64x128xf32, #tpu.memory_space<vmem>>
        %dma_wait3A_298 = tpu.memref_squeeze %dma_wait3A_297 : memref<1x64x128xf32, #tpu.memory_space<vmem>> -> memref<64x128xf32, #tpu.memory_space<vmem>>
        tpu.wait_dma2 semaphore(%arg9 : memref<!tpu.dma_semaphore, #tpu.memory_space<semaphore_mem>>) src(%dma_wait3A_298 : memref<64x128xf32, #tpu.memory_space<vmem>>) dst(%dma_wait3A_294 : memref<64x128xf32, #tpu.memory_space<hbm>>)
      } else {
      }
      %scan3A_104 = arith.constant 0 : i32
      %scan3A_105 = arith.constant 0 : i32
      %scan3A_106 = arith.constant 0 : i32
      %scan3A_107 = arith.constant 0 : i32
      %scan3A_108 = arith.constant 16 : i32
      %scan3A_109 = arith.addi %scan3A_107, %scan3A_108 : i32
      %scan3A_110 = arith.constant 1 : i32
      scf.for %scan3A_283 = %scan3A_107 to %scan3A_109 step %scan3A_110  : i32 {
        %mul3A_284 = arith.constant 8 : i32
        %mul3A_285 = arith.muli %scan3A_283, %mul3A_284 : i32
        %add3A_286 = arith.constant 0 : i32
        %add3A_287 = arith.addi %mul3A_285, %add3A_286 : i32
        %broadcast_in_dim3A = vector.broadcast %add3A_287 : i32 to vector<16xi32>
        %iota3A = tpu.iota {dimensions = array<i32: 0>} : vector<16xi32>
        %add3A_288 = arith.constant 0 : i32
        %add3A_289 = vector.broadcast %add3A_288 : i32 to vector<16xi32>
        %add3A_290 = arith.addi %iota3A, %add3A_289 : vector<16xi32>
        %get3A = arith.constant 0 : i32
        %get3A_291 = arith.constant 0 : i32
        %get3A_292 = tpu.memref_slice %arg6[%scan3A_105, %get3A, %get3A_291] : memref<4x128x64xf32, #tpu.memory_space<vmem>> -> memref<1x128x64xf32, #tpu.memory_space<vmem>>
        %get3A_293 = tpu.memref_squeeze %get3A_292 : memref<1x128x64xf32, #tpu.memory_space<vmem>> -> memref<128x64xf32, #tpu.memory_space<vmem>>
        %get3A_294 = arith.index_cast %add3A_287 : i32 to index
        %get3A_295 = arith.constant 0 : index
        %get3A_296 = tpu.vector_load %get3A_293[%get3A_294, %get3A_295] {strides = array<i32>} : memref<128x64xf32, #tpu.memory_space<vmem>>, vector<16xf32>,
        %scatter3A = arith.constant 0 : i32
        %scatter3A_297 = arith.constant 0 : i32
        %scatter3A_298 = tpu.memref_slice %arg7[%scan3A_106, %scatter3A, %scatter3A_297] : memref<2x64x129xf32, #tpu.memory_space<vmem>> -> memref<1x64x129xf32, #tpu.memory_space<vmem>>
        %scatter3A_299 = tpu.memref_squeeze %scatter3A_298 : memref<1x64x129xf32, #tpu.memory_space<vmem>> -> memref<64x129xf32, #tpu.memory_space<vmem>>
        tpu.vector_store_idx %scatter3A_299[%add3A_290, %broadcast_in_dim3A], %get3A_296 : memref<64x129xf32, #tpu.memory_space<vmem>>[vector<16xi32>, vector<16xi32>], vector<16xf32>,
        %iota3A_300 = tpu.iota {dimensions = array<i32: 0>} : vector<16xi32>
        %add3A_301 = arith.constant 16 : i32
        %add3A_302 = vector.broadcast %add3A_301 : i32 to vector<16xi32>
        %add3A_303 = arith.addi %iota3A_300, %add3A_302 : vector<16xi32>
        %get3A_304 = arith.constant 0 : i32
        %get3A_305 = arith.constant 0 : i32
        %get3A_306 = tpu.memref_slice %arg6[%scan3A_105, %get3A_304, %get3A_305] : memref<4x128x64xf32, #tpu.memory_space<vmem>> -> memref<1x128x64xf32, #tpu.memory_space<vmem>>
        %get3A_307 = tpu.memref_squeeze %get3A_306 : memref<1x128x64xf32, #tpu.memory_space<vmem>> -> memref<128x64xf32, #tpu.memory_space<vmem>>
        %get3A_308 = arith.index_cast %add3A_287 : i32 to index
        %get3A_309 = arith.constant 16 : index
        %get3A_310 = tpu.vector_load %get3A_307[%get3A_308, %get3A_309] {strides = array<i32>} : memref<128x64xf32, #tpu.memory_space<vmem>>, vector<16xf32>,
        %scatter3A_311 = arith.constant 0 : i32
        %scatter3A_312 = arith.constant 0 : i32
        %scatter3A_313 = tpu.memref_slice %arg7[%scan3A_106, %scatter3A_311, %scatter3A_312] : memref<2x64x129xf32, #tpu.memory_space<vmem>> -> memref<1x64x129xf32, #tpu.memory_space<vmem>>
        %scatter3A_314 = tpu.memref_squeeze %scatter3A_313 : memref<1x64x129xf32, #tpu.memory_space<vmem>> -> memref<64x129xf32, #tpu.memory_space<vmem>>
        tpu.vector_store_idx %scatter3A_314[%add3A_303, %broadcast_in_dim3A], %get3A_310 : memref<64x129xf32, #tpu.memory_space<vmem>>[vector<16xi32>, vector<16xi32>], vector<16xf32>,
        %iota3A_315 = tpu.iota {dimensions = array<i32: 0>} : vector<16xi32>
        %add3A_316 = arith.constant 32 : i32
        %add3A_317 = vector.broadcast %add3A_316 : i32 to vector<16xi32>
        %add3A_318 = arith.addi %iota3A_315, %add3A_317 : vector<16xi32>
        %get3A_319 = arith.constant 0 : i32
        %get3A_320 = arith.constant 0 : i32
        %get3A_321 = tpu.memref_slice %arg6[%scan3A_105, %get3A_319, %get3A_320] : memref<4x128x64xf32, #tpu.memory_space<vmem>> -> memref<1x128x64xf32, #tpu.memory_space<vmem>>
        %get3A_322 = tpu.memref_squeeze %get3A_321 : memref<1x128x64xf32, #tpu.memory_space<vmem>> -> memref<128x64xf32, #tpu.memory_space<vmem>>
        %get3A_323 = arith.index_cast %add3A_287 : i32 to index
        %get3A_324 = arith.constant 32 : index
        %get3A_325 = tpu.vector_load %get3A_322[%get3A_323, %get3A_324] {strides = array<i32>} : memref<128x64xf32, #tpu.memory_space<vmem>>, vector<16xf32>,
        %scatter3A_326 = arith.constant 0 : i32
        %scatter3A_327 = arith.constant 0 : i32
        %scatter3A_328 = tpu.memref_slice %arg7[%scan3A_106, %scatter3A_326, %scatter3A_327] : memref<2x64x129xf32, #tpu.memory_space<vmem>> -> memref<1x64x129xf32, #tpu.memory_space<vmem>>
        %scatter3A_329 = tpu.memref_squeeze %scatter3A_328 : memref<1x64x129xf32, #tpu.memory_space<vmem>> -> memref<64x129xf32, #tpu.memory_space<vmem>>
        tpu.vector_store_idx %scatter3A_329[%add3A_318, %broadcast_in_dim3A], %get3A_325 : memref<64x129xf32, #tpu.memory_space<vmem>>[vector<16xi32>, vector<16xi32>], vector<16xf32>,
        %iota3A_330 = tpu.iota {dimensions = array<i32: 0>} : vector<16xi32>
        %add3A_331 = arith.constant 48 : i32
        %add3A_332 = vector.broadcast %add3A_331 : i32 to vector<16xi32>
        %add3A_333 = arith.addi %iota3A_330, %add3A_332 : vector<16xi32>
        %get3A_334 = arith.constant 0 : i32
        %get3A_335 = arith.constant 0 : i32
        %get3A_336 = tpu.memref_slice %arg6[%scan3A_105, %get3A_334, %get3A_335] : memref<4x128x64xf32, #tpu.memory_space<vmem>> -> memref<1x128x64xf32, #tpu.memory_space<vmem>>
        %get3A_337 = tpu.memref_squeeze %get3A_336 : memref<1x128x64xf32, #tpu.memory_space<vmem>> -> memref<128x64xf32, #tpu.memory_space<vmem>>
        %get3A_338 = arith.index_cast %add3A_287 : i32 to index
        %get3A_339 = arith.constant 48 : index
        %get3A_340 = tpu.vector_load %get3A_337[%get3A_338, %get3A_339] {strides = array<i32>} : memref<128x64xf32, #tpu.memory_space<vmem>>, vector<16xf32>,
        %scatter3A_341 = arith.constant 0 : i32
        %scatter3A_342 = arith.constant 0 : i32
        %scatter3A_343 = tpu.memref_slice %arg7[%scan3A_106, %scatter3A_341, %scatter3A_342] : memref<2x64x129xf32, #tpu.memory_space<vmem>> -> memref<1x64x129xf32, #tpu.memory_space<vmem>>
        %scatter3A_344 = tpu.memref_squeeze %scatter3A_343 : memref<1x64x129xf32, #tpu.memory_space<vmem>> -> memref<64x129xf32, #tpu.memory_space<vmem>>
        tpu.vector_store_idx %scatter3A_344[%add3A_333, %broadcast_in_dim3A], %get3A_340 : memref<64x129xf32, #tpu.memory_space<vmem>>[vector<16xi32>, vector<16xi32>], vector<16xf32>,
        %mul3A_345 = arith.constant 8 : i32
        %mul3A_346 = arith.muli %scan3A_283, %mul3A_345 : i32
        %add3A_347 = arith.constant 1 : i32
        %add3A_348 = arith.addi %mul3A_346, %add3A_347 : i32
        %broadcast_in_dim3A_349 = vector.broadcast %add3A_348 : i32 to vector<16xi32>
        %iota3A_350 = tpu.iota {dimensions = array<i32: 0>} : vector<16xi32>
        %add3A_351 = arith.constant 0 : i32
        %add3A_352 = vector.broadcast %add3A_351 : i32 to vector<16xi32>
        %add3A_353 = arith.addi %iota3A_350, %add3A_352 : vector<16xi32>
        %get3A_354 = arith.constant 0 : i32
        %get3A_355 = arith.constant 0 : i32
        %get3A_356 = tpu.memref_slice %arg6[%scan3A_105, %get3A_354, %get3A_355] : memref<4x128x64xf32, #tpu.memory_space<vmem>> -> memref<1x128x64xf32, #tpu.memory_space<vmem>>
        %get3A_357 = tpu.memref_squeeze %get3A_356 : memref<1x128x64xf32, #tpu.memory_space<vmem>> -> memref<128x64xf32, #tpu.memory_space<vmem>>
        %get3A_358 = arith.index_cast %add3A_348 : i32 to index
        %get3A_359 = arith.constant 0 : index
        %get3A_360 = tpu.vector_load %get3A_357[%get3A_358, %get3A_359] {strides = array<i32>} : memref<128x64xf32, #tpu.memory_space<vmem>>, vector<16xf32>,
        %scatter3A_361 = arith.constant 0 : i32
        %scatter3A_362 = arith.constant 0 : i32
        %scatter3A_363 = tpu.memref_slice %arg7[%scan3A_106, %scatter3A_361, %scatter3A_362] : memref<2x64x129xf32, #tpu.memory_space<vmem>> -> memref<1x64x129xf32, #tpu.memory_space<vmem>>
        %scatter3A_364 = tpu.memref_squeeze %scatter3A_363 : memref<1x64x129xf32, #tpu.memory_space<vmem>> -> memref<64x129xf32, #tpu.memory_space<vmem>>
        tpu.vector_store_idx %scatter3A_364[%add3A_353, %broadcast_in_dim3A_349], %get3A_360 : memref<64x129xf32, #tpu.memory_space<vmem>>[vector<16xi32>, vector<16xi32>], vector<16xf32>,
        %iota3A_365 = tpu.iota {dimensions = array<i32: 0>} : vector<16xi32>
        %add3A_366 = arith.constant 16 : i32
        %add3A_367 = vector.broadcast %add3A_366 : i32 to vector<16xi32>
        %add3A_368 = arith.addi %iota3A_365, %add3A_367 : vector<16xi32>
        %get3A_369 = arith.constant 0 : i32
        %get3A_370 = arith.constant 0 : i32
        %get3A_371 = tpu.memref_slice %arg6[%scan3A_105, %get3A_369, %get3A_370] : memref<4x128x64xf32, #tpu.memory_space<vmem>> -> memref<1x128x64xf32, #tpu.memory_space<vmem>>
        %get3A_372 = tpu.memref_squeeze %get3A_371 : memref<1x128x64xf32, #tpu.memory_space<vmem>> -> memref<128x64xf32, #tpu.memory_space<vmem>>
        %get3A_373 = arith.index_cast %add3A_348 : i32 to index
        %get3A_374 = arith.constant 16 : index
        %get3A_375 = tpu.vector_load %get3A_372[%get3A_373, %get3A_374] {strides = array<i32>} : memref<128x64xf32, #tpu.memory_space<vmem>>, vector<16xf32>,
        %scatter3A_376 = arith.constant 0 : i32
        %scatter3A_377 = arith.constant 0 : i32
        %scatter3A_378 = tpu.memref_slice %arg7[%scan3A_106, %scatter3A_376, %scatter3A_377] : memref<2x64x129xf32, #tpu.memory_space<vmem>> -> memref<1x64x129xf32, #tpu.memory_space<vmem>>
        %scatter3A_379 = tpu.memref_squeeze %scatter3A_378 : memref<1x64x129xf32, #tpu.memory_space<vmem>> -> memref<64x129xf32, #tpu.memory_space<vmem>>
        tpu.vector_store_idx %scatter3A_379[%add3A_368, %broadcast_in_dim3A_349], %get3A_375 : memref<64x129xf32, #tpu.memory_space<vmem>>[vector<16xi32>, vector<16xi32>], vector<16xf32>,
        %iota3A_380 = tpu.iota {dimensions = array<i32: 0>} : vector<16xi32>
        %add3A_381 = arith.constant 32 : i32
        %add3A_382 = vector.broadcast %add3A_381 : i32 to vector<16xi32>
        %add3A_383 = arith.addi %iota3A_380, %add3A_382 : vector<16xi32>
        %get3A_384 = arith.constant 0 : i32
        %get3A_385 = arith.constant 0 : i32
        %get3A_386 = tpu.memref_slice %arg6[%scan3A_105, %get3A_384, %get3A_385] : memref<4x128x64xf32, #tpu.memory_space<vmem>> -> memref<1x128x64xf32, #tpu.memory_space<vmem>>
        %get3A_387 = tpu.memref_squeeze %get3A_386 : memref<1x128x64xf32, #tpu.memory_space<vmem>> -> memref<128x64xf32, #tpu.memory_space<vmem>>
        %get3A_388 = arith.index_cast %add3A_348 : i32 to index
        %get3A_389 = arith.constant 32 : index
        %get3A_390 = tpu.vector_load %get3A_387[%get3A_388, %get3A_389] {strides = array<i32>} : memref<128x64xf32, #tpu.memory_space<vmem>>, vector<16xf32>,
        %scatter3A_391 = arith.constant 0 : i32
        %scatter3A_392 = arith.constant 0 : i32
        %scatter3A_393 = tpu.memref_slice %arg7[%scan3A_106, %scatter3A_391, %scatter3A_392] : memref<2x64x129xf32, #tpu.memory_space<vmem>> -> memref<1x64x129xf32, #tpu.memory_space<vmem>>
        %scatter3A_394 = tpu.memref_squeeze %scatter3A_393 : memref<1x64x129xf32, #tpu.memory_space<vmem>> -> memref<64x129xf32, #tpu.memory_space<vmem>>
        tpu.vector_store_idx %scatter3A_394[%add3A_383, %broadcast_in_dim3A_349], %get3A_390 : memref<64x129xf32, #tpu.memory_space<vmem>>[vector<16xi32>, vector<16xi32>], vector<16xf32>,
        %iota3A_395 = tpu.iota {dimensions = array<i32: 0>} : vector<16xi32>
        %add3A_396 = arith.constant 48 : i32
        %add3A_397 = vector.broadcast %add3A_396 : i32 to vector<16xi32>
        %add3A_398 = arith.addi %iota3A_395, %add3A_397 : vector<16xi32>
        %get3A_399 = arith.constant 0 : i32
        %get3A_400 = arith.constant 0 : i32
        %get3A_401 = tpu.memref_slice %arg6[%scan3A_105, %get3A_399, %get3A_400] : memref<4x128x64xf32, #tpu.memory_space<vmem>> -> memref<1x128x64xf32, #tpu.memory_space<vmem>>
        %get3A_402 = tpu.memref_squeeze %get3A_401 : memref<1x128x64xf32, #tpu.memory_space<vmem>> -> memref<128x64xf32, #tpu.memory_space<vmem>>
        %get3A_403 = arith.index_cast %add3A_348 : i32 to index
        %get3A_404 = arith.constant 48 : index
        %get3A_405 = tpu.vector_load %get3A_402[%get3A_403, %get3A_404] {strides = array<i32>} : memref<128x64xf32, #tpu.memory_space<vmem>>, vector<16xf32>,
        %scatter3A_406 = arith.constant 0 : i32
        %scatter3A_407 = arith.constant 0 : i32
        %scatter3A_408 = tpu.memref_slice %arg7[%scan3A_106, %scatter3A_406, %scatter3A_407] : memref<2x64x129xf32, #tpu.memory_space<vmem>> -> memref<1x64x129xf32, #tpu.memory_space<vmem>>
        %scatter3A_409 = tpu.memref_squeeze %scatter3A_408 : memref<1x64x129xf32, #tpu.memory_space<vmem>> -> memref<64x129xf32, #tpu.memory_space<vmem>>
        tpu.vector_store_idx %scatter3A_409[%add3A_398, %broadcast_in_dim3A_349], %get3A_405 : memref<64x129xf32, #tpu.memory_space<vmem>>[vector<16xi32>, vector<16xi32>], vector<16xf32>,
        %mul3A_410 = arith.constant 8 : i32
        %mul3A_411 = arith.muli %scan3A_283, %mul3A_410 : i32
        %add3A_412 = arith.constant 2 : i32
        %add3A_413 = arith.addi %mul3A_411, %add3A_412 : i32
        %broadcast_in_dim3A_414 = vector.broadcast %add3A_413 : i32 to vector<16xi32>
        %iota3A_415 = tpu.iota {dimensions = array<i32: 0>} : vector<16xi32>
        %add3A_416 = arith.constant 0 : i32
        %add3A_417 = vector.broadcast %add3A_416 : i32 to vector<16xi32>
        %add3A_418 = arith.addi %iota3A_415, %add3A_417 : vector<16xi32>
        %get3A_419 = arith.constant 0 : i32
        %get3A_420 = arith.constant 0 : i32
        %get3A_421 = tpu.memref_slice %arg6[%scan3A_105, %get3A_419, %get3A_420] : memref<4x128x64xf32, #tpu.memory_space<vmem>> -> memref<1x128x64xf32, #tpu.memory_space<vmem>>
        %get3A_422 = tpu.memref_squeeze %get3A_421 : memref<1x128x64xf32, #tpu.memory_space<vmem>> -> memref<128x64xf32, #tpu.memory_space<vmem>>
        %get3A_423 = arith.index_cast %add3A_413 : i32 to index
        %get3A_424 = arith.constant 0 : index
        %get3A_425 = tpu.vector_load %get3A_422[%get3A_423, %get3A_424] {strides = array<i32>} : memref<128x64xf32, #tpu.memory_space<vmem>>, vector<16xf32>,
        %scatter3A_426 = arith.constant 0 : i32
        %scatter3A_427 = arith.constant 0 : i32
        %scatter3A_428 = tpu.memref_slice %arg7[%scan3A_106, %scatter3A_426, %scatter3A_427] : memref<2x64x129xf32, #tpu.memory_space<vmem>> -> memref<1x64x129xf32, #tpu.memory_space<vmem>>
        %scatter3A_429 = tpu.memref_squeeze %scatter3A_428 : memref<1x64x129xf32, #tpu.memory_space<vmem>> -> memref<64x129xf32, #tpu.memory_space<vmem>>
        tpu.vector_store_idx %scatter3A_429[%add3A_418, %broadcast_in_dim3A_414], %get3A_425 : memref<64x129xf32, #tpu.memory_space<vmem>>[vector<16xi32>, vector<16xi32>], vector<16xf32>,
        %iota3A_430 = tpu.iota {dimensions = array<i32: 0>} : vector<16xi32>
        %add3A_431 = arith.constant 16 : i32
        %add3A_432 = vector.broadcast %add3A_431 : i32 to vector<16xi32>
        %add3A_433 = arith.addi %iota3A_430, %add3A_432 : vector<16xi32>
        %get3A_434 = arith.constant 0 : i32
        %get3A_435 = arith.constant 0 : i32
        %get3A_436 = tpu.memref_slice %arg6[%scan3A_105, %get3A_434, %get3A_435] : memref<4x128x64xf32, #tpu.memory_space<vmem>> -> memref<1x128x64xf32, #tpu.memory_space<vmem>>
        %get3A_437 = tpu.memref_squeeze %get3A_436 : memref<1x128x64xf32, #tpu.memory_space<vmem>> -> memref<128x64xf32, #tpu.memory_space<vmem>>
        %get3A_438 = arith.index_cast %add3A_413 : i32 to index
        %get3A_439 = arith.constant 16 : index
        %get3A_440 = tpu.vector_load %get3A_437[%get3A_438, %get3A_439] {strides = array<i32>} : memref<128x64xf32, #tpu.memory_space<vmem>>, vector<16xf32>,
        %scatter3A_441 = arith.constant 0 : i32
        %scatter3A_442 = arith.constant 0 : i32
        %scatter3A_443 = tpu.memref_slice %arg7[%scan3A_106, %scatter3A_441, %scatter3A_442] : memref<2x64x129xf32, #tpu.memory_space<vmem>> -> memref<1x64x129xf32, #tpu.memory_space<vmem>>
        %scatter3A_444 = tpu.memref_squeeze %scatter3A_443 : memref<1x64x129xf32, #tpu.memory_space<vmem>> -> memref<64x129xf32, #tpu.memory_space<vmem>>
        tpu.vector_store_idx %scatter3A_444[%add3A_433, %broadcast_in_dim3A_414], %get3A_440 : memref<64x129xf32, #tpu.memory_space<vmem>>[vector<16xi32>, vector<16xi32>], vector<16xf32>,
        %iota3A_445 = tpu.iota {dimensions = array<i32: 0>} : vector<16xi32>
        %add3A_446 = arith.constant 32 : i32
        %add3A_447 = vector.broadcast %add3A_446 : i32 to vector<16xi32>
        %add3A_448 = arith.addi %iota3A_445, %add3A_447 : vector<16xi32>
        %get3A_449 = arith.constant 0 : i32
        %get3A_450 = arith.constant 0 : i32
        %get3A_451 = tpu.memref_slice %arg6[%scan3A_105, %get3A_449, %get3A_450] : memref<4x128x64xf32, #tpu.memory_space<vmem>> -> memref<1x128x64xf32, #tpu.memory_space<vmem>>
        %get3A_452 = tpu.memref_squeeze %get3A_451 : memref<1x128x64xf32, #tpu.memory_space<vmem>> -> memref<128x64xf32, #tpu.memory_space<vmem>>
        %get3A_453 = arith.index_cast %add3A_413 : i32 to index
        %get3A_454 = arith.constant 32 : index
        %get3A_455 = tpu.vector_load %get3A_452[%get3A_453, %get3A_454] {strides = array<i32>} : memref<128x64xf32, #tpu.memory_space<vmem>>, vector<16xf32>,
        %scatter3A_456 = arith.constant 0 : i32
        %scatter3A_457 = arith.constant 0 : i32
        %scatter3A_458 = tpu.memref_slice %arg7[%scan3A_106, %scatter3A_456, %scatter3A_457] : memref<2x64x129xf32, #tpu.memory_space<vmem>> -> memref<1x64x129xf32, #tpu.memory_space<vmem>>
        %scatter3A_459 = tpu.memref_squeeze %scatter3A_458 : memref<1x64x129xf32, #tpu.memory_space<vmem>> -> memref<64x129xf32, #tpu.memory_space<vmem>>
        tpu.vector_store_idx %scatter3A_459[%add3A_448, %broadcast_in_dim3A_414], %get3A_455 : memref<64x129xf32, #tpu.memory_space<vmem>>[vector<16xi32>, vector<16xi32>], vector<16xf32>,
        %iota3A_460 = tpu.iota {dimensions = array<i32: 0>} : vector<16xi32>
        %add3A_461 = arith.constant 48 : i32
        %add3A_462 = vector.broadcast %add3A_461 : i32 to vector<16xi32>
        %add3A_463 = arith.addi %iota3A_460, %add3A_462 : vector<16xi32>
        %get3A_464 = arith.constant 0 : i32
        %get3A_465 = arith.constant 0 : i32
        %get3A_466 = tpu.memref_slice %arg6[%scan3A_105, %get3A_464, %get3A_465] : memref<4x128x64xf32, #tpu.memory_space<vmem>> -> memref<1x128x64xf32, #tpu.memory_space<vmem>>
        %get3A_467 = tpu.memref_squeeze %get3A_466 : memref<1x128x64xf32, #tpu.memory_space<vmem>> -> memref<128x64xf32, #tpu.memory_space<vmem>>
        %get3A_468 = arith.index_cast %add3A_413 : i32 to index
        %get3A_469 = arith.constant 48 : index
        %get3A_470 = tpu.vector_load %get3A_467[%get3A_468, %get3A_469] {strides = array<i32>} : memref<128x64xf32, #tpu.memory_space<vmem>>, vector<16xf32>,
        %scatter3A_471 = arith.constant 0 : i32
        %scatter3A_472 = arith.constant 0 : i32
        %scatter3A_473 = tpu.memref_slice %arg7[%scan3A_106, %scatter3A_471, %scatter3A_472] : memref<2x64x129xf32, #tpu.memory_space<vmem>> -> memref<1x64x129xf32, #tpu.memory_space<vmem>>
        %scatter3A_474 = tpu.memref_squeeze %scatter3A_473 : memref<1x64x129xf32, #tpu.memory_space<vmem>> -> memref<64x129xf32, #tpu.memory_space<vmem>>
        tpu.vector_store_idx %scatter3A_474[%add3A_463, %broadcast_in_dim3A_414], %get3A_470 : memref<64x129xf32, #tpu.memory_space<vmem>>[vector<16xi32>, vector<16xi32>], vector<16xf32>,
        %mul3A_475 = arith.constant 8 : i32
        %mul3A_476 = arith.muli %scan3A_283, %mul3A_475 : i32
        %add3A_477 = arith.constant 3 : i32
        %add3A_478 = arith.addi %mul3A_476, %add3A_477 : i32
        %broadcast_in_dim3A_479 = vector.broadcast %add3A_478 : i32 to vector<16xi32>
        %iota3A_480 = tpu.iota {dimensions = array<i32: 0>} : vector<16xi32>
        %add3A_481 = arith.constant 0 : i32
        %add3A_482 = vector.broadcast %add3A_481 : i32 to vector<16xi32>
        %add3A_483 = arith.addi %iota3A_480, %add3A_482 : vector<16xi32>
        %get3A_484 = arith.constant 0 : i32
        %get3A_485 = arith.constant 0 : i32
        %get3A_486 = tpu.memref_slice %arg6[%scan3A_105, %get3A_484, %get3A_485] : memref<4x128x64xf32, #tpu.memory_space<vmem>> -> memref<1x128x64xf32, #tpu.memory_space<vmem>>
        %get3A_487 = tpu.memref_squeeze %get3A_486 : memref<1x128x64xf32, #tpu.memory_space<vmem>> -> memref<128x64xf32, #tpu.memory_space<vmem>>
        %get3A_488 = arith.index_cast %add3A_478 : i32 to index
        %get3A_489 = arith.constant 0 : index
        %get3A_490 = tpu.vector_load %get3A_487[%get3A_488, %get3A_489] {strides = array<i32>} : memref<128x64xf32, #tpu.memory_space<vmem>>, vector<16xf32>,
        %scatter3A_491 = arith.constant 0 : i32
        %scatter3A_492 = arith.constant 0 : i32
        %scatter3A_493 = tpu.memref_slice %arg7[%scan3A_106, %scatter3A_491, %scatter3A_492] : memref<2x64x129xf32, #tpu.memory_space<vmem>> -> memref<1x64x129xf32, #tpu.memory_space<vmem>>
        %scatter3A_494 = tpu.memref_squeeze %scatter3A_493 : memref<1x64x129xf32, #tpu.memory_space<vmem>> -> memref<64x129xf32, #tpu.memory_space<vmem>>
        tpu.vector_store_idx %scatter3A_494[%add3A_483, %broadcast_in_dim3A_479], %get3A_490 : memref<64x129xf32, #tpu.memory_space<vmem>>[vector<16xi32>, vector<16xi32>], vector<16xf32>,
        %iota3A_495 = tpu.iota {dimensions = array<i32: 0>} : vector<16xi32>
        %add3A_496 = arith.constant 16 : i32
        %add3A_497 = vector.broadcast %add3A_496 : i32 to vector<16xi32>
        %add3A_498 = arith.addi %iota3A_495, %add3A_497 : vector<16xi32>
        %get3A_499 = arith.constant 0 : i32
        %get3A_500 = arith.constant 0 : i32
        %get3A_501 = tpu.memref_slice %arg6[%scan3A_105, %get3A_499, %get3A_500] : memref<4x128x64xf32, #tpu.memory_space<vmem>> -> memref<1x128x64xf32, #tpu.memory_space<vmem>>
        %get3A_502 = tpu.memref_squeeze %get3A_501 : memref<1x128x64xf32, #tpu.memory_space<vmem>> -> memref<128x64xf32, #tpu.memory_space<vmem>>
        %get3A_503 = arith.index_cast %add3A_478 : i32 to index
        %get3A_504 = arith.constant 16 : index
        %get3A_505 = tpu.vector_load %get3A_502[%get3A_503, %get3A_504] {strides = array<i32>} : memref<128x64xf32, #tpu.memory_space<vmem>>, vector<16xf32>,
        %scatter3A_506 = arith.constant 0 : i32
        %scatter3A_507 = arith.constant 0 : i32
        %scatter3A_508 = tpu.memref_slice %arg7[%scan3A_106, %scatter3A_506, %scatter3A_507] : memref<2x64x129xf32, #tpu.memory_space<vmem>> -> memref<1x64x129xf32, #tpu.memory_space<vmem>>
        %scatter3A_509 = tpu.memref_squeeze %scatter3A_508 : memref<1x64x129xf32, #tpu.memory_space<vmem>> -> memref<64x129xf32, #tpu.memory_space<vmem>>
        tpu.vector_store_idx %scatter3A_509[%add3A_498, %broadcast_in_dim3A_479], %get3A_505 : memref<64x129xf32, #tpu.memory_space<vmem>>[vector<16xi32>, vector<16xi32>], vector<16xf32>,
        %iota3A_510 = tpu.iota {dimensions = array<i32: 0>} : vector<16xi32>
        %add3A_511 = arith.constant 32 : i32
        %add3A_512 = vector.broadcast %add3A_511 : i32 to vector<16xi32>
        %add3A_513 = arith.addi %iota3A_510, %add3A_512 : vector<16xi32>
        %get3A_514 = arith.constant 0 : i32
        %get3A_515 = arith.constant 0 : i32
        %get3A_516 = tpu.memref_slice %arg6[%scan3A_105, %get3A_514, %get3A_515] : memref<4x128x64xf32, #tpu.memory_space<vmem>> -> memref<1x128x64xf32, #tpu.memory_space<vmem>>
        %get3A_517 = tpu.memref_squeeze %get3A_516 : memref<1x128x64xf32, #tpu.memory_space<vmem>> -> memref<128x64xf32, #tpu.memory_space<vmem>>
        %get3A_518 = arith.index_cast %add3A_478 : i32 to index
        %get3A_519 = arith.constant 32 : index
        %get3A_520 = tpu.vector_load %get3A_517[%get3A_518, %get3A_519] {strides = array<i32>} : memref<128x64xf32, #tpu.memory_space<vmem>>, vector<16xf32>,
        %scatter3A_521 = arith.constant 0 : i32
        %scatter3A_522 = arith.constant 0 : i32
        %scatter3A_523 = tpu.memref_slice %arg7[%scan3A_106, %scatter3A_521, %scatter3A_522] : memref<2x64x129xf32, #tpu.memory_space<vmem>> -> memref<1x64x129xf32, #tpu.memory_space<vmem>>
        %scatter3A_524 = tpu.memref_squeeze %scatter3A_523 : memref<1x64x129xf32, #tpu.memory_space<vmem>> -> memref<64x129xf32, #tpu.memory_space<vmem>>
        tpu.vector_store_idx %scatter3A_524[%add3A_513, %broadcast_in_dim3A_479], %get3A_520 : memref<64x129xf32, #tpu.memory_space<vmem>>[vector<16xi32>, vector<16xi32>], vector<16xf32>,
        %iota3A_525 = tpu.iota {dimensions = array<i32: 0>} : vector<16xi32>
        %add3A_526 = arith.constant 48 : i32
        %add3A_527 = vector.broadcast %add3A_526 : i32 to vector<16xi32>
        %add3A_528 = arith.addi %iota3A_525, %add3A_527 : vector<16xi32>
        %get3A_529 = arith.constant 0 : i32
        %get3A_530 = arith.constant 0 : i32
        %get3A_531 = tpu.memref_slice %arg6[%scan3A_105, %get3A_529, %get3A_530] : memref<4x128x64xf32, #tpu.memory_space<vmem>> -> memref<1x128x64xf32, #tpu.memory_space<vmem>>
        %get3A_532 = tpu.memref_squeeze %get3A_531 : memref<1x128x64xf32, #tpu.memory_space<vmem>> -> memref<128x64xf32, #tpu.memory_space<vmem>>
        %get3A_533 = arith.index_cast %add3A_478 : i32 to index
        %get3A_534 = arith.constant 48 : index
        %get3A_535 = tpu.vector_load %get3A_532[%get3A_533, %get3A_534] {strides = array<i32>} : memref<128x64xf32, #tpu.memory_space<vmem>>, vector<16xf32>,
        %scatter3A_536 = arith.constant 0 : i32
        %scatter3A_537 = arith.constant 0 : i32
        %scatter3A_538 = tpu.memref_slice %arg7[%scan3A_106, %scatter3A_536, %scatter3A_537] : memref<2x64x129xf32, #tpu.memory_space<vmem>> -> memref<1x64x129xf32, #tpu.memory_space<vmem>>
        %scatter3A_539 = tpu.memref_squeeze %scatter3A_538 : memref<1x64x129xf32, #tpu.memory_space<vmem>> -> memref<64x129xf32, #tpu.memory_space<vmem>>
        tpu.vector_store_idx %scatter3A_539[%add3A_528, %broadcast_in_dim3A_479], %get3A_535 : memref<64x129xf32, #tpu.memory_space<vmem>>[vector<16xi32>, vector<16xi32>], vector<16xf32>,
        %mul3A_540 = arith.constant 8 : i32
        %mul3A_541 = arith.muli %scan3A_283, %mul3A_540 : i32
        %add3A_542 = arith.constant 4 : i32
        %add3A_543 = arith.addi %mul3A_541, %add3A_542 : i32
        %broadcast_in_dim3A_544 = vector.broadcast %add3A_543 : i32 to vector<16xi32>
        %iota3A_545 = tpu.iota {dimensions = array<i32: 0>} : vector<16xi32>
        %add3A_546 = arith.constant 0 : i32
        %add3A_547 = vector.broadcast %add3A_546 : i32 to vector<16xi32>
        %add3A_548 = arith.addi %iota3A_545, %add3A_547 : vector<16xi32>
        %get3A_549 = arith.constant 0 : i32
        %get3A_550 = arith.constant 0 : i32
        %get3A_551 = tpu.memref_slice %arg6[%scan3A_105, %get3A_549, %get3A_550] : memref<4x128x64xf32, #tpu.memory_space<vmem>> -> memref<1x128x64xf32, #tpu.memory_space<vmem>>
        %get3A_552 = tpu.memref_squeeze %get3A_551 : memref<1x128x64xf32, #tpu.memory_space<vmem>> -> memref<128x64xf32, #tpu.memory_space<vmem>>
        %get3A_553 = arith.index_cast %add3A_543 : i32 to index
        %get3A_554 = arith.constant 0 : index
        %get3A_555 = tpu.vector_load %get3A_552[%get3A_553, %get3A_554] {strides = array<i32>} : memref<128x64xf32, #tpu.memory_space<vmem>>, vector<16xf32>,
        %scatter3A_556 = arith.constant 0 : i32
        %scatter3A_557 = arith.constant 0 : i32
        %scatter3A_558 = tpu.memref_slice %arg7[%scan3A_106, %scatter3A_556, %scatter3A_557] : memref<2x64x129xf32, #tpu.memory_space<vmem>> -> memref<1x64x129xf32, #tpu.memory_space<vmem>>
        %scatter3A_559 = tpu.memref_squeeze %scatter3A_558 : memref<1x64x129xf32, #tpu.memory_space<vmem>> -> memref<64x129xf32, #tpu.memory_space<vmem>>
        tpu.vector_store_idx %scatter3A_559[%add3A_548, %broadcast_in_dim3A_544], %get3A_555 : memref<64x129xf32, #tpu.memory_space<vmem>>[vector<16xi32>, vector<16xi32>], vector<16xf32>,
        %iota3A_560 = tpu.iota {dimensions = array<i32: 0>} : vector<16xi32>
        %add3A_561 = arith.constant 16 : i32
        %add3A_562 = vector.broadcast %add3A_561 : i32 to vector<16xi32>
        %add3A_563 = arith.addi %iota3A_560, %add3A_562 : vector<16xi32>
        %get3A_564 = arith.constant 0 : i32
        %get3A_565 = arith.constant 0 : i32
        %get3A_566 = tpu.memref_slice %arg6[%scan3A_105, %get3A_564, %get3A_565] : memref<4x128x64xf32, #tpu.memory_space<vmem>> -> memref<1x128x64xf32, #tpu.memory_space<vmem>>
        %get3A_567 = tpu.memref_squeeze %get3A_566 : memref<1x128x64xf32, #tpu.memory_space<vmem>> -> memref<128x64xf32, #tpu.memory_space<vmem>>
        %get3A_568 = arith.index_cast %add3A_543 : i32 to index
        %get3A_569 = arith.constant 16 : index
        %get3A_570 = tpu.vector_load %get3A_567[%get3A_568, %get3A_569] {strides = array<i32>} : memref<128x64xf32, #tpu.memory_space<vmem>>, vector<16xf32>,
        %scatter3A_571 = arith.constant 0 : i32
        %scatter3A_572 = arith.constant 0 : i32
        %scatter3A_573 = tpu.memref_slice %arg7[%scan3A_106, %scatter3A_571, %scatter3A_572] : memref<2x64x129xf32, #tpu.memory_space<vmem>> -> memref<1x64x129xf32, #tpu.memory_space<vmem>>
        %scatter3A_574 = tpu.memref_squeeze %scatter3A_573 : memref<1x64x129xf32, #tpu.memory_space<vmem>> -> memref<64x129xf32, #tpu.memory_space<vmem>>
        tpu.vector_store_idx %scatter3A_574[%add3A_563, %broadcast_in_dim3A_544], %get3A_570 : memref<64x129xf32, #tpu.memory_space<vmem>>[vector<16xi32>, vector<16xi32>], vector<16xf32>,
        %iota3A_575 = tpu.iota {dimensions = array<i32: 0>} : vector<16xi32>
        %add3A_576 = arith.constant 32 : i32
        %add3A_577 = vector.broadcast %add3A_576 : i32 to vector<16xi32>
        %add3A_578 = arith.addi %iota3A_575, %add3A_577 : vector<16xi32>
        %get3A_579 = arith.constant 0 : i32
        %get3A_580 = arith.constant 0 : i32
        %get3A_581 = tpu.memref_slice %arg6[%scan3A_105, %get3A_579, %get3A_580] : memref<4x128x64xf32, #tpu.memory_space<vmem>> -> memref<1x128x64xf32, #tpu.memory_space<vmem>>
        %get3A_582 = tpu.memref_squeeze %get3A_581 : memref<1x128x64xf32, #tpu.memory_space<vmem>> -> memref<128x64xf32, #tpu.memory_space<vmem>>
        %get3A_583 = arith.index_cast %add3A_543 : i32 to index
        %get3A_584 = arith.constant 32 : index
        %get3A_585 = tpu.vector_load %get3A_582[%get3A_583, %get3A_584] {strides = array<i32>} : memref<128x64xf32, #tpu.memory_space<vmem>>, vector<16xf32>,
        %scatter3A_586 = arith.constant 0 : i32
        %scatter3A_587 = arith.constant 0 : i32
        %scatter3A_588 = tpu.memref_slice %arg7[%scan3A_106, %scatter3A_586, %scatter3A_587] : memref<2x64x129xf32, #tpu.memory_space<vmem>> -> memref<1x64x129xf32, #tpu.memory_space<vmem>>
        %scatter3A_589 = tpu.memref_squeeze %scatter3A_588 : memref<1x64x129xf32, #tpu.memory_space<vmem>> -> memref<64x129xf32, #tpu.memory_space<vmem>>
        tpu.vector_store_idx %scatter3A_589[%add3A_578, %broadcast_in_dim3A_544], %get3A_585 : memref<64x129xf32, #tpu.memory_space<vmem>>[vector<16xi32>, vector<16xi32>], vector<16xf32>,
        %iota3A_590 = tpu.iota {dimensions = array<i32: 0>} : vector<16xi32>
        %add3A_591 = arith.constant 48 : i32
        %add3A_592 = vector.broadcast %add3A_591 : i32 to vector<16xi32>
        %add3A_593 = arith.addi %iota3A_590, %add3A_592 : vector<16xi32>
        %get3A_594 = arith.constant 0 : i32
        %get3A_595 = arith.constant 0 : i32
        %get3A_596 = tpu.memref_slice %arg6[%scan3A_105, %get3A_594, %get3A_595] : memref<4x128x64xf32, #tpu.memory_space<vmem>> -> memref<1x128x64xf32, #tpu.memory_space<vmem>>
        %get3A_597 = tpu.memref_squeeze %get3A_596 : memref<1x128x64xf32, #tpu.memory_space<vmem>> -> memref<128x64xf32, #tpu.memory_space<vmem>>
        %get3A_598 = arith.index_cast %add3A_543 : i32 to index
        %get3A_599 = arith.constant 48 : index
        %get3A_600 = tpu.vector_load %get3A_597[%get3A_598, %get3A_599] {strides = array<i32>} : memref<128x64xf32, #tpu.memory_space<vmem>>, vector<16xf32>,
        %scatter3A_601 = arith.constant 0 : i32
        %scatter3A_602 = arith.constant 0 : i32
        %scatter3A_603 = tpu.memref_slice %arg7[%scan3A_106, %scatter3A_601, %scatter3A_602] : memref<2x64x129xf32, #tpu.memory_space<vmem>> -> memref<1x64x129xf32, #tpu.memory_space<vmem>>
        %scatter3A_604 = tpu.memref_squeeze %scatter3A_603 : memref<1x64x129xf32, #tpu.memory_space<vmem>> -> memref<64x129xf32, #tpu.memory_space<vmem>>
        tpu.vector_store_idx %scatter3A_604[%add3A_593, %broadcast_in_dim3A_544], %get3A_600 : memref<64x129xf32, #tpu.memory_space<vmem>>[vector<16xi32>, vector<16xi32>], vector<16xf32>,
        %mul3A_605 = arith.constant 8 : i32
        %mul3A_606 = arith.muli %scan3A_283, %mul3A_605 : i32
        %add3A_607 = arith.constant 5 : i32
        %add3A_608 = arith.addi %mul3A_606, %add3A_607 : i32
        %broadcast_in_dim3A_609 = vector.broadcast %add3A_608 : i32 to vector<16xi32>
        %iota3A_610 = tpu.iota {dimensions = array<i32: 0>} : vector<16xi32>
        %add3A_611 = arith.constant 0 : i32
        %add3A_612 = vector.broadcast %add3A_611 : i32 to vector<16xi32>
        %add3A_613 = arith.addi %iota3A_610, %add3A_612 : vector<16xi32>
        %get3A_614 = arith.constant 0 : i32
        %get3A_615 = arith.constant 0 : i32
        %get3A_616 = tpu.memref_slice %arg6[%scan3A_105, %get3A_614, %get3A_615] : memref<4x128x64xf32, #tpu.memory_space<vmem>> -> memref<1x128x64xf32, #tpu.memory_space<vmem>>
        %get3A_617 = tpu.memref_squeeze %get3A_616 : memref<1x128x64xf32, #tpu.memory_space<vmem>> -> memref<128x64xf32, #tpu.memory_space<vmem>>
        %get3A_618 = arith.index_cast %add3A_608 : i32 to index
        %get3A_619 = arith.constant 0 : index
        %get3A_620 = tpu.vector_load %get3A_617[%get3A_618, %get3A_619] {strides = array<i32>} : memref<128x64xf32, #tpu.memory_space<vmem>>, vector<16xf32>,
        %scatter3A_621 = arith.constant 0 : i32
        %scatter3A_622 = arith.constant 0 : i32
        %scatter3A_623 = tpu.memref_slice %arg7[%scan3A_106, %scatter3A_621, %scatter3A_622] : memref<2x64x129xf32, #tpu.memory_space<vmem>> -> memref<1x64x129xf32, #tpu.memory_space<vmem>>
        %scatter3A_624 = tpu.memref_squeeze %scatter3A_623 : memref<1x64x129xf32, #tpu.memory_space<vmem>> -> memref<64x129xf32, #tpu.memory_space<vmem>>
        tpu.vector_store_idx %scatter3A_624[%add3A_613, %broadcast_in_dim3A_609], %get3A_620 : memref<64x129xf32, #tpu.memory_space<vmem>>[vector<16xi32>, vector<16xi32>], vector<16xf32>,
        %iota3A_625 = tpu.iota {dimensions = array<i32: 0>} : vector<16xi32>
        %add3A_626 = arith.constant 16 : i32
        %add3A_627 = vector.broadcast %add3A_626 : i32 to vector<16xi32>
        %add3A_628 = arith.addi %iota3A_625, %add3A_627 : vector<16xi32>
        %get3A_629 = arith.constant 0 : i32
        %get3A_630 = arith.constant 0 : i32
        %get3A_631 = tpu.memref_slice %arg6[%scan3A_105, %get3A_629, %get3A_630] : memref<4x128x64xf32, #tpu.memory_space<vmem>> -> memref<1x128x64xf32, #tpu.memory_space<vmem>>
        %get3A_632 = tpu.memref_squeeze %get3A_631 : memref<1x128x64xf32, #tpu.memory_space<vmem>> -> memref<128x64xf32, #tpu.memory_space<vmem>>
        %get3A_633 = arith.index_cast %add3A_608 : i32 to index
        %get3A_634 = arith.constant 16 : index
        %get3A_635 = tpu.vector_load %get3A_632[%get3A_633, %get3A_634] {strides = array<i32>} : memref<128x64xf32, #tpu.memory_space<vmem>>, vector<16xf32>,
        %scatter3A_636 = arith.constant 0 : i32
        %scatter3A_637 = arith.constant 0 : i32
        %scatter3A_638 = tpu.memref_slice %arg7[%scan3A_106, %scatter3A_636, %scatter3A_637] : memref<2x64x129xf32, #tpu.memory_space<vmem>> -> memref<1x64x129xf32, #tpu.memory_space<vmem>>
        %scatter3A_639 = tpu.memref_squeeze %scatter3A_638 : memref<1x64x129xf32, #tpu.memory_space<vmem>> -> memref<64x129xf32, #tpu.memory_space<vmem>>
        tpu.vector_store_idx %scatter3A_639[%add3A_628, %broadcast_in_dim3A_609], %get3A_635 : memref<64x129xf32, #tpu.memory_space<vmem>>[vector<16xi32>, vector<16xi32>], vector<16xf32>,
        %iota3A_640 = tpu.iota {dimensions = array<i32: 0>} : vector<16xi32>
        %add3A_641 = arith.constant 32 : i32
        %add3A_642 = vector.broadcast %add3A_641 : i32 to vector<16xi32>
        %add3A_643 = arith.addi %iota3A_640, %add3A_642 : vector<16xi32>
        %get3A_644 = arith.constant 0 : i32
        %get3A_645 = arith.constant 0 : i32
        %get3A_646 = tpu.memref_slice %arg6[%scan3A_105, %get3A_644, %get3A_645] : memref<4x128x64xf32, #tpu.memory_space<vmem>> -> memref<1x128x64xf32, #tpu.memory_space<vmem>>
        %get3A_647 = tpu.memref_squeeze %get3A_646 : memref<1x128x64xf32, #tpu.memory_space<vmem>> -> memref<128x64xf32, #tpu.memory_space<vmem>>
        %get3A_648 = arith.index_cast %add3A_608 : i32 to index
        %get3A_649 = arith.constant 32 : index
        %get3A_650 = tpu.vector_load %get3A_647[%get3A_648, %get3A_649] {strides = array<i32>} : memref<128x64xf32, #tpu.memory_space<vmem>>, vector<16xf32>,
        %scatter3A_651 = arith.constant 0 : i32
        %scatter3A_652 = arith.constant 0 : i32
        %scatter3A_653 = tpu.memref_slice %arg7[%scan3A_106, %scatter3A_651, %scatter3A_652] : memref<2x64x129xf32, #tpu.memory_space<vmem>> -> memref<1x64x129xf32, #tpu.memory_space<vmem>>
        %scatter3A_654 = tpu.memref_squeeze %scatter3A_653 : memref<1x64x129xf32, #tpu.memory_space<vmem>> -> memref<64x129xf32, #tpu.memory_space<vmem>>
        tpu.vector_store_idx %scatter3A_654[%add3A_643, %broadcast_in_dim3A_609], %get3A_650 : memref<64x129xf32, #tpu.memory_space<vmem>>[vector<16xi32>, vector<16xi32>], vector<16xf32>,
        %iota3A_655 = tpu.iota {dimensions = array<i32: 0>} : vector<16xi32>
        %add3A_656 = arith.constant 48 : i32
        %add3A_657 = vector.broadcast %add3A_656 : i32 to vector<16xi32>
        %add3A_658 = arith.addi %iota3A_655, %add3A_657 : vector<16xi32>
        %get3A_659 = arith.constant 0 : i32
        %get3A_660 = arith.constant 0 : i32
        %get3A_661 = tpu.memref_slice %arg6[%scan3A_105, %get3A_659, %get3A_660] : memref<4x128x64xf32, #tpu.memory_space<vmem>> -> memref<1x128x64xf32, #tpu.memory_space<vmem>>
        %get3A_662 = tpu.memref_squeeze %get3A_661 : memref<1x128x64xf32, #tpu.memory_space<vmem>> -> memref<128x64xf32, #tpu.memory_space<vmem>>
        %get3A_663 = arith.index_cast %add3A_608 : i32 to index
        %get3A_664 = arith.constant 48 : index
        %get3A_665 = tpu.vector_load %get3A_662[%get3A_663, %get3A_664] {strides = array<i32>} : memref<128x64xf32, #tpu.memory_space<vmem>>, vector<16xf32>,
        %scatter3A_666 = arith.constant 0 : i32
        %scatter3A_667 = arith.constant 0 : i32
        %scatter3A_668 = tpu.memref_slice %arg7[%scan3A_106, %scatter3A_666, %scatter3A_667] : memref<2x64x129xf32, #tpu.memory_space<vmem>> -> memref<1x64x129xf32, #tpu.memory_space<vmem>>
        %scatter3A_669 = tpu.memref_squeeze %scatter3A_668 : memref<1x64x129xf32, #tpu.memory_space<vmem>> -> memref<64x129xf32, #tpu.memory_space<vmem>>
        tpu.vector_store_idx %scatter3A_669[%add3A_658, %broadcast_in_dim3A_609], %get3A_665 : memref<64x129xf32, #tpu.memory_space<vmem>>[vector<16xi32>, vector<16xi32>], vector<16xf32>,
        %mul3A_670 = arith.constant 8 : i32
        %mul3A_671 = arith.muli %scan3A_283, %mul3A_670 : i32
        %add3A_672 = arith.constant 6 : i32
        %add3A_673 = arith.addi %mul3A_671, %add3A_672 : i32
        %broadcast_in_dim3A_674 = vector.broadcast %add3A_673 : i32 to vector<16xi32>
        %iota3A_675 = tpu.iota {dimensions = array<i32: 0>} : vector<16xi32>
        %add3A_676 = arith.constant 0 : i32
        %add3A_677 = vector.broadcast %add3A_676 : i32 to vector<16xi32>
        %add3A_678 = arith.addi %iota3A_675, %add3A_677 : vector<16xi32>
        %get3A_679 = arith.constant 0 : i32
        %get3A_680 = arith.constant 0 : i32
        %get3A_681 = tpu.memref_slice %arg6[%scan3A_105, %get3A_679, %get3A_680] : memref<4x128x64xf32, #tpu.memory_space<vmem>> -> memref<1x128x64xf32, #tpu.memory_space<vmem>>
        %get3A_682 = tpu.memref_squeeze %get3A_681 : memref<1x128x64xf32, #tpu.memory_space<vmem>> -> memref<128x64xf32, #tpu.memory_space<vmem>>
        %get3A_683 = arith.index_cast %add3A_673 : i32 to index
        %get3A_684 = arith.constant 0 : index
        %get3A_685 = tpu.vector_load %get3A_682[%get3A_683, %get3A_684] {strides = array<i32>} : memref<128x64xf32, #tpu.memory_space<vmem>>, vector<16xf32>,
        %scatter3A_686 = arith.constant 0 : i32
        %scatter3A_687 = arith.constant 0 : i32
        %scatter3A_688 = tpu.memref_slice %arg7[%scan3A_106, %scatter3A_686, %scatter3A_687] : memref<2x64x129xf32, #tpu.memory_space<vmem>> -> memref<1x64x129xf32, #tpu.memory_space<vmem>>
        %scatter3A_689 = tpu.memref_squeeze %scatter3A_688 : memref<1x64x129xf32, #tpu.memory_space<vmem>> -> memref<64x129xf32, #tpu.memory_space<vmem>>
        tpu.vector_store_idx %scatter3A_689[%add3A_678, %broadcast_in_dim3A_674], %get3A_685 : memref<64x129xf32, #tpu.memory_space<vmem>>[vector<16xi32>, vector<16xi32>], vector<16xf32>,
        %iota3A_690 = tpu.iota {dimensions = array<i32: 0>} : vector<16xi32>
        %add3A_691 = arith.constant 16 : i32
        %add3A_692 = vector.broadcast %add3A_691 : i32 to vector<16xi32>
        %add3A_693 = arith.addi %iota3A_690, %add3A_692 : vector<16xi32>
        %get3A_694 = arith.constant 0 : i32
        %get3A_695 = arith.constant 0 : i32
        %get3A_696 = tpu.memref_slice %arg6[%scan3A_105, %get3A_694, %get3A_695] : memref<4x128x64xf32, #tpu.memory_space<vmem>> -> memref<1x128x64xf32, #tpu.memory_space<vmem>>
        %get3A_697 = tpu.memref_squeeze %get3A_696 : memref<1x128x64xf32, #tpu.memory_space<vmem>> -> memref<128x64xf32, #tpu.memory_space<vmem>>
        %get3A_698 = arith.index_cast %add3A_673 : i32 to index
        %get3A_699 = arith.constant 16 : index
        %get3A_700 = tpu.vector_load %get3A_697[%get3A_698, %get3A_699] {strides = array<i32>} : memref<128x64xf32, #tpu.memory_space<vmem>>, vector<16xf32>,
        %scatter3A_701 = arith.constant 0 : i32
        %scatter3A_702 = arith.constant 0 : i32
        %scatter3A_703 = tpu.memref_slice %arg7[%scan3A_106, %scatter3A_701, %scatter3A_702] : memref<2x64x129xf32, #tpu.memory_space<vmem>> -> memref<1x64x129xf32, #tpu.memory_space<vmem>>
        %scatter3A_704 = tpu.memref_squeeze %scatter3A_703 : memref<1x64x129xf32, #tpu.memory_space<vmem>> -> memref<64x129xf32, #tpu.memory_space<vmem>>
        tpu.vector_store_idx %scatter3A_704[%add3A_693, %broadcast_in_dim3A_674], %get3A_700 : memref<64x129xf32, #tpu.memory_space<vmem>>[vector<16xi32>, vector<16xi32>], vector<16xf32>,
        %iota3A_705 = tpu.iota {dimensions = array<i32: 0>} : vector<16xi32>
        %add3A_706 = arith.constant 32 : i32
        %add3A_707 = vector.broadcast %add3A_706 : i32 to vector<16xi32>
        %add3A_708 = arith.addi %iota3A_705, %add3A_707 : vector<16xi32>
        %get3A_709 = arith.constant 0 : i32
        %get3A_710 = arith.constant 0 : i32
        %get3A_711 = tpu.memref_slice %arg6[%scan3A_105, %get3A_709, %get3A_710] : memref<4x128x64xf32, #tpu.memory_space<vmem>> -> memref<1x128x64xf32, #tpu.memory_space<vmem>>
        %get3A_712 = tpu.memref_squeeze %get3A_711 : memref<1x128x64xf32, #tpu.memory_space<vmem>> -> memref<128x64xf32, #tpu.memory_space<vmem>>
        %get3A_713 = arith.index_cast %add3A_673 : i32 to index
        %get3A_714 = arith.constant 32 : index
        %get3A_715 = tpu.vector_load %get3A_712[%get3A_713, %get3A_714] {strides = array<i32>} : memref<128x64xf32, #tpu.memory_space<vmem>>, vector<16xf32>,
        %scatter3A_716 = arith.constant 0 : i32
        %scatter3A_717 = arith.constant 0 : i32
        %scatter3A_718 = tpu.memref_slice %arg7[%scan3A_106, %scatter3A_716, %scatter3A_717] : memref<2x64x129xf32, #tpu.memory_space<vmem>> -> memref<1x64x129xf32, #tpu.memory_space<vmem>>
        %scatter3A_719 = tpu.memref_squeeze %scatter3A_718 : memref<1x64x129xf32, #tpu.memory_space<vmem>> -> memref<64x129xf32, #tpu.memory_space<vmem>>
        tpu.vector_store_idx %scatter3A_719[%add3A_708, %broadcast_in_dim3A_674], %get3A_715 : memref<64x129xf32, #tpu.memory_space<vmem>>[vector<16xi32>, vector<16xi32>], vector<16xf32>,
        %iota3A_720 = tpu.iota {dimensions = array<i32: 0>} : vector<16xi32>
        %add3A_721 = arith.constant 48 : i32
        %add3A_722 = vector.broadcast %add3A_721 : i32 to vector<16xi32>
        %add3A_723 = arith.addi %iota3A_720, %add3A_722 : vector<16xi32>
        %get3A_724 = arith.constant 0 : i32
        %get3A_725 = arith.constant 0 : i32
        %get3A_726 = tpu.memref_slice %arg6[%scan3A_105, %get3A_724, %get3A_725] : memref<4x128x64xf32, #tpu.memory_space<vmem>> -> memref<1x128x64xf32, #tpu.memory_space<vmem>>
        %get3A_727 = tpu.memref_squeeze %get3A_726 : memref<1x128x64xf32, #tpu.memory_space<vmem>> -> memref<128x64xf32, #tpu.memory_space<vmem>>
        %get3A_728 = arith.index_cast %add3A_673 : i32 to index
        %get3A_729 = arith.constant 48 : index
        %get3A_730 = tpu.vector_load %get3A_727[%get3A_728, %get3A_729] {strides = array<i32>} : memref<128x64xf32, #tpu.memory_space<vmem>>, vector<16xf32>,
        %scatter3A_731 = arith.constant 0 : i32
        %scatter3A_732 = arith.constant 0 : i32
        %scatter3A_733 = tpu.memref_slice %arg7[%scan3A_106, %scatter3A_731, %scatter3A_732] : memref<2x64x129xf32, #tpu.memory_space<vmem>> -> memref<1x64x129xf32, #tpu.memory_space<vmem>>
        %scatter3A_734 = tpu.memref_squeeze %scatter3A_733 : memref<1x64x129xf32, #tpu.memory_space<vmem>> -> memref<64x129xf32, #tpu.memory_space<vmem>>
        tpu.vector_store_idx %scatter3A_734[%add3A_723, %broadcast_in_dim3A_674], %get3A_730 : memref<64x129xf32, #tpu.memory_space<vmem>>[vector<16xi32>, vector<16xi32>], vector<16xf32>,
        %mul3A_735 = arith.constant 8 : i32
        %mul3A_736 = arith.muli %scan3A_283, %mul3A_735 : i32
        %add3A_737 = arith.constant 7 : i32
        %add3A_738 = arith.addi %mul3A_736, %add3A_737 : i32
        %broadcast_in_dim3A_739 = vector.broadcast %add3A_738 : i32 to vector<16xi32>
        %iota3A_740 = tpu.iota {dimensions = array<i32: 0>} : vector<16xi32>
        %add3A_741 = arith.constant 0 : i32
        %add3A_742 = vector.broadcast %add3A_741 : i32 to vector<16xi32>
        %add3A_743 = arith.addi %iota3A_740, %add3A_742 : vector<16xi32>
        %get3A_744 = arith.constant 0 : i32
        %get3A_745 = arith.constant 0 : i32
        %get3A_746 = tpu.memref_slice %arg6[%scan3A_105, %get3A_744, %get3A_745] : memref<4x128x64xf32, #tpu.memory_space<vmem>> -> memref<1x128x64xf32, #tpu.memory_space<vmem>>
        %get3A_747 = tpu.memref_squeeze %get3A_746 : memref<1x128x64xf32, #tpu.memory_space<vmem>> -> memref<128x64xf32, #tpu.memory_space<vmem>>
        %get3A_748 = arith.index_cast %add3A_738 : i32 to index
        %get3A_749 = arith.constant 0 : index
        %get3A_750 = tpu.vector_load %get3A_747[%get3A_748, %get3A_749] {strides = array<i32>} : memref<128x64xf32, #tpu.memory_space<vmem>>, vector<16xf32>,
        %scatter3A_751 = arith.constant 0 : i32
        %scatter3A_752 = arith.constant 0 : i32
        %scatter3A_753 = tpu.memref_slice %arg7[%scan3A_106, %scatter3A_751, %scatter3A_752] : memref<2x64x129xf32, #tpu.memory_space<vmem>> -> memref<1x64x129xf32, #tpu.memory_space<vmem>>
        %scatter3A_754 = tpu.memref_squeeze %scatter3A_753 : memref<1x64x129xf32, #tpu.memory_space<vmem>> -> memref<64x129xf32, #tpu.memory_space<vmem>>
        tpu.vector_store_idx %scatter3A_754[%add3A_743, %broadcast_in_dim3A_739], %get3A_750 : memref<64x129xf32, #tpu.memory_space<vmem>>[vector<16xi32>, vector<16xi32>], vector<16xf32>,
        %iota3A_755 = tpu.iota {dimensions = array<i32: 0>} : vector<16xi32>
        %add3A_756 = arith.constant 16 : i32
        %add3A_757 = vector.broadcast %add3A_756 : i32 to vector<16xi32>
        %add3A_758 = arith.addi %iota3A_755, %add3A_757 : vector<16xi32>
        %get3A_759 = arith.constant 0 : i32
        %get3A_760 = arith.constant 0 : i32
        %get3A_761 = tpu.memref_slice %arg6[%scan3A_105, %get3A_759, %get3A_760] : memref<4x128x64xf32, #tpu.memory_space<vmem>> -> memref<1x128x64xf32, #tpu.memory_space<vmem>>
        %get3A_762 = tpu.memref_squeeze %get3A_761 : memref<1x128x64xf32, #tpu.memory_space<vmem>> -> memref<128x64xf32, #tpu.memory_space<vmem>>
        %get3A_763 = arith.index_cast %add3A_738 : i32 to index
        %get3A_764 = arith.constant 16 : index
        %get3A_765 = tpu.vector_load %get3A_762[%get3A_763, %get3A_764] {strides = array<i32>} : memref<128x64xf32, #tpu.memory_space<vmem>>, vector<16xf32>,
        %scatter3A_766 = arith.constant 0 : i32
        %scatter3A_767 = arith.constant 0 : i32
        %scatter3A_768 = tpu.memref_slice %arg7[%scan3A_106, %scatter3A_766, %scatter3A_767] : memref<2x64x129xf32, #tpu.memory_space<vmem>> -> memref<1x64x129xf32, #tpu.memory_space<vmem>>
        %scatter3A_769 = tpu.memref_squeeze %scatter3A_768 : memref<1x64x129xf32, #tpu.memory_space<vmem>> -> memref<64x129xf32, #tpu.memory_space<vmem>>
        tpu.vector_store_idx %scatter3A_769[%add3A_758, %broadcast_in_dim3A_739], %get3A_765 : memref<64x129xf32, #tpu.memory_space<vmem>>[vector<16xi32>, vector<16xi32>], vector<16xf32>,
        %iota3A_770 = tpu.iota {dimensions = array<i32: 0>} : vector<16xi32>
        %add3A_771 = arith.constant 32 : i32
        %add3A_772 = vector.broadcast %add3A_771 : i32 to vector<16xi32>
        %add3A_773 = arith.addi %iota3A_770, %add3A_772 : vector<16xi32>
        %get3A_774 = arith.constant 0 : i32
        %get3A_775 = arith.constant 0 : i32
        %get3A_776 = tpu.memref_slice %arg6[%scan3A_105, %get3A_774, %get3A_775] : memref<4x128x64xf32, #tpu.memory_space<vmem>> -> memref<1x128x64xf32, #tpu.memory_space<vmem>>
        %get3A_777 = tpu.memref_squeeze %get3A_776 : memref<1x128x64xf32, #tpu.memory_space<vmem>> -> memref<128x64xf32, #tpu.memory_space<vmem>>
        %get3A_778 = arith.index_cast %add3A_738 : i32 to index
        %get3A_779 = arith.constant 32 : index
        %get3A_780 = tpu.vector_load %get3A_777[%get3A_778, %get3A_779] {strides = array<i32>} : memref<128x64xf32, #tpu.memory_space<vmem>>, vector<16xf32>,
        %scatter3A_781 = arith.constant 0 : i32
        %scatter3A_782 = arith.constant 0 : i32
        %scatter3A_783 = tpu.memref_slice %arg7[%scan3A_106, %scatter3A_781, %scatter3A_782] : memref<2x64x129xf32, #tpu.memory_space<vmem>> -> memref<1x64x129xf32, #tpu.memory_space<vmem>>
        %scatter3A_784 = tpu.memref_squeeze %scatter3A_783 : memref<1x64x129xf32, #tpu.memory_space<vmem>> -> memref<64x129xf32, #tpu.memory_space<vmem>>
        tpu.vector_store_idx %scatter3A_784[%add3A_773, %broadcast_in_dim3A_739], %get3A_780 : memref<64x129xf32, #tpu.memory_space<vmem>>[vector<16xi32>, vector<16xi32>], vector<16xf32>,
        %iota3A_785 = tpu.iota {dimensions = array<i32: 0>} : vector<16xi32>
        %add3A_786 = arith.constant 48 : i32
        %add3A_787 = vector.broadcast %add3A_786 : i32 to vector<16xi32>
        %add3A_788 = arith.addi %iota3A_785, %add3A_787 : vector<16xi32>
        %get3A_789 = arith.constant 0 : i32
        %get3A_790 = arith.constant 0 : i32
        %get3A_791 = tpu.memref_slice %arg6[%scan3A_105, %get3A_789, %get3A_790] : memref<4x128x64xf32, #tpu.memory_space<vmem>> -> memref<1x128x64xf32, #tpu.memory_space<vmem>>
        %get3A_792 = tpu.memref_squeeze %get3A_791 : memref<1x128x64xf32, #tpu.memory_space<vmem>> -> memref<128x64xf32, #tpu.memory_space<vmem>>
        %get3A_793 = arith.index_cast %add3A_738 : i32 to index
        %get3A_794 = arith.constant 48 : index
        %get3A_795 = tpu.vector_load %get3A_792[%get3A_793, %get3A_794] {strides = array<i32>} : memref<128x64xf32, #tpu.memory_space<vmem>>, vector<16xf32>,
        %scatter3A_796 = arith.constant 0 : i32
        %scatter3A_797 = arith.constant 0 : i32
        %scatter3A_798 = tpu.memref_slice %arg7[%scan3A_106, %scatter3A_796, %scatter3A_797] : memref<2x64x129xf32, #tpu.memory_space<vmem>> -> memref<1x64x129xf32, #tpu.memory_space<vmem>>
        %scatter3A_799 = tpu.memref_squeeze %scatter3A_798 : memref<1x64x129xf32, #tpu.memory_space<vmem>> -> memref<64x129xf32, #tpu.memory_space<vmem>>
        tpu.vector_store_idx %scatter3A_799[%add3A_788, %broadcast_in_dim3A_739], %get3A_795 : memref<64x129xf32, #tpu.memory_space<vmem>>[vector<16xi32>, vector<16xi32>], vector<16xf32>,
      }
      %scan3A_111 = arith.constant 16 : i32
      %dma_start3A_112 = arith.constant 0 : i32
      %dma_start3A_113 = arith.constant 0 : i32
      %dma_start3A_114 = arith.constant 0 : i32
      %dma_start3A_115 = tpu.memref_slice %arg7[%dma_start3A_112, %dma_start3A_113, %dma_start3A_114] : memref<2x64x129xf32, #tpu.memory_space<vmem>> -> memref<1x64x128xf32, #tpu.memory_space<vmem>>
      %dma_start3A_116 = tpu.memref_squeeze %dma_start3A_115 : memref<1x64x128xf32, #tpu.memory_space<vmem>> -> memref<64x128xf32, #tpu.memory_space<vmem>>
      %dma_start3A_117 = arith.constant 0 : i32
      %dma_start3A_118 = tpu.memref_slice %arg4[%add3A_90, %dma_start3A_117, %mul3A_2] : memref<200x64x4096xf32, #tpu.memory_space<hbm>> -> memref<1x64x128xf32, #tpu.memory_space<hbm>>
      %dma_start3A_119 = tpu.memref_squeeze %dma_start3A_118 : memref<1x64x128xf32, #tpu.memory_space<hbm>> -> memref<64x128xf32, #tpu.memory_space<hbm>>
      %dma_start3A_120 = arith.constant 0 : i32
      %dma_start3A_121 = tpu.memref_slice %arg4[%add3A_90, %dma_start3A_120, %mul3A_2] : memref<200x64x4096xf32, #tpu.memory_space<hbm>> -> memref<1x64x128xf32, #tpu.memory_space<hbm>>
      %dma_start3A_122 = tpu.memref_squeeze %dma_start3A_121 : memref<1x64x128xf32, #tpu.memory_space<hbm>> -> memref<64x128xf32, #tpu.memory_space<hbm>>
      %dma_start3A_123 = arith.constant 0 : i32
      %dma_start3A_124 = arith.constant 0 : i32
      %dma_start3A_125 = tpu.memref_slice %arg7[%dma_start3A_112, %dma_start3A_123, %dma_start3A_124] : memref<2x64x129xf32, #tpu.memory_space<vmem>> -> memref<1x64x128xf32, #tpu.memory_space<vmem>>
      %dma_start3A_126 = tpu.memref_squeeze %dma_start3A_125 : memref<1x64x128xf32, #tpu.memory_space<vmem>> -> memref<64x128xf32, #tpu.memory_space<vmem>>
      tpu.enqueue_dma source(%dma_start3A_126 : memref<64x128xf32, #tpu.memory_space<vmem>>) target(%dma_start3A_122 : memref<64x128xf32, #tpu.memory_space<hbm>>) target_semaphore(%arg9 : memref<!tpu.dma_semaphore, #tpu.memory_space<semaphore_mem>>)
      %add3A_127 = arith.constant 4 : i32
      %add3A_128 = arith.addi %add3A_90, %add3A_127 : i32
      %lt3A = arith.constant 200 : i32
      %lt3A_129 = arith.cmpi slt, %add3A_128, %lt3A : i32
      %convert_element_type3A_130 = arith.extui %lt3A_129 : i1 to i32
      %cond3A_131 = arith.constant 0 : i32
      %cond3A_132 = arith.cmpi ne, %convert_element_type3A_130, %cond3A_131 : i32
      scf.if %cond3A_132 {
        %add3A_283 = arith.constant 4 : i32
        %add3A_284 = arith.addi %add3A_90, %add3A_283 : i32
        %dma_start3A_285 = arith.constant 0 : i32
        %dma_start3A_286 = arith.constant 0 : i32
        %dma_start3A_287 = arith.constant 0 : i32
        %dma_start3A_288 = tpu.memref_slice %arg6[%dma_start3A_285, %dma_start3A_286, %dma_start3A_287] : memref<4x128x64xf32, #tpu.memory_space<vmem>> -> memref<1x128x64xf32, #tpu.memory_space<vmem>>
        %dma_start3A_289 = tpu.memref_squeeze %dma_start3A_288 : memref<1x128x64xf32, #tpu.memory_space<vmem>> -> memref<128x64xf32, #tpu.memory_space<vmem>>
        %dma_start3A_290 = arith.constant 0 : i32
        %dma_start3A_291 = tpu.memref_slice %arg5[%add3A_284, %dma_start3A_290] : memref<200x128xi32, #tpu.memory_space<vmem>> -> memref<1x128xi32, #tpu.memory_space<vmem>>
        %dma_start3A_292 = tpu.memref_squeeze %dma_start3A_291 : memref<1x128xi32, #tpu.memory_space<vmem>> -> memref<128xi32, #tpu.memory_space<vmem>>
        %dma_start3A_293 = arith.constant 0 : i32
        %dma_start3A_294 = arith.constant 0 : i32
        %dma_start3A_295 = tpu.memref_slice %arg2[%dma_start3A_293, %dma_start3A_294] : memref<1000000x64xf32, #tpu.memory_space<hbm>> -> memref<1000000x64xf32, #tpu.memory_space<hbm>>
        tpu.enqueue_indirect_dma source(%dma_start3A_295 : memref<1000000x64xf32, #tpu.memory_space<hbm>>) target(%dma_start3A_289 : memref<128x64xf32, #tpu.memory_space<vmem>>) offsets(%dma_start3A_292 : memref<128xi32, #tpu.memory_space<vmem>>) semaphore(%arg8 : memref<!tpu.dma_semaphore, #tpu.memory_space<semaphore_mem>>)
      } else {
      }
      %mul3A_133 = arith.constant 4 : i32
      %mul3A_134 = arith.muli %scan3A_86, %mul3A_133 : i32
      %add3A_135 = arith.constant 1 : i32
      %add3A_136 = arith.addi %mul3A_134, %add3A_135 : i32
      %dma_wait3A_137 = arith.constant 1 : i32
      %dma_wait3A_138 = arith.constant 0 : i32
      %dma_wait3A_139 = arith.constant 0 : i32
      %dma_wait3A_140 = tpu.memref_slice %arg6[%dma_wait3A_137, %dma_wait3A_138, %dma_wait3A_139] : memref<4x128x64xf32, #tpu.memory_space<vmem>> -> memref<1x128x64xf32, #tpu.memory_space<vmem>>
      %dma_wait3A_141 = tpu.memref_squeeze %dma_wait3A_140 : memref<1x128x64xf32, #tpu.memory_space<vmem>> -> memref<128x64xf32, #tpu.memory_space<vmem>>
      %dma_wait3A_142 = arith.constant 0 : i32
      %dma_wait3A_143 = tpu.memref_slice %arg5[%add3A_136, %dma_wait3A_142] : memref<200x128xi32, #tpu.memory_space<vmem>> -> memref<1x128xi32, #tpu.memory_space<vmem>>
      %dma_wait3A_144 = tpu.memref_squeeze %dma_wait3A_143 : memref<1x128xi32, #tpu.memory_space<vmem>> -> memref<128xi32, #tpu.memory_space<vmem>>
      %dma_wait3A_145 = arith.constant 0 : i32
      %dma_wait3A_146 = arith.constant 0 : i32
      %dma_wait3A_147 = tpu.memref_slice %arg2[%dma_wait3A_145, %dma_wait3A_146] : memref<1000000x64xf32, #tpu.memory_space<hbm>> -> memref<1000000x64xf32, #tpu.memory_space<hbm>>
      tpu.wait_indirect_dma semaphore(%arg8 : memref<!tpu.dma_semaphore, #tpu.memory_space<semaphore_mem>>) src(%dma_wait3A_147 : memref<1000000x64xf32, #tpu.memory_space<hbm>>) dst(%dma_wait3A_141 : memref<128x64xf32, #tpu.memory_space<vmem>>)
      %ge3A_148 = arith.constant 2 : i32
      %ge3A_149 = arith.cmpi sge, %add3A_136, %ge3A_148 : i32
      %convert_element_type3A_150 = arith.extui %ge3A_149 : i1 to i32
      %cond3A_151 = arith.constant 0 : i32
      %cond3A_152 = arith.cmpi ne, %convert_element_type3A_150, %cond3A_151 : i32
      scf.if %cond3A_152 {
        %dma_wait3A_283 = arith.constant 1 : i32
        %dma_wait3A_284 = arith.constant 0 : i32
        %dma_wait3A_285 = arith.constant 0 : i32
        %dma_wait3A_286 = arith.constant 0 : i32
        %dma_wait3A_287 = tpu.memref_slice %arg7[%dma_wait3A_283, %dma_wait3A_285, %dma_wait3A_286] : memref<2x64x129xf32, #tpu.memory_space<vmem>> -> memref<1x64x128xf32, #tpu.memory_space<vmem>>
        %dma_wait3A_288 = tpu.memref_squeeze %dma_wait3A_287 : memref<1x64x128xf32, #tpu.memory_space<vmem>> -> memref<64x128xf32, #tpu.memory_space<vmem>>
        %dma_wait3A_289 = arith.constant 0 : i32
        %dma_wait3A_290 = tpu.memref_slice %arg4[%dma_wait3A_284, %dma_wait3A_289, %mul3A_2] : memref<200x64x4096xf32, #tpu.memory_space<hbm>> -> memref<1x64x128xf32, #tpu.memory_space<hbm>>
        %dma_wait3A_291 = tpu.memref_squeeze %dma_wait3A_290 : memref<1x64x128xf32, #tpu.memory_space<hbm>> -> memref<64x128xf32, #tpu.memory_space<hbm>>
        %dma_wait3A_292 = arith.constant 0 : i32
        %dma_wait3A_293 = tpu.memref_slice %arg4[%dma_wait3A_284, %dma_wait3A_292, %mul3A_2] : memref<200x64x4096xf32, #tpu.memory_space<hbm>> -> memref<1x64x128xf32, #tpu.memory_space<hbm>>
        %dma_wait3A_294 = tpu.memref_squeeze %dma_wait3A_293 : memref<1x64x128xf32, #tpu.memory_space<hbm>> -> memref<64x128xf32, #tpu.memory_space<hbm>>
        %dma_wait3A_295 = arith.constant 0 : i32
        %dma_wait3A_296 = arith.constant 0 : i32
        %dma_wait3A_297 = tpu.memref_slice %arg7[%dma_wait3A_283, %dma_wait3A_295, %dma_wait3A_296] : memref<2x64x129xf32, #tpu.memory_space<vmem>> -> memref<1x64x128xf32, #tpu.memory_space<vmem>>
        %dma_wait3A_298 = tpu.memref_squeeze %dma_wait3A_297 : memref<1x64x128xf32, #tpu.memory_space<vmem>> -> memref<64x128xf32, #tpu.memory_space<vmem>>
        tpu.wait_dma2 semaphore(%arg9 : memref<!tpu.dma_semaphore, #tpu.memory_space<semaphore_mem>>) src(%dma_wait3A_298 : memref<64x128xf32, #tpu.memory_space<vmem>>) dst(%dma_wait3A_294 : memref<64x128xf32, #tpu.memory_space<hbm>>)
      } else {
      }
      %scan3A_153 = arith.constant 0 : i32
      %scan3A_154 = arith.constant 1 : i32
      %scan3A_155 = arith.constant 1 : i32
      %scan3A_156 = arith.constant 0 : i32
      %scan3A_157 = arith.constant 16 : i32
      %scan3A_158 = arith.addi %scan3A_156, %scan3A_157 : i32
      %scan3A_159 = arith.constant 1 : i32
      scf.for %scan3A_283 = %scan3A_156 to %scan3A_158 step %scan3A_159  : i32 {
        %mul3A_284 = arith.constant 8 : i32
        %mul3A_285 = arith.muli %scan3A_283, %mul3A_284 : i32
        %add3A_286 = arith.constant 0 : i32
        %add3A_287 = arith.addi %mul3A_285, %add3A_286 : i32
        %broadcast_in_dim3A = vector.broadcast %add3A_287 : i32 to vector<16xi32>
        %iota3A = tpu.iota {dimensions = array<i32: 0>} : vector<16xi32>
        %add3A_288 = arith.constant 0 : i32
        %add3A_289 = vector.broadcast %add3A_288 : i32 to vector<16xi32>
        %add3A_290 = arith.addi %iota3A, %add3A_289 : vector<16xi32>
        %get3A = arith.constant 0 : i32
        %get3A_291 = arith.constant 0 : i32
        %get3A_292 = tpu.memref_slice %arg6[%scan3A_154, %get3A, %get3A_291] : memref<4x128x64xf32, #tpu.memory_space<vmem>> -> memref<1x128x64xf32, #tpu.memory_space<vmem>>
        %get3A_293 = tpu.memref_squeeze %get3A_292 : memref<1x128x64xf32, #tpu.memory_space<vmem>> -> memref<128x64xf32, #tpu.memory_space<vmem>>
        %get3A_294 = arith.index_cast %add3A_287 : i32 to index
        %get3A_295 = arith.constant 0 : index
        %get3A_296 = tpu.vector_load %get3A_293[%get3A_294, %get3A_295] {strides = array<i32>} : memref<128x64xf32, #tpu.memory_space<vmem>>, vector<16xf32>,
        %scatter3A = arith.constant 0 : i32
        %scatter3A_297 = arith.constant 0 : i32
        %scatter3A_298 = tpu.memref_slice %arg7[%scan3A_155, %scatter3A, %scatter3A_297] : memref<2x64x129xf32, #tpu.memory_space<vmem>> -> memref<1x64x129xf32, #tpu.memory_space<vmem>>
        %scatter3A_299 = tpu.memref_squeeze %scatter3A_298 : memref<1x64x129xf32, #tpu.memory_space<vmem>> -> memref<64x129xf32, #tpu.memory_space<vmem>>
        tpu.vector_store_idx %scatter3A_299[%add3A_290, %broadcast_in_dim3A], %get3A_296 : memref<64x129xf32, #tpu.memory_space<vmem>>[vector<16xi32>, vector<16xi32>], vector<16xf32>,
        %iota3A_300 = tpu.iota {dimensions = array<i32: 0>} : vector<16xi32>
        %add3A_301 = arith.constant 16 : i32
        %add3A_302 = vector.broadcast %add3A_301 : i32 to vector<16xi32>
        %add3A_303 = arith.addi %iota3A_300, %add3A_302 : vector<16xi32>
        %get3A_304 = arith.constant 0 : i32
        %get3A_305 = arith.constant 0 : i32
        %get3A_306 = tpu.memref_slice %arg6[%scan3A_154, %get3A_304, %get3A_305] : memref<4x128x64xf32, #tpu.memory_space<vmem>> -> memref<1x128x64xf32, #tpu.memory_space<vmem>>
        %get3A_307 = tpu.memref_squeeze %get3A_306 : memref<1x128x64xf32, #tpu.memory_space<vmem>> -> memref<128x64xf32, #tpu.memory_space<vmem>>
        %get3A_308 = arith.index_cast %add3A_287 : i32 to index
        %get3A_309 = arith.constant 16 : index
        %get3A_310 = tpu.vector_load %get3A_307[%get3A_308, %get3A_309] {strides = array<i32>} : memref<128x64xf32, #tpu.memory_space<vmem>>, vector<16xf32>,
        %scatter3A_311 = arith.constant 0 : i32
        %scatter3A_312 = arith.constant 0 : i32
        %scatter3A_313 = tpu.memref_slice %arg7[%scan3A_155, %scatter3A_311, %scatter3A_312] : memref<2x64x129xf32, #tpu.memory_space<vmem>> -> memref<1x64x129xf32, #tpu.memory_space<vmem>>
        %scatter3A_314 = tpu.memref_squeeze %scatter3A_313 : memref<1x64x129xf32, #tpu.memory_space<vmem>> -> memref<64x129xf32, #tpu.memory_space<vmem>>
        tpu.vector_store_idx %scatter3A_314[%add3A_303, %broadcast_in_dim3A], %get3A_310 : memref<64x129xf32, #tpu.memory_space<vmem>>[vector<16xi32>, vector<16xi32>], vector<16xf32>,
        %iota3A_315 = tpu.iota {dimensions = array<i32: 0>} : vector<16xi32>
        %add3A_316 = arith.constant 32 : i32
        %add3A_317 = vector.broadcast %add3A_316 : i32 to vector<16xi32>
        %add3A_318 = arith.addi %iota3A_315, %add3A_317 : vector<16xi32>
        %get3A_319 = arith.constant 0 : i32
        %get3A_320 = arith.constant 0 : i32
        %get3A_321 = tpu.memref_slice %arg6[%scan3A_154, %get3A_319, %get3A_320] : memref<4x128x64xf32, #tpu.memory_space<vmem>> -> memref<1x128x64xf32, #tpu.memory_space<vmem>>
        %get3A_322 = tpu.memref_squeeze %get3A_321 : memref<1x128x64xf32, #tpu.memory_space<vmem>> -> memref<128x64xf32, #tpu.memory_space<vmem>>
        %get3A_323 = arith.index_cast %add3A_287 : i32 to index
        %get3A_324 = arith.constant 32 : index
        %get3A_325 = tpu.vector_load %get3A_322[%get3A_323, %get3A_324] {strides = array<i32>} : memref<128x64xf32, #tpu.memory_space<vmem>>, vector<16xf32>,
        %scatter3A_326 = arith.constant 0 : i32
        %scatter3A_327 = arith.constant 0 : i32
        %scatter3A_328 = tpu.memref_slice %arg7[%scan3A_155, %scatter3A_326, %scatter3A_327] : memref<2x64x129xf32, #tpu.memory_space<vmem>> -> memref<1x64x129xf32, #tpu.memory_space<vmem>>
        %scatter3A_329 = tpu.memref_squeeze %scatter3A_328 : memref<1x64x129xf32, #tpu.memory_space<vmem>> -> memref<64x129xf32, #tpu.memory_space<vmem>>
        tpu.vector_store_idx %scatter3A_329[%add3A_318, %broadcast_in_dim3A], %get3A_325 : memref<64x129xf32, #tpu.memory_space<vmem>>[vector<16xi32>, vector<16xi32>], vector<16xf32>,
        %iota3A_330 = tpu.iota {dimensions = array<i32: 0>} : vector<16xi32>
        %add3A_331 = arith.constant 48 : i32
        %add3A_332 = vector.broadcast %add3A_331 : i32 to vector<16xi32>
        %add3A_333 = arith.addi %iota3A_330, %add3A_332 : vector<16xi32>
        %get3A_334 = arith.constant 0 : i32
        %get3A_335 = arith.constant 0 : i32
        %get3A_336 = tpu.memref_slice %arg6[%scan3A_154, %get3A_334, %get3A_335] : memref<4x128x64xf32, #tpu.memory_space<vmem>> -> memref<1x128x64xf32, #tpu.memory_space<vmem>>
        %get3A_337 = tpu.memref_squeeze %get3A_336 : memref<1x128x64xf32, #tpu.memory_space<vmem>> -> memref<128x64xf32, #tpu.memory_space<vmem>>
        %get3A_338 = arith.index_cast %add3A_287 : i32 to index
        %get3A_339 = arith.constant 48 : index
        %get3A_340 = tpu.vector_load %get3A_337[%get3A_338, %get3A_339] {strides = array<i32>} : memref<128x64xf32, #tpu.memory_space<vmem>>, vector<16xf32>,
        %scatter3A_341 = arith.constant 0 : i32
        %scatter3A_342 = arith.constant 0 : i32
        %scatter3A_343 = tpu.memref_slice %arg7[%scan3A_155, %scatter3A_341, %scatter3A_342] : memref<2x64x129xf32, #tpu.memory_space<vmem>> -> memref<1x64x129xf32, #tpu.memory_space<vmem>>
        %scatter3A_344 = tpu.memref_squeeze %scatter3A_343 : memref<1x64x129xf32, #tpu.memory_space<vmem>> -> memref<64x129xf32, #tpu.memory_space<vmem>>
        tpu.vector_store_idx %scatter3A_344[%add3A_333, %broadcast_in_dim3A], %get3A_340 : memref<64x129xf32, #tpu.memory_space<vmem>>[vector<16xi32>, vector<16xi32>], vector<16xf32>,
        %mul3A_345 = arith.constant 8 : i32
        %mul3A_346 = arith.muli %scan3A_283, %mul3A_345 : i32
        %add3A_347 = arith.constant 1 : i32
        %add3A_348 = arith.addi %mul3A_346, %add3A_347 : i32
        %broadcast_in_dim3A_349 = vector.broadcast %add3A_348 : i32 to vector<16xi32>
        %iota3A_350 = tpu.iota {dimensions = array<i32: 0>} : vector<16xi32>
        %add3A_351 = arith.constant 0 : i32
        %add3A_352 = vector.broadcast %add3A_351 : i32 to vector<16xi32>
        %add3A_353 = arith.addi %iota3A_350, %add3A_352 : vector<16xi32>
        %get3A_354 = arith.constant 0 : i32
        %get3A_355 = arith.constant 0 : i32
        %get3A_356 = tpu.memref_slice %arg6[%scan3A_154, %get3A_354, %get3A_355] : memref<4x128x64xf32, #tpu.memory_space<vmem>> -> memref<1x128x64xf32, #tpu.memory_space<vmem>>
        %get3A_357 = tpu.memref_squeeze %get3A_356 : memref<1x128x64xf32, #tpu.memory_space<vmem>> -> memref<128x64xf32, #tpu.memory_space<vmem>>
        %get3A_358 = arith.index_cast %add3A_348 : i32 to index
        %get3A_359 = arith.constant 0 : index
        %get3A_360 = tpu.vector_load %get3A_357[%get3A_358, %get3A_359] {strides = array<i32>} : memref<128x64xf32, #tpu.memory_space<vmem>>, vector<16xf32>,
        %scatter3A_361 = arith.constant 0 : i32
        %scatter3A_362 = arith.constant 0 : i32
        %scatter3A_363 = tpu.memref_slice %arg7[%scan3A_155, %scatter3A_361, %scatter3A_362] : memref<2x64x129xf32, #tpu.memory_space<vmem>> -> memref<1x64x129xf32, #tpu.memory_space<vmem>>
        %scatter3A_364 = tpu.memref_squeeze %scatter3A_363 : memref<1x64x129xf32, #tpu.memory_space<vmem>> -> memref<64x129xf32, #tpu.memory_space<vmem>>
        tpu.vector_store_idx %scatter3A_364[%add3A_353, %broadcast_in_dim3A_349], %get3A_360 : memref<64x129xf32, #tpu.memory_space<vmem>>[vector<16xi32>, vector<16xi32>], vector<16xf32>,
        %iota3A_365 = tpu.iota {dimensions = array<i32: 0>} : vector<16xi32>
        %add3A_366 = arith.constant 16 : i32
        %add3A_367 = vector.broadcast %add3A_366 : i32 to vector<16xi32>
        %add3A_368 = arith.addi %iota3A_365, %add3A_367 : vector<16xi32>
        %get3A_369 = arith.constant 0 : i32
        %get3A_370 = arith.constant 0 : i32
        %get3A_371 = tpu.memref_slice %arg6[%scan3A_154, %get3A_369, %get3A_370] : memref<4x128x64xf32, #tpu.memory_space<vmem>> -> memref<1x128x64xf32, #tpu.memory_space<vmem>>
        %get3A_372 = tpu.memref_squeeze %get3A_371 : memref<1x128x64xf32, #tpu.memory_space<vmem>> -> memref<128x64xf32, #tpu.memory_space<vmem>>
        %get3A_373 = arith.index_cast %add3A_348 : i32 to index
        %get3A_374 = arith.constant 16 : index
        %get3A_375 = tpu.vector_load %get3A_372[%get3A_373, %get3A_374] {strides = array<i32>} : memref<128x64xf32, #tpu.memory_space<vmem>>, vector<16xf32>,
        %scatter3A_376 = arith.constant 0 : i32
        %scatter3A_377 = arith.constant 0 : i32
        %scatter3A_378 = tpu.memref_slice %arg7[%scan3A_155, %scatter3A_376, %scatter3A_377] : memref<2x64x129xf32, #tpu.memory_space<vmem>> -> memref<1x64x129xf32, #tpu.memory_space<vmem>>
        %scatter3A_379 = tpu.memref_squeeze %scatter3A_378 : memref<1x64x129xf32, #tpu.memory_space<vmem>> -> memref<64x129xf32, #tpu.memory_space<vmem>>
        tpu.vector_store_idx %scatter3A_379[%add3A_368, %broadcast_in_dim3A_349], %get3A_375 : memref<64x129xf32, #tpu.memory_space<vmem>>[vector<16xi32>, vector<16xi32>], vector<16xf32>,
        %iota3A_380 = tpu.iota {dimensions = array<i32: 0>} : vector<16xi32>
        %add3A_381 = arith.constant 32 : i32
        %add3A_382 = vector.broadcast %add3A_381 : i32 to vector<16xi32>
        %add3A_383 = arith.addi %iota3A_380, %add3A_382 : vector<16xi32>
        %get3A_384 = arith.constant 0 : i32
        %get3A_385 = arith.constant 0 : i32
        %get3A_386 = tpu.memref_slice %arg6[%scan3A_154, %get3A_384, %get3A_385] : memref<4x128x64xf32, #tpu.memory_space<vmem>> -> memref<1x128x64xf32, #tpu.memory_space<vmem>>
        %get3A_387 = tpu.memref_squeeze %get3A_386 : memref<1x128x64xf32, #tpu.memory_space<vmem>> -> memref<128x64xf32, #tpu.memory_space<vmem>>
        %get3A_388 = arith.index_cast %add3A_348 : i32 to index
        %get3A_389 = arith.constant 32 : index
        %get3A_390 = tpu.vector_load %get3A_387[%get3A_388, %get3A_389] {strides = array<i32>} : memref<128x64xf32, #tpu.memory_space<vmem>>, vector<16xf32>,
        %scatter3A_391 = arith.constant 0 : i32
        %scatter3A_392 = arith.constant 0 : i32
        %scatter3A_393 = tpu.memref_slice %arg7[%scan3A_155, %scatter3A_391, %scatter3A_392] : memref<2x64x129xf32, #tpu.memory_space<vmem>> -> memref<1x64x129xf32, #tpu.memory_space<vmem>>
        %scatter3A_394 = tpu.memref_squeeze %scatter3A_393 : memref<1x64x129xf32, #tpu.memory_space<vmem>> -> memref<64x129xf32, #tpu.memory_space<vmem>>
        tpu.vector_store_idx %scatter3A_394[%add3A_383, %broadcast_in_dim3A_349], %get3A_390 : memref<64x129xf32, #tpu.memory_space<vmem>>[vector<16xi32>, vector<16xi32>], vector<16xf32>,
        %iota3A_395 = tpu.iota {dimensions = array<i32: 0>} : vector<16xi32>
        %add3A_396 = arith.constant 48 : i32
        %add3A_397 = vector.broadcast %add3A_396 : i32 to vector<16xi32>
        %add3A_398 = arith.addi %iota3A_395, %add3A_397 : vector<16xi32>
        %get3A_399 = arith.constant 0 : i32
        %get3A_400 = arith.constant 0 : i32
        %get3A_401 = tpu.memref_slice %arg6[%scan3A_154, %get3A_399, %get3A_400] : memref<4x128x64xf32, #tpu.memory_space<vmem>> -> memref<1x128x64xf32, #tpu.memory_space<vmem>>
        %get3A_402 = tpu.memref_squeeze %get3A_401 : memref<1x128x64xf32, #tpu.memory_space<vmem>> -> memref<128x64xf32, #tpu.memory_space<vmem>>
        %get3A_403 = arith.index_cast %add3A_348 : i32 to index
        %get3A_404 = arith.constant 48 : index
        %get3A_405 = tpu.vector_load %get3A_402[%get3A_403, %get3A_404] {strides = array<i32>} : memref<128x64xf32, #tpu.memory_space<vmem>>, vector<16xf32>,
        %scatter3A_406 = arith.constant 0 : i32
        %scatter3A_407 = arith.constant 0 : i32
        %scatter3A_408 = tpu.memref_slice %arg7[%scan3A_155, %scatter3A_406, %scatter3A_407] : memref<2x64x129xf32, #tpu.memory_space<vmem>> -> memref<1x64x129xf32, #tpu.memory_space<vmem>>
        %scatter3A_409 = tpu.memref_squeeze %scatter3A_408 : memref<1x64x129xf32, #tpu.memory_space<vmem>> -> memref<64x129xf32, #tpu.memory_space<vmem>>
        tpu.vector_store_idx %scatter3A_409[%add3A_398, %broadcast_in_dim3A_349], %get3A_405 : memref<64x129xf32, #tpu.memory_space<vmem>>[vector<16xi32>, vector<16xi32>], vector<16xf32>,
        %mul3A_410 = arith.constant 8 : i32
        %mul3A_411 = arith.muli %scan3A_283, %mul3A_410 : i32
        %add3A_412 = arith.constant 2 : i32
        %add3A_413 = arith.addi %mul3A_411, %add3A_412 : i32
        %broadcast_in_dim3A_414 = vector.broadcast %add3A_413 : i32 to vector<16xi32>
        %iota3A_415 = tpu.iota {dimensions = array<i32: 0>} : vector<16xi32>
        %add3A_416 = arith.constant 0 : i32
        %add3A_417 = vector.broadcast %add3A_416 : i32 to vector<16xi32>
        %add3A_418 = arith.addi %iota3A_415, %add3A_417 : vector<16xi32>
        %get3A_419 = arith.constant 0 : i32
        %get3A_420 = arith.constant 0 : i32
        %get3A_421 = tpu.memref_slice %arg6[%scan3A_154, %get3A_419, %get3A_420] : memref<4x128x64xf32, #tpu.memory_space<vmem>> -> memref<1x128x64xf32, #tpu.memory_space<vmem>>
        %get3A_422 = tpu.memref_squeeze %get3A_421 : memref<1x128x64xf32, #tpu.memory_space<vmem>> -> memref<128x64xf32, #tpu.memory_space<vmem>>
        %get3A_423 = arith.index_cast %add3A_413 : i32 to index
        %get3A_424 = arith.constant 0 : index
        %get3A_425 = tpu.vector_load %get3A_422[%get3A_423, %get3A_424] {strides = array<i32>} : memref<128x64xf32, #tpu.memory_space<vmem>>, vector<16xf32>,
        %scatter3A_426 = arith.constant 0 : i32
        %scatter3A_427 = arith.constant 0 : i32
        %scatter3A_428 = tpu.memref_slice %arg7[%scan3A_155, %scatter3A_426, %scatter3A_427] : memref<2x64x129xf32, #tpu.memory_space<vmem>> -> memref<1x64x129xf32, #tpu.memory_space<vmem>>
        %scatter3A_429 = tpu.memref_squeeze %scatter3A_428 : memref<1x64x129xf32, #tpu.memory_space<vmem>> -> memref<64x129xf32, #tpu.memory_space<vmem>>
        tpu.vector_store_idx %scatter3A_429[%add3A_418, %broadcast_in_dim3A_414], %get3A_425 : memref<64x129xf32, #tpu.memory_space<vmem>>[vector<16xi32>, vector<16xi32>], vector<16xf32>,
        %iota3A_430 = tpu.iota {dimensions = array<i32: 0>} : vector<16xi32>
        %add3A_431 = arith.constant 16 : i32
        %add3A_432 = vector.broadcast %add3A_431 : i32 to vector<16xi32>
        %add3A_433 = arith.addi %iota3A_430, %add3A_432 : vector<16xi32>
        %get3A_434 = arith.constant 0 : i32
        %get3A_435 = arith.constant 0 : i32
        %get3A_436 = tpu.memref_slice %arg6[%scan3A_154, %get3A_434, %get3A_435] : memref<4x128x64xf32, #tpu.memory_space<vmem>> -> memref<1x128x64xf32, #tpu.memory_space<vmem>>
        %get3A_437 = tpu.memref_squeeze %get3A_436 : memref<1x128x64xf32, #tpu.memory_space<vmem>> -> memref<128x64xf32, #tpu.memory_space<vmem>>
        %get3A_438 = arith.index_cast %add3A_413 : i32 to index
        %get3A_439 = arith.constant 16 : index
        %get3A_440 = tpu.vector_load %get3A_437[%get3A_438, %get3A_439] {strides = array<i32>} : memref<128x64xf32, #tpu.memory_space<vmem>>, vector<16xf32>,
        %scatter3A_441 = arith.constant 0 : i32
        %scatter3A_442 = arith.constant 0 : i32
        %scatter3A_443 = tpu.memref_slice %arg7[%scan3A_155, %scatter3A_441, %scatter3A_442] : memref<2x64x129xf32, #tpu.memory_space<vmem>> -> memref<1x64x129xf32, #tpu.memory_space<vmem>>
        %scatter3A_444 = tpu.memref_squeeze %scatter3A_443 : memref<1x64x129xf32, #tpu.memory_space<vmem>> -> memref<64x129xf32, #tpu.memory_space<vmem>>
        tpu.vector_store_idx %scatter3A_444[%add3A_433, %broadcast_in_dim3A_414], %get3A_440 : memref<64x129xf32, #tpu.memory_space<vmem>>[vector<16xi32>, vector<16xi32>], vector<16xf32>,
        %iota3A_445 = tpu.iota {dimensions = array<i32: 0>} : vector<16xi32>
        %add3A_446 = arith.constant 32 : i32
        %add3A_447 = vector.broadcast %add3A_446 : i32 to vector<16xi32>
        %add3A_448 = arith.addi %iota3A_445, %add3A_447 : vector<16xi32>
        %get3A_449 = arith.constant 0 : i32
        %get3A_450 = arith.constant 0 : i32
        %get3A_451 = tpu.memref_slice %arg6[%scan3A_154, %get3A_449, %get3A_450] : memref<4x128x64xf32, #tpu.memory_space<vmem>> -> memref<1x128x64xf32, #tpu.memory_space<vmem>>
        %get3A_452 = tpu.memref_squeeze %get3A_451 : memref<1x128x64xf32, #tpu.memory_space<vmem>> -> memref<128x64xf32, #tpu.memory_space<vmem>>
        %get3A_453 = arith.index_cast %add3A_413 : i32 to index
        %get3A_454 = arith.constant 32 : index
        %get3A_455 = tpu.vector_load %get3A_452[%get3A_453, %get3A_454] {strides = array<i32>} : memref<128x64xf32, #tpu.memory_space<vmem>>, vector<16xf32>,
        %scatter3A_456 = arith.constant 0 : i32
        %scatter3A_457 = arith.constant 0 : i32
        %scatter3A_458 = tpu.memref_slice %arg7[%scan3A_155, %scatter3A_456, %scatter3A_457] : memref<2x64x129xf32, #tpu.memory_space<vmem>> -> memref<1x64x129xf32, #tpu.memory_space<vmem>>
        %scatter3A_459 = tpu.memref_squeeze %scatter3A_458 : memref<1x64x129xf32, #tpu.memory_space<vmem>> -> memref<64x129xf32, #tpu.memory_space<vmem>>
        tpu.vector_store_idx %scatter3A_459[%add3A_448, %broadcast_in_dim3A_414], %get3A_455 : memref<64x129xf32, #tpu.memory_space<vmem>>[vector<16xi32>, vector<16xi32>], vector<16xf32>,
        %iota3A_460 = tpu.iota {dimensions = array<i32: 0>} : vector<16xi32>
        %add3A_461 = arith.constant 48 : i32
        %add3A_462 = vector.broadcast %add3A_461 : i32 to vector<16xi32>
        %add3A_463 = arith.addi %iota3A_460, %add3A_462 : vector<16xi32>
        %get3A_464 = arith.constant 0 : i32
        %get3A_465 = arith.constant 0 : i32
        %get3A_466 = tpu.memref_slice %arg6[%scan3A_154, %get3A_464, %get3A_465] : memref<4x128x64xf32, #tpu.memory_space<vmem>> -> memref<1x128x64xf32, #tpu.memory_space<vmem>>
        %get3A_467 = tpu.memref_squeeze %get3A_466 : memref<1x128x64xf32, #tpu.memory_space<vmem>> -> memref<128x64xf32, #tpu.memory_space<vmem>>
        %get3A_468 = arith.index_cast %add3A_413 : i32 to index
        %get3A_469 = arith.constant 48 : index
        %get3A_470 = tpu.vector_load %get3A_467[%get3A_468, %get3A_469] {strides = array<i32>} : memref<128x64xf32, #tpu.memory_space<vmem>>, vector<16xf32>,
        %scatter3A_471 = arith.constant 0 : i32
        %scatter3A_472 = arith.constant 0 : i32
        %scatter3A_473 = tpu.memref_slice %arg7[%scan3A_155, %scatter3A_471, %scatter3A_472] : memref<2x64x129xf32, #tpu.memory_space<vmem>> -> memref<1x64x129xf32, #tpu.memory_space<vmem>>
        %scatter3A_474 = tpu.memref_squeeze %scatter3A_473 : memref<1x64x129xf32, #tpu.memory_space<vmem>> -> memref<64x129xf32, #tpu.memory_space<vmem>>
        tpu.vector_store_idx %scatter3A_474[%add3A_463, %broadcast_in_dim3A_414], %get3A_470 : memref<64x129xf32, #tpu.memory_space<vmem>>[vector<16xi32>, vector<16xi32>], vector<16xf32>,
        %mul3A_475 = arith.constant 8 : i32
        %mul3A_476 = arith.muli %scan3A_283, %mul3A_475 : i32
        %add3A_477 = arith.constant 3 : i32
        %add3A_478 = arith.addi %mul3A_476, %add3A_477 : i32
        %broadcast_in_dim3A_479 = vector.broadcast %add3A_478 : i32 to vector<16xi32>
        %iota3A_480 = tpu.iota {dimensions = array<i32: 0>} : vector<16xi32>
        %add3A_481 = arith.constant 0 : i32
        %add3A_482 = vector.broadcast %add3A_481 : i32 to vector<16xi32>
        %add3A_483 = arith.addi %iota3A_480, %add3A_482 : vector<16xi32>
        %get3A_484 = arith.constant 0 : i32
        %get3A_485 = arith.constant 0 : i32
        %get3A_486 = tpu.memref_slice %arg6[%scan3A_154, %get3A_484, %get3A_485] : memref<4x128x64xf32, #tpu.memory_space<vmem>> -> memref<1x128x64xf32, #tpu.memory_space<vmem>>
        %get3A_487 = tpu.memref_squeeze %get3A_486 : memref<1x128x64xf32, #tpu.memory_space<vmem>> -> memref<128x64xf32, #tpu.memory_space<vmem>>
        %get3A_488 = arith.index_cast %add3A_478 : i32 to index
        %get3A_489 = arith.constant 0 : index
        %get3A_490 = tpu.vector_load %get3A_487[%get3A_488, %get3A_489] {strides = array<i32>} : memref<128x64xf32, #tpu.memory_space<vmem>>, vector<16xf32>,
        %scatter3A_491 = arith.constant 0 : i32
        %scatter3A_492 = arith.constant 0 : i32
        %scatter3A_493 = tpu.memref_slice %arg7[%scan3A_155, %scatter3A_491, %scatter3A_492] : memref<2x64x129xf32, #tpu.memory_space<vmem>> -> memref<1x64x129xf32, #tpu.memory_space<vmem>>
        %scatter3A_494 = tpu.memref_squeeze %scatter3A_493 : memref<1x64x129xf32, #tpu.memory_space<vmem>> -> memref<64x129xf32, #tpu.memory_space<vmem>>
        tpu.vector_store_idx %scatter3A_494[%add3A_483, %broadcast_in_dim3A_479], %get3A_490 : memref<64x129xf32, #tpu.memory_space<vmem>>[vector<16xi32>, vector<16xi32>], vector<16xf32>,
        %iota3A_495 = tpu.iota {dimensions = array<i32: 0>} : vector<16xi32>
        %add3A_496 = arith.constant 16 : i32
        %add3A_497 = vector.broadcast %add3A_496 : i32 to vector<16xi32>
        %add3A_498 = arith.addi %iota3A_495, %add3A_497 : vector<16xi32>
        %get3A_499 = arith.constant 0 : i32
        %get3A_500 = arith.constant 0 : i32
        %get3A_501 = tpu.memref_slice %arg6[%scan3A_154, %get3A_499, %get3A_500] : memref<4x128x64xf32, #tpu.memory_space<vmem>> -> memref<1x128x64xf32, #tpu.memory_space<vmem>>
        %get3A_502 = tpu.memref_squeeze %get3A_501 : memref<1x128x64xf32, #tpu.memory_space<vmem>> -> memref<128x64xf32, #tpu.memory_space<vmem>>
        %get3A_503 = arith.index_cast %add3A_478 : i32 to index
        %get3A_504 = arith.constant 16 : index
        %get3A_505 = tpu.vector_load %get3A_502[%get3A_503, %get3A_504] {strides = array<i32>} : memref<128x64xf32, #tpu.memory_space<vmem>>, vector<16xf32>,
        %scatter3A_506 = arith.constant 0 : i32
        %scatter3A_507 = arith.constant 0 : i32
        %scatter3A_508 = tpu.memref_slice %arg7[%scan3A_155, %scatter3A_506, %scatter3A_507] : memref<2x64x129xf32, #tpu.memory_space<vmem>> -> memref<1x64x129xf32, #tpu.memory_space<vmem>>
        %scatter3A_509 = tpu.memref_squeeze %scatter3A_508 : memref<1x64x129xf32, #tpu.memory_space<vmem>> -> memref<64x129xf32, #tpu.memory_space<vmem>>
        tpu.vector_store_idx %scatter3A_509[%add3A_498, %broadcast_in_dim3A_479], %get3A_505 : memref<64x129xf32, #tpu.memory_space<vmem>>[vector<16xi32>, vector<16xi32>], vector<16xf32>,
        %iota3A_510 = tpu.iota {dimensions = array<i32: 0>} : vector<16xi32>
        %add3A_511 = arith.constant 32 : i32
        %add3A_512 = vector.broadcast %add3A_511 : i32 to vector<16xi32>
        %add3A_513 = arith.addi %iota3A_510, %add3A_512 : vector<16xi32>
        %get3A_514 = arith.constant 0 : i32
        %get3A_515 = arith.constant 0 : i32
        %get3A_516 = tpu.memref_slice %arg6[%scan3A_154, %get3A_514, %get3A_515] : memref<4x128x64xf32, #tpu.memory_space<vmem>> -> memref<1x128x64xf32, #tpu.memory_space<vmem>>
        %get3A_517 = tpu.memref_squeeze %get3A_516 : memref<1x128x64xf32, #tpu.memory_space<vmem>> -> memref<128x64xf32, #tpu.memory_space<vmem>>
        %get3A_518 = arith.index_cast %add3A_478 : i32 to index
        %get3A_519 = arith.constant 32 : index
        %get3A_520 = tpu.vector_load %get3A_517[%get3A_518, %get3A_519] {strides = array<i32>} : memref<128x64xf32, #tpu.memory_space<vmem>>, vector<16xf32>,
        %scatter3A_521 = arith.constant 0 : i32
        %scatter3A_522 = arith.constant 0 : i32
        %scatter3A_523 = tpu.memref_slice %arg7[%scan3A_155, %scatter3A_521, %scatter3A_522] : memref<2x64x129xf32, #tpu.memory_space<vmem>> -> memref<1x64x129xf32, #tpu.memory_space<vmem>>
        %scatter3A_524 = tpu.memref_squeeze %scatter3A_523 : memref<1x64x129xf32, #tpu.memory_space<vmem>> -> memref<64x129xf32, #tpu.memory_space<vmem>>
        tpu.vector_store_idx %scatter3A_524[%add3A_513, %broadcast_in_dim3A_479], %get3A_520 : memref<64x129xf32, #tpu.memory_space<vmem>>[vector<16xi32>, vector<16xi32>], vector<16xf32>,
        %iota3A_525 = tpu.iota {dimensions = array<i32: 0>} : vector<16xi32>
        %add3A_526 = arith.constant 48 : i32
        %add3A_527 = vector.broadcast %add3A_526 : i32 to vector<16xi32>
        %add3A_528 = arith.addi %iota3A_525, %add3A_527 : vector<16xi32>
        %get3A_529 = arith.constant 0 : i32
        %get3A_530 = arith.constant 0 : i32
        %get3A_531 = tpu.memref_slice %arg6[%scan3A_154, %get3A_529, %get3A_530] : memref<4x128x64xf32, #tpu.memory_space<vmem>> -> memref<1x128x64xf32, #tpu.memory_space<vmem>>
        %get3A_532 = tpu.memref_squeeze %get3A_531 : memref<1x128x64xf32, #tpu.memory_space<vmem>> -> memref<128x64xf32, #tpu.memory_space<vmem>>
        %get3A_533 = arith.index_cast %add3A_478 : i32 to index
        %get3A_534 = arith.constant 48 : index
        %get3A_535 = tpu.vector_load %get3A_532[%get3A_533, %get3A_534] {strides = array<i32>} : memref<128x64xf32, #tpu.memory_space<vmem>>, vector<16xf32>,
        %scatter3A_536 = arith.constant 0 : i32
        %scatter3A_537 = arith.constant 0 : i32
        %scatter3A_538 = tpu.memref_slice %arg7[%scan3A_155, %scatter3A_536, %scatter3A_537] : memref<2x64x129xf32, #tpu.memory_space<vmem>> -> memref<1x64x129xf32, #tpu.memory_space<vmem>>
        %scatter3A_539 = tpu.memref_squeeze %scatter3A_538 : memref<1x64x129xf32, #tpu.memory_space<vmem>> -> memref<64x129xf32, #tpu.memory_space<vmem>>
        tpu.vector_store_idx %scatter3A_539[%add3A_528, %broadcast_in_dim3A_479], %get3A_535 : memref<64x129xf32, #tpu.memory_space<vmem>>[vector<16xi32>, vector<16xi32>], vector<16xf32>,
        %mul3A_540 = arith.constant 8 : i32
        %mul3A_541 = arith.muli %scan3A_283, %mul3A_540 : i32
        %add3A_542 = arith.constant 4 : i32
        %add3A_543 = arith.addi %mul3A_541, %add3A_542 : i32
        %broadcast_in_dim3A_544 = vector.broadcast %add3A_543 : i32 to vector<16xi32>
        %iota3A_545 = tpu.iota {dimensions = array<i32: 0>} : vector<16xi32>
        %add3A_546 = arith.constant 0 : i32
        %add3A_547 = vector.broadcast %add3A_546 : i32 to vector<16xi32>
        %add3A_548 = arith.addi %iota3A_545, %add3A_547 : vector<16xi32>
        %get3A_549 = arith.constant 0 : i32
        %get3A_550 = arith.constant 0 : i32
        %get3A_551 = tpu.memref_slice %arg6[%scan3A_154, %get3A_549, %get3A_550] : memref<4x128x64xf32, #tpu.memory_space<vmem>> -> memref<1x128x64xf32, #tpu.memory_space<vmem>>
        %get3A_552 = tpu.memref_squeeze %get3A_551 : memref<1x128x64xf32, #tpu.memory_space<vmem>> -> memref<128x64xf32, #tpu.memory_space<vmem>>
        %get3A_553 = arith.index_cast %add3A_543 : i32 to index
        %get3A_554 = arith.constant 0 : index
        %get3A_555 = tpu.vector_load %get3A_552[%get3A_553, %get3A_554] {strides = array<i32>} : memref<128x64xf32, #tpu.memory_space<vmem>>, vector<16xf32>,
        %scatter3A_556 = arith.constant 0 : i32
        %scatter3A_557 = arith.constant 0 : i32
        %scatter3A_558 = tpu.memref_slice %arg7[%scan3A_155, %scatter3A_556, %scatter3A_557] : memref<2x64x129xf32, #tpu.memory_space<vmem>> -> memref<1x64x129xf32, #tpu.memory_space<vmem>>
        %scatter3A_559 = tpu.memref_squeeze %scatter3A_558 : memref<1x64x129xf32, #tpu.memory_space<vmem>> -> memref<64x129xf32, #tpu.memory_space<vmem>>
        tpu.vector_store_idx %scatter3A_559[%add3A_548, %broadcast_in_dim3A_544], %get3A_555 : memref<64x129xf32, #tpu.memory_space<vmem>>[vector<16xi32>, vector<16xi32>], vector<16xf32>,
        %iota3A_560 = tpu.iota {dimensions = array<i32: 0>} : vector<16xi32>
        %add3A_561 = arith.constant 16 : i32
        %add3A_562 = vector.broadcast %add3A_561 : i32 to vector<16xi32>
        %add3A_563 = arith.addi %iota3A_560, %add3A_562 : vector<16xi32>
        %get3A_564 = arith.constant 0 : i32
        %get3A_565 = arith.constant 0 : i32
        %get3A_566 = tpu.memref_slice %arg6[%scan3A_154, %get3A_564, %get3A_565] : memref<4x128x64xf32, #tpu.memory_space<vmem>> -> memref<1x128x64xf32, #tpu.memory_space<vmem>>
        %get3A_567 = tpu.memref_squeeze %get3A_566 : memref<1x128x64xf32, #tpu.memory_space<vmem>> -> memref<128x64xf32, #tpu.memory_space<vmem>>
        %get3A_568 = arith.index_cast %add3A_543 : i32 to index
        %get3A_569 = arith.constant 16 : index
        %get3A_570 = tpu.vector_load %get3A_567[%get3A_568, %get3A_569] {strides = array<i32>} : memref<128x64xf32, #tpu.memory_space<vmem>>, vector<16xf32>,
        %scatter3A_571 = arith.constant 0 : i32
        %scatter3A_572 = arith.constant 0 : i32
        %scatter3A_573 = tpu.memref_slice %arg7[%scan3A_155, %scatter3A_571, %scatter3A_572] : memref<2x64x129xf32, #tpu.memory_space<vmem>> -> memref<1x64x129xf32, #tpu.memory_space<vmem>>
        %scatter3A_574 = tpu.memref_squeeze %scatter3A_573 : memref<1x64x129xf32, #tpu.memory_space<vmem>> -> memref<64x129xf32, #tpu.memory_space<vmem>>
        tpu.vector_store_idx %scatter3A_574[%add3A_563, %broadcast_in_dim3A_544], %get3A_570 : memref<64x129xf32, #tpu.memory_space<vmem>>[vector<16xi32>, vector<16xi32>], vector<16xf32>,
        %iota3A_575 = tpu.iota {dimensions = array<i32: 0>} : vector<16xi32>
        %add3A_576 = arith.constant 32 : i32
        %add3A_577 = vector.broadcast %add3A_576 : i32 to vector<16xi32>
        %add3A_578 = arith.addi %iota3A_575, %add3A_577 : vector<16xi32>
        %get3A_579 = arith.constant 0 : i32
        %get3A_580 = arith.constant 0 : i32
        %get3A_581 = tpu.memref_slice %arg6[%scan3A_154, %get3A_579, %get3A_580] : memref<4x128x64xf32, #tpu.memory_space<vmem>> -> memref<1x128x64xf32, #tpu.memory_space<vmem>>
        %get3A_582 = tpu.memref_squeeze %get3A_581 : memref<1x128x64xf32, #tpu.memory_space<vmem>> -> memref<128x64xf32, #tpu.memory_space<vmem>>
        %get3A_583 = arith.index_cast %add3A_543 : i32 to index
        %get3A_584 = arith.constant 32 : index
        %get3A_585 = tpu.vector_load %get3A_582[%get3A_583, %get3A_584] {strides = array<i32>} : memref<128x64xf32, #tpu.memory_space<vmem>>, vector<16xf32>,
        %scatter3A_586 = arith.constant 0 : i32
        %scatter3A_587 = arith.constant 0 : i32
        %scatter3A_588 = tpu.memref_slice %arg7[%scan3A_155, %scatter3A_586, %scatter3A_587] : memref<2x64x129xf32, #tpu.memory_space<vmem>> -> memref<1x64x129xf32, #tpu.memory_space<vmem>>
        %scatter3A_589 = tpu.memref_squeeze %scatter3A_588 : memref<1x64x129xf32, #tpu.memory_space<vmem>> -> memref<64x129xf32, #tpu.memory_space<vmem>>
        tpu.vector_store_idx %scatter3A_589[%add3A_578, %broadcast_in_dim3A_544], %get3A_585 : memref<64x129xf32, #tpu.memory_space<vmem>>[vector<16xi32>, vector<16xi32>], vector<16xf32>,
        %iota3A_590 = tpu.iota {dimensions = array<i32: 0>} : vector<16xi32>
        %add3A_591 = arith.constant 48 : i32
        %add3A_592 = vector.broadcast %add3A_591 : i32 to vector<16xi32>
        %add3A_593 = arith.addi %iota3A_590, %add3A_592 : vector<16xi32>
        %get3A_594 = arith.constant 0 : i32
        %get3A_595 = arith.constant 0 : i32
        %get3A_596 = tpu.memref_slice %arg6[%scan3A_154, %get3A_594, %get3A_595] : memref<4x128x64xf32, #tpu.memory_space<vmem>> -> memref<1x128x64xf32, #tpu.memory_space<vmem>>
        %get3A_597 = tpu.memref_squeeze %get3A_596 : memref<1x128x64xf32, #tpu.memory_space<vmem>> -> memref<128x64xf32, #tpu.memory_space<vmem>>
        %get3A_598 = arith.index_cast %add3A_543 : i32 to index
        %get3A_599 = arith.constant 48 : index
        %get3A_600 = tpu.vector_load %get3A_597[%get3A_598, %get3A_599] {strides = array<i32>} : memref<128x64xf32, #tpu.memory_space<vmem>>, vector<16xf32>,
        %scatter3A_601 = arith.constant 0 : i32
        %scatter3A_602 = arith.constant 0 : i32
        %scatter3A_603 = tpu.memref_slice %arg7[%scan3A_155, %scatter3A_601, %scatter3A_602] : memref<2x64x129xf32, #tpu.memory_space<vmem>> -> memref<1x64x129xf32, #tpu.memory_space<vmem>>
        %scatter3A_604 = tpu.memref_squeeze %scatter3A_603 : memref<1x64x129xf32, #tpu.memory_space<vmem>> -> memref<64x129xf32, #tpu.memory_space<vmem>>
        tpu.vector_store_idx %scatter3A_604[%add3A_593, %broadcast_in_dim3A_544], %get3A_600 : memref<64x129xf32, #tpu.memory_space<vmem>>[vector<16xi32>, vector<16xi32>], vector<16xf32>,
        %mul3A_605 = arith.constant 8 : i32
        %mul3A_606 = arith.muli %scan3A_283, %mul3A_605 : i32
        %add3A_607 = arith.constant 5 : i32
        %add3A_608 = arith.addi %mul3A_606, %add3A_607 : i32
        %broadcast_in_dim3A_609 = vector.broadcast %add3A_608 : i32 to vector<16xi32>
        %iota3A_610 = tpu.iota {dimensions = array<i32: 0>} : vector<16xi32>
        %add3A_611 = arith.constant 0 : i32
        %add3A_612 = vector.broadcast %add3A_611 : i32 to vector<16xi32>
        %add3A_613 = arith.addi %iota3A_610, %add3A_612 : vector<16xi32>
        %get3A_614 = arith.constant 0 : i32
        %get3A_615 = arith.constant 0 : i32
        %get3A_616 = tpu.memref_slice %arg6[%scan3A_154, %get3A_614, %get3A_615] : memref<4x128x64xf32, #tpu.memory_space<vmem>> -> memref<1x128x64xf32, #tpu.memory_space<vmem>>
        %get3A_617 = tpu.memref_squeeze %get3A_616 : memref<1x128x64xf32, #tpu.memory_space<vmem>> -> memref<128x64xf32, #tpu.memory_space<vmem>>
        %get3A_618 = arith.index_cast %add3A_608 : i32 to index
        %get3A_619 = arith.constant 0 : index
        %get3A_620 = tpu.vector_load %get3A_617[%get3A_618, %get3A_619] {strides = array<i32>} : memref<128x64xf32, #tpu.memory_space<vmem>>, vector<16xf32>,
        %scatter3A_621 = arith.constant 0 : i32
        %scatter3A_622 = arith.constant 0 : i32
        %scatter3A_623 = tpu.memref_slice %arg7[%scan3A_155, %scatter3A_621, %scatter3A_622] : memref<2x64x129xf32, #tpu.memory_space<vmem>> -> memref<1x64x129xf32, #tpu.memory_space<vmem>>
        %scatter3A_624 = tpu.memref_squeeze %scatter3A_623 : memref<1x64x129xf32, #tpu.memory_space<vmem>> -> memref<64x129xf32, #tpu.memory_space<vmem>>
        tpu.vector_store_idx %scatter3A_624[%add3A_613, %broadcast_in_dim3A_609], %get3A_620 : memref<64x129xf32, #tpu.memory_space<vmem>>[vector<16xi32>, vector<16xi32>], vector<16xf32>,
        %iota3A_625 = tpu.iota {dimensions = array<i32: 0>} : vector<16xi32>
        %add3A_626 = arith.constant 16 : i32
        %add3A_627 = vector.broadcast %add3A_626 : i32 to vector<16xi32>
        %add3A_628 = arith.addi %iota3A_625, %add3A_627 : vector<16xi32>
        %get3A_629 = arith.constant 0 : i32
        %get3A_630 = arith.constant 0 : i32
        %get3A_631 = tpu.memref_slice %arg6[%scan3A_154, %get3A_629, %get3A_630] : memref<4x128x64xf32, #tpu.memory_space<vmem>> -> memref<1x128x64xf32, #tpu.memory_space<vmem>>
        %get3A_632 = tpu.memref_squeeze %get3A_631 : memref<1x128x64xf32, #tpu.memory_space<vmem>> -> memref<128x64xf32, #tpu.memory_space<vmem>>
        %get3A_633 = arith.index_cast %add3A_608 : i32 to index
        %get3A_634 = arith.constant 16 : index
        %get3A_635 = tpu.vector_load %get3A_632[%get3A_633, %get3A_634] {strides = array<i32>} : memref<128x64xf32, #tpu.memory_space<vmem>>, vector<16xf32>,
        %scatter3A_636 = arith.constant 0 : i32
        %scatter3A_637 = arith.constant 0 : i32
        %scatter3A_638 = tpu.memref_slice %arg7[%scan3A_155, %scatter3A_636, %scatter3A_637] : memref<2x64x129xf32, #tpu.memory_space<vmem>> -> memref<1x64x129xf32, #tpu.memory_space<vmem>>
        %scatter3A_639 = tpu.memref_squeeze %scatter3A_638 : memref<1x64x129xf32, #tpu.memory_space<vmem>> -> memref<64x129xf32, #tpu.memory_space<vmem>>
        tpu.vector_store_idx %scatter3A_639[%add3A_628, %broadcast_in_dim3A_609], %get3A_635 : memref<64x129xf32, #tpu.memory_space<vmem>>[vector<16xi32>, vector<16xi32>], vector<16xf32>,
        %iota3A_640 = tpu.iota {dimensions = array<i32: 0>} : vector<16xi32>
        %add3A_641 = arith.constant 32 : i32
        %add3A_642 = vector.broadcast %add3A_641 : i32 to vector<16xi32>
        %add3A_643 = arith.addi %iota3A_640, %add3A_642 : vector<16xi32>
        %get3A_644 = arith.constant 0 : i32
        %get3A_645 = arith.constant 0 : i32
        %get3A_646 = tpu.memref_slice %arg6[%scan3A_154, %get3A_644, %get3A_645] : memref<4x128x64xf32, #tpu.memory_space<vmem>> -> memref<1x128x64xf32, #tpu.memory_space<vmem>>
        %get3A_647 = tpu.memref_squeeze %get3A_646 : memref<1x128x64xf32, #tpu.memory_space<vmem>> -> memref<128x64xf32, #tpu.memory_space<vmem>>
        %get3A_648 = arith.index_cast %add3A_608 : i32 to index
        %get3A_649 = arith.constant 32 : index
        %get3A_650 = tpu.vector_load %get3A_647[%get3A_648, %get3A_649] {strides = array<i32>} : memref<128x64xf32, #tpu.memory_space<vmem>>, vector<16xf32>,
        %scatter3A_651 = arith.constant 0 : i32
        %scatter3A_652 = arith.constant 0 : i32
        %scatter3A_653 = tpu.memref_slice %arg7[%scan3A_155, %scatter3A_651, %scatter3A_652] : memref<2x64x129xf32, #tpu.memory_space<vmem>> -> memref<1x64x129xf32, #tpu.memory_space<vmem>>
        %scatter3A_654 = tpu.memref_squeeze %scatter3A_653 : memref<1x64x129xf32, #tpu.memory_space<vmem>> -> memref<64x129xf32, #tpu.memory_space<vmem>>
        tpu.vector_store_idx %scatter3A_654[%add3A_643, %broadcast_in_dim3A_609], %get3A_650 : memref<64x129xf32, #tpu.memory_space<vmem>>[vector<16xi32>, vector<16xi32>], vector<16xf32>,
        %iota3A_655 = tpu.iota {dimensions = array<i32: 0>} : vector<16xi32>
        %add3A_656 = arith.constant 48 : i32
        %add3A_657 = vector.broadcast %add3A_656 : i32 to vector<16xi32>
        %add3A_658 = arith.addi %iota3A_655, %add3A_657 : vector<16xi32>
        %get3A_659 = arith.constant 0 : i32
        %get3A_660 = arith.constant 0 : i32
        %get3A_661 = tpu.memref_slice %arg6[%scan3A_154, %get3A_659, %get3A_660] : memref<4x128x64xf32, #tpu.memory_space<vmem>> -> memref<1x128x64xf32, #tpu.memory_space<vmem>>
        %get3A_662 = tpu.memref_squeeze %get3A_661 : memref<1x128x64xf32, #tpu.memory_space<vmem>> -> memref<128x64xf32, #tpu.memory_space<vmem>>
        %get3A_663 = arith.index_cast %add3A_608 : i32 to index
        %get3A_664 = arith.constant 48 : index
        %get3A_665 = tpu.vector_load %get3A_662[%get3A_663, %get3A_664] {strides = array<i32>} : memref<128x64xf32, #tpu.memory_space<vmem>>, vector<16xf32>,
        %scatter3A_666 = arith.constant 0 : i32
        %scatter3A_667 = arith.constant 0 : i32
        %scatter3A_668 = tpu.memref_slice %arg7[%scan3A_155, %scatter3A_666, %scatter3A_667] : memref<2x64x129xf32, #tpu.memory_space<vmem>> -> memref<1x64x129xf32, #tpu.memory_space<vmem>>
        %scatter3A_669 = tpu.memref_squeeze %scatter3A_668 : memref<1x64x129xf32, #tpu.memory_space<vmem>> -> memref<64x129xf32, #tpu.memory_space<vmem>>
        tpu.vector_store_idx %scatter3A_669[%add3A_658, %broadcast_in_dim3A_609], %get3A_665 : memref<64x129xf32, #tpu.memory_space<vmem>>[vector<16xi32>, vector<16xi32>], vector<16xf32>,
        %mul3A_670 = arith.constant 8 : i32
        %mul3A_671 = arith.muli %scan3A_283, %mul3A_670 : i32
        %add3A_672 = arith.constant 6 : i32
        %add3A_673 = arith.addi %mul3A_671, %add3A_672 : i32
        %broadcast_in_dim3A_674 = vector.broadcast %add3A_673 : i32 to vector<16xi32>
        %iota3A_675 = tpu.iota {dimensions = array<i32: 0>} : vector<16xi32>
        %add3A_676 = arith.constant 0 : i32
        %add3A_677 = vector.broadcast %add3A_676 : i32 to vector<16xi32>
        %add3A_678 = arith.addi %iota3A_675, %add3A_677 : vector<16xi32>
        %get3A_679 = arith.constant 0 : i32
        %get3A_680 = arith.constant 0 : i32
        %get3A_681 = tpu.memref_slice %arg6[%scan3A_154, %get3A_679, %get3A_680] : memref<4x128x64xf32, #tpu.memory_space<vmem>> -> memref<1x128x64xf32, #tpu.memory_space<vmem>>
        %get3A_682 = tpu.memref_squeeze %get3A_681 : memref<1x128x64xf32, #tpu.memory_space<vmem>> -> memref<128x64xf32, #tpu.memory_space<vmem>>
        %get3A_683 = arith.index_cast %add3A_673 : i32 to index
        %get3A_684 = arith.constant 0 : index
        %get3A_685 = tpu.vector_load %get3A_682[%get3A_683, %get3A_684] {strides = array<i32>} : memref<128x64xf32, #tpu.memory_space<vmem>>, vector<16xf32>,
        %scatter3A_686 = arith.constant 0 : i32
        %scatter3A_687 = arith.constant 0 : i32
        %scatter3A_688 = tpu.memref_slice %arg7[%scan3A_155, %scatter3A_686, %scatter3A_687] : memref<2x64x129xf32, #tpu.memory_space<vmem>> -> memref<1x64x129xf32, #tpu.memory_space<vmem>>
        %scatter3A_689 = tpu.memref_squeeze %scatter3A_688 : memref<1x64x129xf32, #tpu.memory_space<vmem>> -> memref<64x129xf32, #tpu.memory_space<vmem>>
        tpu.vector_store_idx %scatter3A_689[%add3A_678, %broadcast_in_dim3A_674], %get3A_685 : memref<64x129xf32, #tpu.memory_space<vmem>>[vector<16xi32>, vector<16xi32>], vector<16xf32>,
        %iota3A_690 = tpu.iota {dimensions = array<i32: 0>} : vector<16xi32>
        %add3A_691 = arith.constant 16 : i32
        %add3A_692 = vector.broadcast %add3A_691 : i32 to vector<16xi32>
        %add3A_693 = arith.addi %iota3A_690, %add3A_692 : vector<16xi32>
        %get3A_694 = arith.constant 0 : i32
        %get3A_695 = arith.constant 0 : i32
        %get3A_696 = tpu.memref_slice %arg6[%scan3A_154, %get3A_694, %get3A_695] : memref<4x128x64xf32, #tpu.memory_space<vmem>> -> memref<1x128x64xf32, #tpu.memory_space<vmem>>
        %get3A_697 = tpu.memref_squeeze %get3A_696 : memref<1x128x64xf32, #tpu.memory_space<vmem>> -> memref<128x64xf32, #tpu.memory_space<vmem>>
        %get3A_698 = arith.index_cast %add3A_673 : i32 to index
        %get3A_699 = arith.constant 16 : index
        %get3A_700 = tpu.vector_load %get3A_697[%get3A_698, %get3A_699] {strides = array<i32>} : memref<128x64xf32, #tpu.memory_space<vmem>>, vector<16xf32>,
        %scatter3A_701 = arith.constant 0 : i32
        %scatter3A_702 = arith.constant 0 : i32
        %scatter3A_703 = tpu.memref_slice %arg7[%scan3A_155, %scatter3A_701, %scatter3A_702] : memref<2x64x129xf32, #tpu.memory_space<vmem>> -> memref<1x64x129xf32, #tpu.memory_space<vmem>>
        %scatter3A_704 = tpu.memref_squeeze %scatter3A_703 : memref<1x64x129xf32, #tpu.memory_space<vmem>> -> memref<64x129xf32, #tpu.memory_space<vmem>>
        tpu.vector_store_idx %scatter3A_704[%add3A_693, %broadcast_in_dim3A_674], %get3A_700 : memref<64x129xf32, #tpu.memory_space<vmem>>[vector<16xi32>, vector<16xi32>], vector<16xf32>,
        %iota3A_705 = tpu.iota {dimensions = array<i32: 0>} : vector<16xi32>
        %add3A_706 = arith.constant 32 : i32
        %add3A_707 = vector.broadcast %add3A_706 : i32 to vector<16xi32>
        %add3A_708 = arith.addi %iota3A_705, %add3A_707 : vector<16xi32>
        %get3A_709 = arith.constant 0 : i32
        %get3A_710 = arith.constant 0 : i32
        %get3A_711 = tpu.memref_slice %arg6[%scan3A_154, %get3A_709, %get3A_710] : memref<4x128x64xf32, #tpu.memory_space<vmem>> -> memref<1x128x64xf32, #tpu.memory_space<vmem>>
        %get3A_712 = tpu.memref_squeeze %get3A_711 : memref<1x128x64xf32, #tpu.memory_space<vmem>> -> memref<128x64xf32, #tpu.memory_space<vmem>>
        %get3A_713 = arith.index_cast %add3A_673 : i32 to index
        %get3A_714 = arith.constant 32 : index
        %get3A_715 = tpu.vector_load %get3A_712[%get3A_713, %get3A_714] {strides = array<i32>} : memref<128x64xf32, #tpu.memory_space<vmem>>, vector<16xf32>,
        %scatter3A_716 = arith.constant 0 : i32
        %scatter3A_717 = arith.constant 0 : i32
        %scatter3A_718 = tpu.memref_slice %arg7[%scan3A_155, %scatter3A_716, %scatter3A_717] : memref<2x64x129xf32, #tpu.memory_space<vmem>> -> memref<1x64x129xf32, #tpu.memory_space<vmem>>
        %scatter3A_719 = tpu.memref_squeeze %scatter3A_718 : memref<1x64x129xf32, #tpu.memory_space<vmem>> -> memref<64x129xf32, #tpu.memory_space<vmem>>
        tpu.vector_store_idx %scatter3A_719[%add3A_708, %broadcast_in_dim3A_674], %get3A_715 : memref<64x129xf32, #tpu.memory_space<vmem>>[vector<16xi32>, vector<16xi32>], vector<16xf32>,
        %iota3A_720 = tpu.iota {dimensions = array<i32: 0>} : vector<16xi32>
        %add3A_721 = arith.constant 48 : i32
        %add3A_722 = vector.broadcast %add3A_721 : i32 to vector<16xi32>
        %add3A_723 = arith.addi %iota3A_720, %add3A_722 : vector<16xi32>
        %get3A_724 = arith.constant 0 : i32
        %get3A_725 = arith.constant 0 : i32
        %get3A_726 = tpu.memref_slice %arg6[%scan3A_154, %get3A_724, %get3A_725] : memref<4x128x64xf32, #tpu.memory_space<vmem>> -> memref<1x128x64xf32, #tpu.memory_space<vmem>>
        %get3A_727 = tpu.memref_squeeze %get3A_726 : memref<1x128x64xf32, #tpu.memory_space<vmem>> -> memref<128x64xf32, #tpu.memory_space<vmem>>
        %get3A_728 = arith.index_cast %add3A_673 : i32 to index
        %get3A_729 = arith.constant 48 : index
        %get3A_730 = tpu.vector_load %get3A_727[%get3A_728, %get3A_729] {strides = array<i32>} : memref<128x64xf32, #tpu.memory_space<vmem>>, vector<16xf32>,
        %scatter3A_731 = arith.constant 0 : i32
        %scatter3A_732 = arith.constant 0 : i32
        %scatter3A_733 = tpu.memref_slice %arg7[%scan3A_155, %scatter3A_731, %scatter3A_732] : memref<2x64x129xf32, #tpu.memory_space<vmem>> -> memref<1x64x129xf32, #tpu.memory_space<vmem>>
        %scatter3A_734 = tpu.memref_squeeze %scatter3A_733 : memref<1x64x129xf32, #tpu.memory_space<vmem>> -> memref<64x129xf32, #tpu.memory_space<vmem>>
        tpu.vector_store_idx %scatter3A_734[%add3A_723, %broadcast_in_dim3A_674], %get3A_730 : memref<64x129xf32, #tpu.memory_space<vmem>>[vector<16xi32>, vector<16xi32>], vector<16xf32>,
        %mul3A_735 = arith.constant 8 : i32
        %mul3A_736 = arith.muli %scan3A_283, %mul3A_735 : i32
        %add3A_737 = arith.constant 7 : i32
        %add3A_738 = arith.addi %mul3A_736, %add3A_737 : i32
        %broadcast_in_dim3A_739 = vector.broadcast %add3A_738 : i32 to vector<16xi32>
        %iota3A_740 = tpu.iota {dimensions = array<i32: 0>} : vector<16xi32>
        %add3A_741 = arith.constant 0 : i32
        %add3A_742 = vector.broadcast %add3A_741 : i32 to vector<16xi32>
        %add3A_743 = arith.addi %iota3A_740, %add3A_742 : vector<16xi32>
        %get3A_744 = arith.constant 0 : i32
        %get3A_745 = arith.constant 0 : i32
        %get3A_746 = tpu.memref_slice %arg6[%scan3A_154, %get3A_744, %get3A_745] : memref<4x128x64xf32, #tpu.memory_space<vmem>> -> memref<1x128x64xf32, #tpu.memory_space<vmem>>
        %get3A_747 = tpu.memref_squeeze %get3A_746 : memref<1x128x64xf32, #tpu.memory_space<vmem>> -> memref<128x64xf32, #tpu.memory_space<vmem>>
        %get3A_748 = arith.index_cast %add3A_738 : i32 to index
        %get3A_749 = arith.constant 0 : index
        %get3A_750 = tpu.vector_load %get3A_747[%get3A_748, %get3A_749] {strides = array<i32>} : memref<128x64xf32, #tpu.memory_space<vmem>>, vector<16xf32>,
        %scatter3A_751 = arith.constant 0 : i32
        %scatter3A_752 = arith.constant 0 : i32
        %scatter3A_753 = tpu.memref_slice %arg7[%scan3A_155, %scatter3A_751, %scatter3A_752] : memref<2x64x129xf32, #tpu.memory_space<vmem>> -> memref<1x64x129xf32, #tpu.memory_space<vmem>>
        %scatter3A_754 = tpu.memref_squeeze %scatter3A_753 : memref<1x64x129xf32, #tpu.memory_space<vmem>> -> memref<64x129xf32, #tpu.memory_space<vmem>>
        tpu.vector_store_idx %scatter3A_754[%add3A_743, %broadcast_in_dim3A_739], %get3A_750 : memref<64x129xf32, #tpu.memory_space<vmem>>[vector<16xi32>, vector<16xi32>], vector<16xf32>,
        %iota3A_755 = tpu.iota {dimensions = array<i32: 0>} : vector<16xi32>
        %add3A_756 = arith.constant 16 : i32
        %add3A_757 = vector.broadcast %add3A_756 : i32 to vector<16xi32>
        %add3A_758 = arith.addi %iota3A_755, %add3A_757 : vector<16xi32>
        %get3A_759 = arith.constant 0 : i32
        %get3A_760 = arith.constant 0 : i32
        %get3A_761 = tpu.memref_slice %arg6[%scan3A_154, %get3A_759, %get3A_760] : memref<4x128x64xf32, #tpu.memory_space<vmem>> -> memref<1x128x64xf32, #tpu.memory_space<vmem>>
        %get3A_762 = tpu.memref_squeeze %get3A_761 : memref<1x128x64xf32, #tpu.memory_space<vmem>> -> memref<128x64xf32, #tpu.memory_space<vmem>>
        %get3A_763 = arith.index_cast %add3A_738 : i32 to index
        %get3A_764 = arith.constant 16 : index
        %get3A_765 = tpu.vector_load %get3A_762[%get3A_763, %get3A_764] {strides = array<i32>} : memref<128x64xf32, #tpu.memory_space<vmem>>, vector<16xf32>,
        %scatter3A_766 = arith.constant 0 : i32
        %scatter3A_767 = arith.constant 0 : i32
        %scatter3A_768 = tpu.memref_slice %arg7[%scan3A_155, %scatter3A_766, %scatter3A_767] : memref<2x64x129xf32, #tpu.memory_space<vmem>> -> memref<1x64x129xf32, #tpu.memory_space<vmem>>
        %scatter3A_769 = tpu.memref_squeeze %scatter3A_768 : memref<1x64x129xf32, #tpu.memory_space<vmem>> -> memref<64x129xf32, #tpu.memory_space<vmem>>
        tpu.vector_store_idx %scatter3A_769[%add3A_758, %broadcast_in_dim3A_739], %get3A_765 : memref<64x129xf32, #tpu.memory_space<vmem>>[vector<16xi32>, vector<16xi32>], vector<16xf32>,
        %iota3A_770 = tpu.iota {dimensions = array<i32: 0>} : vector<16xi32>
        %add3A_771 = arith.constant 32 : i32
        %add3A_772 = vector.broadcast %add3A_771 : i32 to vector<16xi32>
        %add3A_773 = arith.addi %iota3A_770, %add3A_772 : vector<16xi32>
        %get3A_774 = arith.constant 0 : i32
        %get3A_775 = arith.constant 0 : i32
        %get3A_776 = tpu.memref_slice %arg6[%scan3A_154, %get3A_774, %get3A_775] : memref<4x128x64xf32, #tpu.memory_space<vmem>> -> memref<1x128x64xf32, #tpu.memory_space<vmem>>
        %get3A_777 = tpu.memref_squeeze %get3A_776 : memref<1x128x64xf32, #tpu.memory_space<vmem>> -> memref<128x64xf32, #tpu.memory_space<vmem>>
        %get3A_778 = arith.index_cast %add3A_738 : i32 to index
        %get3A_779 = arith.constant 32 : index
        %get3A_780 = tpu.vector_load %get3A_777[%get3A_778, %get3A_779] {strides = array<i32>} : memref<128x64xf32, #tpu.memory_space<vmem>>, vector<16xf32>,
        %scatter3A_781 = arith.constant 0 : i32
        %scatter3A_782 = arith.constant 0 : i32
        %scatter3A_783 = tpu.memref_slice %arg7[%scan3A_155, %scatter3A_781, %scatter3A_782] : memref<2x64x129xf32, #tpu.memory_space<vmem>> -> memref<1x64x129xf32, #tpu.memory_space<vmem>>
        %scatter3A_784 = tpu.memref_squeeze %scatter3A_783 : memref<1x64x129xf32, #tpu.memory_space<vmem>> -> memref<64x129xf32, #tpu.memory_space<vmem>>
        tpu.vector_store_idx %scatter3A_784[%add3A_773, %broadcast_in_dim3A_739], %get3A_780 : memref<64x129xf32, #tpu.memory_space<vmem>>[vector<16xi32>, vector<16xi32>], vector<16xf32>,
        %iota3A_785 = tpu.iota {dimensions = array<i32: 0>} : vector<16xi32>
        %add3A_786 = arith.constant 48 : i32
        %add3A_787 = vector.broadcast %add3A_786 : i32 to vector<16xi32>
        %add3A_788 = arith.addi %iota3A_785, %add3A_787 : vector<16xi32>
        %get3A_789 = arith.constant 0 : i32
        %get3A_790 = arith.constant 0 : i32
        %get3A_791 = tpu.memref_slice %arg6[%scan3A_154, %get3A_789, %get3A_790] : memref<4x128x64xf32, #tpu.memory_space<vmem>> -> memref<1x128x64xf32, #tpu.memory_space<vmem>>
        %get3A_792 = tpu.memref_squeeze %get3A_791 : memref<1x128x64xf32, #tpu.memory_space<vmem>> -> memref<128x64xf32, #tpu.memory_space<vmem>>
        %get3A_793 = arith.index_cast %add3A_738 : i32 to index
        %get3A_794 = arith.constant 48 : index
        %get3A_795 = tpu.vector_load %get3A_792[%get3A_793, %get3A_794] {strides = array<i32>} : memref<128x64xf32, #tpu.memory_space<vmem>>, vector<16xf32>,
        %scatter3A_796 = arith.constant 0 : i32
        %scatter3A_797 = arith.constant 0 : i32
        %scatter3A_798 = tpu.memref_slice %arg7[%scan3A_155, %scatter3A_796, %scatter3A_797] : memref<2x64x129xf32, #tpu.memory_space<vmem>> -> memref<1x64x129xf32, #tpu.memory_space<vmem>>
        %scatter3A_799 = tpu.memref_squeeze %scatter3A_798 : memref<1x64x129xf32, #tpu.memory_space<vmem>> -> memref<64x129xf32, #tpu.memory_space<vmem>>
        tpu.vector_store_idx %scatter3A_799[%add3A_788, %broadcast_in_dim3A_739], %get3A_795 : memref<64x129xf32, #tpu.memory_space<vmem>>[vector<16xi32>, vector<16xi32>], vector<16xf32>,
      }
      %scan3A_160 = arith.constant 16 : i32
      %dma_start3A_161 = arith.constant 1 : i32
      %dma_start3A_162 = arith.constant 0 : i32
      %dma_start3A_163 = arith.constant 0 : i32
      %dma_start3A_164 = tpu.memref_slice %arg7[%dma_start3A_161, %dma_start3A_162, %dma_start3A_163] : memref<2x64x129xf32, #tpu.memory_space<vmem>> -> memref<1x64x128xf32, #tpu.memory_space<vmem>>
      %dma_start3A_165 = tpu.memref_squeeze %dma_start3A_164 : memref<1x64x128xf32, #tpu.memory_space<vmem>> -> memref<64x128xf32, #tpu.memory_space<vmem>>
      %dma_start3A_166 = arith.constant 0 : i32
      %dma_start3A_167 = tpu.memref_slice %arg4[%add3A_136, %dma_start3A_166, %mul3A_2] : memref<200x64x4096xf32, #tpu.memory_space<hbm>> -> memref<1x64x128xf32, #tpu.memory_space<hbm>>
      %dma_start3A_168 = tpu.memref_squeeze %dma_start3A_167 : memref<1x64x128xf32, #tpu.memory_space<hbm>> -> memref<64x128xf32, #tpu.memory_space<hbm>>
      %dma_start3A_169 = arith.constant 0 : i32
      %dma_start3A_170 = tpu.memref_slice %arg4[%add3A_136, %dma_start3A_169, %mul3A_2] : memref<200x64x4096xf32, #tpu.memory_space<hbm>> -> memref<1x64x128xf32, #tpu.memory_space<hbm>>
      %dma_start3A_171 = tpu.memref_squeeze %dma_start3A_170 : memref<1x64x128xf32, #tpu.memory_space<hbm>> -> memref<64x128xf32, #tpu.memory_space<hbm>>
      %dma_start3A_172 = arith.constant 0 : i32
      %dma_start3A_173 = arith.constant 0 : i32
      %dma_start3A_174 = tpu.memref_slice %arg7[%dma_start3A_161, %dma_start3A_172, %dma_start3A_173] : memref<2x64x129xf32, #tpu.memory_space<vmem>> -> memref<1x64x128xf32, #tpu.memory_space<vmem>>
      %dma_start3A_175 = tpu.memref_squeeze %dma_start3A_174 : memref<1x64x128xf32, #tpu.memory_space<vmem>> -> memref<64x128xf32, #tpu.memory_space<vmem>>
      tpu.enqueue_dma source(%dma_start3A_175 : memref<64x128xf32, #tpu.memory_space<vmem>>) target(%dma_start3A_171 : memref<64x128xf32, #tpu.memory_space<hbm>>) target_semaphore(%arg9 : memref<!tpu.dma_semaphore, #tpu.memory_space<semaphore_mem>>)
      %add3A_176 = arith.constant 4 : i32
      %add3A_177 = arith.addi %add3A_136, %add3A_176 : i32
      %lt3A_178 = arith.constant 200 : i32
      %lt3A_179 = arith.cmpi slt, %add3A_177, %lt3A_178 : i32
      %convert_element_type3A_180 = arith.extui %lt3A_179 : i1 to i32
      %cond3A_181 = arith.constant 0 : i32
      %cond3A_182 = arith.cmpi ne, %convert_element_type3A_180, %cond3A_181 : i32
      scf.if %cond3A_182 {
        %add3A_283 = arith.constant 4 : i32
        %add3A_284 = arith.addi %add3A_136, %add3A_283 : i32
        %dma_start3A_285 = arith.constant 1 : i32
        %dma_start3A_286 = arith.constant 0 : i32
        %dma_start3A_287 = arith.constant 0 : i32
        %dma_start3A_288 = tpu.memref_slice %arg6[%dma_start3A_285, %dma_start3A_286, %dma_start3A_287] : memref<4x128x64xf32, #tpu.memory_space<vmem>> -> memref<1x128x64xf32, #tpu.memory_space<vmem>>
        %dma_start3A_289 = tpu.memref_squeeze %dma_start3A_288 : memref<1x128x64xf32, #tpu.memory_space<vmem>> -> memref<128x64xf32, #tpu.memory_space<vmem>>
        %dma_start3A_290 = arith.constant 0 : i32
        %dma_start3A_291 = tpu.memref_slice %arg5[%add3A_284, %dma_start3A_290] : memref<200x128xi32, #tpu.memory_space<vmem>> -> memref<1x128xi32, #tpu.memory_space<vmem>>
        %dma_start3A_292 = tpu.memref_squeeze %dma_start3A_291 : memref<1x128xi32, #tpu.memory_space<vmem>> -> memref<128xi32, #tpu.memory_space<vmem>>
        %dma_start3A_293 = arith.constant 0 : i32
        %dma_start3A_294 = arith.constant 0 : i32
        %dma_start3A_295 = tpu.memref_slice %arg2[%dma_start3A_293, %dma_start3A_294] : memref<1000000x64xf32, #tpu.memory_space<hbm>> -> memref<1000000x64xf32, #tpu.memory_space<hbm>>
        tpu.enqueue_indirect_dma source(%dma_start3A_295 : memref<1000000x64xf32, #tpu.memory_space<hbm>>) target(%dma_start3A_289 : memref<128x64xf32, #tpu.memory_space<vmem>>) offsets(%dma_start3A_292 : memref<128xi32, #tpu.memory_space<vmem>>) semaphore(%arg8 : memref<!tpu.dma_semaphore, #tpu.memory_space<semaphore_mem>>)
      } else {
      }
      %mul3A_183 = arith.constant 4 : i32
      %mul3A_184 = arith.muli %scan3A_86, %mul3A_183 : i32
      %add3A_185 = arith.constant 2 : i32
      %add3A_186 = arith.addi %mul3A_184, %add3A_185 : i32
      %dma_wait3A_187 = arith.constant 2 : i32
      %dma_wait3A_188 = arith.constant 0 : i32
      %dma_wait3A_189 = arith.constant 0 : i32
      %dma_wait3A_190 = tpu.memref_slice %arg6[%dma_wait3A_187, %dma_wait3A_188, %dma_wait3A_189] : memref<4x128x64xf32, #tpu.memory_space<vmem>> -> memref<1x128x64xf32, #tpu.memory_space<vmem>>
      %dma_wait3A_191 = tpu.memref_squeeze %dma_wait3A_190 : memref<1x128x64xf32, #tpu.memory_space<vmem>> -> memref<128x64xf32, #tpu.memory_space<vmem>>
      %dma_wait3A_192 = arith.constant 0 : i32
      %dma_wait3A_193 = tpu.memref_slice %arg5[%add3A_186, %dma_wait3A_192] : memref<200x128xi32, #tpu.memory_space<vmem>> -> memref<1x128xi32, #tpu.memory_space<vmem>>
      %dma_wait3A_194 = tpu.memref_squeeze %dma_wait3A_193 : memref<1x128xi32, #tpu.memory_space<vmem>> -> memref<128xi32, #tpu.memory_space<vmem>>
      %dma_wait3A_195 = arith.constant 0 : i32
      %dma_wait3A_196 = arith.constant 0 : i32
      %dma_wait3A_197 = tpu.memref_slice %arg2[%dma_wait3A_195, %dma_wait3A_196] : memref<1000000x64xf32, #tpu.memory_space<hbm>> -> memref<1000000x64xf32, #tpu.memory_space<hbm>>
      tpu.wait_indirect_dma semaphore(%arg8 : memref<!tpu.dma_semaphore, #tpu.memory_space<semaphore_mem>>) src(%dma_wait3A_197 : memref<1000000x64xf32, #tpu.memory_space<hbm>>) dst(%dma_wait3A_191 : memref<128x64xf32, #tpu.memory_space<vmem>>)
      %ge3A_198 = arith.constant 2 : i32
      %ge3A_199 = arith.cmpi sge, %add3A_186, %ge3A_198 : i32
      %convert_element_type3A_200 = arith.extui %ge3A_199 : i1 to i32
      %cond3A_201 = arith.constant 0 : i32
      %cond3A_202 = arith.cmpi ne, %convert_element_type3A_200, %cond3A_201 : i32
      scf.if %cond3A_202 {
        %dma_wait3A_283 = arith.constant 0 : i32
        %dma_wait3A_284 = arith.constant 0 : i32
        %dma_wait3A_285 = arith.constant 0 : i32
        %dma_wait3A_286 = arith.constant 0 : i32
        %dma_wait3A_287 = tpu.memref_slice %arg7[%dma_wait3A_283, %dma_wait3A_285, %dma_wait3A_286] : memref<2x64x129xf32, #tpu.memory_space<vmem>> -> memref<1x64x128xf32, #tpu.memory_space<vmem>>
        %dma_wait3A_288 = tpu.memref_squeeze %dma_wait3A_287 : memref<1x64x128xf32, #tpu.memory_space<vmem>> -> memref<64x128xf32, #tpu.memory_space<vmem>>
        %dma_wait3A_289 = arith.constant 0 : i32
        %dma_wait3A_290 = tpu.memref_slice %arg4[%dma_wait3A_284, %dma_wait3A_289, %mul3A_2] : memref<200x64x4096xf32, #tpu.memory_space<hbm>> -> memref<1x64x128xf32, #tpu.memory_space<hbm>>
        %dma_wait3A_291 = tpu.memref_squeeze %dma_wait3A_290 : memref<1x64x128xf32, #tpu.memory_space<hbm>> -> memref<64x128xf32, #tpu.memory_space<hbm>>
        %dma_wait3A_292 = arith.constant 0 : i32
        %dma_wait3A_293 = tpu.memref_slice %arg4[%dma_wait3A_284, %dma_wait3A_292, %mul3A_2] : memref<200x64x4096xf32, #tpu.memory_space<hbm>> -> memref<1x64x128xf32, #tpu.memory_space<hbm>>
        %dma_wait3A_294 = tpu.memref_squeeze %dma_wait3A_293 : memref<1x64x128xf32, #tpu.memory_space<hbm>> -> memref<64x128xf32, #tpu.memory_space<hbm>>
        %dma_wait3A_295 = arith.constant 0 : i32
        %dma_wait3A_296 = arith.constant 0 : i32
        %dma_wait3A_297 = tpu.memref_slice %arg7[%dma_wait3A_283, %dma_wait3A_295, %dma_wait3A_296] : memref<2x64x129xf32, #tpu.memory_space<vmem>> -> memref<1x64x128xf32, #tpu.memory_space<vmem>>
        %dma_wait3A_298 = tpu.memref_squeeze %dma_wait3A_297 : memref<1x64x128xf32, #tpu.memory_space<vmem>> -> memref<64x128xf32, #tpu.memory_space<vmem>>
        tpu.wait_dma2 semaphore(%arg9 : memref<!tpu.dma_semaphore, #tpu.memory_space<semaphore_mem>>) src(%dma_wait3A_298 : memref<64x128xf32, #tpu.memory_space<vmem>>) dst(%dma_wait3A_294 : memref<64x128xf32, #tpu.memory_space<hbm>>)
      } else {
      }
      %scan3A_203 = arith.constant 0 : i32
      %scan3A_204 = arith.constant 2 : i32
      %scan3A_205 = arith.constant 2 : i32
      %scan3A_206 = arith.constant 0 : i32
      %scan3A_207 = arith.constant 16 : i32
      %scan3A_208 = arith.addi %scan3A_206, %scan3A_207 : i32
      %scan3A_209 = arith.constant 1 : i32
      scf.for %scan3A_283 = %scan3A_206 to %scan3A_208 step %scan3A_209  : i32 {
        %mul3A_284 = arith.constant 8 : i32
        %mul3A_285 = arith.muli %scan3A_283, %mul3A_284 : i32
        %add3A_286 = arith.constant 0 : i32
        %add3A_287 = arith.addi %mul3A_285, %add3A_286 : i32
        %broadcast_in_dim3A = vector.broadcast %add3A_287 : i32 to vector<16xi32>
        %iota3A = tpu.iota {dimensions = array<i32: 0>} : vector<16xi32>
        %add3A_288 = arith.constant 0 : i32
        %add3A_289 = vector.broadcast %add3A_288 : i32 to vector<16xi32>
        %add3A_290 = arith.addi %iota3A, %add3A_289 : vector<16xi32>
        %get3A = arith.constant 0 : i32
        %get3A_291 = arith.constant 0 : i32
        %get3A_292 = tpu.memref_slice %arg6[%scan3A_204, %get3A, %get3A_291] : memref<4x128x64xf32, #tpu.memory_space<vmem>> -> memref<1x128x64xf32, #tpu.memory_space<vmem>>
        %get3A_293 = tpu.memref_squeeze %get3A_292 : memref<1x128x64xf32, #tpu.memory_space<vmem>> -> memref<128x64xf32, #tpu.memory_space<vmem>>
        %get3A_294 = arith.index_cast %add3A_287 : i32 to index
        %get3A_295 = arith.constant 0 : index
        %get3A_296 = tpu.vector_load %get3A_293[%get3A_294, %get3A_295] {strides = array<i32>} : memref<128x64xf32, #tpu.memory_space<vmem>>, vector<16xf32>,
        %scatter3A = arith.constant 0 : i32
        %scatter3A_297 = arith.constant 0 : i32
        %scatter3A_298 = tpu.memref_slice %arg7[%scan3A_205, %scatter3A, %scatter3A_297] : memref<2x64x129xf32, #tpu.memory_space<vmem>> -> memref<1x64x129xf32, #tpu.memory_space<vmem>>
        %scatter3A_299 = tpu.memref_squeeze %scatter3A_298 : memref<1x64x129xf32, #tpu.memory_space<vmem>> -> memref<64x129xf32, #tpu.memory_space<vmem>>
        tpu.vector_store_idx %scatter3A_299[%add3A_290, %broadcast_in_dim3A], %get3A_296 : memref<64x129xf32, #tpu.memory_space<vmem>>[vector<16xi32>, vector<16xi32>], vector<16xf32>,
        %iota3A_300 = tpu.iota {dimensions = array<i32: 0>} : vector<16xi32>
        %add3A_301 = arith.constant 16 : i32
        %add3A_302 = vector.broadcast %add3A_301 : i32 to vector<16xi32>
        %add3A_303 = arith.addi %iota3A_300, %add3A_302 : vector<16xi32>
        %get3A_304 = arith.constant 0 : i32
        %get3A_305 = arith.constant 0 : i32
        %get3A_306 = tpu.memref_slice %arg6[%scan3A_204, %get3A_304, %get3A_305] : memref<4x128x64xf32, #tpu.memory_space<vmem>> -> memref<1x128x64xf32, #tpu.memory_space<vmem>>
        %get3A_307 = tpu.memref_squeeze %get3A_306 : memref<1x128x64xf32, #tpu.memory_space<vmem>> -> memref<128x64xf32, #tpu.memory_space<vmem>>
        %get3A_308 = arith.index_cast %add3A_287 : i32 to index
        %get3A_309 = arith.constant 16 : index
        %get3A_310 = tpu.vector_load %get3A_307[%get3A_308, %get3A_309] {strides = array<i32>} : memref<128x64xf32, #tpu.memory_space<vmem>>, vector<16xf32>,
        %scatter3A_311 = arith.constant 0 : i32
        %scatter3A_312 = arith.constant 0 : i32
        %scatter3A_313 = tpu.memref_slice %arg7[%scan3A_205, %scatter3A_311, %scatter3A_312] : memref<2x64x129xf32, #tpu.memory_space<vmem>> -> memref<1x64x129xf32, #tpu.memory_space<vmem>>
        %scatter3A_314 = tpu.memref_squeeze %scatter3A_313 : memref<1x64x129xf32, #tpu.memory_space<vmem>> -> memref<64x129xf32, #tpu.memory_space<vmem>>
        tpu.vector_store_idx %scatter3A_314[%add3A_303, %broadcast_in_dim3A], %get3A_310 : memref<64x129xf32, #tpu.memory_space<vmem>>[vector<16xi32>, vector<16xi32>], vector<16xf32>,
        %iota3A_315 = tpu.iota {dimensions = array<i32: 0>} : vector<16xi32>
        %add3A_316 = arith.constant 32 : i32
        %add3A_317 = vector.broadcast %add3A_316 : i32 to vector<16xi32>
        %add3A_318 = arith.addi %iota3A_315, %add3A_317 : vector<16xi32>
        %get3A_319 = arith.constant 0 : i32
        %get3A_320 = arith.constant 0 : i32
        %get3A_321 = tpu.memref_slice %arg6[%scan3A_204, %get3A_319, %get3A_320] : memref<4x128x64xf32, #tpu.memory_space<vmem>> -> memref<1x128x64xf32, #tpu.memory_space<vmem>>
        %get3A_322 = tpu.memref_squeeze %get3A_321 : memref<1x128x64xf32, #tpu.memory_space<vmem>> -> memref<128x64xf32, #tpu.memory_space<vmem>>
        %get3A_323 = arith.index_cast %add3A_287 : i32 to index
        %get3A_324 = arith.constant 32 : index
        %get3A_325 = tpu.vector_load %get3A_322[%get3A_323, %get3A_324] {strides = array<i32>} : memref<128x64xf32, #tpu.memory_space<vmem>>, vector<16xf32>,
        %scatter3A_326 = arith.constant 0 : i32
        %scatter3A_327 = arith.constant 0 : i32
        %scatter3A_328 = tpu.memref_slice %arg7[%scan3A_205, %scatter3A_326, %scatter3A_327] : memref<2x64x129xf32, #tpu.memory_space<vmem>> -> memref<1x64x129xf32, #tpu.memory_space<vmem>>
        %scatter3A_329 = tpu.memref_squeeze %scatter3A_328 : memref<1x64x129xf32, #tpu.memory_space<vmem>> -> memref<64x129xf32, #tpu.memory_space<vmem>>
        tpu.vector_store_idx %scatter3A_329[%add3A_318, %broadcast_in_dim3A], %get3A_325 : memref<64x129xf32, #tpu.memory_space<vmem>>[vector<16xi32>, vector<16xi32>], vector<16xf32>,
        %iota3A_330 = tpu.iota {dimensions = array<i32: 0>} : vector<16xi32>
        %add3A_331 = arith.constant 48 : i32
        %add3A_332 = vector.broadcast %add3A_331 : i32 to vector<16xi32>
        %add3A_333 = arith.addi %iota3A_330, %add3A_332 : vector<16xi32>
        %get3A_334 = arith.constant 0 : i32
        %get3A_335 = arith.constant 0 : i32
        %get3A_336 = tpu.memref_slice %arg6[%scan3A_204, %get3A_334, %get3A_335] : memref<4x128x64xf32, #tpu.memory_space<vmem>> -> memref<1x128x64xf32, #tpu.memory_space<vmem>>
        %get3A_337 = tpu.memref_squeeze %get3A_336 : memref<1x128x64xf32, #tpu.memory_space<vmem>> -> memref<128x64xf32, #tpu.memory_space<vmem>>
        %get3A_338 = arith.index_cast %add3A_287 : i32 to index
        %get3A_339 = arith.constant 48 : index
        %get3A_340 = tpu.vector_load %get3A_337[%get3A_338, %get3A_339] {strides = array<i32>} : memref<128x64xf32, #tpu.memory_space<vmem>>, vector<16xf32>,
        %scatter3A_341 = arith.constant 0 : i32
        %scatter3A_342 = arith.constant 0 : i32
        %scatter3A_343 = tpu.memref_slice %arg7[%scan3A_205, %scatter3A_341, %scatter3A_342] : memref<2x64x129xf32, #tpu.memory_space<vmem>> -> memref<1x64x129xf32, #tpu.memory_space<vmem>>
        %scatter3A_344 = tpu.memref_squeeze %scatter3A_343 : memref<1x64x129xf32, #tpu.memory_space<vmem>> -> memref<64x129xf32, #tpu.memory_space<vmem>>
        tpu.vector_store_idx %scatter3A_344[%add3A_333, %broadcast_in_dim3A], %get3A_340 : memref<64x129xf32, #tpu.memory_space<vmem>>[vector<16xi32>, vector<16xi32>], vector<16xf32>,
        %mul3A_345 = arith.constant 8 : i32
        %mul3A_346 = arith.muli %scan3A_283, %mul3A_345 : i32
        %add3A_347 = arith.constant 1 : i32
        %add3A_348 = arith.addi %mul3A_346, %add3A_347 : i32
        %broadcast_in_dim3A_349 = vector.broadcast %add3A_348 : i32 to vector<16xi32>
        %iota3A_350 = tpu.iota {dimensions = array<i32: 0>} : vector<16xi32>
        %add3A_351 = arith.constant 0 : i32
        %add3A_352 = vector.broadcast %add3A_351 : i32 to vector<16xi32>
        %add3A_353 = arith.addi %iota3A_350, %add3A_352 : vector<16xi32>
        %get3A_354 = arith.constant 0 : i32
        %get3A_355 = arith.constant 0 : i32
        %get3A_356 = tpu.memref_slice %arg6[%scan3A_204, %get3A_354, %get3A_355] : memref<4x128x64xf32, #tpu.memory_space<vmem>> -> memref<1x128x64xf32, #tpu.memory_space<vmem>>
        %get3A_357 = tpu.memref_squeeze %get3A_356 : memref<1x128x64xf32, #tpu.memory_space<vmem>> -> memref<128x64xf32, #tpu.memory_space<vmem>>
        %get3A_358 = arith.index_cast %add3A_348 : i32 to index
        %get3A_359 = arith.constant 0 : index
        %get3A_360 = tpu.vector_load %get3A_357[%get3A_358, %get3A_359] {strides = array<i32>} : memref<128x64xf32, #tpu.memory_space<vmem>>, vector<16xf32>,
        %scatter3A_361 = arith.constant 0 : i32
        %scatter3A_362 = arith.constant 0 : i32
        %scatter3A_363 = tpu.memref_slice %arg7[%scan3A_205, %scatter3A_361, %scatter3A_362] : memref<2x64x129xf32, #tpu.memory_space<vmem>> -> memref<1x64x129xf32, #tpu.memory_space<vmem>>
        %scatter3A_364 = tpu.memref_squeeze %scatter3A_363 : memref<1x64x129xf32, #tpu.memory_space<vmem>> -> memref<64x129xf32, #tpu.memory_space<vmem>>
        tpu.vector_store_idx %scatter3A_364[%add3A_353, %broadcast_in_dim3A_349], %get3A_360 : memref<64x129xf32, #tpu.memory_space<vmem>>[vector<16xi32>, vector<16xi32>], vector<16xf32>,
        %iota3A_365 = tpu.iota {dimensions = array<i32: 0>} : vector<16xi32>
        %add3A_366 = arith.constant 16 : i32
        %add3A_367 = vector.broadcast %add3A_366 : i32 to vector<16xi32>
        %add3A_368 = arith.addi %iota3A_365, %add3A_367 : vector<16xi32>
        %get3A_369 = arith.constant 0 : i32
        %get3A_370 = arith.constant 0 : i32
        %get3A_371 = tpu.memref_slice %arg6[%scan3A_204, %get3A_369, %get3A_370] : memref<4x128x64xf32, #tpu.memory_space<vmem>> -> memref<1x128x64xf32, #tpu.memory_space<vmem>>
        %get3A_372 = tpu.memref_squeeze %get3A_371 : memref<1x128x64xf32, #tpu.memory_space<vmem>> -> memref<128x64xf32, #tpu.memory_space<vmem>>
        %get3A_373 = arith.index_cast %add3A_348 : i32 to index
        %get3A_374 = arith.constant 16 : index
        %get3A_375 = tpu.vector_load %get3A_372[%get3A_373, %get3A_374] {strides = array<i32>} : memref<128x64xf32, #tpu.memory_space<vmem>>, vector<16xf32>,
        %scatter3A_376 = arith.constant 0 : i32
        %scatter3A_377 = arith.constant 0 : i32
        %scatter3A_378 = tpu.memref_slice %arg7[%scan3A_205, %scatter3A_376, %scatter3A_377] : memref<2x64x129xf32, #tpu.memory_space<vmem>> -> memref<1x64x129xf32, #tpu.memory_space<vmem>>
        %scatter3A_379 = tpu.memref_squeeze %scatter3A_378 : memref<1x64x129xf32, #tpu.memory_space<vmem>> -> memref<64x129xf32, #tpu.memory_space<vmem>>
        tpu.vector_store_idx %scatter3A_379[%add3A_368, %broadcast_in_dim3A_349], %get3A_375 : memref<64x129xf32, #tpu.memory_space<vmem>>[vector<16xi32>, vector<16xi32>], vector<16xf32>,
        %iota3A_380 = tpu.iota {dimensions = array<i32: 0>} : vector<16xi32>
        %add3A_381 = arith.constant 32 : i32
        %add3A_382 = vector.broadcast %add3A_381 : i32 to vector<16xi32>
        %add3A_383 = arith.addi %iota3A_380, %add3A_382 : vector<16xi32>
        %get3A_384 = arith.constant 0 : i32
        %get3A_385 = arith.constant 0 : i32
        %get3A_386 = tpu.memref_slice %arg6[%scan3A_204, %get3A_384, %get3A_385] : memref<4x128x64xf32, #tpu.memory_space<vmem>> -> memref<1x128x64xf32, #tpu.memory_space<vmem>>
        %get3A_387 = tpu.memref_squeeze %get3A_386 : memref<1x128x64xf32, #tpu.memory_space<vmem>> -> memref<128x64xf32, #tpu.memory_space<vmem>>
        %get3A_388 = arith.index_cast %add3A_348 : i32 to index
        %get3A_389 = arith.constant 32 : index
        %get3A_390 = tpu.vector_load %get3A_387[%get3A_388, %get3A_389] {strides = array<i32>} : memref<128x64xf32, #tpu.memory_space<vmem>>, vector<16xf32>,
        %scatter3A_391 = arith.constant 0 : i32
        %scatter3A_392 = arith.constant 0 : i32
        %scatter3A_393 = tpu.memref_slice %arg7[%scan3A_205, %scatter3A_391, %scatter3A_392] : memref<2x64x129xf32, #tpu.memory_space<vmem>> -> memref<1x64x129xf32, #tpu.memory_space<vmem>>
        %scatter3A_394 = tpu.memref_squeeze %scatter3A_393 : memref<1x64x129xf32, #tpu.memory_space<vmem>> -> memref<64x129xf32, #tpu.memory_space<vmem>>
        tpu.vector_store_idx %scatter3A_394[%add3A_383, %broadcast_in_dim3A_349], %get3A_390 : memref<64x129xf32, #tpu.memory_space<vmem>>[vector<16xi32>, vector<16xi32>], vector<16xf32>,
        %iota3A_395 = tpu.iota {dimensions = array<i32: 0>} : vector<16xi32>
        %add3A_396 = arith.constant 48 : i32
        %add3A_397 = vector.broadcast %add3A_396 : i32 to vector<16xi32>
        %add3A_398 = arith.addi %iota3A_395, %add3A_397 : vector<16xi32>
        %get3A_399 = arith.constant 0 : i32
        %get3A_400 = arith.constant 0 : i32
        %get3A_401 = tpu.memref_slice %arg6[%scan3A_204, %get3A_399, %get3A_400] : memref<4x128x64xf32, #tpu.memory_space<vmem>> -> memref<1x128x64xf32, #tpu.memory_space<vmem>>
        %get3A_402 = tpu.memref_squeeze %get3A_401 : memref<1x128x64xf32, #tpu.memory_space<vmem>> -> memref<128x64xf32, #tpu.memory_space<vmem>>
        %get3A_403 = arith.index_cast %add3A_348 : i32 to index
        %get3A_404 = arith.constant 48 : index
        %get3A_405 = tpu.vector_load %get3A_402[%get3A_403, %get3A_404] {strides = array<i32>} : memref<128x64xf32, #tpu.memory_space<vmem>>, vector<16xf32>,
        %scatter3A_406 = arith.constant 0 : i32
        %scatter3A_407 = arith.constant 0 : i32
        %scatter3A_408 = tpu.memref_slice %arg7[%scan3A_205, %scatter3A_406, %scatter3A_407] : memref<2x64x129xf32, #tpu.memory_space<vmem>> -> memref<1x64x129xf32, #tpu.memory_space<vmem>>
        %scatter3A_409 = tpu.memref_squeeze %scatter3A_408 : memref<1x64x129xf32, #tpu.memory_space<vmem>> -> memref<64x129xf32, #tpu.memory_space<vmem>>
        tpu.vector_store_idx %scatter3A_409[%add3A_398, %broadcast_in_dim3A_349], %get3A_405 : memref<64x129xf32, #tpu.memory_space<vmem>>[vector<16xi32>, vector<16xi32>], vector<16xf32>,
        %mul3A_410 = arith.constant 8 : i32
        %mul3A_411 = arith.muli %scan3A_283, %mul3A_410 : i32
        %add3A_412 = arith.constant 2 : i32
        %add3A_413 = arith.addi %mul3A_411, %add3A_412 : i32
        %broadcast_in_dim3A_414 = vector.broadcast %add3A_413 : i32 to vector<16xi32>
        %iota3A_415 = tpu.iota {dimensions = array<i32: 0>} : vector<16xi32>
        %add3A_416 = arith.constant 0 : i32
        %add3A_417 = vector.broadcast %add3A_416 : i32 to vector<16xi32>
        %add3A_418 = arith.addi %iota3A_415, %add3A_417 : vector<16xi32>
        %get3A_419 = arith.constant 0 : i32
        %get3A_420 = arith.constant 0 : i32
        %get3A_421 = tpu.memref_slice %arg6[%scan3A_204, %get3A_419, %get3A_420] : memref<4x128x64xf32, #tpu.memory_space<vmem>> -> memref<1x128x64xf32, #tpu.memory_space<vmem>>
        %get3A_422 = tpu.memref_squeeze %get3A_421 : memref<1x128x64xf32, #tpu.memory_space<vmem>> -> memref<128x64xf32, #tpu.memory_space<vmem>>
        %get3A_423 = arith.index_cast %add3A_413 : i32 to index
        %get3A_424 = arith.constant 0 : index
        %get3A_425 = tpu.vector_load %get3A_422[%get3A_423, %get3A_424] {strides = array<i32>} : memref<128x64xf32, #tpu.memory_space<vmem>>, vector<16xf32>,
        %scatter3A_426 = arith.constant 0 : i32
        %scatter3A_427 = arith.constant 0 : i32
        %scatter3A_428 = tpu.memref_slice %arg7[%scan3A_205, %scatter3A_426, %scatter3A_427] : memref<2x64x129xf32, #tpu.memory_space<vmem>> -> memref<1x64x129xf32, #tpu.memory_space<vmem>>
        %scatter3A_429 = tpu.memref_squeeze %scatter3A_428 : memref<1x64x129xf32, #tpu.memory_space<vmem>> -> memref<64x129xf32, #tpu.memory_space<vmem>>
        tpu.vector_store_idx %scatter3A_429[%add3A_418, %broadcast_in_dim3A_414], %get3A_425 : memref<64x129xf32, #tpu.memory_space<vmem>>[vector<16xi32>, vector<16xi32>], vector<16xf32>,
        %iota3A_430 = tpu.iota {dimensions = array<i32: 0>} : vector<16xi32>
        %add3A_431 = arith.constant 16 : i32
        %add3A_432 = vector.broadcast %add3A_431 : i32 to vector<16xi32>
        %add3A_433 = arith.addi %iota3A_430, %add3A_432 : vector<16xi32>
        %get3A_434 = arith.constant 0 : i32
        %get3A_435 = arith.constant 0 : i32
        %get3A_436 = tpu.memref_slice %arg6[%scan3A_204, %get3A_434, %get3A_435] : memref<4x128x64xf32, #tpu.memory_space<vmem>> -> memref<1x128x64xf32, #tpu.memory_space<vmem>>
        %get3A_437 = tpu.memref_squeeze %get3A_436 : memref<1x128x64xf32, #tpu.memory_space<vmem>> -> memref<128x64xf32, #tpu.memory_space<vmem>>
        %get3A_438 = arith.index_cast %add3A_413 : i32 to index
        %get3A_439 = arith.constant 16 : index
        %get3A_440 = tpu.vector_load %get3A_437[%get3A_438, %get3A_439] {strides = array<i32>} : memref<128x64xf32, #tpu.memory_space<vmem>>, vector<16xf32>,
        %scatter3A_441 = arith.constant 0 : i32
        %scatter3A_442 = arith.constant 0 : i32
        %scatter3A_443 = tpu.memref_slice %arg7[%scan3A_205, %scatter3A_441, %scatter3A_442] : memref<2x64x129xf32, #tpu.memory_space<vmem>> -> memref<1x64x129xf32, #tpu.memory_space<vmem>>
        %scatter3A_444 = tpu.memref_squeeze %scatter3A_443 : memref<1x64x129xf32, #tpu.memory_space<vmem>> -> memref<64x129xf32, #tpu.memory_space<vmem>>
        tpu.vector_store_idx %scatter3A_444[%add3A_433, %broadcast_in_dim3A_414], %get3A_440 : memref<64x129xf32, #tpu.memory_space<vmem>>[vector<16xi32>, vector<16xi32>], vector<16xf32>,
        %iota3A_445 = tpu.iota {dimensions = array<i32: 0>} : vector<16xi32>
        %add3A_446 = arith.constant 32 : i32
        %add3A_447 = vector.broadcast %add3A_446 : i32 to vector<16xi32>
        %add3A_448 = arith.addi %iota3A_445, %add3A_447 : vector<16xi32>
        %get3A_449 = arith.constant 0 : i32
        %get3A_450 = arith.constant 0 : i32
        %get3A_451 = tpu.memref_slice %arg6[%scan3A_204, %get3A_449, %get3A_450] : memref<4x128x64xf32, #tpu.memory_space<vmem>> -> memref<1x128x64xf32, #tpu.memory_space<vmem>>
        %get3A_452 = tpu.memref_squeeze %get3A_451 : memref<1x128x64xf32, #tpu.memory_space<vmem>> -> memref<128x64xf32, #tpu.memory_space<vmem>>
        %get3A_453 = arith.index_cast %add3A_413 : i32 to index
        %get3A_454 = arith.constant 32 : index
        %get3A_455 = tpu.vector_load %get3A_452[%get3A_453, %get3A_454] {strides = array<i32>} : memref<128x64xf32, #tpu.memory_space<vmem>>, vector<16xf32>,
        %scatter3A_456 = arith.constant 0 : i32
        %scatter3A_457 = arith.constant 0 : i32
        %scatter3A_458 = tpu.memref_slice %arg7[%scan3A_205, %scatter3A_456, %scatter3A_457] : memref<2x64x129xf32, #tpu.memory_space<vmem>> -> memref<1x64x129xf32, #tpu.memory_space<vmem>>
        %scatter3A_459 = tpu.memref_squeeze %scatter3A_458 : memref<1x64x129xf32, #tpu.memory_space<vmem>> -> memref<64x129xf32, #tpu.memory_space<vmem>>
        tpu.vector_store_idx %scatter3A_459[%add3A_448, %broadcast_in_dim3A_414], %get3A_455 : memref<64x129xf32, #tpu.memory_space<vmem>>[vector<16xi32>, vector<16xi32>], vector<16xf32>,
        %iota3A_460 = tpu.iota {dimensions = array<i32: 0>} : vector<16xi32>
        %add3A_461 = arith.constant 48 : i32
        %add3A_462 = vector.broadcast %add3A_461 : i32 to vector<16xi32>
        %add3A_463 = arith.addi %iota3A_460, %add3A_462 : vector<16xi32>
        %get3A_464 = arith.constant 0 : i32
        %get3A_465 = arith.constant 0 : i32
        %get3A_466 = tpu.memref_slice %arg6[%scan3A_204, %get3A_464, %get3A_465] : memref<4x128x64xf32, #tpu.memory_space<vmem>> -> memref<1x128x64xf32, #tpu.memory_space<vmem>>
        %get3A_467 = tpu.memref_squeeze %get3A_466 : memref<1x128x64xf32, #tpu.memory_space<vmem>> -> memref<128x64xf32, #tpu.memory_space<vmem>>
        %get3A_468 = arith.index_cast %add3A_413 : i32 to index
        %get3A_469 = arith.constant 48 : index
        %get3A_470 = tpu.vector_load %get3A_467[%get3A_468, %get3A_469] {strides = array<i32>} : memref<128x64xf32, #tpu.memory_space<vmem>>, vector<16xf32>,
        %scatter3A_471 = arith.constant 0 : i32
        %scatter3A_472 = arith.constant 0 : i32
        %scatter3A_473 = tpu.memref_slice %arg7[%scan3A_205, %scatter3A_471, %scatter3A_472] : memref<2x64x129xf32, #tpu.memory_space<vmem>> -> memref<1x64x129xf32, #tpu.memory_space<vmem>>
        %scatter3A_474 = tpu.memref_squeeze %scatter3A_473 : memref<1x64x129xf32, #tpu.memory_space<vmem>> -> memref<64x129xf32, #tpu.memory_space<vmem>>
        tpu.vector_store_idx %scatter3A_474[%add3A_463, %broadcast_in_dim3A_414], %get3A_470 : memref<64x129xf32, #tpu.memory_space<vmem>>[vector<16xi32>, vector<16xi32>], vector<16xf32>,
        %mul3A_475 = arith.constant 8 : i32
        %mul3A_476 = arith.muli %scan3A_283, %mul3A_475 : i32
        %add3A_477 = arith.constant 3 : i32
        %add3A_478 = arith.addi %mul3A_476, %add3A_477 : i32
        %broadcast_in_dim3A_479 = vector.broadcast %add3A_478 : i32 to vector<16xi32>
        %iota3A_480 = tpu.iota {dimensions = array<i32: 0>} : vector<16xi32>
        %add3A_481 = arith.constant 0 : i32
        %add3A_482 = vector.broadcast %add3A_481 : i32 to vector<16xi32>
        %add3A_483 = arith.addi %iota3A_480, %add3A_482 : vector<16xi32>
        %get3A_484 = arith.constant 0 : i32
        %get3A_485 = arith.constant 0 : i32
        %get3A_486 = tpu.memref_slice %arg6[%scan3A_204, %get3A_484, %get3A_485] : memref<4x128x64xf32, #tpu.memory_space<vmem>> -> memref<1x128x64xf32, #tpu.memory_space<vmem>>
        %get3A_487 = tpu.memref_squeeze %get3A_486 : memref<1x128x64xf32, #tpu.memory_space<vmem>> -> memref<128x64xf32, #tpu.memory_space<vmem>>
        %get3A_488 = arith.index_cast %add3A_478 : i32 to index
        %get3A_489 = arith.constant 0 : index
        %get3A_490 = tpu.vector_load %get3A_487[%get3A_488, %get3A_489] {strides = array<i32>} : memref<128x64xf32, #tpu.memory_space<vmem>>, vector<16xf32>,
        %scatter3A_491 = arith.constant 0 : i32
        %scatter3A_492 = arith.constant 0 : i32
        %scatter3A_493 = tpu.memref_slice %arg7[%scan3A_205, %scatter3A_491, %scatter3A_492] : memref<2x64x129xf32, #tpu.memory_space<vmem>> -> memref<1x64x129xf32, #tpu.memory_space<vmem>>
        %scatter3A_494 = tpu.memref_squeeze %scatter3A_493 : memref<1x64x129xf32, #tpu.memory_space<vmem>> -> memref<64x129xf32, #tpu.memory_space<vmem>>
        tpu.vector_store_idx %scatter3A_494[%add3A_483, %broadcast_in_dim3A_479], %get3A_490 : memref<64x129xf32, #tpu.memory_space<vmem>>[vector<16xi32>, vector<16xi32>], vector<16xf32>,
        %iota3A_495 = tpu.iota {dimensions = array<i32: 0>} : vector<16xi32>
        %add3A_496 = arith.constant 16 : i32
        %add3A_497 = vector.broadcast %add3A_496 : i32 to vector<16xi32>
        %add3A_498 = arith.addi %iota3A_495, %add3A_497 : vector<16xi32>
        %get3A_499 = arith.constant 0 : i32
        %get3A_500 = arith.constant 0 : i32
        %get3A_501 = tpu.memref_slice %arg6[%scan3A_204, %get3A_499, %get3A_500] : memref<4x128x64xf32, #tpu.memory_space<vmem>> -> memref<1x128x64xf32, #tpu.memory_space<vmem>>
        %get3A_502 = tpu.memref_squeeze %get3A_501 : memref<1x128x64xf32, #tpu.memory_space<vmem>> -> memref<128x64xf32, #tpu.memory_space<vmem>>
        %get3A_503 = arith.index_cast %add3A_478 : i32 to index
        %get3A_504 = arith.constant 16 : index
        %get3A_505 = tpu.vector_load %get3A_502[%get3A_503, %get3A_504] {strides = array<i32>} : memref<128x64xf32, #tpu.memory_space<vmem>>, vector<16xf32>,
        %scatter3A_506 = arith.constant 0 : i32
        %scatter3A_507 = arith.constant 0 : i32
        %scatter3A_508 = tpu.memref_slice %arg7[%scan3A_205, %scatter3A_506, %scatter3A_507] : memref<2x64x129xf32, #tpu.memory_space<vmem>> -> memref<1x64x129xf32, #tpu.memory_space<vmem>>
        %scatter3A_509 = tpu.memref_squeeze %scatter3A_508 : memref<1x64x129xf32, #tpu.memory_space<vmem>> -> memref<64x129xf32, #tpu.memory_space<vmem>>
        tpu.vector_store_idx %scatter3A_509[%add3A_498, %broadcast_in_dim3A_479], %get3A_505 : memref<64x129xf32, #tpu.memory_space<vmem>>[vector<16xi32>, vector<16xi32>], vector<16xf32>,
        %iota3A_510 = tpu.iota {dimensions = array<i32: 0>} : vector<16xi32>
        %add3A_511 = arith.constant 32 : i32
        %add3A_512 = vector.broadcast %add3A_511 : i32 to vector<16xi32>
        %add3A_513 = arith.addi %iota3A_510, %add3A_512 : vector<16xi32>
        %get3A_514 = arith.constant 0 : i32
        %get3A_515 = arith.constant 0 : i32
        %get3A_516 = tpu.memref_slice %arg6[%scan3A_204, %get3A_514, %get3A_515] : memref<4x128x64xf32, #tpu.memory_space<vmem>> -> memref<1x128x64xf32, #tpu.memory_space<vmem>>
        %get3A_517 = tpu.memref_squeeze %get3A_516 : memref<1x128x64xf32, #tpu.memory_space<vmem>> -> memref<128x64xf32, #tpu.memory_space<vmem>>
        %get3A_518 = arith.index_cast %add3A_478 : i32 to index
        %get3A_519 = arith.constant 32 : index
        %get3A_520 = tpu.vector_load %get3A_517[%get3A_518, %get3A_519] {strides = array<i32>} : memref<128x64xf32, #tpu.memory_space<vmem>>, vector<16xf32>,
        %scatter3A_521 = arith.constant 0 : i32
        %scatter3A_522 = arith.constant 0 : i32
        %scatter3A_523 = tpu.memref_slice %arg7[%scan3A_205, %scatter3A_521, %scatter3A_522] : memref<2x64x129xf32, #tpu.memory_space<vmem>> -> memref<1x64x129xf32, #tpu.memory_space<vmem>>
        %scatter3A_524 = tpu.memref_squeeze %scatter3A_523 : memref<1x64x129xf32, #tpu.memory_space<vmem>> -> memref<64x129xf32, #tpu.memory_space<vmem>>
        tpu.vector_store_idx %scatter3A_524[%add3A_513, %broadcast_in_dim3A_479], %get3A_520 : memref<64x129xf32, #tpu.memory_space<vmem>>[vector<16xi32>, vector<16xi32>], vector<16xf32>,
        %iota3A_525 = tpu.iota {dimensions = array<i32: 0>} : vector<16xi32>
        %add3A_526 = arith.constant 48 : i32
        %add3A_527 = vector.broadcast %add3A_526 : i32 to vector<16xi32>
        %add3A_528 = arith.addi %iota3A_525, %add3A_527 : vector<16xi32>
        %get3A_529 = arith.constant 0 : i32
        %get3A_530 = arith.constant 0 : i32
        %get3A_531 = tpu.memref_slice %arg6[%scan3A_204, %get3A_529, %get3A_530] : memref<4x128x64xf32, #tpu.memory_space<vmem>> -> memref<1x128x64xf32, #tpu.memory_space<vmem>>
        %get3A_532 = tpu.memref_squeeze %get3A_531 : memref<1x128x64xf32, #tpu.memory_space<vmem>> -> memref<128x64xf32, #tpu.memory_space<vmem>>
        %get3A_533 = arith.index_cast %add3A_478 : i32 to index
        %get3A_534 = arith.constant 48 : index
        %get3A_535 = tpu.vector_load %get3A_532[%get3A_533, %get3A_534] {strides = array<i32>} : memref<128x64xf32, #tpu.memory_space<vmem>>, vector<16xf32>,
        %scatter3A_536 = arith.constant 0 : i32
        %scatter3A_537 = arith.constant 0 : i32
        %scatter3A_538 = tpu.memref_slice %arg7[%scan3A_205, %scatter3A_536, %scatter3A_537] : memref<2x64x129xf32, #tpu.memory_space<vmem>> -> memref<1x64x129xf32, #tpu.memory_space<vmem>>
        %scatter3A_539 = tpu.memref_squeeze %scatter3A_538 : memref<1x64x129xf32, #tpu.memory_space<vmem>> -> memref<64x129xf32, #tpu.memory_space<vmem>>
        tpu.vector_store_idx %scatter3A_539[%add3A_528, %broadcast_in_dim3A_479], %get3A_535 : memref<64x129xf32, #tpu.memory_space<vmem>>[vector<16xi32>, vector<16xi32>], vector<16xf32>,
        %mul3A_540 = arith.constant 8 : i32
        %mul3A_541 = arith.muli %scan3A_283, %mul3A_540 : i32
        %add3A_542 = arith.constant 4 : i32
        %add3A_543 = arith.addi %mul3A_541, %add3A_542 : i32
        %broadcast_in_dim3A_544 = vector.broadcast %add3A_543 : i32 to vector<16xi32>
        %iota3A_545 = tpu.iota {dimensions = array<i32: 0>} : vector<16xi32>
        %add3A_546 = arith.constant 0 : i32
        %add3A_547 = vector.broadcast %add3A_546 : i32 to vector<16xi32>
        %add3A_548 = arith.addi %iota3A_545, %add3A_547 : vector<16xi32>
        %get3A_549 = arith.constant 0 : i32
        %get3A_550 = arith.constant 0 : i32
        %get3A_551 = tpu.memref_slice %arg6[%scan3A_204, %get3A_549, %get3A_550] : memref<4x128x64xf32, #tpu.memory_space<vmem>> -> memref<1x128x64xf32, #tpu.memory_space<vmem>>
        %get3A_552 = tpu.memref_squeeze %get3A_551 : memref<1x128x64xf32, #tpu.memory_space<vmem>> -> memref<128x64xf32, #tpu.memory_space<vmem>>
        %get3A_553 = arith.index_cast %add3A_543 : i32 to index
        %get3A_554 = arith.constant 0 : index
        %get3A_555 = tpu.vector_load %get3A_552[%get3A_553, %get3A_554] {strides = array<i32>} : memref<128x64xf32, #tpu.memory_space<vmem>>, vector<16xf32>,
        %scatter3A_556 = arith.constant 0 : i32
        %scatter3A_557 = arith.constant 0 : i32
        %scatter3A_558 = tpu.memref_slice %arg7[%scan3A_205, %scatter3A_556, %scatter3A_557] : memref<2x64x129xf32, #tpu.memory_space<vmem>> -> memref<1x64x129xf32, #tpu.memory_space<vmem>>
        %scatter3A_559 = tpu.memref_squeeze %scatter3A_558 : memref<1x64x129xf32, #tpu.memory_space<vmem>> -> memref<64x129xf32, #tpu.memory_space<vmem>>
        tpu.vector_store_idx %scatter3A_559[%add3A_548, %broadcast_in_dim3A_544], %get3A_555 : memref<64x129xf32, #tpu.memory_space<vmem>>[vector<16xi32>, vector<16xi32>], vector<16xf32>,
        %iota3A_560 = tpu.iota {dimensions = array<i32: 0>} : vector<16xi32>
        %add3A_561 = arith.constant 16 : i32
        %add3A_562 = vector.broadcast %add3A_561 : i32 to vector<16xi32>
        %add3A_563 = arith.addi %iota3A_560, %add3A_562 : vector<16xi32>
        %get3A_564 = arith.constant 0 : i32
        %get3A_565 = arith.constant 0 : i32
        %get3A_566 = tpu.memref_slice %arg6[%scan3A_204, %get3A_564, %get3A_565] : memref<4x128x64xf32, #tpu.memory_space<vmem>> -> memref<1x128x64xf32, #tpu.memory_space<vmem>>
        %get3A_567 = tpu.memref_squeeze %get3A_566 : memref<1x128x64xf32, #tpu.memory_space<vmem>> -> memref<128x64xf32, #tpu.memory_space<vmem>>
        %get3A_568 = arith.index_cast %add3A_543 : i32 to index
        %get3A_569 = arith.constant 16 : index
        %get3A_570 = tpu.vector_load %get3A_567[%get3A_568, %get3A_569] {strides = array<i32>} : memref<128x64xf32, #tpu.memory_space<vmem>>, vector<16xf32>,
        %scatter3A_571 = arith.constant 0 : i32
        %scatter3A_572 = arith.constant 0 : i32
        %scatter3A_573 = tpu.memref_slice %arg7[%scan3A_205, %scatter3A_571, %scatter3A_572] : memref<2x64x129xf32, #tpu.memory_space<vmem>> -> memref<1x64x129xf32, #tpu.memory_space<vmem>>
        %scatter3A_574 = tpu.memref_squeeze %scatter3A_573 : memref<1x64x129xf32, #tpu.memory_space<vmem>> -> memref<64x129xf32, #tpu.memory_space<vmem>>
        tpu.vector_store_idx %scatter3A_574[%add3A_563, %broadcast_in_dim3A_544], %get3A_570 : memref<64x129xf32, #tpu.memory_space<vmem>>[vector<16xi32>, vector<16xi32>], vector<16xf32>,
        %iota3A_575 = tpu.iota {dimensions = array<i32: 0>} : vector<16xi32>
        %add3A_576 = arith.constant 32 : i32
        %add3A_577 = vector.broadcast %add3A_576 : i32 to vector<16xi32>
        %add3A_578 = arith.addi %iota3A_575, %add3A_577 : vector<16xi32>
        %get3A_579 = arith.constant 0 : i32
        %get3A_580 = arith.constant 0 : i32
        %get3A_581 = tpu.memref_slice %arg6[%scan3A_204, %get3A_579, %get3A_580] : memref<4x128x64xf32, #tpu.memory_space<vmem>> -> memref<1x128x64xf32, #tpu.memory_space<vmem>>
        %get3A_582 = tpu.memref_squeeze %get3A_581 : memref<1x128x64xf32, #tpu.memory_space<vmem>> -> memref<128x64xf32, #tpu.memory_space<vmem>>
        %get3A_583 = arith.index_cast %add3A_543 : i32 to index
        %get3A_584 = arith.constant 32 : index
        %get3A_585 = tpu.vector_load %get3A_582[%get3A_583, %get3A_584] {strides = array<i32>} : memref<128x64xf32, #tpu.memory_space<vmem>>, vector<16xf32>,
        %scatter3A_586 = arith.constant 0 : i32
        %scatter3A_587 = arith.constant 0 : i32
        %scatter3A_588 = tpu.memref_slice %arg7[%scan3A_205, %scatter3A_586, %scatter3A_587] : memref<2x64x129xf32, #tpu.memory_space<vmem>> -> memref<1x64x129xf32, #tpu.memory_space<vmem>>
        %scatter3A_589 = tpu.memref_squeeze %scatter3A_588 : memref<1x64x129xf32, #tpu.memory_space<vmem>> -> memref<64x129xf32, #tpu.memory_space<vmem>>
        tpu.vector_store_idx %scatter3A_589[%add3A_578, %broadcast_in_dim3A_544], %get3A_585 : memref<64x129xf32, #tpu.memory_space<vmem>>[vector<16xi32>, vector<16xi32>], vector<16xf32>,
        %iota3A_590 = tpu.iota {dimensions = array<i32: 0>} : vector<16xi32>
        %add3A_591 = arith.constant 48 : i32
        %add3A_592 = vector.broadcast %add3A_591 : i32 to vector<16xi32>
        %add3A_593 = arith.addi %iota3A_590, %add3A_592 : vector<16xi32>
        %get3A_594 = arith.constant 0 : i32
        %get3A_595 = arith.constant 0 : i32
        %get3A_596 = tpu.memref_slice %arg6[%scan3A_204, %get3A_594, %get3A_595] : memref<4x128x64xf32, #tpu.memory_space<vmem>> -> memref<1x128x64xf32, #tpu.memory_space<vmem>>
        %get3A_597 = tpu.memref_squeeze %get3A_596 : memref<1x128x64xf32, #tpu.memory_space<vmem>> -> memref<128x64xf32, #tpu.memory_space<vmem>>
        %get3A_598 = arith.index_cast %add3A_543 : i32 to index
        %get3A_599 = arith.constant 48 : index
        %get3A_600 = tpu.vector_load %get3A_597[%get3A_598, %get3A_599] {strides = array<i32>} : memref<128x64xf32, #tpu.memory_space<vmem>>, vector<16xf32>,
        %scatter3A_601 = arith.constant 0 : i32
        %scatter3A_602 = arith.constant 0 : i32
        %scatter3A_603 = tpu.memref_slice %arg7[%scan3A_205, %scatter3A_601, %scatter3A_602] : memref<2x64x129xf32, #tpu.memory_space<vmem>> -> memref<1x64x129xf32, #tpu.memory_space<vmem>>
        %scatter3A_604 = tpu.memref_squeeze %scatter3A_603 : memref<1x64x129xf32, #tpu.memory_space<vmem>> -> memref<64x129xf32, #tpu.memory_space<vmem>>
        tpu.vector_store_idx %scatter3A_604[%add3A_593, %broadcast_in_dim3A_544], %get3A_600 : memref<64x129xf32, #tpu.memory_space<vmem>>[vector<16xi32>, vector<16xi32>], vector<16xf32>,
        %mul3A_605 = arith.constant 8 : i32
        %mul3A_606 = arith.muli %scan3A_283, %mul3A_605 : i32
        %add3A_607 = arith.constant 5 : i32
        %add3A_608 = arith.addi %mul3A_606, %add3A_607 : i32
        %broadcast_in_dim3A_609 = vector.broadcast %add3A_608 : i32 to vector<16xi32>
        %iota3A_610 = tpu.iota {dimensions = array<i32: 0>} : vector<16xi32>
        %add3A_611 = arith.constant 0 : i32
        %add3A_612 = vector.broadcast %add3A_611 : i32 to vector<16xi32>
        %add3A_613 = arith.addi %iota3A_610, %add3A_612 : vector<16xi32>
        %get3A_614 = arith.constant 0 : i32
        %get3A_615 = arith.constant 0 : i32
        %get3A_616 = tpu.memref_slice %arg6[%scan3A_204, %get3A_614, %get3A_615] : memref<4x128x64xf32, #tpu.memory_space<vmem>> -> memref<1x128x64xf32, #tpu.memory_space<vmem>>
        %get3A_617 = tpu.memref_squeeze %get3A_616 : memref<1x128x64xf32, #tpu.memory_space<vmem>> -> memref<128x64xf32, #tpu.memory_space<vmem>>
        %get3A_618 = arith.index_cast %add3A_608 : i32 to index
        %get3A_619 = arith.constant 0 : index
        %get3A_620 = tpu.vector_load %get3A_617[%get3A_618, %get3A_619] {strides = array<i32>} : memref<128x64xf32, #tpu.memory_space<vmem>>, vector<16xf32>,
        %scatter3A_621 = arith.constant 0 : i32
        %scatter3A_622 = arith.constant 0 : i32
        %scatter3A_623 = tpu.memref_slice %arg7[%scan3A_205, %scatter3A_621, %scatter3A_622] : memref<2x64x129xf32, #tpu.memory_space<vmem>> -> memref<1x64x129xf32, #tpu.memory_space<vmem>>
        %scatter3A_624 = tpu.memref_squeeze %scatter3A_623 : memref<1x64x129xf32, #tpu.memory_space<vmem>> -> memref<64x129xf32, #tpu.memory_space<vmem>>
        tpu.vector_store_idx %scatter3A_624[%add3A_613, %broadcast_in_dim3A_609], %get3A_620 : memref<64x129xf32, #tpu.memory_space<vmem>>[vector<16xi32>, vector<16xi32>], vector<16xf32>,
        %iota3A_625 = tpu.iota {dimensions = array<i32: 0>} : vector<16xi32>
        %add3A_626 = arith.constant 16 : i32
        %add3A_627 = vector.broadcast %add3A_626 : i32 to vector<16xi32>
        %add3A_628 = arith.addi %iota3A_625, %add3A_627 : vector<16xi32>
        %get3A_629 = arith.constant 0 : i32
        %get3A_630 = arith.constant 0 : i32
        %get3A_631 = tpu.memref_slice %arg6[%scan3A_204, %get3A_629, %get3A_630] : memref<4x128x64xf32, #tpu.memory_space<vmem>> -> memref<1x128x64xf32, #tpu.memory_space<vmem>>
        %get3A_632 = tpu.memref_squeeze %get3A_631 : memref<1x128x64xf32, #tpu.memory_space<vmem>> -> memref<128x64xf32, #tpu.memory_space<vmem>>
        %get3A_633 = arith.index_cast %add3A_608 : i32 to index
        %get3A_634 = arith.constant 16 : index
        %get3A_635 = tpu.vector_load %get3A_632[%get3A_633, %get3A_634] {strides = array<i32>} : memref<128x64xf32, #tpu.memory_space<vmem>>, vector<16xf32>,
        %scatter3A_636 = arith.constant 0 : i32
        %scatter3A_637 = arith.constant 0 : i32
        %scatter3A_638 = tpu.memref_slice %arg7[%scan3A_205, %scatter3A_636, %scatter3A_637] : memref<2x64x129xf32, #tpu.memory_space<vmem>> -> memref<1x64x129xf32, #tpu.memory_space<vmem>>
        %scatter3A_639 = tpu.memref_squeeze %scatter3A_638 : memref<1x64x129xf32, #tpu.memory_space<vmem>> -> memref<64x129xf32, #tpu.memory_space<vmem>>
        tpu.vector_store_idx %scatter3A_639[%add3A_628, %broadcast_in_dim3A_609], %get3A_635 : memref<64x129xf32, #tpu.memory_space<vmem>>[vector<16xi32>, vector<16xi32>], vector<16xf32>,
        %iota3A_640 = tpu.iota {dimensions = array<i32: 0>} : vector<16xi32>
        %add3A_641 = arith.constant 32 : i32
        %add3A_642 = vector.broadcast %add3A_641 : i32 to vector<16xi32>
        %add3A_643 = arith.addi %iota3A_640, %add3A_642 : vector<16xi32>
        %get3A_644 = arith.constant 0 : i32
        %get3A_645 = arith.constant 0 : i32
        %get3A_646 = tpu.memref_slice %arg6[%scan3A_204, %get3A_644, %get3A_645] : memref<4x128x64xf32, #tpu.memory_space<vmem>> -> memref<1x128x64xf32, #tpu.memory_space<vmem>>
        %get3A_647 = tpu.memref_squeeze %get3A_646 : memref<1x128x64xf32, #tpu.memory_space<vmem>> -> memref<128x64xf32, #tpu.memory_space<vmem>>
        %get3A_648 = arith.index_cast %add3A_608 : i32 to index
        %get3A_649 = arith.constant 32 : index
        %get3A_650 = tpu.vector_load %get3A_647[%get3A_648, %get3A_649] {strides = array<i32>} : memref<128x64xf32, #tpu.memory_space<vmem>>, vector<16xf32>,
        %scatter3A_651 = arith.constant 0 : i32
        %scatter3A_652 = arith.constant 0 : i32
        %scatter3A_653 = tpu.memref_slice %arg7[%scan3A_205, %scatter3A_651, %scatter3A_652] : memref<2x64x129xf32, #tpu.memory_space<vmem>> -> memref<1x64x129xf32, #tpu.memory_space<vmem>>
        %scatter3A_654 = tpu.memref_squeeze %scatter3A_653 : memref<1x64x129xf32, #tpu.memory_space<vmem>> -> memref<64x129xf32, #tpu.memory_space<vmem>>
        tpu.vector_store_idx %scatter3A_654[%add3A_643, %broadcast_in_dim3A_609], %get3A_650 : memref<64x129xf32, #tpu.memory_space<vmem>>[vector<16xi32>, vector<16xi32>], vector<16xf32>,
        %iota3A_655 = tpu.iota {dimensions = array<i32: 0>} : vector<16xi32>
        %add3A_656 = arith.constant 48 : i32
        %add3A_657 = vector.broadcast %add3A_656 : i32 to vector<16xi32>
        %add3A_658 = arith.addi %iota3A_655, %add3A_657 : vector<16xi32>
        %get3A_659 = arith.constant 0 : i32
        %get3A_660 = arith.constant 0 : i32
        %get3A_661 = tpu.memref_slice %arg6[%scan3A_204, %get3A_659, %get3A_660] : memref<4x128x64xf32, #tpu.memory_space<vmem>> -> memref<1x128x64xf32, #tpu.memory_space<vmem>>
        %get3A_662 = tpu.memref_squeeze %get3A_661 : memref<1x128x64xf32, #tpu.memory_space<vmem>> -> memref<128x64xf32, #tpu.memory_space<vmem>>
        %get3A_663 = arith.index_cast %add3A_608 : i32 to index
        %get3A_664 = arith.constant 48 : index
        %get3A_665 = tpu.vector_load %get3A_662[%get3A_663, %get3A_664] {strides = array<i32>} : memref<128x64xf32, #tpu.memory_space<vmem>>, vector<16xf32>,
        %scatter3A_666 = arith.constant 0 : i32
        %scatter3A_667 = arith.constant 0 : i32
        %scatter3A_668 = tpu.memref_slice %arg7[%scan3A_205, %scatter3A_666, %scatter3A_667] : memref<2x64x129xf32, #tpu.memory_space<vmem>> -> memref<1x64x129xf32, #tpu.memory_space<vmem>>
        %scatter3A_669 = tpu.memref_squeeze %scatter3A_668 : memref<1x64x129xf32, #tpu.memory_space<vmem>> -> memref<64x129xf32, #tpu.memory_space<vmem>>
        tpu.vector_store_idx %scatter3A_669[%add3A_658, %broadcast_in_dim3A_609], %get3A_665 : memref<64x129xf32, #tpu.memory_space<vmem>>[vector<16xi32>, vector<16xi32>], vector<16xf32>,
        %mul3A_670 = arith.constant 8 : i32
        %mul3A_671 = arith.muli %scan3A_283, %mul3A_670 : i32
        %add3A_672 = arith.constant 6 : i32
        %add3A_673 = arith.addi %mul3A_671, %add3A_672 : i32
        %broadcast_in_dim3A_674 = vector.broadcast %add3A_673 : i32 to vector<16xi32>
        %iota3A_675 = tpu.iota {dimensions = array<i32: 0>} : vector<16xi32>
        %add3A_676 = arith.constant 0 : i32
        %add3A_677 = vector.broadcast %add3A_676 : i32 to vector<16xi32>
        %add3A_678 = arith.addi %iota3A_675, %add3A_677 : vector<16xi32>
        %get3A_679 = arith.constant 0 : i32
        %get3A_680 = arith.constant 0 : i32
        %get3A_681 = tpu.memref_slice %arg6[%scan3A_204, %get3A_679, %get3A_680] : memref<4x128x64xf32, #tpu.memory_space<vmem>> -> memref<1x128x64xf32, #tpu.memory_space<vmem>>
        %get3A_682 = tpu.memref_squeeze %get3A_681 : memref<1x128x64xf32, #tpu.memory_space<vmem>> -> memref<128x64xf32, #tpu.memory_space<vmem>>
        %get3A_683 = arith.index_cast %add3A_673 : i32 to index
        %get3A_684 = arith.constant 0 : index
        %get3A_685 = tpu.vector_load %get3A_682[%get3A_683, %get3A_684] {strides = array<i32>} : memref<128x64xf32, #tpu.memory_space<vmem>>, vector<16xf32>,
        %scatter3A_686 = arith.constant 0 : i32
        %scatter3A_687 = arith.constant 0 : i32
        %scatter3A_688 = tpu.memref_slice %arg7[%scan3A_205, %scatter3A_686, %scatter3A_687] : memref<2x64x129xf32, #tpu.memory_space<vmem>> -> memref<1x64x129xf32, #tpu.memory_space<vmem>>
        %scatter3A_689 = tpu.memref_squeeze %scatter3A_688 : memref<1x64x129xf32, #tpu.memory_space<vmem>> -> memref<64x129xf32, #tpu.memory_space<vmem>>
        tpu.vector_store_idx %scatter3A_689[%add3A_678, %broadcast_in_dim3A_674], %get3A_685 : memref<64x129xf32, #tpu.memory_space<vmem>>[vector<16xi32>, vector<16xi32>], vector<16xf32>,
        %iota3A_690 = tpu.iota {dimensions = array<i32: 0>} : vector<16xi32>
        %add3A_691 = arith.constant 16 : i32
        %add3A_692 = vector.broadcast %add3A_691 : i32 to vector<16xi32>
        %add3A_693 = arith.addi %iota3A_690, %add3A_692 : vector<16xi32>
        %get3A_694 = arith.constant 0 : i32
        %get3A_695 = arith.constant 0 : i32
        %get3A_696 = tpu.memref_slice %arg6[%scan3A_204, %get3A_694, %get3A_695] : memref<4x128x64xf32, #tpu.memory_space<vmem>> -> memref<1x128x64xf32, #tpu.memory_space<vmem>>
        %get3A_697 = tpu.memref_squeeze %get3A_696 : memref<1x128x64xf32, #tpu.memory_space<vmem>> -> memref<128x64xf32, #tpu.memory_space<vmem>>
        %get3A_698 = arith.index_cast %add3A_673 : i32 to index
        %get3A_699 = arith.constant 16 : index
        %get3A_700 = tpu.vector_load %get3A_697[%get3A_698, %get3A_699] {strides = array<i32>} : memref<128x64xf32, #tpu.memory_space<vmem>>, vector<16xf32>,
        %scatter3A_701 = arith.constant 0 : i32
        %scatter3A_702 = arith.constant 0 : i32
        %scatter3A_703 = tpu.memref_slice %arg7[%scan3A_205, %scatter3A_701, %scatter3A_702] : memref<2x64x129xf32, #tpu.memory_space<vmem>> -> memref<1x64x129xf32, #tpu.memory_space<vmem>>
        %scatter3A_704 = tpu.memref_squeeze %scatter3A_703 : memref<1x64x129xf32, #tpu.memory_space<vmem>> -> memref<64x129xf32, #tpu.memory_space<vmem>>
        tpu.vector_store_idx %scatter3A_704[%add3A_693, %broadcast_in_dim3A_674], %get3A_700 : memref<64x129xf32, #tpu.memory_space<vmem>>[vector<16xi32>, vector<16xi32>], vector<16xf32>,
        %iota3A_705 = tpu.iota {dimensions = array<i32: 0>} : vector<16xi32>
        %add3A_706 = arith.constant 32 : i32
        %add3A_707 = vector.broadcast %add3A_706 : i32 to vector<16xi32>
        %add3A_708 = arith.addi %iota3A_705, %add3A_707 : vector<16xi32>
        %get3A_709 = arith.constant 0 : i32
        %get3A_710 = arith.constant 0 : i32
        %get3A_711 = tpu.memref_slice %arg6[%scan3A_204, %get3A_709, %get3A_710] : memref<4x128x64xf32, #tpu.memory_space<vmem>> -> memref<1x128x64xf32, #tpu.memory_space<vmem>>
        %get3A_712 = tpu.memref_squeeze %get3A_711 : memref<1x128x64xf32, #tpu.memory_space<vmem>> -> memref<128x64xf32, #tpu.memory_space<vmem>>
        %get3A_713 = arith.index_cast %add3A_673 : i32 to index
        %get3A_714 = arith.constant 32 : index
        %get3A_715 = tpu.vector_load %get3A_712[%get3A_713, %get3A_714] {strides = array<i32>} : memref<128x64xf32, #tpu.memory_space<vmem>>, vector<16xf32>,
        %scatter3A_716 = arith.constant 0 : i32
        %scatter3A_717 = arith.constant 0 : i32
        %scatter3A_718 = tpu.memref_slice %arg7[%scan3A_205, %scatter3A_716, %scatter3A_717] : memref<2x64x129xf32, #tpu.memory_space<vmem>> -> memref<1x64x129xf32, #tpu.memory_space<vmem>>
        %scatter3A_719 = tpu.memref_squeeze %scatter3A_718 : memref<1x64x129xf32, #tpu.memory_space<vmem>> -> memref<64x129xf32, #tpu.memory_space<vmem>>
        tpu.vector_store_idx %scatter3A_719[%add3A_708, %broadcast_in_dim3A_674], %get3A_715 : memref<64x129xf32, #tpu.memory_space<vmem>>[vector<16xi32>, vector<16xi32>], vector<16xf32>,
        %iota3A_720 = tpu.iota {dimensions = array<i32: 0>} : vector<16xi32>
        %add3A_721 = arith.constant 48 : i32
        %add3A_722 = vector.broadcast %add3A_721 : i32 to vector<16xi32>
        %add3A_723 = arith.addi %iota3A_720, %add3A_722 : vector<16xi32>
        %get3A_724 = arith.constant 0 : i32
        %get3A_725 = arith.constant 0 : i32
        %get3A_726 = tpu.memref_slice %arg6[%scan3A_204, %get3A_724, %get3A_725] : memref<4x128x64xf32, #tpu.memory_space<vmem>> -> memref<1x128x64xf32, #tpu.memory_space<vmem>>
        %get3A_727 = tpu.memref_squeeze %get3A_726 : memref<1x128x64xf32, #tpu.memory_space<vmem>> -> memref<128x64xf32, #tpu.memory_space<vmem>>
        %get3A_728 = arith.index_cast %add3A_673 : i32 to index
        %get3A_729 = arith.constant 48 : index
        %get3A_730 = tpu.vector_load %get3A_727[%get3A_728, %get3A_729] {strides = array<i32>} : memref<128x64xf32, #tpu.memory_space<vmem>>, vector<16xf32>,
        %scatter3A_731 = arith.constant 0 : i32
        %scatter3A_732 = arith.constant 0 : i32
        %scatter3A_733 = tpu.memref_slice %arg7[%scan3A_205, %scatter3A_731, %scatter3A_732] : memref<2x64x129xf32, #tpu.memory_space<vmem>> -> memref<1x64x129xf32, #tpu.memory_space<vmem>>
        %scatter3A_734 = tpu.memref_squeeze %scatter3A_733 : memref<1x64x129xf32, #tpu.memory_space<vmem>> -> memref<64x129xf32, #tpu.memory_space<vmem>>
        tpu.vector_store_idx %scatter3A_734[%add3A_723, %broadcast_in_dim3A_674], %get3A_730 : memref<64x129xf32, #tpu.memory_space<vmem>>[vector<16xi32>, vector<16xi32>], vector<16xf32>,
        %mul3A_735 = arith.constant 8 : i32
        %mul3A_736 = arith.muli %scan3A_283, %mul3A_735 : i32
        %add3A_737 = arith.constant 7 : i32
        %add3A_738 = arith.addi %mul3A_736, %add3A_737 : i32
        %broadcast_in_dim3A_739 = vector.broadcast %add3A_738 : i32 to vector<16xi32>
        %iota3A_740 = tpu.iota {dimensions = array<i32: 0>} : vector<16xi32>
        %add3A_741 = arith.constant 0 : i32
        %add3A_742 = vector.broadcast %add3A_741 : i32 to vector<16xi32>
        %add3A_743 = arith.addi %iota3A_740, %add3A_742 : vector<16xi32>
        %get3A_744 = arith.constant 0 : i32
        %get3A_745 = arith.constant 0 : i32
        %get3A_746 = tpu.memref_slice %arg6[%scan3A_204, %get3A_744, %get3A_745] : memref<4x128x64xf32, #tpu.memory_space<vmem>> -> memref<1x128x64xf32, #tpu.memory_space<vmem>>
        %get3A_747 = tpu.memref_squeeze %get3A_746 : memref<1x128x64xf32, #tpu.memory_space<vmem>> -> memref<128x64xf32, #tpu.memory_space<vmem>>
        %get3A_748 = arith.index_cast %add3A_738 : i32 to index
        %get3A_749 = arith.constant 0 : index
        %get3A_750 = tpu.vector_load %get3A_747[%get3A_748, %get3A_749] {strides = array<i32>} : memref<128x64xf32, #tpu.memory_space<vmem>>, vector<16xf32>,
        %scatter3A_751 = arith.constant 0 : i32
        %scatter3A_752 = arith.constant 0 : i32
        %scatter3A_753 = tpu.memref_slice %arg7[%scan3A_205, %scatter3A_751, %scatter3A_752] : memref<2x64x129xf32, #tpu.memory_space<vmem>> -> memref<1x64x129xf32, #tpu.memory_space<vmem>>
        %scatter3A_754 = tpu.memref_squeeze %scatter3A_753 : memref<1x64x129xf32, #tpu.memory_space<vmem>> -> memref<64x129xf32, #tpu.memory_space<vmem>>
        tpu.vector_store_idx %scatter3A_754[%add3A_743, %broadcast_in_dim3A_739], %get3A_750 : memref<64x129xf32, #tpu.memory_space<vmem>>[vector<16xi32>, vector<16xi32>], vector<16xf32>,
        %iota3A_755 = tpu.iota {dimensions = array<i32: 0>} : vector<16xi32>
        %add3A_756 = arith.constant 16 : i32
        %add3A_757 = vector.broadcast %add3A_756 : i32 to vector<16xi32>
        %add3A_758 = arith.addi %iota3A_755, %add3A_757 : vector<16xi32>
        %get3A_759 = arith.constant 0 : i32
        %get3A_760 = arith.constant 0 : i32
        %get3A_761 = tpu.memref_slice %arg6[%scan3A_204, %get3A_759, %get3A_760] : memref<4x128x64xf32, #tpu.memory_space<vmem>> -> memref<1x128x64xf32, #tpu.memory_space<vmem>>
        %get3A_762 = tpu.memref_squeeze %get3A_761 : memref<1x128x64xf32, #tpu.memory_space<vmem>> -> memref<128x64xf32, #tpu.memory_space<vmem>>
        %get3A_763 = arith.index_cast %add3A_738 : i32 to index
        %get3A_764 = arith.constant 16 : index
        %get3A_765 = tpu.vector_load %get3A_762[%get3A_763, %get3A_764] {strides = array<i32>} : memref<128x64xf32, #tpu.memory_space<vmem>>, vector<16xf32>,
        %scatter3A_766 = arith.constant 0 : i32
        %scatter3A_767 = arith.constant 0 : i32
        %scatter3A_768 = tpu.memref_slice %arg7[%scan3A_205, %scatter3A_766, %scatter3A_767] : memref<2x64x129xf32, #tpu.memory_space<vmem>> -> memref<1x64x129xf32, #tpu.memory_space<vmem>>
        %scatter3A_769 = tpu.memref_squeeze %scatter3A_768 : memref<1x64x129xf32, #tpu.memory_space<vmem>> -> memref<64x129xf32, #tpu.memory_space<vmem>>
        tpu.vector_store_idx %scatter3A_769[%add3A_758, %broadcast_in_dim3A_739], %get3A_765 : memref<64x129xf32, #tpu.memory_space<vmem>>[vector<16xi32>, vector<16xi32>], vector<16xf32>,
        %iota3A_770 = tpu.iota {dimensions = array<i32: 0>} : vector<16xi32>
        %add3A_771 = arith.constant 32 : i32
        %add3A_772 = vector.broadcast %add3A_771 : i32 to vector<16xi32>
        %add3A_773 = arith.addi %iota3A_770, %add3A_772 : vector<16xi32>
        %get3A_774 = arith.constant 0 : i32
        %get3A_775 = arith.constant 0 : i32
        %get3A_776 = tpu.memref_slice %arg6[%scan3A_204, %get3A_774, %get3A_775] : memref<4x128x64xf32, #tpu.memory_space<vmem>> -> memref<1x128x64xf32, #tpu.memory_space<vmem>>
        %get3A_777 = tpu.memref_squeeze %get3A_776 : memref<1x128x64xf32, #tpu.memory_space<vmem>> -> memref<128x64xf32, #tpu.memory_space<vmem>>
        %get3A_778 = arith.index_cast %add3A_738 : i32 to index
        %get3A_779 = arith.constant 32 : index
        %get3A_780 = tpu.vector_load %get3A_777[%get3A_778, %get3A_779] {strides = array<i32>} : memref<128x64xf32, #tpu.memory_space<vmem>>, vector<16xf32>,
        %scatter3A_781 = arith.constant 0 : i32
        %scatter3A_782 = arith.constant 0 : i32
        %scatter3A_783 = tpu.memref_slice %arg7[%scan3A_205, %scatter3A_781, %scatter3A_782] : memref<2x64x129xf32, #tpu.memory_space<vmem>> -> memref<1x64x129xf32, #tpu.memory_space<vmem>>
        %scatter3A_784 = tpu.memref_squeeze %scatter3A_783 : memref<1x64x129xf32, #tpu.memory_space<vmem>> -> memref<64x129xf32, #tpu.memory_space<vmem>>
        tpu.vector_store_idx %scatter3A_784[%add3A_773, %broadcast_in_dim3A_739], %get3A_780 : memref<64x129xf32, #tpu.memory_space<vmem>>[vector<16xi32>, vector<16xi32>], vector<16xf32>,
        %iota3A_785 = tpu.iota {dimensions = array<i32: 0>} : vector<16xi32>
        %add3A_786 = arith.constant 48 : i32
        %add3A_787 = vector.broadcast %add3A_786 : i32 to vector<16xi32>
        %add3A_788 = arith.addi %iota3A_785, %add3A_787 : vector<16xi32>
        %get3A_789 = arith.constant 0 : i32
        %get3A_790 = arith.constant 0 : i32
        %get3A_791 = tpu.memref_slice %arg6[%scan3A_204, %get3A_789, %get3A_790] : memref<4x128x64xf32, #tpu.memory_space<vmem>> -> memref<1x128x64xf32, #tpu.memory_space<vmem>>
        %get3A_792 = tpu.memref_squeeze %get3A_791 : memref<1x128x64xf32, #tpu.memory_space<vmem>> -> memref<128x64xf32, #tpu.memory_space<vmem>>
        %get3A_793 = arith.index_cast %add3A_738 : i32 to index
        %get3A_794 = arith.constant 48 : index
        %get3A_795 = tpu.vector_load %get3A_792[%get3A_793, %get3A_794] {strides = array<i32>} : memref<128x64xf32, #tpu.memory_space<vmem>>, vector<16xf32>,
        %scatter3A_796 = arith.constant 0 : i32
        %scatter3A_797 = arith.constant 0 : i32
        %scatter3A_798 = tpu.memref_slice %arg7[%scan3A_205, %scatter3A_796, %scatter3A_797] : memref<2x64x129xf32, #tpu.memory_space<vmem>> -> memref<1x64x129xf32, #tpu.memory_space<vmem>>
        %scatter3A_799 = tpu.memref_squeeze %scatter3A_798 : memref<1x64x129xf32, #tpu.memory_space<vmem>> -> memref<64x129xf32, #tpu.memory_space<vmem>>
        tpu.vector_store_idx %scatter3A_799[%add3A_788, %broadcast_in_dim3A_739], %get3A_795 : memref<64x129xf32, #tpu.memory_space<vmem>>[vector<16xi32>, vector<16xi32>], vector<16xf32>,
      }
      %scan3A_210 = arith.constant 16 : i32
      %dma_start3A_211 = arith.constant 0 : i32
      %dma_start3A_212 = arith.constant 0 : i32
      %dma_start3A_213 = arith.constant 0 : i32
      %dma_start3A_214 = tpu.memref_slice %arg7[%dma_start3A_211, %dma_start3A_212, %dma_start3A_213] : memref<2x64x129xf32, #tpu.memory_space<vmem>> -> memref<1x64x128xf32, #tpu.memory_space<vmem>>
      %dma_start3A_215 = tpu.memref_squeeze %dma_start3A_214 : memref<1x64x128xf32, #tpu.memory_space<vmem>> -> memref<64x128xf32, #tpu.memory_space<vmem>>
      %dma_start3A_216 = arith.constant 0 : i32
      %dma_start3A_217 = tpu.memref_slice %arg4[%add3A_186, %dma_start3A_216, %mul3A_2] : memref<200x64x4096xf32, #tpu.memory_space<hbm>> -> memref<1x64x128xf32, #tpu.memory_space<hbm>>
      %dma_start3A_218 = tpu.memref_squeeze %dma_start3A_217 : memref<1x64x128xf32, #tpu.memory_space<hbm>> -> memref<64x128xf32, #tpu.memory_space<hbm>>
      %dma_start3A_219 = arith.constant 0 : i32
      %dma_start3A_220 = tpu.memref_slice %arg4[%add3A_186, %dma_start3A_219, %mul3A_2] : memref<200x64x4096xf32, #tpu.memory_space<hbm>> -> memref<1x64x128xf32, #tpu.memory_space<hbm>>
      %dma_start3A_221 = tpu.memref_squeeze %dma_start3A_220 : memref<1x64x128xf32, #tpu.memory_space<hbm>> -> memref<64x128xf32, #tpu.memory_space<hbm>>
      %dma_start3A_222 = arith.constant 0 : i32
      %dma_start3A_223 = arith.constant 0 : i32
      %dma_start3A_224 = tpu.memref_slice %arg7[%dma_start3A_211, %dma_start3A_222, %dma_start3A_223] : memref<2x64x129xf32, #tpu.memory_space<vmem>> -> memref<1x64x128xf32, #tpu.memory_space<vmem>>
      %dma_start3A_225 = tpu.memref_squeeze %dma_start3A_224 : memref<1x64x128xf32, #tpu.memory_space<vmem>> -> memref<64x128xf32, #tpu.memory_space<vmem>>
      tpu.enqueue_dma source(%dma_start3A_225 : memref<64x128xf32, #tpu.memory_space<vmem>>) target(%dma_start3A_221 : memref<64x128xf32, #tpu.memory_space<hbm>>) target_semaphore(%arg9 : memref<!tpu.dma_semaphore, #tpu.memory_space<semaphore_mem>>)
      %add3A_226 = arith.constant 4 : i32
      %add3A_227 = arith.addi %add3A_186, %add3A_226 : i32
      %lt3A_228 = arith.constant 200 : i32
      %lt3A_229 = arith.cmpi slt, %add3A_227, %lt3A_228 : i32
      %convert_element_type3A_230 = arith.extui %lt3A_229 : i1 to i32
      %cond3A_231 = arith.constant 0 : i32
      %cond3A_232 = arith.cmpi ne, %convert_element_type3A_230, %cond3A_231 : i32
      scf.if %cond3A_232 {
        %add3A_283 = arith.constant 4 : i32
        %add3A_284 = arith.addi %add3A_186, %add3A_283 : i32
        %dma_start3A_285 = arith.constant 2 : i32
        %dma_start3A_286 = arith.constant 0 : i32
        %dma_start3A_287 = arith.constant 0 : i32
        %dma_start3A_288 = tpu.memref_slice %arg6[%dma_start3A_285, %dma_start3A_286, %dma_start3A_287] : memref<4x128x64xf32, #tpu.memory_space<vmem>> -> memref<1x128x64xf32, #tpu.memory_space<vmem>>
        %dma_start3A_289 = tpu.memref_squeeze %dma_start3A_288 : memref<1x128x64xf32, #tpu.memory_space<vmem>> -> memref<128x64xf32, #tpu.memory_space<vmem>>
        %dma_start3A_290 = arith.constant 0 : i32
        %dma_start3A_291 = tpu.memref_slice %arg5[%add3A_284, %dma_start3A_290] : memref<200x128xi32, #tpu.memory_space<vmem>> -> memref<1x128xi32, #tpu.memory_space<vmem>>
        %dma_start3A_292 = tpu.memref_squeeze %dma_start3A_291 : memref<1x128xi32, #tpu.memory_space<vmem>> -> memref<128xi32, #tpu.memory_space<vmem>>
        %dma_start3A_293 = arith.constant 0 : i32
        %dma_start3A_294 = arith.constant 0 : i32
        %dma_start3A_295 = tpu.memref_slice %arg2[%dma_start3A_293, %dma_start3A_294] : memref<1000000x64xf32, #tpu.memory_space<hbm>> -> memref<1000000x64xf32, #tpu.memory_space<hbm>>
        tpu.enqueue_indirect_dma source(%dma_start3A_295 : memref<1000000x64xf32, #tpu.memory_space<hbm>>) target(%dma_start3A_289 : memref<128x64xf32, #tpu.memory_space<vmem>>) offsets(%dma_start3A_292 : memref<128xi32, #tpu.memory_space<vmem>>) semaphore(%arg8 : memref<!tpu.dma_semaphore, #tpu.memory_space<semaphore_mem>>)
      } else {
      }
      %mul3A_233 = arith.constant 4 : i32
      %mul3A_234 = arith.muli %scan3A_86, %mul3A_233 : i32
      %add3A_235 = arith.constant 3 : i32
      %add3A_236 = arith.addi %mul3A_234, %add3A_235 : i32
      %dma_wait3A_237 = arith.constant 3 : i32
      %dma_wait3A_238 = arith.constant 0 : i32
      %dma_wait3A_239 = arith.constant 0 : i32
      %dma_wait3A_240 = tpu.memref_slice %arg6[%dma_wait3A_237, %dma_wait3A_238, %dma_wait3A_239] : memref<4x128x64xf32, #tpu.memory_space<vmem>> -> memref<1x128x64xf32, #tpu.memory_space<vmem>>
      %dma_wait3A_241 = tpu.memref_squeeze %dma_wait3A_240 : memref<1x128x64xf32, #tpu.memory_space<vmem>> -> memref<128x64xf32, #tpu.memory_space<vmem>>
      %dma_wait3A_242 = arith.constant 0 : i32
      %dma_wait3A_243 = tpu.memref_slice %arg5[%add3A_236, %dma_wait3A_242] : memref<200x128xi32, #tpu.memory_space<vmem>> -> memref<1x128xi32, #tpu.memory_space<vmem>>
      %dma_wait3A_244 = tpu.memref_squeeze %dma_wait3A_243 : memref<1x128xi32, #tpu.memory_space<vmem>> -> memref<128xi32, #tpu.memory_space<vmem>>
      %dma_wait3A_245 = arith.constant 0 : i32
      %dma_wait3A_246 = arith.constant 0 : i32
      %dma_wait3A_247 = tpu.memref_slice %arg2[%dma_wait3A_245, %dma_wait3A_246] : memref<1000000x64xf32, #tpu.memory_space<hbm>> -> memref<1000000x64xf32, #tpu.memory_space<hbm>>
      tpu.wait_indirect_dma semaphore(%arg8 : memref<!tpu.dma_semaphore, #tpu.memory_space<semaphore_mem>>) src(%dma_wait3A_247 : memref<1000000x64xf32, #tpu.memory_space<hbm>>) dst(%dma_wait3A_241 : memref<128x64xf32, #tpu.memory_space<vmem>>)
      %ge3A_248 = arith.constant 2 : i32
      %ge3A_249 = arith.cmpi sge, %add3A_236, %ge3A_248 : i32
      %convert_element_type3A_250 = arith.extui %ge3A_249 : i1 to i32
      %cond3A_251 = arith.constant 0 : i32
      %cond3A_252 = arith.cmpi ne, %convert_element_type3A_250, %cond3A_251 : i32
      scf.if %cond3A_252 {
        %dma_wait3A_283 = arith.constant 1 : i32
        %dma_wait3A_284 = arith.constant 0 : i32
        %dma_wait3A_285 = arith.constant 0 : i32
        %dma_wait3A_286 = arith.constant 0 : i32
        %dma_wait3A_287 = tpu.memref_slice %arg7[%dma_wait3A_283, %dma_wait3A_285, %dma_wait3A_286] : memref<2x64x129xf32, #tpu.memory_space<vmem>> -> memref<1x64x128xf32, #tpu.memory_space<vmem>>
        %dma_wait3A_288 = tpu.memref_squeeze %dma_wait3A_287 : memref<1x64x128xf32, #tpu.memory_space<vmem>> -> memref<64x128xf32, #tpu.memory_space<vmem>>
        %dma_wait3A_289 = arith.constant 0 : i32
        %dma_wait3A_290 = tpu.memref_slice %arg4[%dma_wait3A_284, %dma_wait3A_289, %mul3A_2] : memref<200x64x4096xf32, #tpu.memory_space<hbm>> -> memref<1x64x128xf32, #tpu.memory_space<hbm>>
        %dma_wait3A_291 = tpu.memref_squeeze %dma_wait3A_290 : memref<1x64x128xf32, #tpu.memory_space<hbm>> -> memref<64x128xf32, #tpu.memory_space<hbm>>
        %dma_wait3A_292 = arith.constant 0 : i32
        %dma_wait3A_293 = tpu.memref_slice %arg4[%dma_wait3A_284, %dma_wait3A_292, %mul3A_2] : memref<200x64x4096xf32, #tpu.memory_space<hbm>> -> memref<1x64x128xf32, #tpu.memory_space<hbm>>
        %dma_wait3A_294 = tpu.memref_squeeze %dma_wait3A_293 : memref<1x64x128xf32, #tpu.memory_space<hbm>> -> memref<64x128xf32, #tpu.memory_space<hbm>>
        %dma_wait3A_295 = arith.constant 0 : i32
        %dma_wait3A_296 = arith.constant 0 : i32
        %dma_wait3A_297 = tpu.memref_slice %arg7[%dma_wait3A_283, %dma_wait3A_295, %dma_wait3A_296] : memref<2x64x129xf32, #tpu.memory_space<vmem>> -> memref<1x64x128xf32, #tpu.memory_space<vmem>>
        %dma_wait3A_298 = tpu.memref_squeeze %dma_wait3A_297 : memref<1x64x128xf32, #tpu.memory_space<vmem>> -> memref<64x128xf32, #tpu.memory_space<vmem>>
        tpu.wait_dma2 semaphore(%arg9 : memref<!tpu.dma_semaphore, #tpu.memory_space<semaphore_mem>>) src(%dma_wait3A_298 : memref<64x128xf32, #tpu.memory_space<vmem>>) dst(%dma_wait3A_294 : memref<64x128xf32, #tpu.memory_space<hbm>>)
      } else {
      }
      %scan3A_253 = arith.constant 0 : i32
      %scan3A_254 = arith.constant 3 : i32
      %scan3A_255 = arith.constant 3 : i32
      %scan3A_256 = arith.constant 0 : i32
      %scan3A_257 = arith.constant 16 : i32
      %scan3A_258 = arith.addi %scan3A_256, %scan3A_257 : i32
      %scan3A_259 = arith.constant 1 : i32
      scf.for %scan3A_283 = %scan3A_256 to %scan3A_258 step %scan3A_259  : i32 {
        %mul3A_284 = arith.constant 8 : i32
        %mul3A_285 = arith.muli %scan3A_283, %mul3A_284 : i32
        %add3A_286 = arith.constant 0 : i32
        %add3A_287 = arith.addi %mul3A_285, %add3A_286 : i32
        %broadcast_in_dim3A = vector.broadcast %add3A_287 : i32 to vector<16xi32>
        %iota3A = tpu.iota {dimensions = array<i32: 0>} : vector<16xi32>
        %add3A_288 = arith.constant 0 : i32
        %add3A_289 = vector.broadcast %add3A_288 : i32 to vector<16xi32>
        %add3A_290 = arith.addi %iota3A, %add3A_289 : vector<16xi32>
        %get3A = arith.constant 0 : i32
        %get3A_291 = arith.constant 0 : i32
        %get3A_292 = tpu.memref_slice %arg6[%scan3A_254, %get3A, %get3A_291] : memref<4x128x64xf32, #tpu.memory_space<vmem>> -> memref<1x128x64xf32, #tpu.memory_space<vmem>>
        %get3A_293 = tpu.memref_squeeze %get3A_292 : memref<1x128x64xf32, #tpu.memory_space<vmem>> -> memref<128x64xf32, #tpu.memory_space<vmem>>
        %get3A_294 = arith.index_cast %add3A_287 : i32 to index
        %get3A_295 = arith.constant 0 : index
        %get3A_296 = tpu.vector_load %get3A_293[%get3A_294, %get3A_295] {strides = array<i32>} : memref<128x64xf32, #tpu.memory_space<vmem>>, vector<16xf32>,
        %scatter3A = arith.constant 0 : i32
        %scatter3A_297 = arith.constant 0 : i32
        %scatter3A_298 = tpu.memref_slice %arg7[%scan3A_255, %scatter3A, %scatter3A_297] : memref<2x64x129xf32, #tpu.memory_space<vmem>> -> memref<1x64x129xf32, #tpu.memory_space<vmem>>
        %scatter3A_299 = tpu.memref_squeeze %scatter3A_298 : memref<1x64x129xf32, #tpu.memory_space<vmem>> -> memref<64x129xf32, #tpu.memory_space<vmem>>
        tpu.vector_store_idx %scatter3A_299[%add3A_290, %broadcast_in_dim3A], %get3A_296 : memref<64x129xf32, #tpu.memory_space<vmem>>[vector<16xi32>, vector<16xi32>], vector<16xf32>,
        %iota3A_300 = tpu.iota {dimensions = array<i32: 0>} : vector<16xi32>
        %add3A_301 = arith.constant 16 : i32
        %add3A_302 = vector.broadcast %add3A_301 : i32 to vector<16xi32>
        %add3A_303 = arith.addi %iota3A_300, %add3A_302 : vector<16xi32>
        %get3A_304 = arith.constant 0 : i32
        %get3A_305 = arith.constant 0 : i32
        %get3A_306 = tpu.memref_slice %arg6[%scan3A_254, %get3A_304, %get3A_305] : memref<4x128x64xf32, #tpu.memory_space<vmem>> -> memref<1x128x64xf32, #tpu.memory_space<vmem>>
        %get3A_307 = tpu.memref_squeeze %get3A_306 : memref<1x128x64xf32, #tpu.memory_space<vmem>> -> memref<128x64xf32, #tpu.memory_space<vmem>>
        %get3A_308 = arith.index_cast %add3A_287 : i32 to index
        %get3A_309 = arith.constant 16 : index
        %get3A_310 = tpu.vector_load %get3A_307[%get3A_308, %get3A_309] {strides = array<i32>} : memref<128x64xf32, #tpu.memory_space<vmem>>, vector<16xf32>,
        %scatter3A_311 = arith.constant 0 : i32
        %scatter3A_312 = arith.constant 0 : i32
        %scatter3A_313 = tpu.memref_slice %arg7[%scan3A_255, %scatter3A_311, %scatter3A_312] : memref<2x64x129xf32, #tpu.memory_space<vmem>> -> memref<1x64x129xf32, #tpu.memory_space<vmem>>
        %scatter3A_314 = tpu.memref_squeeze %scatter3A_313 : memref<1x64x129xf32, #tpu.memory_space<vmem>> -> memref<64x129xf32, #tpu.memory_space<vmem>>
        tpu.vector_store_idx %scatter3A_314[%add3A_303, %broadcast_in_dim3A], %get3A_310 : memref<64x129xf32, #tpu.memory_space<vmem>>[vector<16xi32>, vector<16xi32>], vector<16xf32>,
        %iota3A_315 = tpu.iota {dimensions = array<i32: 0>} : vector<16xi32>
        %add3A_316 = arith.constant 32 : i32
        %add3A_317 = vector.broadcast %add3A_316 : i32 to vector<16xi32>
        %add3A_318 = arith.addi %iota3A_315, %add3A_317 : vector<16xi32>
        %get3A_319 = arith.constant 0 : i32
        %get3A_320 = arith.constant 0 : i32
        %get3A_321 = tpu.memref_slice %arg6[%scan3A_254, %get3A_319, %get3A_320] : memref<4x128x64xf32, #tpu.memory_space<vmem>> -> memref<1x128x64xf32, #tpu.memory_space<vmem>>
        %get3A_322 = tpu.memref_squeeze %get3A_321 : memref<1x128x64xf32, #tpu.memory_space<vmem>> -> memref<128x64xf32, #tpu.memory_space<vmem>>
        %get3A_323 = arith.index_cast %add3A_287 : i32 to index
        %get3A_324 = arith.constant 32 : index
        %get3A_325 = tpu.vector_load %get3A_322[%get3A_323, %get3A_324] {strides = array<i32>} : memref<128x64xf32, #tpu.memory_space<vmem>>, vector<16xf32>,
        %scatter3A_326 = arith.constant 0 : i32
        %scatter3A_327 = arith.constant 0 : i32
        %scatter3A_328 = tpu.memref_slice %arg7[%scan3A_255, %scatter3A_326, %scatter3A_327] : memref<2x64x129xf32, #tpu.memory_space<vmem>> -> memref<1x64x129xf32, #tpu.memory_space<vmem>>
        %scatter3A_329 = tpu.memref_squeeze %scatter3A_328 : memref<1x64x129xf32, #tpu.memory_space<vmem>> -> memref<64x129xf32, #tpu.memory_space<vmem>>
        tpu.vector_store_idx %scatter3A_329[%add3A_318, %broadcast_in_dim3A], %get3A_325 : memref<64x129xf32, #tpu.memory_space<vmem>>[vector<16xi32>, vector<16xi32>], vector<16xf32>,
        %iota3A_330 = tpu.iota {dimensions = array<i32: 0>} : vector<16xi32>
        %add3A_331 = arith.constant 48 : i32
        %add3A_332 = vector.broadcast %add3A_331 : i32 to vector<16xi32>
        %add3A_333 = arith.addi %iota3A_330, %add3A_332 : vector<16xi32>
        %get3A_334 = arith.constant 0 : i32
        %get3A_335 = arith.constant 0 : i32
        %get3A_336 = tpu.memref_slice %arg6[%scan3A_254, %get3A_334, %get3A_335] : memref<4x128x64xf32, #tpu.memory_space<vmem>> -> memref<1x128x64xf32, #tpu.memory_space<vmem>>
        %get3A_337 = tpu.memref_squeeze %get3A_336 : memref<1x128x64xf32, #tpu.memory_space<vmem>> -> memref<128x64xf32, #tpu.memory_space<vmem>>
        %get3A_338 = arith.index_cast %add3A_287 : i32 to index
        %get3A_339 = arith.constant 48 : index
        %get3A_340 = tpu.vector_load %get3A_337[%get3A_338, %get3A_339] {strides = array<i32>} : memref<128x64xf32, #tpu.memory_space<vmem>>, vector<16xf32>,
        %scatter3A_341 = arith.constant 0 : i32
        %scatter3A_342 = arith.constant 0 : i32
        %scatter3A_343 = tpu.memref_slice %arg7[%scan3A_255, %scatter3A_341, %scatter3A_342] : memref<2x64x129xf32, #tpu.memory_space<vmem>> -> memref<1x64x129xf32, #tpu.memory_space<vmem>>
        %scatter3A_344 = tpu.memref_squeeze %scatter3A_343 : memref<1x64x129xf32, #tpu.memory_space<vmem>> -> memref<64x129xf32, #tpu.memory_space<vmem>>
        tpu.vector_store_idx %scatter3A_344[%add3A_333, %broadcast_in_dim3A], %get3A_340 : memref<64x129xf32, #tpu.memory_space<vmem>>[vector<16xi32>, vector<16xi32>], vector<16xf32>,
        %mul3A_345 = arith.constant 8 : i32
        %mul3A_346 = arith.muli %scan3A_283, %mul3A_345 : i32
        %add3A_347 = arith.constant 1 : i32
        %add3A_348 = arith.addi %mul3A_346, %add3A_347 : i32
        %broadcast_in_dim3A_349 = vector.broadcast %add3A_348 : i32 to vector<16xi32>
        %iota3A_350 = tpu.iota {dimensions = array<i32: 0>} : vector<16xi32>
        %add3A_351 = arith.constant 0 : i32
        %add3A_352 = vector.broadcast %add3A_351 : i32 to vector<16xi32>
        %add3A_353 = arith.addi %iota3A_350, %add3A_352 : vector<16xi32>
        %get3A_354 = arith.constant 0 : i32
        %get3A_355 = arith.constant 0 : i32
        %get3A_356 = tpu.memref_slice %arg6[%scan3A_254, %get3A_354, %get3A_355] : memref<4x128x64xf32, #tpu.memory_space<vmem>> -> memref<1x128x64xf32, #tpu.memory_space<vmem>>
        %get3A_357 = tpu.memref_squeeze %get3A_356 : memref<1x128x64xf32, #tpu.memory_space<vmem>> -> memref<128x64xf32, #tpu.memory_space<vmem>>
        %get3A_358 = arith.index_cast %add3A_348 : i32 to index
        %get3A_359 = arith.constant 0 : index
        %get3A_360 = tpu.vector_load %get3A_357[%get3A_358, %get3A_359] {strides = array<i32>} : memref<128x64xf32, #tpu.memory_space<vmem>>, vector<16xf32>,
        %scatter3A_361 = arith.constant 0 : i32
        %scatter3A_362 = arith.constant 0 : i32
        %scatter3A_363 = tpu.memref_slice %arg7[%scan3A_255, %scatter3A_361, %scatter3A_362] : memref<2x64x129xf32, #tpu.memory_space<vmem>> -> memref<1x64x129xf32, #tpu.memory_space<vmem>>
        %scatter3A_364 = tpu.memref_squeeze %scatter3A_363 : memref<1x64x129xf32, #tpu.memory_space<vmem>> -> memref<64x129xf32, #tpu.memory_space<vmem>>
        tpu.vector_store_idx %scatter3A_364[%add3A_353, %broadcast_in_dim3A_349], %get3A_360 : memref<64x129xf32, #tpu.memory_space<vmem>>[vector<16xi32>, vector<16xi32>], vector<16xf32>,
        %iota3A_365 = tpu.iota {dimensions = array<i32: 0>} : vector<16xi32>
        %add3A_366 = arith.constant 16 : i32
        %add3A_367 = vector.broadcast %add3A_366 : i32 to vector<16xi32>
        %add3A_368 = arith.addi %iota3A_365, %add3A_367 : vector<16xi32>
        %get3A_369 = arith.constant 0 : i32
        %get3A_370 = arith.constant 0 : i32
        %get3A_371 = tpu.memref_slice %arg6[%scan3A_254, %get3A_369, %get3A_370] : memref<4x128x64xf32, #tpu.memory_space<vmem>> -> memref<1x128x64xf32, #tpu.memory_space<vmem>>
        %get3A_372 = tpu.memref_squeeze %get3A_371 : memref<1x128x64xf32, #tpu.memory_space<vmem>> -> memref<128x64xf32, #tpu.memory_space<vmem>>
        %get3A_373 = arith.index_cast %add3A_348 : i32 to index
        %get3A_374 = arith.constant 16 : index
        %get3A_375 = tpu.vector_load %get3A_372[%get3A_373, %get3A_374] {strides = array<i32>} : memref<128x64xf32, #tpu.memory_space<vmem>>, vector<16xf32>,
        %scatter3A_376 = arith.constant 0 : i32
        %scatter3A_377 = arith.constant 0 : i32
        %scatter3A_378 = tpu.memref_slice %arg7[%scan3A_255, %scatter3A_376, %scatter3A_377] : memref<2x64x129xf32, #tpu.memory_space<vmem>> -> memref<1x64x129xf32, #tpu.memory_space<vmem>>
        %scatter3A_379 = tpu.memref_squeeze %scatter3A_378 : memref<1x64x129xf32, #tpu.memory_space<vmem>> -> memref<64x129xf32, #tpu.memory_space<vmem>>
        tpu.vector_store_idx %scatter3A_379[%add3A_368, %broadcast_in_dim3A_349], %get3A_375 : memref<64x129xf32, #tpu.memory_space<vmem>>[vector<16xi32>, vector<16xi32>], vector<16xf32>,
        %iota3A_380 = tpu.iota {dimensions = array<i32: 0>} : vector<16xi32>
        %add3A_381 = arith.constant 32 : i32
        %add3A_382 = vector.broadcast %add3A_381 : i32 to vector<16xi32>
        %add3A_383 = arith.addi %iota3A_380, %add3A_382 : vector<16xi32>
        %get3A_384 = arith.constant 0 : i32
        %get3A_385 = arith.constant 0 : i32
        %get3A_386 = tpu.memref_slice %arg6[%scan3A_254, %get3A_384, %get3A_385] : memref<4x128x64xf32, #tpu.memory_space<vmem>> -> memref<1x128x64xf32, #tpu.memory_space<vmem>>
        %get3A_387 = tpu.memref_squeeze %get3A_386 : memref<1x128x64xf32, #tpu.memory_space<vmem>> -> memref<128x64xf32, #tpu.memory_space<vmem>>
        %get3A_388 = arith.index_cast %add3A_348 : i32 to index
        %get3A_389 = arith.constant 32 : index
        %get3A_390 = tpu.vector_load %get3A_387[%get3A_388, %get3A_389] {strides = array<i32>} : memref<128x64xf32, #tpu.memory_space<vmem>>, vector<16xf32>,
        %scatter3A_391 = arith.constant 0 : i32
        %scatter3A_392 = arith.constant 0 : i32
        %scatter3A_393 = tpu.memref_slice %arg7[%scan3A_255, %scatter3A_391, %scatter3A_392] : memref<2x64x129xf32, #tpu.memory_space<vmem>> -> memref<1x64x129xf32, #tpu.memory_space<vmem>>
        %scatter3A_394 = tpu.memref_squeeze %scatter3A_393 : memref<1x64x129xf32, #tpu.memory_space<vmem>> -> memref<64x129xf32, #tpu.memory_space<vmem>>
        tpu.vector_store_idx %scatter3A_394[%add3A_383, %broadcast_in_dim3A_349], %get3A_390 : memref<64x129xf32, #tpu.memory_space<vmem>>[vector<16xi32>, vector<16xi32>], vector<16xf32>,
        %iota3A_395 = tpu.iota {dimensions = array<i32: 0>} : vector<16xi32>
        %add3A_396 = arith.constant 48 : i32
        %add3A_397 = vector.broadcast %add3A_396 : i32 to vector<16xi32>
        %add3A_398 = arith.addi %iota3A_395, %add3A_397 : vector<16xi32>
        %get3A_399 = arith.constant 0 : i32
        %get3A_400 = arith.constant 0 : i32
        %get3A_401 = tpu.memref_slice %arg6[%scan3A_254, %get3A_399, %get3A_400] : memref<4x128x64xf32, #tpu.memory_space<vmem>> -> memref<1x128x64xf32, #tpu.memory_space<vmem>>
        %get3A_402 = tpu.memref_squeeze %get3A_401 : memref<1x128x64xf32, #tpu.memory_space<vmem>> -> memref<128x64xf32, #tpu.memory_space<vmem>>
        %get3A_403 = arith.index_cast %add3A_348 : i32 to index
        %get3A_404 = arith.constant 48 : index
        %get3A_405 = tpu.vector_load %get3A_402[%get3A_403, %get3A_404] {strides = array<i32>} : memref<128x64xf32, #tpu.memory_space<vmem>>, vector<16xf32>,
        %scatter3A_406 = arith.constant 0 : i32
        %scatter3A_407 = arith.constant 0 : i32
        %scatter3A_408 = tpu.memref_slice %arg7[%scan3A_255, %scatter3A_406, %scatter3A_407] : memref<2x64x129xf32, #tpu.memory_space<vmem>> -> memref<1x64x129xf32, #tpu.memory_space<vmem>>
        %scatter3A_409 = tpu.memref_squeeze %scatter3A_408 : memref<1x64x129xf32, #tpu.memory_space<vmem>> -> memref<64x129xf32, #tpu.memory_space<vmem>>
        tpu.vector_store_idx %scatter3A_409[%add3A_398, %broadcast_in_dim3A_349], %get3A_405 : memref<64x129xf32, #tpu.memory_space<vmem>>[vector<16xi32>, vector<16xi32>], vector<16xf32>,
        %mul3A_410 = arith.constant 8 : i32
        %mul3A_411 = arith.muli %scan3A_283, %mul3A_410 : i32
        %add3A_412 = arith.constant 2 : i32
        %add3A_413 = arith.addi %mul3A_411, %add3A_412 : i32
        %broadcast_in_dim3A_414 = vector.broadcast %add3A_413 : i32 to vector<16xi32>
        %iota3A_415 = tpu.iota {dimensions = array<i32: 0>} : vector<16xi32>
        %add3A_416 = arith.constant 0 : i32
        %add3A_417 = vector.broadcast %add3A_416 : i32 to vector<16xi32>
        %add3A_418 = arith.addi %iota3A_415, %add3A_417 : vector<16xi32>
        %get3A_419 = arith.constant 0 : i32
        %get3A_420 = arith.constant 0 : i32
        %get3A_421 = tpu.memref_slice %arg6[%scan3A_254, %get3A_419, %get3A_420] : memref<4x128x64xf32, #tpu.memory_space<vmem>> -> memref<1x128x64xf32, #tpu.memory_space<vmem>>
        %get3A_422 = tpu.memref_squeeze %get3A_421 : memref<1x128x64xf32, #tpu.memory_space<vmem>> -> memref<128x64xf32, #tpu.memory_space<vmem>>
        %get3A_423 = arith.index_cast %add3A_413 : i32 to index
        %get3A_424 = arith.constant 0 : index
        %get3A_425 = tpu.vector_load %get3A_422[%get3A_423, %get3A_424] {strides = array<i32>} : memref<128x64xf32, #tpu.memory_space<vmem>>, vector<16xf32>,
        %scatter3A_426 = arith.constant 0 : i32
        %scatter3A_427 = arith.constant 0 : i32
        %scatter3A_428 = tpu.memref_slice %arg7[%scan3A_255, %scatter3A_426, %scatter3A_427] : memref<2x64x129xf32, #tpu.memory_space<vmem>> -> memref<1x64x129xf32, #tpu.memory_space<vmem>>
        %scatter3A_429 = tpu.memref_squeeze %scatter3A_428 : memref<1x64x129xf32, #tpu.memory_space<vmem>> -> memref<64x129xf32, #tpu.memory_space<vmem>>
        tpu.vector_store_idx %scatter3A_429[%add3A_418, %broadcast_in_dim3A_414], %get3A_425 : memref<64x129xf32, #tpu.memory_space<vmem>>[vector<16xi32>, vector<16xi32>], vector<16xf32>,
        %iota3A_430 = tpu.iota {dimensions = array<i32: 0>} : vector<16xi32>
        %add3A_431 = arith.constant 16 : i32
        %add3A_432 = vector.broadcast %add3A_431 : i32 to vector<16xi32>
        %add3A_433 = arith.addi %iota3A_430, %add3A_432 : vector<16xi32>
        %get3A_434 = arith.constant 0 : i32
        %get3A_435 = arith.constant 0 : i32
        %get3A_436 = tpu.memref_slice %arg6[%scan3A_254, %get3A_434, %get3A_435] : memref<4x128x64xf32, #tpu.memory_space<vmem>> -> memref<1x128x64xf32, #tpu.memory_space<vmem>>
        %get3A_437 = tpu.memref_squeeze %get3A_436 : memref<1x128x64xf32, #tpu.memory_space<vmem>> -> memref<128x64xf32, #tpu.memory_space<vmem>>
        %get3A_438 = arith.index_cast %add3A_413 : i32 to index
        %get3A_439 = arith.constant 16 : index
        %get3A_440 = tpu.vector_load %get3A_437[%get3A_438, %get3A_439] {strides = array<i32>} : memref<128x64xf32, #tpu.memory_space<vmem>>, vector<16xf32>,
        %scatter3A_441 = arith.constant 0 : i32
        %scatter3A_442 = arith.constant 0 : i32
        %scatter3A_443 = tpu.memref_slice %arg7[%scan3A_255, %scatter3A_441, %scatter3A_442] : memref<2x64x129xf32, #tpu.memory_space<vmem>> -> memref<1x64x129xf32, #tpu.memory_space<vmem>>
        %scatter3A_444 = tpu.memref_squeeze %scatter3A_443 : memref<1x64x129xf32, #tpu.memory_space<vmem>> -> memref<64x129xf32, #tpu.memory_space<vmem>>
        tpu.vector_store_idx %scatter3A_444[%add3A_433, %broadcast_in_dim3A_414], %get3A_440 : memref<64x129xf32, #tpu.memory_space<vmem>>[vector<16xi32>, vector<16xi32>], vector<16xf32>,
        %iota3A_445 = tpu.iota {dimensions = array<i32: 0>} : vector<16xi32>
        %add3A_446 = arith.constant 32 : i32
        %add3A_447 = vector.broadcast %add3A_446 : i32 to vector<16xi32>
        %add3A_448 = arith.addi %iota3A_445, %add3A_447 : vector<16xi32>
        %get3A_449 = arith.constant 0 : i32
        %get3A_450 = arith.constant 0 : i32
        %get3A_451 = tpu.memref_slice %arg6[%scan3A_254, %get3A_449, %get3A_450] : memref<4x128x64xf32, #tpu.memory_space<vmem>> -> memref<1x128x64xf32, #tpu.memory_space<vmem>>
        %get3A_452 = tpu.memref_squeeze %get3A_451 : memref<1x128x64xf32, #tpu.memory_space<vmem>> -> memref<128x64xf32, #tpu.memory_space<vmem>>
        %get3A_453 = arith.index_cast %add3A_413 : i32 to index
        %get3A_454 = arith.constant 32 : index
        %get3A_455 = tpu.vector_load %get3A_452[%get3A_453, %get3A_454] {strides = array<i32>} : memref<128x64xf32, #tpu.memory_space<vmem>>, vector<16xf32>,
        %scatter3A_456 = arith.constant 0 : i32
        %scatter3A_457 = arith.constant 0 : i32
        %scatter3A_458 = tpu.memref_slice %arg7[%scan3A_255, %scatter3A_456, %scatter3A_457] : memref<2x64x129xf32, #tpu.memory_space<vmem>> -> memref<1x64x129xf32, #tpu.memory_space<vmem>>
        %scatter3A_459 = tpu.memref_squeeze %scatter3A_458 : memref<1x64x129xf32, #tpu.memory_space<vmem>> -> memref<64x129xf32, #tpu.memory_space<vmem>>
        tpu.vector_store_idx %scatter3A_459[%add3A_448, %broadcast_in_dim3A_414], %get3A_455 : memref<64x129xf32, #tpu.memory_space<vmem>>[vector<16xi32>, vector<16xi32>], vector<16xf32>,
        %iota3A_460 = tpu.iota {dimensions = array<i32: 0>} : vector<16xi32>
        %add3A_461 = arith.constant 48 : i32
        %add3A_462 = vector.broadcast %add3A_461 : i32 to vector<16xi32>
        %add3A_463 = arith.addi %iota3A_460, %add3A_462 : vector<16xi32>
        %get3A_464 = arith.constant 0 : i32
        %get3A_465 = arith.constant 0 : i32
        %get3A_466 = tpu.memref_slice %arg6[%scan3A_254, %get3A_464, %get3A_465] : memref<4x128x64xf32, #tpu.memory_space<vmem>> -> memref<1x128x64xf32, #tpu.memory_space<vmem>>
        %get3A_467 = tpu.memref_squeeze %get3A_466 : memref<1x128x64xf32, #tpu.memory_space<vmem>> -> memref<128x64xf32, #tpu.memory_space<vmem>>
        %get3A_468 = arith.index_cast %add3A_413 : i32 to index
        %get3A_469 = arith.constant 48 : index
        %get3A_470 = tpu.vector_load %get3A_467[%get3A_468, %get3A_469] {strides = array<i32>} : memref<128x64xf32, #tpu.memory_space<vmem>>, vector<16xf32>,
        %scatter3A_471 = arith.constant 0 : i32
        %scatter3A_472 = arith.constant 0 : i32
        %scatter3A_473 = tpu.memref_slice %arg7[%scan3A_255, %scatter3A_471, %scatter3A_472] : memref<2x64x129xf32, #tpu.memory_space<vmem>> -> memref<1x64x129xf32, #tpu.memory_space<vmem>>
        %scatter3A_474 = tpu.memref_squeeze %scatter3A_473 : memref<1x64x129xf32, #tpu.memory_space<vmem>> -> memref<64x129xf32, #tpu.memory_space<vmem>>
        tpu.vector_store_idx %scatter3A_474[%add3A_463, %broadcast_in_dim3A_414], %get3A_470 : memref<64x129xf32, #tpu.memory_space<vmem>>[vector<16xi32>, vector<16xi32>], vector<16xf32>,
        %mul3A_475 = arith.constant 8 : i32
        %mul3A_476 = arith.muli %scan3A_283, %mul3A_475 : i32
        %add3A_477 = arith.constant 3 : i32
        %add3A_478 = arith.addi %mul3A_476, %add3A_477 : i32
        %broadcast_in_dim3A_479 = vector.broadcast %add3A_478 : i32 to vector<16xi32>
        %iota3A_480 = tpu.iota {dimensions = array<i32: 0>} : vector<16xi32>
        %add3A_481 = arith.constant 0 : i32
        %add3A_482 = vector.broadcast %add3A_481 : i32 to vector<16xi32>
        %add3A_483 = arith.addi %iota3A_480, %add3A_482 : vector<16xi32>
        %get3A_484 = arith.constant 0 : i32
        %get3A_485 = arith.constant 0 : i32
        %get3A_486 = tpu.memref_slice %arg6[%scan3A_254, %get3A_484, %get3A_485] : memref<4x128x64xf32, #tpu.memory_space<vmem>> -> memref<1x128x64xf32, #tpu.memory_space<vmem>>
        %get3A_487 = tpu.memref_squeeze %get3A_486 : memref<1x128x64xf32, #tpu.memory_space<vmem>> -> memref<128x64xf32, #tpu.memory_space<vmem>>
        %get3A_488 = arith.index_cast %add3A_478 : i32 to index
        %get3A_489 = arith.constant 0 : index
        %get3A_490 = tpu.vector_load %get3A_487[%get3A_488, %get3A_489] {strides = array<i32>} : memref<128x64xf32, #tpu.memory_space<vmem>>, vector<16xf32>,
        %scatter3A_491 = arith.constant 0 : i32
        %scatter3A_492 = arith.constant 0 : i32
        %scatter3A_493 = tpu.memref_slice %arg7[%scan3A_255, %scatter3A_491, %scatter3A_492] : memref<2x64x129xf32, #tpu.memory_space<vmem>> -> memref<1x64x129xf32, #tpu.memory_space<vmem>>
        %scatter3A_494 = tpu.memref_squeeze %scatter3A_493 : memref<1x64x129xf32, #tpu.memory_space<vmem>> -> memref<64x129xf32, #tpu.memory_space<vmem>>
        tpu.vector_store_idx %scatter3A_494[%add3A_483, %broadcast_in_dim3A_479], %get3A_490 : memref<64x129xf32, #tpu.memory_space<vmem>>[vector<16xi32>, vector<16xi32>], vector<16xf32>,
        %iota3A_495 = tpu.iota {dimensions = array<i32: 0>} : vector<16xi32>
        %add3A_496 = arith.constant 16 : i32
        %add3A_497 = vector.broadcast %add3A_496 : i32 to vector<16xi32>
        %add3A_498 = arith.addi %iota3A_495, %add3A_497 : vector<16xi32>
        %get3A_499 = arith.constant 0 : i32
        %get3A_500 = arith.constant 0 : i32
        %get3A_501 = tpu.memref_slice %arg6[%scan3A_254, %get3A_499, %get3A_500] : memref<4x128x64xf32, #tpu.memory_space<vmem>> -> memref<1x128x64xf32, #tpu.memory_space<vmem>>
        %get3A_502 = tpu.memref_squeeze %get3A_501 : memref<1x128x64xf32, #tpu.memory_space<vmem>> -> memref<128x64xf32, #tpu.memory_space<vmem>>
        %get3A_503 = arith.index_cast %add3A_478 : i32 to index
        %get3A_504 = arith.constant 16 : index
        %get3A_505 = tpu.vector_load %get3A_502[%get3A_503, %get3A_504] {strides = array<i32>} : memref<128x64xf32, #tpu.memory_space<vmem>>, vector<16xf32>,
        %scatter3A_506 = arith.constant 0 : i32
        %scatter3A_507 = arith.constant 0 : i32
        %scatter3A_508 = tpu.memref_slice %arg7[%scan3A_255, %scatter3A_506, %scatter3A_507] : memref<2x64x129xf32, #tpu.memory_space<vmem>> -> memref<1x64x129xf32, #tpu.memory_space<vmem>>
        %scatter3A_509 = tpu.memref_squeeze %scatter3A_508 : memref<1x64x129xf32, #tpu.memory_space<vmem>> -> memref<64x129xf32, #tpu.memory_space<vmem>>
        tpu.vector_store_idx %scatter3A_509[%add3A_498, %broadcast_in_dim3A_479], %get3A_505 : memref<64x129xf32, #tpu.memory_space<vmem>>[vector<16xi32>, vector<16xi32>], vector<16xf32>,
        %iota3A_510 = tpu.iota {dimensions = array<i32: 0>} : vector<16xi32>
        %add3A_511 = arith.constant 32 : i32
        %add3A_512 = vector.broadcast %add3A_511 : i32 to vector<16xi32>
        %add3A_513 = arith.addi %iota3A_510, %add3A_512 : vector<16xi32>
        %get3A_514 = arith.constant 0 : i32
        %get3A_515 = arith.constant 0 : i32
        %get3A_516 = tpu.memref_slice %arg6[%scan3A_254, %get3A_514, %get3A_515] : memref<4x128x64xf32, #tpu.memory_space<vmem>> -> memref<1x128x64xf32, #tpu.memory_space<vmem>>
        %get3A_517 = tpu.memref_squeeze %get3A_516 : memref<1x128x64xf32, #tpu.memory_space<vmem>> -> memref<128x64xf32, #tpu.memory_space<vmem>>
        %get3A_518 = arith.index_cast %add3A_478 : i32 to index
        %get3A_519 = arith.constant 32 : index
        %get3A_520 = tpu.vector_load %get3A_517[%get3A_518, %get3A_519] {strides = array<i32>} : memref<128x64xf32, #tpu.memory_space<vmem>>, vector<16xf32>,
        %scatter3A_521 = arith.constant 0 : i32
        %scatter3A_522 = arith.constant 0 : i32
        %scatter3A_523 = tpu.memref_slice %arg7[%scan3A_255, %scatter3A_521, %scatter3A_522] : memref<2x64x129xf32, #tpu.memory_space<vmem>> -> memref<1x64x129xf32, #tpu.memory_space<vmem>>
        %scatter3A_524 = tpu.memref_squeeze %scatter3A_523 : memref<1x64x129xf32, #tpu.memory_space<vmem>> -> memref<64x129xf32, #tpu.memory_space<vmem>>
        tpu.vector_store_idx %scatter3A_524[%add3A_513, %broadcast_in_dim3A_479], %get3A_520 : memref<64x129xf32, #tpu.memory_space<vmem>>[vector<16xi32>, vector<16xi32>], vector<16xf32>,
        %iota3A_525 = tpu.iota {dimensions = array<i32: 0>} : vector<16xi32>
        %add3A_526 = arith.constant 48 : i32
        %add3A_527 = vector.broadcast %add3A_526 : i32 to vector<16xi32>
        %add3A_528 = arith.addi %iota3A_525, %add3A_527 : vector<16xi32>
        %get3A_529 = arith.constant 0 : i32
        %get3A_530 = arith.constant 0 : i32
        %get3A_531 = tpu.memref_slice %arg6[%scan3A_254, %get3A_529, %get3A_530] : memref<4x128x64xf32, #tpu.memory_space<vmem>> -> memref<1x128x64xf32, #tpu.memory_space<vmem>>
        %get3A_532 = tpu.memref_squeeze %get3A_531 : memref<1x128x64xf32, #tpu.memory_space<vmem>> -> memref<128x64xf32, #tpu.memory_space<vmem>>
        %get3A_533 = arith.index_cast %add3A_478 : i32 to index
        %get3A_534 = arith.constant 48 : index
        %get3A_535 = tpu.vector_load %get3A_532[%get3A_533, %get3A_534] {strides = array<i32>} : memref<128x64xf32, #tpu.memory_space<vmem>>, vector<16xf32>,
        %scatter3A_536 = arith.constant 0 : i32
        %scatter3A_537 = arith.constant 0 : i32
        %scatter3A_538 = tpu.memref_slice %arg7[%scan3A_255, %scatter3A_536, %scatter3A_537] : memref<2x64x129xf32, #tpu.memory_space<vmem>> -> memref<1x64x129xf32, #tpu.memory_space<vmem>>
        %scatter3A_539 = tpu.memref_squeeze %scatter3A_538 : memref<1x64x129xf32, #tpu.memory_space<vmem>> -> memref<64x129xf32, #tpu.memory_space<vmem>>
        tpu.vector_store_idx %scatter3A_539[%add3A_528, %broadcast_in_dim3A_479], %get3A_535 : memref<64x129xf32, #tpu.memory_space<vmem>>[vector<16xi32>, vector<16xi32>], vector<16xf32>,
        %mul3A_540 = arith.constant 8 : i32
        %mul3A_541 = arith.muli %scan3A_283, %mul3A_540 : i32
        %add3A_542 = arith.constant 4 : i32
        %add3A_543 = arith.addi %mul3A_541, %add3A_542 : i32
        %broadcast_in_dim3A_544 = vector.broadcast %add3A_543 : i32 to vector<16xi32>
        %iota3A_545 = tpu.iota {dimensions = array<i32: 0>} : vector<16xi32>
        %add3A_546 = arith.constant 0 : i32
        %add3A_547 = vector.broadcast %add3A_546 : i32 to vector<16xi32>
        %add3A_548 = arith.addi %iota3A_545, %add3A_547 : vector<16xi32>
        %get3A_549 = arith.constant 0 : i32
        %get3A_550 = arith.constant 0 : i32
        %get3A_551 = tpu.memref_slice %arg6[%scan3A_254, %get3A_549, %get3A_550] : memref<4x128x64xf32, #tpu.memory_space<vmem>> -> memref<1x128x64xf32, #tpu.memory_space<vmem>>
        %get3A_552 = tpu.memref_squeeze %get3A_551 : memref<1x128x64xf32, #tpu.memory_space<vmem>> -> memref<128x64xf32, #tpu.memory_space<vmem>>
        %get3A_553 = arith.index_cast %add3A_543 : i32 to index
        %get3A_554 = arith.constant 0 : index
        %get3A_555 = tpu.vector_load %get3A_552[%get3A_553, %get3A_554] {strides = array<i32>} : memref<128x64xf32, #tpu.memory_space<vmem>>, vector<16xf32>,
        %scatter3A_556 = arith.constant 0 : i32
        %scatter3A_557 = arith.constant 0 : i32
        %scatter3A_558 = tpu.memref_slice %arg7[%scan3A_255, %scatter3A_556, %scatter3A_557] : memref<2x64x129xf32, #tpu.memory_space<vmem>> -> memref<1x64x129xf32, #tpu.memory_space<vmem>>
        %scatter3A_559 = tpu.memref_squeeze %scatter3A_558 : memref<1x64x129xf32, #tpu.memory_space<vmem>> -> memref<64x129xf32, #tpu.memory_space<vmem>>
        tpu.vector_store_idx %scatter3A_559[%add3A_548, %broadcast_in_dim3A_544], %get3A_555 : memref<64x129xf32, #tpu.memory_space<vmem>>[vector<16xi32>, vector<16xi32>], vector<16xf32>,
        %iota3A_560 = tpu.iota {dimensions = array<i32: 0>} : vector<16xi32>
        %add3A_561 = arith.constant 16 : i32
        %add3A_562 = vector.broadcast %add3A_561 : i32 to vector<16xi32>
        %add3A_563 = arith.addi %iota3A_560, %add3A_562 : vector<16xi32>
        %get3A_564 = arith.constant 0 : i32
        %get3A_565 = arith.constant 0 : i32
        %get3A_566 = tpu.memref_slice %arg6[%scan3A_254, %get3A_564, %get3A_565] : memref<4x128x64xf32, #tpu.memory_space<vmem>> -> memref<1x128x64xf32, #tpu.memory_space<vmem>>
        %get3A_567 = tpu.memref_squeeze %get3A_566 : memref<1x128x64xf32, #tpu.memory_space<vmem>> -> memref<128x64xf32, #tpu.memory_space<vmem>>
        %get3A_568 = arith.index_cast %add3A_543 : i32 to index
        %get3A_569 = arith.constant 16 : index
        %get3A_570 = tpu.vector_load %get3A_567[%get3A_568, %get3A_569] {strides = array<i32>} : memref<128x64xf32, #tpu.memory_space<vmem>>, vector<16xf32>,
        %scatter3A_571 = arith.constant 0 : i32
        %scatter3A_572 = arith.constant 0 : i32
        %scatter3A_573 = tpu.memref_slice %arg7[%scan3A_255, %scatter3A_571, %scatter3A_572] : memref<2x64x129xf32, #tpu.memory_space<vmem>> -> memref<1x64x129xf32, #tpu.memory_space<vmem>>
        %scatter3A_574 = tpu.memref_squeeze %scatter3A_573 : memref<1x64x129xf32, #tpu.memory_space<vmem>> -> memref<64x129xf32, #tpu.memory_space<vmem>>
        tpu.vector_store_idx %scatter3A_574[%add3A_563, %broadcast_in_dim3A_544], %get3A_570 : memref<64x129xf32, #tpu.memory_space<vmem>>[vector<16xi32>, vector<16xi32>], vector<16xf32>,
        %iota3A_575 = tpu.iota {dimensions = array<i32: 0>} : vector<16xi32>
        %add3A_576 = arith.constant 32 : i32
        %add3A_577 = vector.broadcast %add3A_576 : i32 to vector<16xi32>
        %add3A_578 = arith.addi %iota3A_575, %add3A_577 : vector<16xi32>
        %get3A_579 = arith.constant 0 : i32
        %get3A_580 = arith.constant 0 : i32
        %get3A_581 = tpu.memref_slice %arg6[%scan3A_254, %get3A_579, %get3A_580] : memref<4x128x64xf32, #tpu.memory_space<vmem>> -> memref<1x128x64xf32, #tpu.memory_space<vmem>>
        %get3A_582 = tpu.memref_squeeze %get3A_581 : memref<1x128x64xf32, #tpu.memory_space<vmem>> -> memref<128x64xf32, #tpu.memory_space<vmem>>
        %get3A_583 = arith.index_cast %add3A_543 : i32 to index
        %get3A_584 = arith.constant 32 : index
        %get3A_585 = tpu.vector_load %get3A_582[%get3A_583, %get3A_584] {strides = array<i32>} : memref<128x64xf32, #tpu.memory_space<vmem>>, vector<16xf32>,
        %scatter3A_586 = arith.constant 0 : i32
        %scatter3A_587 = arith.constant 0 : i32
        %scatter3A_588 = tpu.memref_slice %arg7[%scan3A_255, %scatter3A_586, %scatter3A_587] : memref<2x64x129xf32, #tpu.memory_space<vmem>> -> memref<1x64x129xf32, #tpu.memory_space<vmem>>
        %scatter3A_589 = tpu.memref_squeeze %scatter3A_588 : memref<1x64x129xf32, #tpu.memory_space<vmem>> -> memref<64x129xf32, #tpu.memory_space<vmem>>
        tpu.vector_store_idx %scatter3A_589[%add3A_578, %broadcast_in_dim3A_544], %get3A_585 : memref<64x129xf32, #tpu.memory_space<vmem>>[vector<16xi32>, vector<16xi32>], vector<16xf32>,
        %iota3A_590 = tpu.iota {dimensions = array<i32: 0>} : vector<16xi32>
        %add3A_591 = arith.constant 48 : i32
        %add3A_592 = vector.broadcast %add3A_591 : i32 to vector<16xi32>
        %add3A_593 = arith.addi %iota3A_590, %add3A_592 : vector<16xi32>
        %get3A_594 = arith.constant 0 : i32
        %get3A_595 = arith.constant 0 : i32
        %get3A_596 = tpu.memref_slice %arg6[%scan3A_254, %get3A_594, %get3A_595] : memref<4x128x64xf32, #tpu.memory_space<vmem>> -> memref<1x128x64xf32, #tpu.memory_space<vmem>>
        %get3A_597 = tpu.memref_squeeze %get3A_596 : memref<1x128x64xf32, #tpu.memory_space<vmem>> -> memref<128x64xf32, #tpu.memory_space<vmem>>
        %get3A_598 = arith.index_cast %add3A_543 : i32 to index
        %get3A_599 = arith.constant 48 : index
        %get3A_600 = tpu.vector_load %get3A_597[%get3A_598, %get3A_599] {strides = array<i32>} : memref<128x64xf32, #tpu.memory_space<vmem>>, vector<16xf32>,
        %scatter3A_601 = arith.constant 0 : i32
        %scatter3A_602 = arith.constant 0 : i32
        %scatter3A_603 = tpu.memref_slice %arg7[%scan3A_255, %scatter3A_601, %scatter3A_602] : memref<2x64x129xf32, #tpu.memory_space<vmem>> -> memref<1x64x129xf32, #tpu.memory_space<vmem>>
        %scatter3A_604 = tpu.memref_squeeze %scatter3A_603 : memref<1x64x129xf32, #tpu.memory_space<vmem>> -> memref<64x129xf32, #tpu.memory_space<vmem>>
        tpu.vector_store_idx %scatter3A_604[%add3A_593, %broadcast_in_dim3A_544], %get3A_600 : memref<64x129xf32, #tpu.memory_space<vmem>>[vector<16xi32>, vector<16xi32>], vector<16xf32>,
        %mul3A_605 = arith.constant 8 : i32
        %mul3A_606 = arith.muli %scan3A_283, %mul3A_605 : i32
        %add3A_607 = arith.constant 5 : i32
        %add3A_608 = arith.addi %mul3A_606, %add3A_607 : i32
        %broadcast_in_dim3A_609 = vector.broadcast %add3A_608 : i32 to vector<16xi32>
        %iota3A_610 = tpu.iota {dimensions = array<i32: 0>} : vector<16xi32>
        %add3A_611 = arith.constant 0 : i32
        %add3A_612 = vector.broadcast %add3A_611 : i32 to vector<16xi32>
        %add3A_613 = arith.addi %iota3A_610, %add3A_612 : vector<16xi32>
        %get3A_614 = arith.constant 0 : i32
        %get3A_615 = arith.constant 0 : i32
        %get3A_616 = tpu.memref_slice %arg6[%scan3A_254, %get3A_614, %get3A_615] : memref<4x128x64xf32, #tpu.memory_space<vmem>> -> memref<1x128x64xf32, #tpu.memory_space<vmem>>
        %get3A_617 = tpu.memref_squeeze %get3A_616 : memref<1x128x64xf32, #tpu.memory_space<vmem>> -> memref<128x64xf32, #tpu.memory_space<vmem>>
        %get3A_618 = arith.index_cast %add3A_608 : i32 to index
        %get3A_619 = arith.constant 0 : index
        %get3A_620 = tpu.vector_load %get3A_617[%get3A_618, %get3A_619] {strides = array<i32>} : memref<128x64xf32, #tpu.memory_space<vmem>>, vector<16xf32>,
        %scatter3A_621 = arith.constant 0 : i32
        %scatter3A_622 = arith.constant 0 : i32
        %scatter3A_623 = tpu.memref_slice %arg7[%scan3A_255, %scatter3A_621, %scatter3A_622] : memref<2x64x129xf32, #tpu.memory_space<vmem>> -> memref<1x64x129xf32, #tpu.memory_space<vmem>>
        %scatter3A_624 = tpu.memref_squeeze %scatter3A_623 : memref<1x64x129xf32, #tpu.memory_space<vmem>> -> memref<64x129xf32, #tpu.memory_space<vmem>>
        tpu.vector_store_idx %scatter3A_624[%add3A_613, %broadcast_in_dim3A_609], %get3A_620 : memref<64x129xf32, #tpu.memory_space<vmem>>[vector<16xi32>, vector<16xi32>], vector<16xf32>,
        %iota3A_625 = tpu.iota {dimensions = array<i32: 0>} : vector<16xi32>
        %add3A_626 = arith.constant 16 : i32
        %add3A_627 = vector.broadcast %add3A_626 : i32 to vector<16xi32>
        %add3A_628 = arith.addi %iota3A_625, %add3A_627 : vector<16xi32>
        %get3A_629 = arith.constant 0 : i32
        %get3A_630 = arith.constant 0 : i32
        %get3A_631 = tpu.memref_slice %arg6[%scan3A_254, %get3A_629, %get3A_630] : memref<4x128x64xf32, #tpu.memory_space<vmem>> -> memref<1x128x64xf32, #tpu.memory_space<vmem>>
        %get3A_632 = tpu.memref_squeeze %get3A_631 : memref<1x128x64xf32, #tpu.memory_space<vmem>> -> memref<128x64xf32, #tpu.memory_space<vmem>>
        %get3A_633 = arith.index_cast %add3A_608 : i32 to index
        %get3A_634 = arith.constant 16 : index
        %get3A_635 = tpu.vector_load %get3A_632[%get3A_633, %get3A_634] {strides = array<i32>} : memref<128x64xf32, #tpu.memory_space<vmem>>, vector<16xf32>,
        %scatter3A_636 = arith.constant 0 : i32
        %scatter3A_637 = arith.constant 0 : i32
        %scatter3A_638 = tpu.memref_slice %arg7[%scan3A_255, %scatter3A_636, %scatter3A_637] : memref<2x64x129xf32, #tpu.memory_space<vmem>> -> memref<1x64x129xf32, #tpu.memory_space<vmem>>
        %scatter3A_639 = tpu.memref_squeeze %scatter3A_638 : memref<1x64x129xf32, #tpu.memory_space<vmem>> -> memref<64x129xf32, #tpu.memory_space<vmem>>
        tpu.vector_store_idx %scatter3A_639[%add3A_628, %broadcast_in_dim3A_609], %get3A_635 : memref<64x129xf32, #tpu.memory_space<vmem>>[vector<16xi32>, vector<16xi32>], vector<16xf32>,
        %iota3A_640 = tpu.iota {dimensions = array<i32: 0>} : vector<16xi32>
        %add3A_641 = arith.constant 32 : i32
        %add3A_642 = vector.broadcast %add3A_641 : i32 to vector<16xi32>
        %add3A_643 = arith.addi %iota3A_640, %add3A_642 : vector<16xi32>
        %get3A_644 = arith.constant 0 : i32
        %get3A_645 = arith.constant 0 : i32
        %get3A_646 = tpu.memref_slice %arg6[%scan3A_254, %get3A_644, %get3A_645] : memref<4x128x64xf32, #tpu.memory_space<vmem>> -> memref<1x128x64xf32, #tpu.memory_space<vmem>>
        %get3A_647 = tpu.memref_squeeze %get3A_646 : memref<1x128x64xf32, #tpu.memory_space<vmem>> -> memref<128x64xf32, #tpu.memory_space<vmem>>
        %get3A_648 = arith.index_cast %add3A_608 : i32 to index
        %get3A_649 = arith.constant 32 : index
        %get3A_650 = tpu.vector_load %get3A_647[%get3A_648, %get3A_649] {strides = array<i32>} : memref<128x64xf32, #tpu.memory_space<vmem>>, vector<16xf32>,
        %scatter3A_651 = arith.constant 0 : i32
        %scatter3A_652 = arith.constant 0 : i32
        %scatter3A_653 = tpu.memref_slice %arg7[%scan3A_255, %scatter3A_651, %scatter3A_652] : memref<2x64x129xf32, #tpu.memory_space<vmem>> -> memref<1x64x129xf32, #tpu.memory_space<vmem>>
        %scatter3A_654 = tpu.memref_squeeze %scatter3A_653 : memref<1x64x129xf32, #tpu.memory_space<vmem>> -> memref<64x129xf32, #tpu.memory_space<vmem>>
        tpu.vector_store_idx %scatter3A_654[%add3A_643, %broadcast_in_dim3A_609], %get3A_650 : memref<64x129xf32, #tpu.memory_space<vmem>>[vector<16xi32>, vector<16xi32>], vector<16xf32>,
        %iota3A_655 = tpu.iota {dimensions = array<i32: 0>} : vector<16xi32>
        %add3A_656 = arith.constant 48 : i32
        %add3A_657 = vector.broadcast %add3A_656 : i32 to vector<16xi32>
        %add3A_658 = arith.addi %iota3A_655, %add3A_657 : vector<16xi32>
        %get3A_659 = arith.constant 0 : i32
        %get3A_660 = arith.constant 0 : i32
        %get3A_661 = tpu.memref_slice %arg6[%scan3A_254, %get3A_659, %get3A_660] : memref<4x128x64xf32, #tpu.memory_space<vmem>> -> memref<1x128x64xf32, #tpu.memory_space<vmem>>
        %get3A_662 = tpu.memref_squeeze %get3A_661 : memref<1x128x64xf32, #tpu.memory_space<vmem>> -> memref<128x64xf32, #tpu.memory_space<vmem>>
        %get3A_663 = arith.index_cast %add3A_608 : i32 to index
        %get3A_664 = arith.constant 48 : index
        %get3A_665 = tpu.vector_load %get3A_662[%get3A_663, %get3A_664] {strides = array<i32>} : memref<128x64xf32, #tpu.memory_space<vmem>>, vector<16xf32>,
        %scatter3A_666 = arith.constant 0 : i32
        %scatter3A_667 = arith.constant 0 : i32
        %scatter3A_668 = tpu.memref_slice %arg7[%scan3A_255, %scatter3A_666, %scatter3A_667] : memref<2x64x129xf32, #tpu.memory_space<vmem>> -> memref<1x64x129xf32, #tpu.memory_space<vmem>>
        %scatter3A_669 = tpu.memref_squeeze %scatter3A_668 : memref<1x64x129xf32, #tpu.memory_space<vmem>> -> memref<64x129xf32, #tpu.memory_space<vmem>>
        tpu.vector_store_idx %scatter3A_669[%add3A_658, %broadcast_in_dim3A_609], %get3A_665 : memref<64x129xf32, #tpu.memory_space<vmem>>[vector<16xi32>, vector<16xi32>], vector<16xf32>,
        %mul3A_670 = arith.constant 8 : i32
        %mul3A_671 = arith.muli %scan3A_283, %mul3A_670 : i32
        %add3A_672 = arith.constant 6 : i32
        %add3A_673 = arith.addi %mul3A_671, %add3A_672 : i32
        %broadcast_in_dim3A_674 = vector.broadcast %add3A_673 : i32 to vector<16xi32>
        %iota3A_675 = tpu.iota {dimensions = array<i32: 0>} : vector<16xi32>
        %add3A_676 = arith.constant 0 : i32
        %add3A_677 = vector.broadcast %add3A_676 : i32 to vector<16xi32>
        %add3A_678 = arith.addi %iota3A_675, %add3A_677 : vector<16xi32>
        %get3A_679 = arith.constant 0 : i32
        %get3A_680 = arith.constant 0 : i32
        %get3A_681 = tpu.memref_slice %arg6[%scan3A_254, %get3A_679, %get3A_680] : memref<4x128x64xf32, #tpu.memory_space<vmem>> -> memref<1x128x64xf32, #tpu.memory_space<vmem>>
        %get3A_682 = tpu.memref_squeeze %get3A_681 : memref<1x128x64xf32, #tpu.memory_space<vmem>> -> memref<128x64xf32, #tpu.memory_space<vmem>>
        %get3A_683 = arith.index_cast %add3A_673 : i32 to index
        %get3A_684 = arith.constant 0 : index
        %get3A_685 = tpu.vector_load %get3A_682[%get3A_683, %get3A_684] {strides = array<i32>} : memref<128x64xf32, #tpu.memory_space<vmem>>, vector<16xf32>,
        %scatter3A_686 = arith.constant 0 : i32
        %scatter3A_687 = arith.constant 0 : i32
        %scatter3A_688 = tpu.memref_slice %arg7[%scan3A_255, %scatter3A_686, %scatter3A_687] : memref<2x64x129xf32, #tpu.memory_space<vmem>> -> memref<1x64x129xf32, #tpu.memory_space<vmem>>
        %scatter3A_689 = tpu.memref_squeeze %scatter3A_688 : memref<1x64x129xf32, #tpu.memory_space<vmem>> -> memref<64x129xf32, #tpu.memory_space<vmem>>
        tpu.vector_store_idx %scatter3A_689[%add3A_678, %broadcast_in_dim3A_674], %get3A_685 : memref<64x129xf32, #tpu.memory_space<vmem>>[vector<16xi32>, vector<16xi32>], vector<16xf32>,
        %iota3A_690 = tpu.iota {dimensions = array<i32: 0>} : vector<16xi32>
        %add3A_691 = arith.constant 16 : i32
        %add3A_692 = vector.broadcast %add3A_691 : i32 to vector<16xi32>
        %add3A_693 = arith.addi %iota3A_690, %add3A_692 : vector<16xi32>
        %get3A_694 = arith.constant 0 : i32
        %get3A_695 = arith.constant 0 : i32
        %get3A_696 = tpu.memref_slice %arg6[%scan3A_254, %get3A_694, %get3A_695] : memref<4x128x64xf32, #tpu.memory_space<vmem>> -> memref<1x128x64xf32, #tpu.memory_space<vmem>>
        %get3A_697 = tpu.memref_squeeze %get3A_696 : memref<1x128x64xf32, #tpu.memory_space<vmem>> -> memref<128x64xf32, #tpu.memory_space<vmem>>
        %get3A_698 = arith.index_cast %add3A_673 : i32 to index
        %get3A_699 = arith.constant 16 : index
        %get3A_700 = tpu.vector_load %get3A_697[%get3A_698, %get3A_699] {strides = array<i32>} : memref<128x64xf32, #tpu.memory_space<vmem>>, vector<16xf32>,
        %scatter3A_701 = arith.constant 0 : i32
        %scatter3A_702 = arith.constant 0 : i32
        %scatter3A_703 = tpu.memref_slice %arg7[%scan3A_255, %scatter3A_701, %scatter3A_702] : memref<2x64x129xf32, #tpu.memory_space<vmem>> -> memref<1x64x129xf32, #tpu.memory_space<vmem>>
        %scatter3A_704 = tpu.memref_squeeze %scatter3A_703 : memref<1x64x129xf32, #tpu.memory_space<vmem>> -> memref<64x129xf32, #tpu.memory_space<vmem>>
        tpu.vector_store_idx %scatter3A_704[%add3A_693, %broadcast_in_dim3A_674], %get3A_700 : memref<64x129xf32, #tpu.memory_space<vmem>>[vector<16xi32>, vector<16xi32>], vector<16xf32>,
        %iota3A_705 = tpu.iota {dimensions = array<i32: 0>} : vector<16xi32>
        %add3A_706 = arith.constant 32 : i32
        %add3A_707 = vector.broadcast %add3A_706 : i32 to vector<16xi32>
        %add3A_708 = arith.addi %iota3A_705, %add3A_707 : vector<16xi32>
        %get3A_709 = arith.constant 0 : i32
        %get3A_710 = arith.constant 0 : i32
        %get3A_711 = tpu.memref_slice %arg6[%scan3A_254, %get3A_709, %get3A_710] : memref<4x128x64xf32, #tpu.memory_space<vmem>> -> memref<1x128x64xf32, #tpu.memory_space<vmem>>
        %get3A_712 = tpu.memref_squeeze %get3A_711 : memref<1x128x64xf32, #tpu.memory_space<vmem>> -> memref<128x64xf32, #tpu.memory_space<vmem>>
        %get3A_713 = arith.index_cast %add3A_673 : i32 to index
        %get3A_714 = arith.constant 32 : index
        %get3A_715 = tpu.vector_load %get3A_712[%get3A_713, %get3A_714] {strides = array<i32>} : memref<128x64xf32, #tpu.memory_space<vmem>>, vector<16xf32>,
        %scatter3A_716 = arith.constant 0 : i32
        %scatter3A_717 = arith.constant 0 : i32
        %scatter3A_718 = tpu.memref_slice %arg7[%scan3A_255, %scatter3A_716, %scatter3A_717] : memref<2x64x129xf32, #tpu.memory_space<vmem>> -> memref<1x64x129xf32, #tpu.memory_space<vmem>>
        %scatter3A_719 = tpu.memref_squeeze %scatter3A_718 : memref<1x64x129xf32, #tpu.memory_space<vmem>> -> memref<64x129xf32, #tpu.memory_space<vmem>>
        tpu.vector_store_idx %scatter3A_719[%add3A_708, %broadcast_in_dim3A_674], %get3A_715 : memref<64x129xf32, #tpu.memory_space<vmem>>[vector<16xi32>, vector<16xi32>], vector<16xf32>,
        %iota3A_720 = tpu.iota {dimensions = array<i32: 0>} : vector<16xi32>
        %add3A_721 = arith.constant 48 : i32
        %add3A_722 = vector.broadcast %add3A_721 : i32 to vector<16xi32>
        %add3A_723 = arith.addi %iota3A_720, %add3A_722 : vector<16xi32>
        %get3A_724 = arith.constant 0 : i32
        %get3A_725 = arith.constant 0 : i32
        %get3A_726 = tpu.memref_slice %arg6[%scan3A_254, %get3A_724, %get3A_725] : memref<4x128x64xf32, #tpu.memory_space<vmem>> -> memref<1x128x64xf32, #tpu.memory_space<vmem>>
        %get3A_727 = tpu.memref_squeeze %get3A_726 : memref<1x128x64xf32, #tpu.memory_space<vmem>> -> memref<128x64xf32, #tpu.memory_space<vmem>>
        %get3A_728 = arith.index_cast %add3A_673 : i32 to index
        %get3A_729 = arith.constant 48 : index
        %get3A_730 = tpu.vector_load %get3A_727[%get3A_728, %get3A_729] {strides = array<i32>} : memref<128x64xf32, #tpu.memory_space<vmem>>, vector<16xf32>,
        %scatter3A_731 = arith.constant 0 : i32
        %scatter3A_732 = arith.constant 0 : i32
        %scatter3A_733 = tpu.memref_slice %arg7[%scan3A_255, %scatter3A_731, %scatter3A_732] : memref<2x64x129xf32, #tpu.memory_space<vmem>> -> memref<1x64x129xf32, #tpu.memory_space<vmem>>
        %scatter3A_734 = tpu.memref_squeeze %scatter3A_733 : memref<1x64x129xf32, #tpu.memory_space<vmem>> -> memref<64x129xf32, #tpu.memory_space<vmem>>
        tpu.vector_store_idx %scatter3A_734[%add3A_723, %broadcast_in_dim3A_674], %get3A_730 : memref<64x129xf32, #tpu.memory_space<vmem>>[vector<16xi32>, vector<16xi32>], vector<16xf32>,
        %mul3A_735 = arith.constant 8 : i32
        %mul3A_736 = arith.muli %scan3A_283, %mul3A_735 : i32
        %add3A_737 = arith.constant 7 : i32
        %add3A_738 = arith.addi %mul3A_736, %add3A_737 : i32
        %broadcast_in_dim3A_739 = vector.broadcast %add3A_738 : i32 to vector<16xi32>
        %iota3A_740 = tpu.iota {dimensions = array<i32: 0>} : vector<16xi32>
        %add3A_741 = arith.constant 0 : i32
        %add3A_742 = vector.broadcast %add3A_741 : i32 to vector<16xi32>
        %add3A_743 = arith.addi %iota3A_740, %add3A_742 : vector<16xi32>
        %get3A_744 = arith.constant 0 : i32
        %get3A_745 = arith.constant 0 : i32
        %get3A_746 = tpu.memref_slice %arg6[%scan3A_254, %get3A_744, %get3A_745] : memref<4x128x64xf32, #tpu.memory_space<vmem>> -> memref<1x128x64xf32, #tpu.memory_space<vmem>>
        %get3A_747 = tpu.memref_squeeze %get3A_746 : memref<1x128x64xf32, #tpu.memory_space<vmem>> -> memref<128x64xf32, #tpu.memory_space<vmem>>
        %get3A_748 = arith.index_cast %add3A_738 : i32 to index
        %get3A_749 = arith.constant 0 : index
        %get3A_750 = tpu.vector_load %get3A_747[%get3A_748, %get3A_749] {strides = array<i32>} : memref<128x64xf32, #tpu.memory_space<vmem>>, vector<16xf32>,
        %scatter3A_751 = arith.constant 0 : i32
        %scatter3A_752 = arith.constant 0 : i32
        %scatter3A_753 = tpu.memref_slice %arg7[%scan3A_255, %scatter3A_751, %scatter3A_752] : memref<2x64x129xf32, #tpu.memory_space<vmem>> -> memref<1x64x129xf32, #tpu.memory_space<vmem>>
        %scatter3A_754 = tpu.memref_squeeze %scatter3A_753 : memref<1x64x129xf32, #tpu.memory_space<vmem>> -> memref<64x129xf32, #tpu.memory_space<vmem>>
        tpu.vector_store_idx %scatter3A_754[%add3A_743, %broadcast_in_dim3A_739], %get3A_750 : memref<64x129xf32, #tpu.memory_space<vmem>>[vector<16xi32>, vector<16xi32>], vector<16xf32>,
        %iota3A_755 = tpu.iota {dimensions = array<i32: 0>} : vector<16xi32>
        %add3A_756 = arith.constant 16 : i32
        %add3A_757 = vector.broadcast %add3A_756 : i32 to vector<16xi32>
        %add3A_758 = arith.addi %iota3A_755, %add3A_757 : vector<16xi32>
        %get3A_759 = arith.constant 0 : i32
        %get3A_760 = arith.constant 0 : i32
        %get3A_761 = tpu.memref_slice %arg6[%scan3A_254, %get3A_759, %get3A_760] : memref<4x128x64xf32, #tpu.memory_space<vmem>> -> memref<1x128x64xf32, #tpu.memory_space<vmem>>
        %get3A_762 = tpu.memref_squeeze %get3A_761 : memref<1x128x64xf32, #tpu.memory_space<vmem>> -> memref<128x64xf32, #tpu.memory_space<vmem>>
        %get3A_763 = arith.index_cast %add3A_738 : i32 to index
        %get3A_764 = arith.constant 16 : index
        %get3A_765 = tpu.vector_load %get3A_762[%get3A_763, %get3A_764] {strides = array<i32>} : memref<128x64xf32, #tpu.memory_space<vmem>>, vector<16xf32>,
        %scatter3A_766 = arith.constant 0 : i32
        %scatter3A_767 = arith.constant 0 : i32
        %scatter3A_768 = tpu.memref_slice %arg7[%scan3A_255, %scatter3A_766, %scatter3A_767] : memref<2x64x129xf32, #tpu.memory_space<vmem>> -> memref<1x64x129xf32, #tpu.memory_space<vmem>>
        %scatter3A_769 = tpu.memref_squeeze %scatter3A_768 : memref<1x64x129xf32, #tpu.memory_space<vmem>> -> memref<64x129xf32, #tpu.memory_space<vmem>>
        tpu.vector_store_idx %scatter3A_769[%add3A_758, %broadcast_in_dim3A_739], %get3A_765 : memref<64x129xf32, #tpu.memory_space<vmem>>[vector<16xi32>, vector<16xi32>], vector<16xf32>,
        %iota3A_770 = tpu.iota {dimensions = array<i32: 0>} : vector<16xi32>
        %add3A_771 = arith.constant 32 : i32
        %add3A_772 = vector.broadcast %add3A_771 : i32 to vector<16xi32>
        %add3A_773 = arith.addi %iota3A_770, %add3A_772 : vector<16xi32>
        %get3A_774 = arith.constant 0 : i32
        %get3A_775 = arith.constant 0 : i32
        %get3A_776 = tpu.memref_slice %arg6[%scan3A_254, %get3A_774, %get3A_775] : memref<4x128x64xf32, #tpu.memory_space<vmem>> -> memref<1x128x64xf32, #tpu.memory_space<vmem>>
        %get3A_777 = tpu.memref_squeeze %get3A_776 : memref<1x128x64xf32, #tpu.memory_space<vmem>> -> memref<128x64xf32, #tpu.memory_space<vmem>>
        %get3A_778 = arith.index_cast %add3A_738 : i32 to index
        %get3A_779 = arith.constant 32 : index
        %get3A_780 = tpu.vector_load %get3A_777[%get3A_778, %get3A_779] {strides = array<i32>} : memref<128x64xf32, #tpu.memory_space<vmem>>, vector<16xf32>,
        %scatter3A_781 = arith.constant 0 : i32
        %scatter3A_782 = arith.constant 0 : i32
        %scatter3A_783 = tpu.memref_slice %arg7[%scan3A_255, %scatter3A_781, %scatter3A_782] : memref<2x64x129xf32, #tpu.memory_space<vmem>> -> memref<1x64x129xf32, #tpu.memory_space<vmem>>
        %scatter3A_784 = tpu.memref_squeeze %scatter3A_783 : memref<1x64x129xf32, #tpu.memory_space<vmem>> -> memref<64x129xf32, #tpu.memory_space<vmem>>
        tpu.vector_store_idx %scatter3A_784[%add3A_773, %broadcast_in_dim3A_739], %get3A_780 : memref<64x129xf32, #tpu.memory_space<vmem>>[vector<16xi32>, vector<16xi32>], vector<16xf32>,
        %iota3A_785 = tpu.iota {dimensions = array<i32: 0>} : vector<16xi32>
        %add3A_786 = arith.constant 48 : i32
        %add3A_787 = vector.broadcast %add3A_786 : i32 to vector<16xi32>
        %add3A_788 = arith.addi %iota3A_785, %add3A_787 : vector<16xi32>
        %get3A_789 = arith.constant 0 : i32
        %get3A_790 = arith.constant 0 : i32
        %get3A_791 = tpu.memref_slice %arg6[%scan3A_254, %get3A_789, %get3A_790] : memref<4x128x64xf32, #tpu.memory_space<vmem>> -> memref<1x128x64xf32, #tpu.memory_space<vmem>>
        %get3A_792 = tpu.memref_squeeze %get3A_791 : memref<1x128x64xf32, #tpu.memory_space<vmem>> -> memref<128x64xf32, #tpu.memory_space<vmem>>
        %get3A_793 = arith.index_cast %add3A_738 : i32 to index
        %get3A_794 = arith.constant 48 : index
        %get3A_795 = tpu.vector_load %get3A_792[%get3A_793, %get3A_794] {strides = array<i32>} : memref<128x64xf32, #tpu.memory_space<vmem>>, vector<16xf32>,
        %scatter3A_796 = arith.constant 0 : i32
        %scatter3A_797 = arith.constant 0 : i32
        %scatter3A_798 = tpu.memref_slice %arg7[%scan3A_255, %scatter3A_796, %scatter3A_797] : memref<2x64x129xf32, #tpu.memory_space<vmem>> -> memref<1x64x129xf32, #tpu.memory_space<vmem>>
        %scatter3A_799 = tpu.memref_squeeze %scatter3A_798 : memref<1x64x129xf32, #tpu.memory_space<vmem>> -> memref<64x129xf32, #tpu.memory_space<vmem>>
        tpu.vector_store_idx %scatter3A_799[%add3A_788, %broadcast_in_dim3A_739], %get3A_795 : memref<64x129xf32, #tpu.memory_space<vmem>>[vector<16xi32>, vector<16xi32>], vector<16xf32>,
      }
      %scan3A_260 = arith.constant 16 : i32
      %dma_start3A_261 = arith.constant 1 : i32
      %dma_start3A_262 = arith.constant 0 : i32
      %dma_start3A_263 = arith.constant 0 : i32
      %dma_start3A_264 = tpu.memref_slice %arg7[%dma_start3A_261, %dma_start3A_262, %dma_start3A_263] : memref<2x64x129xf32, #tpu.memory_space<vmem>> -> memref<1x64x128xf32, #tpu.memory_space<vmem>>
      %dma_start3A_265 = tpu.memref_squeeze %dma_start3A_264 : memref<1x64x128xf32, #tpu.memory_space<vmem>> -> memref<64x128xf32, #tpu.memory_space<vmem>>
      %dma_start3A_266 = arith.constant 0 : i32
      %dma_start3A_267 = tpu.memref_slice %arg4[%add3A_236, %dma_start3A_266, %mul3A_2] : memref<200x64x4096xf32, #tpu.memory_space<hbm>> -> memref<1x64x128xf32, #tpu.memory_space<hbm>>
      %dma_start3A_268 = tpu.memref_squeeze %dma_start3A_267 : memref<1x64x128xf32, #tpu.memory_space<hbm>> -> memref<64x128xf32, #tpu.memory_space<hbm>>
      %dma_start3A_269 = arith.constant 0 : i32
      %dma_start3A_270 = tpu.memref_slice %arg4[%add3A_236, %dma_start3A_269, %mul3A_2] : memref<200x64x4096xf32, #tpu.memory_space<hbm>> -> memref<1x64x128xf32, #tpu.memory_space<hbm>>
      %dma_start3A_271 = tpu.memref_squeeze %dma_start3A_270 : memref<1x64x128xf32, #tpu.memory_space<hbm>> -> memref<64x128xf32, #tpu.memory_space<hbm>>
      %dma_start3A_272 = arith.constant 0 : i32
      %dma_start3A_273 = arith.constant 0 : i32
      %dma_start3A_274 = tpu.memref_slice %arg7[%dma_start3A_261, %dma_start3A_272, %dma_start3A_273] : memref<2x64x129xf32, #tpu.memory_space<vmem>> -> memref<1x64x128xf32, #tpu.memory_space<vmem>>
      %dma_start3A_275 = tpu.memref_squeeze %dma_start3A_274 : memref<1x64x128xf32, #tpu.memory_space<vmem>> -> memref<64x128xf32, #tpu.memory_space<vmem>>
      tpu.enqueue_dma source(%dma_start3A_275 : memref<64x128xf32, #tpu.memory_space<vmem>>) target(%dma_start3A_271 : memref<64x128xf32, #tpu.memory_space<hbm>>) target_semaphore(%arg9 : memref<!tpu.dma_semaphore, #tpu.memory_space<semaphore_mem>>)
      %add3A_276 = arith.constant 4 : i32
      %add3A_277 = arith.addi %add3A_236, %add3A_276 : i32
      %lt3A_278 = arith.constant 200 : i32
      %lt3A_279 = arith.cmpi slt, %add3A_277, %lt3A_278 : i32
      %convert_element_type3A_280 = arith.extui %lt3A_279 : i1 to i32
      %cond3A_281 = arith.constant 0 : i32
      %cond3A_282 = arith.cmpi ne, %convert_element_type3A_280, %cond3A_281 : i32
      scf.if %cond3A_282 {
        %add3A_283 = arith.constant 4 : i32
        %add3A_284 = arith.addi %add3A_236, %add3A_283 : i32
        %dma_start3A_285 = arith.constant 3 : i32
        %dma_start3A_286 = arith.constant 0 : i32
        %dma_start3A_287 = arith.constant 0 : i32
        %dma_start3A_288 = tpu.memref_slice %arg6[%dma_start3A_285, %dma_start3A_286, %dma_start3A_287] : memref<4x128x64xf32, #tpu.memory_space<vmem>> -> memref<1x128x64xf32, #tpu.memory_space<vmem>>
        %dma_start3A_289 = tpu.memref_squeeze %dma_start3A_288 : memref<1x128x64xf32, #tpu.memory_space<vmem>> -> memref<128x64xf32, #tpu.memory_space<vmem>>
        %dma_start3A_290 = arith.constant 0 : i32
        %dma_start3A_291 = tpu.memref_slice %arg5[%add3A_284, %dma_start3A_290] : memref<200x128xi32, #tpu.memory_space<vmem>> -> memref<1x128xi32, #tpu.memory_space<vmem>>
        %dma_start3A_292 = tpu.memref_squeeze %dma_start3A_291 : memref<1x128xi32, #tpu.memory_space<vmem>> -> memref<128xi32, #tpu.memory_space<vmem>>
        %dma_start3A_293 = arith.constant 0 : i32
        %dma_start3A_294 = arith.constant 0 : i32
        %dma_start3A_295 = tpu.memref_slice %arg2[%dma_start3A_293, %dma_start3A_294] : memref<1000000x64xf32, #tpu.memory_space<hbm>> -> memref<1000000x64xf32, #tpu.memory_space<hbm>>
        tpu.enqueue_indirect_dma source(%dma_start3A_295 : memref<1000000x64xf32, #tpu.memory_space<hbm>>) target(%dma_start3A_289 : memref<128x64xf32, #tpu.memory_space<vmem>>) offsets(%dma_start3A_292 : memref<128xi32, #tpu.memory_space<vmem>>) semaphore(%arg8 : memref<!tpu.dma_semaphore, #tpu.memory_space<semaphore_mem>>)
      } else {
      }
    }
    %scan3A_54 = arith.constant 50 : i32
    %dma_wait3A = arith.constant 0 : i32
    %dma_wait3A_55 = arith.constant 0 : i32
    %dma_wait3A_56 = arith.constant 0 : i32
    %dma_wait3A_57 = arith.constant 0 : i32
    %dma_wait3A_58 = tpu.memref_slice %arg7[%dma_wait3A, %dma_wait3A_56, %dma_wait3A_57] : memref<2x64x129xf32, #tpu.memory_space<vmem>> -> memref<1x64x128xf32, #tpu.memory_space<vmem>>
    %dma_wait3A_59 = tpu.memref_squeeze %dma_wait3A_58 : memref<1x64x128xf32, #tpu.memory_space<vmem>> -> memref<64x128xf32, #tpu.memory_space<vmem>>
    %dma_wait3A_60 = arith.constant 0 : i32
    %dma_wait3A_61 = tpu.memref_slice %arg4[%dma_wait3A_55, %dma_wait3A_60, %mul3A_2] : memref<200x64x4096xf32, #tpu.memory_space<hbm>> -> memref<1x64x128xf32, #tpu.memory_space<hbm>>
    %dma_wait3A_62 = tpu.memref_squeeze %dma_wait3A_61 : memref<1x64x128xf32, #tpu.memory_space<hbm>> -> memref<64x128xf32, #tpu.memory_space<hbm>>
    %dma_wait3A_63 = arith.constant 0 : i32
    %dma_wait3A_64 = tpu.memref_slice %arg4[%dma_wait3A_55, %dma_wait3A_63, %mul3A_2] : memref<200x64x4096xf32, #tpu.memory_space<hbm>> -> memref<1x64x128xf32, #tpu.memory_space<hbm>>
    %dma_wait3A_65 = tpu.memref_squeeze %dma_wait3A_64 : memref<1x64x128xf32, #tpu.memory_space<hbm>> -> memref<64x128xf32, #tpu.memory_space<hbm>>
    %dma_wait3A_66 = arith.constant 0 : i32
    %dma_wait3A_67 = arith.constant 0 : i32
    %dma_wait3A_68 = tpu.memref_slice %arg7[%dma_wait3A, %dma_wait3A_66, %dma_wait3A_67] : memref<2x64x129xf32, #tpu.memory_space<vmem>> -> memref<1x64x128xf32, #tpu.memory_space<vmem>>
    %dma_wait3A_69 = tpu.memref_squeeze %dma_wait3A_68 : memref<1x64x128xf32, #tpu.memory_space<vmem>> -> memref<64x128xf32, #tpu.memory_space<vmem>>
    tpu.wait_dma2 semaphore(%arg9 : memref<!tpu.dma_semaphore, #tpu.memory_space<semaphore_mem>>) src(%dma_wait3A_69 : memref<64x128xf32, #tpu.memory_space<vmem>>) dst(%dma_wait3A_65 : memref<64x128xf32, #tpu.memory_space<hbm>>)
    %dma_wait3A_70 = arith.constant 1 : i32
    %dma_wait3A_71 = arith.constant 0 : i32
    %dma_wait3A_72 = arith.constant 0 : i32
    %dma_wait3A_73 = arith.constant 0 : i32
    %dma_wait3A_74 = tpu.memref_slice %arg7[%dma_wait3A_70, %dma_wait3A_72, %dma_wait3A_73] : memref<2x64x129xf32, #tpu.memory_space<vmem>> -> memref<1x64x128xf32, #tpu.memory_space<vmem>>
    %dma_wait3A_75 = tpu.memref_squeeze %dma_wait3A_74 : memref<1x64x128xf32, #tpu.memory_space<vmem>> -> memref<64x128xf32, #tpu.memory_space<vmem>>
    %dma_wait3A_76 = arith.constant 0 : i32
    %dma_wait3A_77 = tpu.memref_slice %arg4[%dma_wait3A_71, %dma_wait3A_76, %mul3A_2] : memref<200x64x4096xf32, #tpu.memory_space<hbm>> -> memref<1x64x128xf32, #tpu.memory_space<hbm>>
    %dma_wait3A_78 = tpu.memref_squeeze %dma_wait3A_77 : memref<1x64x128xf32, #tpu.memory_space<hbm>> -> memref<64x128xf32, #tpu.memory_space<hbm>>
    %dma_wait3A_79 = arith.constant 0 : i32
    %dma_wait3A_80 = tpu.memref_slice %arg4[%dma_wait3A_71, %dma_wait3A_79, %mul3A_2] : memref<200x64x4096xf32, #tpu.memory_space<hbm>> -> memref<1x64x128xf32, #tpu.memory_space<hbm>>
    %dma_wait3A_81 = tpu.memref_squeeze %dma_wait3A_80 : memref<1x64x128xf32, #tpu.memory_space<hbm>> -> memref<64x128xf32, #tpu.memory_space<hbm>>
    %dma_wait3A_82 = arith.constant 0 : i32
    %dma_wait3A_83 = arith.constant 0 : i32
    %dma_wait3A_84 = tpu.memref_slice %arg7[%dma_wait3A_70, %dma_wait3A_82, %dma_wait3A_83] : memref<2x64x129xf32, #tpu.memory_space<vmem>> -> memref<1x64x128xf32, #tpu.memory_space<vmem>>
    %dma_wait3A_85 = tpu.memref_squeeze %dma_wait3A_84 : memref<1x64x128xf32, #tpu.memory_space<vmem>> -> memref<64x128xf32, #tpu.memory_space<vmem>>
    tpu.wait_dma2 semaphore(%arg9 : memref<!tpu.dma_semaphore, #tpu.memory_space<semaphore_mem>>) src(%dma_wait3A_85 : memref<64x128xf32, #tpu.memory_space<vmem>>) dst(%dma_wait3A_81 : memref<64x128xf32, #tpu.memory_space<hbm>>)
    return
  }
}

</mosaic_0001>

<sc_bundles>
// kernel: kernel.3.cloned.1.call-start
scs
__scs_entry_jumppad:
0x0: {  	(pc) =	sbr.rel $0x88, $3  }
0x1: {  	(tag) =	ssettag $0x0;
	lr =	simm.s32 $0x1  }
0x2: {  	[smem:$0x3F9F] =	sst lr;
	_ =	strace $0xD0000000  }
0x3: {  	_ = 	snop  }
0x4: {  	_ = 	snop  }
0x5: {  	_ = 	snop  }
0x6: {  	_ = 	snop  }
0x7: {  	_ = 	snop  }
__scs_overlays_trampoline_lowered:
0x8: {  	[smem:$0x3FAE] =	sst s0  }
0x9: {  	[smem:$0x3FAF] =	sst s1  }
0xa: {  	[smem:$0x3FB0] =	sst s2  }
0xb: {  	[smem:$0x3FB1] =	sst s3  }
0xc: {  	[smem:$0x3FB2] =	sst s4  }
0xd: {  	[smem:$0x3FB3] =	sst s5  }
0xe: {  	[smem:$0x3FB4] =	sst s6  }
0xf: {  	[smem:$0x3FB5] =	sst s7  }
0x10: {  	[smem:$0x3FB6] =	sst s8  }
0x11: {  	[smem:$0x3FB7] =	sst s9;
	s0 =	simm.s32 @!p0 $0x0  }
0x12: {  	s1 =	sld [smem:$0x3F9D];
	s0 =	simm.s32 @p0 $0x1  }
0x13: {  	[smem:$0x3FB8] =	sst s0;
	s0 =	simm.s32 @!p1 $0x0  }
0x14: {  	s2 =	sld [smem:$0x3F9C];
	s0 =	simm.s32 @p1 $0x1  }
0x15: {  	[smem:$0x3FB9] =	sst s0;
	s0 =	simm.s32 @!p2 $0x0  }
0x16: {  	s3 =	sld [smem:$0x3FDB];
	s0 =	simm.s32 @p2 $0x1  }
0x17: {  	s4 =	simm.s32 $0x1BF5;
	[smem:$0x3FBB] =	sst s0  }
0x18: {  	s0 =	sld [smem:$0x3F9E];
	_ =	swait.ge [sflag:s4], $0x0  }
0x19: {  	s7 =	sld [smem:$0x3F9F]  }
0x1a: {  	s8 =	sadd.s32 $0xFFFFE003, lr  }
0x1b: {  	s9 =	sadd.s32 $0xFFFFFEF7, lr;
	s5 =	simm.s32 $0xFFFFFFFF;
	p2 =	slt.u32 s8, $0xFFFFF086  }
0x1c: {  	p1 =	slt.u32 s9, $0xF7A;
	s5 =	simm.s32 @!p2 $0x0  }
0x1d: {  	s5 =	simm.s32 @p1 $0x1;
	p0 =	seq.s32 s7, s2  }
0x1e: {  	s7 =	smul.u32 @!p0 $0xF7A, s2;
	p2 =	seq.s32 @!p0 s5, $0x0  }
0x1f: {  	s9 =	smul.u32 $0xF7A, s1;
	s8 =	simm.s32 @!p0 $0x1BF5;
	p2 =	por !p2, p0  }
0x20: {  	[sflag:s8] =	ssyncset.s32 @!p0 $0xFFFFF086;
	s6 =	sadd.s32 @!p0 s3, s7;
	s7 =	simm.s32 @!p0 $0x108  }
0x21: {  	s3 =	sadd.s32 s3, s9;
	s6 =	sadd.s32 @!p0 $0x88, s6;
	s7 =	simm.s32 @p2 $0x1082  }
0x22: {  	[simem:s7], [sflag:s8] =	dma.local @!p0 [hbm:s6], $0xF7A  }
0x23: {  	s9 =	sor.u32 $0xD0000000, s2;
	s6 =	simm.s32 $0x108;
	_ =	swait.ge @!p0 [sflag:s8], $0x0  }
0x24: {  	s3 =	sadd.s32 $0x88, s3;
	s6 =	simm.s32 @!p1 $0x1082;
	[sflag:s4] =	ssyncset.s32 $0xFFFFF086  }
0x25: {  	[simem:s6], [sflag:s4] =	dma.local [hbm:s3], $0xF7A  }
0x26: {  	[smem:$0x3F9F] =	sst s1;
	(tag) =	ssettag s2;
	_ =	strace s9  }
0x27: {  	s1 =	sld [smem:$0x3FAF]  }
0x28: {  	s2 =	sld [smem:$0x3FB0]  }
0x29: {  	s4 =	sld [smem:$0x3FB2]  }
0x2a: {  	p0 =	seq.s32 s5, $0x0;
	s5 =	sld [smem:$0x3FB3]  }
0x2b: {  	s6 =	sld [smem:$0x3FB4]  }
0x2c: {  	s7 =	sld [smem:$0x3FB5]  }
0x2d: {  	s3 =	simm.s32 $0x108;
	s8 =	sld [smem:$0x3FB6]  }
0x2e: {  	s3 =	simm.s32 @!p0 $0x1082;
	s9 =	sld [smem:$0x3FB7]  }
0x2f: {  	lr =	sadd.s32 s0, s3;
	s0 =	sld [smem:$0x3FAE]  }
0x30: {  	s3 =	sld [smem:$0x3FB1]  }
0x31: {  	[smem:$0x3FBA] =	sst s10  }
0x32: {  	s10 =	sld [smem:$0x3FB8];
	_ =	sdelay $0x3  }
0x33: {  	p0 =	seq.s32 s10, $0x1;
	s10 =	sld [smem:$0x3FBA];
	_ =	sdelay $0x3  }
0x34: {  	[smem:$0x3FBA] =	sst s10  }
0x35: {  	s10 =	sld [smem:$0x3FB9];
	_ =	sdelay $0x3  }
0x36: {  	p1 =	seq.s32 s10, $0x1;
	s10 =	sld [smem:$0x3FBA];
	_ =	sdelay $0x3  }
0x37: {  	[smem:$0x3FBA] =	sst s10  }
0x38: {  	s10 =	sld [smem:$0x3FBB]  }
0x39: {  	_ = 	snop;
	(pc) =	sbr.ind lr, $3  }
0x3a: {  	_ = 	snop  }
0x3b: {  	_ = 	snop  }
0x3c: {  	p2 =	seq.s32 s10, $0x1;
	s10 =	sld [smem:$0x3FBA]  }
0x3d: {  	_ =	shalt  }
0x3e: {  	_ =	shalt  }
0x3f: {  	_ =	shalt  }
0x40: {  	_ =	shalt  }
0x41: {  	_ =	shalt  }
0x42: {  	_ =	shalt  }
0x43: {  	_ =	shalt  }
0x44: {  	_ =	shalt  }
0x45: {  	_ =	shalt  }
0x46: {  	_ =	shalt  }
0x47: {  	_ =	shalt  }
0x48: {  	_ =	shalt  }
0x49: {  	_ =	shalt  }
0x4a: {  	_ =	shalt  }
0x4b: {  	_ =	shalt  }
0x4c: {  	_ =	shalt  }
0x4d: {  	_ =	shalt  }
0x4e: {  	_ =	shalt  }
0x4f: {  	_ =	shalt  }
0x50: {  	_ =	shalt  }
0x51: {  	_ =	shalt  }
0x52: {  	_ =	shalt  }
0x53: {  	_ =	shalt  }
0x54: {  	_ =	shalt  }
0x55: {  	_ =	shalt  }
0x56: {  	_ =	shalt  }
0x57: {  	_ =	shalt  }
0x58: {  	_ =	shalt  }
0x59: {  	_ =	shalt  }
0x5a: {  	_ =	shalt  }
0x5b: {  	_ =	shalt  }
0x5c: {  	_ =	shalt  }
0x5d: {  	_ =	shalt  }
0x5e: {  	_ =	shalt  }
0x5f: {  	_ =	shalt  }
0x60: {  	_ =	shalt  }
0x61: {  	_ =	shalt  }
0x62: {  	_ =	shalt  }
0x63: {  	_ =	shalt  }
0x64: {  	_ =	shalt  }
0x65: {  	_ =	shalt  }
0x66: {  	_ =	shalt  }
0x67: {  	_ =	shalt  }
0x68: {  	_ =	shalt  }
0x69: {  	_ =	shalt  }
0x6a: {  	_ =	shalt  }
0x6b: {  	_ =	shalt  }
0x6c: {  	_ =	shalt  }
0x6d: {  	_ =	shalt  }
0x6e: {  	_ =	shalt  }
0x6f: {  	_ =	shalt  }
0x70: {  	_ =	shalt  }
0x71: {  	_ =	shalt  }
0x72: {  	_ =	shalt  }
0x73: {  	_ =	shalt  }
0x74: {  	_ =	shalt  }
0x75: {  	_ =	shalt  }
0x76: {  	_ =	shalt  }
0x77: {  	_ =	shalt  }
0x78: {  	_ =	shalt  }
0x79: {  	_ =	shalt  }
0x7a: {  	_ =	shalt  }
0x7b: {  	_ =	shalt  }
0x7c: {  	_ =	shalt  }
0x7d: {  	_ =	shalt  }
0x7e: {  	_ =	shalt  }
0x7f: {  	_ =	shalt  }
0x80: {  	_ =	shalt  }
0x81: {  	_ =	shalt  }
0x82: {  	_ =	shalt  }
0x83: {  	_ =	shalt  }
0x84: {  	_ =	shalt  }
0x85: {  	_ =	shalt  }
0x86: {  	_ =	shalt  }
0x87: {  	_ =	shalt  }
.Lfunc_end0:
.L_simem_size_0:
called_computation_lowered:
.L_overlay_start_0:
0x88: {  	s2 =	sld [smem:$0x3FD9]  }
0x89: {  	s3 =	sld [smem:$0x3FFE];
	_ =	sdelay $0x1  }
0x8a: {  	s1 =	srdreg.scid  }
0x8b: {  	s0 =	sand.u32 $0x1, s1  }
0x8c: {  	s17 =	sshll.u32 s0, $0xA;
	s2 =	sadd.s32 s3, s2  }
0x8d: {  	s2 =	sadd.s32 s2, s17  }
0x8e: {  	[smem:$0x3FC6] =	sst s2  }
0x8f: {  	_ = 	snop  }
0x90: {  	s2 =	sld [smem:$0x3FD0];
	(tm) =	ssettm $0x1  }
0x91: {  	s18 =	sld [smem:$0x3FFB];
	_ =	sdelay $0x3  }
0x92: {  	_ =	strace s18  }
0x93: {  	s3 =	sld [smem:$0x3FFC];
	_ =	sdelay $0x3  }
0x94: {  	_ =	strace s3  }
0x95: {  	s3 =	sld [smem:$0x3FFD];
	_ =	sdelay $0x3  }
0x96: {  	_ =	strace s3  }
0x97: {  	_ =	strace $0x8FFFFFFF  }
0x98: {  	s19 =	sld [smem:$0x3FDB];
	_ =	sdelay $0x1  }
0x99: {  	s4 =	simm.s32 $_scs_section_size  }
0x9a: {  	s5 =	simm.s32 $_size__tile_overlayer_lowered;
	s6 =	simm.s32 $_tile_overlayer_lowered  }
0x9b: {  	s22 =	simm.s32 $0x1BFF;
	s21 =	sshll.u32 s6, $0x1;
	s3 =	sadd.s32 s4, s19  }
0x9c: {  	s7 =	simm.s32 $0x0;
	s20 =	sshll.u32 s5, $0x1;
	s5 =	sadd.s32 s21, s3  }
0x9d: {  	[timem:s7], [sflag:s22] =	dma.local [hbm:s5], s20  }
0x9e: {  	_ =	swait.ge [sflag:s22], s20  }
0x9f: {  	s4 =	ssub.s32 $0x0, s20;
	[sflag:s22] =	ssyncset.done $0x0  }
0xa0: {  	[sflag:s22] =	ssyncadd.s32 s4;
	_ =	sdelay $0x1  }
0xa1: {  	s23 =	simm.s32 $0x1B8B  }
0xa2: {  	_ =	swait.ge [sflag:s23], $0x1  }
0xa3: {  	[sflag:s23] =	ssyncset.done $0x0  }
0xa4: {  	s25 =	simm.s32 $0x1B8E;
	s24 =	sld [smem:$0x3FFE];
	[sflag:s23] =	ssyncadd.s32 $0xFFFFFFFF  }
0xa5: {  	s26 =	simm.s32 $execute0_lowered;
	[smem:$0x3FD2] =	sst s25  }
0xa6: {  	s5 =	sshll.u32 s26, $0x1;
	_ =	strace $0x80000046;
	[dreg:$0x1] =	wrdreg $0xFFFFFFFF  }
0xa7: {  	s28 =	simm.s32 $_size_execute0_lowered;
	s3 =	sadd.s32 s3, s5;
	[dreg:$0x0] =	wrdreg $0x0  }
0xa8: {  	s5 =	sshll.u32 s28, $0x1;
	[dreg:$0x2] =	wrdreg s3  }
0xa9: {  	[dreg:$0x3] =	wrdreg s5  }
0xaa: {  	[dreg:$0x4] =	wrdreg $0xC0  }
0xab: {  	_ =	task [dreg:s7], $0x5FFFF  }
0xac: {  	[dreg:$0x1] =	wrdreg $0xFFFFFFFF  }
0xad: {  	[dreg:$0x0] =	wrdreg $0x60  }
0xae: {  	[dreg:$0x2] =	wrdreg s24  }
0xaf: {  	[dreg:$0x3] =	wrdreg s2  }
0xb0: {  	[dreg:$0x4] =	wrdreg $0x9  }
0xb1: {  	_ =	task.clear_ibuf [dreg:s7], $0x5FFFF;
	_ =	strace $0x90000046  }
0xb2: {  	s29 =	simm.s32 $0x9;
	_ =	strace $0x80000048  }
0xb3: {  	_ =	swait.ge [sflag:s29], $0x1  }
0xb4: {  	[sflag:s29] =	ssyncadd.s32 $0xFFFFFFFF  }
0xb5: {  	_ =	strace $0x90000048  }
0xb6: {  	_ =	sfence  }
0xb7: {  	s30 =	sld [smem:$0x0];
	_ =	sdelay $0x2  }
0xb8: {  	s31 =	sshll.u32 s1, $0xD;
	s1 =	sshrl.u32 s1, $0x2  }
0xb9: {  	s3 =	sand.u32 $0x4000, s31;
	s1 =	sadd.s32 s1, s30  }
0xba: {  	s0 =	sor.u32 s3, s0;
	s1 =	sshll.u32 s1, $0x11  }
0xbb: {  	s0 =	sor.u32 s1, s0  }
0xbc: {  	s0 =	sadd.s32 $0x8F2B, s0  }
0xbd: {  	[sflag:s0] =	ssyncadd.remote.s32 $0x1  }
0xbe: {  	_ =	sfence.sel $0xFFFF  }
0xbf: {  	[dreg:$0x0] =	wrdreg $0xFFFFFFFF;
	(pc) =	sbr.abs _section_cstart, $3  }
0xc0: {  	[dreg:$0x1] =	wrdreg $0xFFFFFFFF  }
0xc1: {  	_ =	task.clear_ibuf [dreg:s7], $0x2FFFF;
	_ =	strace $0x9FFFFFFF  }
0xc2: {  	(tm) =	ssettm $0x7FFFFFFF  }
0xc3: {  	_ =	shalt  }
tec
execute0_lowered:
.L_overlay_start_1:
0x0: {  	(tag) =	ssettag $0x1  }
0x1: {  	v0 =	vlaneseq.u32  }
0x2: {  	s0 =	rddreg [dreg:$0x0];
	v0 =	vmul.u32 $0x88, v0  }
0x3: {  	s2 =	rddreg [dreg:$0x1];
	s1 =	simm.s32 $0x0;
	v1 =	vimm.s32 $0x0;
	vm0 =	vcmask $0x300  }
0x4: {  	s3 =	srdreg.scid;
	s4 =	stileid.u32;
	s11 =	simm.s32 $0x80;
	v1 =	vsel vm0, $0x3, v1;
	v2 =	vadd.s32 $0x880, v0  }
0x5: {  	s13 =	simm.s32 $0x3;
	s14 =	simm.s32 $0x6400;
	s17 =	simm.s32 $0xA400;
	v3 =	vadd.s32 $0x1100, v0;
	v4 =	vadd.s32 $0x1980, v0;
	v5 =	vor.u32 $0x1, v0  }
0x6: {  	s18 =	simm.s32 $0x180;
	s19 =	simm.s32 $0xC400;
	s20 =	simm.s32 $0x1;
	v6 =	vadd.s32 $0x881, v0;
	v7 =	vadd.s32 $0x1101, v0;
	v8 =	vadd.s32 $0x1981, v0  }
0x7: {  	s21 =	simm.s32 $0xE400;
	s22 =	simm.s32 $0x2;
	s23 =	simm.s32 $0x10600;
	v9 =	vor.u32 $0x2, v0;
	v10 =	vadd.s32 $0x882, v0;
	v11 =	vadd.s32 $0x1102, v0  }
0x8: {  	s24 =	simm.s32 $0x12800;
	s25 =	simm.s32 $0x14A00;
	s26 =	simm.s32 $0x0;
	v12 =	vadd.s32 $0x1982, v0;
	v13 =	vor.u32 $0x3, v0;
	v14 =	vadd.s32 $0x883, v0  }
0x9: {  	[smem:$0x7FF] =	sst s1;
	s3 =	sand.u32 $0x1, s3;
	s4 =	sshll.u32 s4, $0x8;
	v15 =	vadd.s32 $0x1103, v0;
	v16 =	vadd.s32 $0x1983, v0;
	v17 =	vor.u32 $0x4, v0  }
.Ltmp0:
0xa: {  	s8 =	sadd.s32 $0x10600, s0;
	s9 =	sadd.s32 $0x18600, s0;
	v18 =	vadd.s32 $0x884, v0;
	v19 =	vadd.s32 $0x1104, v0;
	v20 =	vadd.s32 $0x1984, v0;
	(pc) =	sbr.rel .LBB2_1-.Ltmp0, $4  }
0xb: {  	_ =	strace $0x80000047;
	s6 =	ssub.s32 $0x2, s3;
	s5 =	sshll.u32 s3, $0x7;
	v21 =	vor.u32 $0x5, v0;
	v22 =	vadd.s32 $0x885, v0;
	v23 =	vadd.s32 $0x1105, v0  }
0xc: {  	s3 =	sadd.s32 $0xF42A00, s0;
	s7 =	sshrl.u32 s6, $0x1;
	s4 =	sor.u32 s5, s4;
	v24 =	vadd.s32 $0x1985, v0;
	v25 =	vor.u32 $0x6, v0;
	v26 =	vadd.s32 $0x886, v0  }
0xd: {  	s5 =	sadd.s32 $0x600, s0;
	v27 =	vadd.s32 $0x1106, v0;
	v28 =	vadd.s32 $0x1986, v0;
	v29 =	vor.u32 $0x7, v0;
	s10 =	ssub.s32 s6, s7;
	s31 =	sshrl.u32 s4, $0x3  }
0xe: {  	v30 =	vadd.s32 $0x887, v0;
	v31 =	vadd.s32 $0x1107, v0;
	v32 =	vadd.s32 $0x1987, v0;
	s7 =	sadd.s32 $0x8600, s0;
	s6 =	sadd.s32 s2, s31;
	s10 =	smax.u32 s10, $0x1  }
.LBB2_24:
0xf: {  	s26 =	sadd.s32 $0x1, s26  }
0x10: {  	_ =	swait.ge [sflag:s22], $0x2000;
	p0 =	sne.s32 s26, s10  }
.Ltmp1:
0x11: {  	[sflag:s22] =	ssyncset.done $0x0;
	(pc) =	sbr.rel @!p0 .LBB2_25-.Ltmp1, $4  }
0x12: {  	[sflag:s22] =	ssyncadd.s32 $0xFFFFE000  }
0x13: {  	_ =	swait.ge [sflag:s22], $0x2000  }
0x14: {  	[sflag:s22] =	ssyncset.done $0x0  }
0x15: {  	[sflag:s22] =	ssyncadd.s32 $0xFFFFE000  }
.LBB2_1:
0x16: {  	s0 =	simm.s32 $0x1000  }
0x17: {  	[tilespmem:s1], [sflag:$0x3] =	stream.strided.gather [hbm4b:s6+s11], $0x6400, s0, s11, $0x38;
	[tilespmem:$0x12800] =	vst v63  }
0x18: {  	_ =	swait.ge [sflag:s13], $0x6400  }
0x19: {  	[sflag:s13] =	ssyncset.done $0x0  }
0x1a: {  	[sflag:s13] =	ssyncadd.s32 $0xFFFF9C00  }
0x1b: {  	[tilespmem:s14], [sflag:$0x1] =	stream.indirect.gather [hbm4b:s3+s11], $0x40, s1, s11, $0xb8;
	[tilespmem:$0x12800] =	vst v63  }
0x1c: {  	s30 =	simm.s32 $0x8400  }
0x1d: {  	[tilespmem:s30], [sflag:$0x1] =	stream.indirect.gather [hbm4b:s3+s11], $0x40, s11, s11, $0xb8;
	[tilespmem:$0x12800] =	vst v63  }
0x1e: {  	s31 =	simm.s32 $0x100  }
0x1f: {  	[tilespmem:s17], [sflag:$0x1] =	stream.indirect.gather [hbm4b:s3+s11], $0x40, s31, s11, $0xb8;
	[tilespmem:$0x12800] =	vst v63  }
0x20: {  	s28 =	simm.s32 $0x0  }
0x21: {  	[tilespmem:s19], [sflag:$0x1] =	stream.indirect.gather [hbm4b:s3+s11], $0x40, s18, s11, $0xb8;
	[tilespmem:$0x12800] =	vst v63  }
.LBB2_2:
0x22: {  	_ =	swait.ge [sflag:s20], $0x2000;
	s0 =	simm.s32 $0x0  }
0x23: {  	p0 =	seq.s32 s28, $0x0;
	[sflag:s20] =	ssyncset.done $0x0;
	v33 =	vmov s0  }
0x24: {  	s0 =	simm.s32 @!p0 $0x2;
	[sflag:s20] =	ssyncadd.s32 $0xFFFFE000;
	v33 =	vshrl.u32 v33, $0x3  }
0x25: {  	_ =	swait.ge @!p0 [sflag:s0], $0x2000;
	v33 =	vshll.u32 v33, v1  }
0x26: {  	[sflag:s0] =	ssyncset.done @!p0 $0x0;
	v33 =	vbroadcast v33, $0x0  }
0x27: {  	s30 =	simm.s32 $0x6500;
	[sflag:s0] =	ssyncadd.s32 @!p0 $0xFFFFE000  }
0x28: {  	v34 =	vld [tilespmem:s30+$0xFFFFFF00];
	v35 =	vadd.s32 v0, v33;
	_ =	sdelay $0x4  }
0x29: {  	[tilespmem:v35+s21+$0x0] =	vst.idx.msk $0xffff, v34  }
0x2a: {  	v56 =	vadd.s32 v2, v33;
	v34 =	vld [tilespmem:s30+$0xFFFFFF10];
	_ =	sdelay $0x4  }
0x2b: {  	[tilespmem:v56+s21+$0x0] =	vst.idx.msk $0xffff, v34  }
0x2c: {  	v57 =	vadd.s32 v3, v33;
	v34 =	vld [tilespmem:s30+$0xFFFFFF20];
	_ =	sdelay $0x4  }
0x2d: {  	[tilespmem:v57+s21+$0x0] =	vst.idx.msk $0xffff, v34  }
0x2e: {  	s16 =	simm.s32 $0x1;
	v33 =	vadd.s32 v4, v33;
	v34 =	vld [tilespmem:s30+$0xFFFFFF30]  }
0x2f: {  	v58 =	vmov s16  }
0x30: {  	v35 =	vshrl.u32 v58, $0x3  }
0x31: {  	v35 =	vshll.u32 v35, v1  }
0x32: {  	v35 =	vbroadcast v35, $0x0  }
0x33: {  	[tilespmem:v33+s21+$0x0] =	vst.idx.msk $0xffff, v34  }
0x34: {  	v59 =	vadd.s32 v5, v35;
	v33 =	vld [tilespmem:s30+$0xFFFFFF40];
	_ =	sdelay $0x4  }
0x35: {  	[tilespmem:v59+s21+$0x0] =	vst.idx.msk $0xffff, v33  }
0x36: {  	v60 =	vadd.s32 v6, v35;
	v33 =	vld [tilespmem:s30+$0xFFFFFF50];
	_ =	sdelay $0x4  }
0x37: {  	[tilespmem:v60+s21+$0x0] =	vst.idx.msk $0xffff, v33  }
0x38: {  	v61 =	vadd.s32 v7, v35;
	v33 =	vld [tilespmem:s30+$0xFFFFFF60];
	_ =	sdelay $0x4  }
0x39: {  	[tilespmem:v61+s21+$0x0] =	vst.idx.msk $0xffff, v33  }
0x3a: {  	s31 =	simm.s32 $0x2;
	v62 =	vadd.s32 v8, v35;
	v33 =	vld [tilespmem:s30+$0xFFFFFF70]  }
0x3b: {  	v63 =	vmov s31  }
0x3c: {  	v35 =	vshrl.u32 v63, $0x3  }
0x3d: {  	v35 =	vshll.u32 v35, v1  }
0x3e: {  	v35 =	vbroadcast v35, $0x0  }
0x3f: {  	[tilespmem:v62+s21+$0x0] =	vst.idx.msk $0xffff, v33  }
0x40: {  	v36 =	vadd.s32 v9, v35;
	v33 =	vld [tilespmem:s30+$0xFFFFFF80];
	_ =	sdelay $0x4  }
0x41: {  	[tilespmem:v36+s21+$0x0] =	vst.idx.msk $0xffff, v33  }
0x42: {  	v37 =	vadd.s32 v10, v35;
	v33 =	vld [tilespmem:s30+$0xFFFFFF90];
	_ =	sdelay $0x4  }
0x43: {  	[tilespmem:v37+s21+$0x0] =	vst.idx.msk $0xffff, v33  }
0x44: {  	v38 =	vadd.s32 v11, v35;
	v33 =	vld [tilespmem:s30+$0xFFFFFFA0];
	_ =	sdelay $0x4  }
0x45: {  	[tilespmem:v38+s21+$0x0] =	vst.idx.msk $0xffff, v33  }
0x46: {  	s2 =	simm.s32 $0x3;
	v39 =	vadd.s32 v12, v35;
	v33 =	vld [tilespmem:s30+$0xFFFFFFB0]  }
0x47: {  	v40 =	vmov s2  }
0x48: {  	v35 =	vshrl.u32 v40, $0x3  }
0x49: {  	v35 =	vshll.u32 v35, v1  }
0x4a: {  	v35 =	vbroadcast v35, $0x0  }
0x4b: {  	[tilespmem:v39+s21+$0x0] =	vst.idx.msk $0xffff, v33  }
0x4c: {  	v41 =	vadd.s32 v13, v35;
	v33 =	vld [tilespmem:s30+$0xFFFFFFC0];
	_ =	sdelay $0x4  }
0x4d: {  	[tilespmem:v41+s21+$0x0] =	vst.idx.msk $0xffff, v33  }
0x4e: {  	v42 =	vadd.s32 v14, v35;
	v33 =	vld [tilespmem:s30+$0xFFFFFFD0];
	_ =	sdelay $0x4  }
0x4f: {  	[tilespmem:v42+s21+$0x0] =	vst.idx.msk $0xffff, v33  }
0x50: {  	v43 =	vadd.s32 v15, v35;
	v33 =	vld [tilespmem:s30+$0xFFFFFFE0];
	_ =	sdelay $0x4  }
0x51: {  	[tilespmem:v43+s21+$0x0] =	vst.idx.msk $0xffff, v33  }
0x52: {  	s12 =	simm.s32 $0x4;
	v44 =	vadd.s32 v16, v35;
	v33 =	vld [tilespmem:s30+$0xFFFFFFF0]  }
0x53: {  	v45 =	vmov s12  }
0x54: {  	v35 =	vshrl.u32 v45, $0x3  }
0x55: {  	v35 =	vshll.u32 v35, v1  }
0x56: {  	v35 =	vbroadcast v35, $0x0  }
0x57: {  	[tilespmem:v44+s21+$0x0] =	vst.idx.msk $0xffff, v33  }
0x58: {  	v46 =	vadd.s32 v17, v35;
	v33 =	vld [tilespmem:s30+$0x0];
	_ =	sdelay $0x4  }
0x59: {  	[tilespmem:v46+s21+$0x0] =	vst.idx.msk $0xffff, v33  }
0x5a: {  	v47 =	vadd.s32 v18, v35;
	v33 =	vld [tilespmem:s30+$0x10];
	_ =	sdelay $0x4  }
0x5b: {  	[tilespmem:v47+s21+$0x0] =	vst.idx.msk $0xffff, v33  }
0x5c: {  	v48 =	vadd.s32 v19, v35;
	v33 =	vld [tilespmem:s30+$0x20];
	_ =	sdelay $0x4  }
0x5d: {  	[tilespmem:v48+s21+$0x0] =	vst.idx.msk $0xffff, v33  }
0x5e: {  	s15 =	simm.s32 $0x5;
	v49 =	vadd.s32 v20, v35;
	v33 =	vld [tilespmem:s30+$0x30]  }
0x5f: {  	v50 =	vmov s15  }
0x60: {  	v35 =	vshrl.u32 v50, $0x3  }
0x61: {  	v35 =	vshll.u32 v35, v1  }
0x62: {  	v35 =	vbroadcast v35, $0x0  }
0x63: {  	[tilespmem:v49+s21+$0x0] =	vst.idx.msk $0xffff, v33  }
0x64: {  	v51 =	vadd.s32 v21, v35;
	v33 =	vld [tilespmem:s30+$0x40];
	_ =	sdelay $0x4  }
0x65: {  	[tilespmem:v51+s21+$0x0] =	vst.idx.msk $0xffff, v33  }
0x66: {  	v52 =	vadd.s32 v22, v35;
	v33 =	vld [tilespmem:s30+$0x50];
	_ =	sdelay $0x4  }
0x67: {  	[tilespmem:v52+s21+$0x0] =	vst.idx.msk $0xffff, v33  }
0x68: {  	v53 =	vadd.s32 v23, v35;
	v33 =	vld [tilespmem:s30+$0x60];
	_ =	sdelay $0x4  }
0x69: {  	[tilespmem:v53+s21+$0x0] =	vst.idx.msk $0xffff, v33  }
0x6a: {  	s16 =	simm.s32 $0x6;
	v54 =	vadd.s32 v24, v35;
	v33 =	vld [tilespmem:s30+$0x70]  }
0x6b: {  	v55 =	vmov s16  }
0x6c: {  	v35 =	vshrl.u32 v55, $0x3  }
0x6d: {  	v35 =	vshll.u32 v35, v1  }
0x6e: {  	v35 =	vbroadcast v35, $0x0  }
0x6f: {  	[tilespmem:v54+s21+$0x0] =	vst.idx.msk $0xffff, v33  }
0x70: {  	v56 =	vadd.s32 v25, v35;
	v33 =	vld [tilespmem:s30+$0x80];
	_ =	sdelay $0x4  }
0x71: {  	[tilespmem:v56+s21+$0x0] =	vst.idx.msk $0xffff, v33  }
0x72: {  	v57 =	vadd.s32 v26, v35;
	v33 =	vld [tilespmem:s30+$0x90];
	_ =	sdelay $0x4  }
0x73: {  	[tilespmem:v57+s21+$0x0] =	vst.idx.msk $0xffff, v33  }
0x74: {  	v58 =	vadd.s32 v27, v35;
	v33 =	vld [tilespmem:s30+$0xA0];
	_ =	sdelay $0x4  }
0x75: {  	[tilespmem:v58+s21+$0x0] =	vst.idx.msk $0xffff, v33  }
0x76: {  	s31 =	simm.s32 $0x7;
	v59 =	vadd.s32 v28, v35;
	v33 =	vld [tilespmem:s30+$0xB0]  }
0x77: {  	v60 =	vmov s31  }
0x78: {  	v35 =	vshrl.u32 v60, $0x3  }
0x79: {  	v35 =	vshll.u32 v35, v1  }
0x7a: {  	v35 =	vbroadcast v35, $0x0  }
0x7b: {  	[tilespmem:v59+s21+$0x0] =	vst.idx.msk $0xffff, v33  }
0x7c: {  	v61 =	vadd.s32 v29, v35;
	v33 =	vld [tilespmem:s30+$0xC0];
	_ =	sdelay $0x4  }
0x7d: {  	[tilespmem:v61+s21+$0x0] =	vst.idx.msk $0xffff, v33  }
0x7e: {  	v62 =	vadd.s32 v30, v35;
	v33 =	vld [tilespmem:s30+$0xD0];
	_ =	sdelay $0x4  }
0x7f: {  	[tilespmem:v62+s21+$0x0] =	vst.idx.msk $0xffff, v33  }
0x80: {  	v63 =	vadd.s32 v31, v35;
	v33 =	vld [tilespmem:s30+$0xE0];
	_ =	sdelay $0x4  }
0x81: {  	s29 =	sshll.u32 s28, $0xB;
	[tilespmem:v63+s21+$0x0] =	vst.idx.msk $0xffff, v33  }
0x82: {  	s12 =	simm.s32 $0x8;
	s2 =	simm.s32 $0x17;
	s0 =	simm.s32 $0xF;
	v34 =	vadd.s32 v32, v35;
	v33 =	vld [tilespmem:s30+$0xF0]  }
.LBB2_3:
0x83: {  	p1 =	sne.s32 s2, $0x7F;
	v35 =	vmov s12  }
0x84: {  	v35 =	vshrl.u32 v35, $0x3  }
0x85: {  	v35 =	vshll.u32 v35, v1  }
0x86: {  	v35 =	vbroadcast v35, $0x0  }
0x87: {  	s30 =	sadd.s32 $0x200, s30;
	[tilespmem:v34+s21+$0x0] =	vst.idx.msk $0xffff, v33  }
0x88: {  	v33 =	vld [tilespmem:s30+$0xFFFFFF00];
	v34 =	vadd.s32 v0, v35;
	_ =	sdelay $0x4  }
0x89: {  	[tilespmem:v34+s21+$0x0] =	vst.idx.msk $0xffff, v33  }
0x8a: {  	v34 =	vadd.s32 v2, v35;
	v33 =	vld [tilespmem:s30+$0xFFFFFF10];
	_ =	sdelay $0x4  }
0x8b: {  	[tilespmem:v34+s21+$0x0] =	vst.idx.msk $0xffff, v33  }
0x8c: {  	v34 =	vadd.s32 v3, v35;
	v33 =	vld [tilespmem:s30+$0xFFFFFF20];
	_ =	sdelay $0x4  }
0x8d: {  	[tilespmem:v34+s21+$0x0] =	vst.idx.msk $0xffff, v33  }
0x8e: {  	s12 =	sadd.s32 $0xFFFFFFFA, s0;
	v34 =	vadd.s32 v4, v35;
	v33 =	vld [tilespmem:s30+$0xFFFFFF30]  }
0x8f: {  	v35 =	vmov s12  }
0x90: {  	v35 =	vshrl.u32 v35, $0x3  }
0x91: {  	v35 =	vshll.u32 v35, v1  }
0x92: {  	v35 =	vbroadcast v35, $0x0  }
0x93: {  	[tilespmem:v34+s21+$0x0] =	vst.idx.msk $0xffff, v33  }
0x94: {  	v34 =	vadd.s32 v5, v35;
	v33 =	vld [tilespmem:s30+$0xFFFFFF40];
	_ =	sdelay $0x4  }
0x95: {  	[tilespmem:v34+s21+$0x0] =	vst.idx.msk $0xffff, v33  }
0x96: {  	v34 =	vadd.s32 v6, v35;
	v33 =	vld [tilespmem:s30+$0xFFFFFF50];
	_ =	sdelay $0x4  }
0x97: {  	[tilespmem:v34+s21+$0x0] =	vst.idx.msk $0xffff, v33  }
0x98: {  	v34 =	vadd.s32 v7, v35;
	v33 =	vld [tilespmem:s30+$0xFFFFFF60];
	_ =	sdelay $0x4  }
0x99: {  	[tilespmem:v34+s21+$0x0] =	vst.idx.msk $0xffff, v33  }
0x9a: {  	s12 =	sadd.s32 $0xFFFFFFFB, s0;
	v34 =	vadd.s32 v8, v35;
	v33 =	vld [tilespmem:s30+$0xFFFFFF70]  }
0x9b: {  	v35 =	vmov s12  }
0x9c: {  	v35 =	vshrl.u32 v35, $0x3  }
0x9d: {  	v35 =	vshll.u32 v35, v1  }
0x9e: {  	v35 =	vbroadcast v35, $0x0  }
0x9f: {  	[tilespmem:v34+s21+$0x0] =	vst.idx.msk $0xffff, v33  }
0xa0: {  	v34 =	vadd.s32 v9, v35;
	v33 =	vld [tilespmem:s30+$0xFFFFFF80];
	_ =	sdelay $0x4  }
0xa1: {  	[tilespmem:v34+s21+$0x0] =	vst.idx.msk $0xffff, v33  }
0xa2: {  	v34 =	vadd.s32 v10, v35;
	v33 =	vld [tilespmem:s30+$0xFFFFFF90];
	_ =	sdelay $0x4  }
0xa3: {  	[tilespmem:v34+s21+$0x0] =	vst.idx.msk $0xffff, v33  }
0xa4: {  	v34 =	vadd.s32 v11, v35;
	v33 =	vld [tilespmem:s30+$0xFFFFFFA0];
	_ =	sdelay $0x4  }
0xa5: {  	[tilespmem:v34+s21+$0x0] =	vst.idx.msk $0xffff, v33  }
0xa6: {  	s12 =	sadd.s32 $0xFFFFFFFC, s0;
	v34 =	vadd.s32 v12, v35;
	v33 =	vld [tilespmem:s30+$0xFFFFFFB0]  }
0xa7: {  	v35 =	vmov s12  }
0xa8: {  	v35 =	vshrl.u32 v35, $0x3  }
0xa9: {  	v35 =	vshll.u32 v35, v1  }
0xaa: {  	v35 =	vbroadcast v35, $0x0  }
0xab: {  	[tilespmem:v34+s21+$0x0] =	vst.idx.msk $0xffff, v33  }
0xac: {  	v34 =	vadd.s32 v13, v35;
	v33 =	vld [tilespmem:s30+$0xFFFFFFC0];
	_ =	sdelay $0x4  }
0xad: {  	[tilespmem:v34+s21+$0x0] =	vst.idx.msk $0xffff, v33  }
0xae: {  	v34 =	vadd.s32 v14, v35;
	v33 =	vld [tilespmem:s30+$0xFFFFFFD0];
	_ =	sdelay $0x4  }
0xaf: {  	[tilespmem:v34+s21+$0x0] =	vst.idx.msk $0xffff, v33  }
0xb0: {  	v34 =	vadd.s32 v15, v35;
	v33 =	vld [tilespmem:s30+$0xFFFFFFE0];
	_ =	sdelay $0x4  }
0xb1: {  	[tilespmem:v34+s21+$0x0] =	vst.idx.msk $0xffff, v33  }
0xb2: {  	s12 =	sadd.s32 $0xFFFFFFFD, s0;
	v34 =	vadd.s32 v16, v35;
	v33 =	vld [tilespmem:s30+$0xFFFFFFF0]  }
0xb3: {  	v35 =	vmov s12  }
0xb4: {  	v35 =	vshrl.u32 v35, $0x3  }
0xb5: {  	v35 =	vshll.u32 v35, v1  }
0xb6: {  	v35 =	vbroadcast v35, $0x0  }
0xb7: {  	[tilespmem:v34+s21+$0x0] =	vst.idx.msk $0xffff, v33  }
0xb8: {  	v34 =	vadd.s32 v17, v35;
	v33 =	vld [tilespmem:s30+$0x0];
	_ =	sdelay $0x4  }
0xb9: {  	[tilespmem:v34+s21+$0x0] =	vst.idx.msk $0xffff, v33  }
0xba: {  	v34 =	vadd.s32 v18, v35;
	v33 =	vld [tilespmem:s30+$0x10];
	_ =	sdelay $0x4  }
0xbb: {  	[tilespmem:v34+s21+$0x0] =	vst.idx.msk $0xffff, v33  }
0xbc: {  	v34 =	vadd.s32 v19, v35;
	v33 =	vld [tilespmem:s30+$0x20];
	_ =	sdelay $0x4  }
0xbd: {  	[tilespmem:v34+s21+$0x0] =	vst.idx.msk $0xffff, v33  }
0xbe: {  	s12 =	sadd.s32 $0xFFFFFFFE, s0;
	v34 =	vadd.s32 v20, v35;
	v33 =	vld [tilespmem:s30+$0x30]  }
0xbf: {  	v35 =	vmov s12  }
0xc0: {  	v35 =	vshrl.u32 v35, $0x3  }
0xc1: {  	v35 =	vshll.u32 v35, v1  }
0xc2: {  	v35 =	vbroadcast v35, $0x0  }
0xc3: {  	[tilespmem:v34+s21+$0x0] =	vst.idx.msk $0xffff, v33  }
0xc4: {  	v34 =	vadd.s32 v21, v35;
	v33 =	vld [tilespmem:s30+$0x40];
	_ =	sdelay $0x4  }
0xc5: {  	[tilespmem:v34+s21+$0x0] =	vst.idx.msk $0xffff, v33  }
0xc6: {  	v34 =	vadd.s32 v22, v35;
	v33 =	vld [tilespmem:s30+$0x50];
	_ =	sdelay $0x4  }
0xc7: {  	[tilespmem:v34+s21+$0x0] =	vst.idx.msk $0xffff, v33  }
0xc8: {  	v34 =	vadd.s32 v23, v35;
	v33 =	vld [tilespmem:s30+$0x60];
	_ =	sdelay $0x4  }
0xc9: {  	[tilespmem:v34+s21+$0x0] =	vst.idx.msk $0xffff, v33  }
0xca: {  	s12 =	sadd.s32 $0xFFFFFFFF, s0;
	v34 =	vadd.s32 v24, v35;
	v33 =	vld [tilespmem:s30+$0x70]  }
0xcb: {  	v35 =	vmov s12  }
0xcc: {  	v35 =	vshrl.u32 v35, $0x3  }
0xcd: {  	v35 =	vshll.u32 v35, v1  }
0xce: {  	v35 =	vbroadcast v35, $0x0  }
0xcf: {  	[tilespmem:v34+s21+$0x0] =	vst.idx.msk $0xffff, v33  }
0xd0: {  	v34 =	vadd.s32 v25, v35;
	v33 =	vld [tilespmem:s30+$0x80];
	_ =	sdelay $0x4  }
0xd1: {  	[tilespmem:v34+s21+$0x0] =	vst.idx.msk $0xffff, v33  }
0xd2: {  	v34 =	vadd.s32 v26, v35;
	v33 =	vld [tilespmem:s30+$0x90];
	_ =	sdelay $0x4  }
0xd3: {  	[tilespmem:v34+s21+$0x0] =	vst.idx.msk $0xffff, v33  }
0xd4: {  	v34 =	vadd.s32 v27, v35;
	v33 =	vld [tilespmem:s30+$0xA0];
	_ =	sdelay $0x4  }
0xd5: {  	[tilespmem:v34+s21+$0x0] =	vst.idx.msk $0xffff, v33  }
0xd6: {  	v34 =	vadd.s32 v28, v35;
	v33 =	vld [tilespmem:s30+$0xB0]  }
0xd7: {  	v35 =	vmov s0;
	s0 =	smov.u32 s2  }
0xd8: {  	v35 =	vshrl.u32 v35, $0x3  }
0xd9: {  	v35 =	vshll.u32 v35, v1  }
0xda: {  	v35 =	vbroadcast v35, $0x0  }
0xdb: {  	[tilespmem:v34+s21+$0x0] =	vst.idx.msk $0xffff, v33  }
0xdc: {  	v34 =	vadd.s32 v29, v35;
	v33 =	vld [tilespmem:s30+$0xC0];
	_ =	sdelay $0x4  }
0xdd: {  	[tilespmem:v34+s21+$0x0] =	vst.idx.msk $0xffff, v33  }
0xde: {  	v34 =	vadd.s32 v30, v35;
	v33 =	vld [tilespmem:s30+$0xD0];
	_ =	sdelay $0x4  }
0xdf: {  	[tilespmem:v34+s21+$0x0] =	vst.idx.msk $0xffff, v33  }
0xe0: {  	v34 =	vadd.s32 v31, v35;
	v33 =	vld [tilespmem:s30+$0xE0];
	_ =	sdelay $0x1  }
.Ltmp2:
0xe1: {  	(pc) =	sbr.rel @p1 .LBB2_3-.Ltmp2, $3  }
0xe2: {  	_ =	sdelay $0x1  }
0xe3: {  	[tilespmem:v34+s21+$0x0] =	vst.idx.msk $0xffff, v33  }
0xe4: {  	s2 =	sadd.s32 $0x8, s2;
	s12 =	sadd.s32 $0xFFFFFFF9, s0;
	v34 =	vadd.s32 v32, v35;
	v33 =	vld [tilespmem:s30+$0xF0]  }
0xe5: {  	v35 =	vmov s12  }
0xe6: {  	v35 =	vshrl.u32 v35, $0x3  }
0xe7: {  	v35 =	vshll.u32 v35, v1  }
0xe8: {  	v35 =	vbroadcast v35, $0x0  }
0xe9: {  	s2 =	sadd.s32 $0x200, s30;
	[tilespmem:v34+s21+$0x0] =	vst.idx.msk $0xffff, v33  }
0xea: {  	v33 =	vld [tilespmem:s2+$0xFFFFFF00];
	v53 =	vadd.s32 v0, v35;
	_ =	sdelay $0x4  }
0xeb: {  	[tilespmem:v53+s21+$0x0] =	vst.idx.msk $0xffff, v33  }
0xec: {  	v54 =	vadd.s32 v2, v35;
	v33 =	vld [tilespmem:s2+$0xFFFFFF10];
	_ =	sdelay $0x4  }
0xed: {  	[tilespmem:v54+s21+$0x0] =	vst.idx.msk $0xffff, v33  }
0xee: {  	v55 =	vadd.s32 v3, v35;
	v33 =	vld [tilespmem:s2+$0xFFFFFF20];
	_ =	sdelay $0x4  }
0xef: {  	[tilespmem:v55+s21+$0x0] =	vst.idx.msk $0xffff, v33  }
0xf0: {  	s31 =	sadd.s32 $0xFFFFFFFA, s0;
	v56 =	vadd.s32 v4, v35;
	v33 =	vld [tilespmem:s2+$0xFFFFFF30]  }
0xf1: {  	v57 =	vmov s31  }
0xf2: {  	v35 =	vshrl.u32 v57, $0x3  }
0xf3: {  	v35 =	vshll.u32 v35, v1  }
0xf4: {  	v35 =	vbroadcast v35, $0x0  }
0xf5: {  	[tilespmem:v56+s21+$0x0] =	vst.idx.msk $0xffff, v33  }
0xf6: {  	v58 =	vadd.s32 v5, v35;
	v33 =	vld [tilespmem:s2+$0xFFFFFF40];
	_ =	sdelay $0x4  }
0xf7: {  	[tilespmem:v58+s21+$0x0] =	vst.idx.msk $0xffff, v33  }
0xf8: {  	v59 =	vadd.s32 v6, v35;
	v33 =	vld [tilespmem:s2+$0xFFFFFF50];
	_ =	sdelay $0x4  }
0xf9: {  	[tilespmem:v59+s21+$0x0] =	vst.idx.msk $0xffff, v33  }
0xfa: {  	v60 =	vadd.s32 v7, v35;
	v33 =	vld [tilespmem:s2+$0xFFFFFF60];
	_ =	sdelay $0x4  }
0xfb: {  	[tilespmem:v60+s21+$0x0] =	vst.idx.msk $0xffff, v33  }
0xfc: {  	s15 =	sadd.s32 $0xFFFFFFFB, s0;
	v61 =	vadd.s32 v8, v35;
	v33 =	vld [tilespmem:s2+$0xFFFFFF70]  }
0xfd: {  	v62 =	vmov s15  }
0xfe: {  	v35 =	vshrl.u32 v62, $0x3  }
0xff: {  	v35 =	vshll.u32 v35, v1  }
0x100: {  	v35 =	vbroadcast v35, $0x0  }
0x101: {  	[tilespmem:v61+s21+$0x0] =	vst.idx.msk $0xffff, v33  }
0x102: {  	v63 =	vadd.s32 v9, v35;
	v33 =	vld [tilespmem:s2+$0xFFFFFF80];
	_ =	sdelay $0x4  }
0x103: {  	[tilespmem:v63+s21+$0x0] =	vst.idx.msk $0xffff, v33  }
0x104: {  	v36 =	vadd.s32 v10, v35;
	v33 =	vld [tilespmem:s2+$0xFFFFFF90];
	_ =	sdelay $0x4  }
0x105: {  	[tilespmem:v36+s21+$0x0] =	vst.idx.msk $0xffff, v33  }
0x106: {  	v37 =	vadd.s32 v11, v35;
	v33 =	vld [tilespmem:s2+$0xFFFFFFA0];
	_ =	sdelay $0x4  }
0x107: {  	[tilespmem:v37+s21+$0x0] =	vst.idx.msk $0xffff, v33  }
0x108: {  	s16 =	sadd.s32 $0xFFFFFFFC, s0;
	v38 =	vadd.s32 v12, v35;
	v33 =	vld [tilespmem:s2+$0xFFFFFFB0]  }
0x109: {  	v39 =	vmov s16  }
0x10a: {  	v35 =	vshrl.u32 v39, $0x3  }
0x10b: {  	v35 =	vshll.u32 v35, v1  }
0x10c: {  	v35 =	vbroadcast v35, $0x0  }
0x10d: {  	[tilespmem:v38+s21+$0x0] =	vst.idx.msk $0xffff, v33  }
0x10e: {  	v40 =	vadd.s32 v13, v35;
	v33 =	vld [tilespmem:s2+$0xFFFFFFC0];
	_ =	sdelay $0x4  }
0x10f: {  	[tilespmem:v40+s21+$0x0] =	vst.idx.msk $0xffff, v33  }
0x110: {  	v41 =	vadd.s32 v14, v35;
	v33 =	vld [tilespmem:s2+$0xFFFFFFD0];
	_ =	sdelay $0x4  }
0x111: {  	[tilespmem:v41+s21+$0x0] =	vst.idx.msk $0xffff, v33  }
0x112: {  	v42 =	vadd.s32 v15, v35;
	v33 =	vld [tilespmem:s2+$0xFFFFFFE0];
	_ =	sdelay $0x4  }
0x113: {  	[tilespmem:v42+s21+$0x0] =	vst.idx.msk $0xffff, v33  }
0x114: {  	s31 =	sadd.s32 $0xFFFFFFFD, s0;
	v43 =	vadd.s32 v16, v35;
	v33 =	vld [tilespmem:s2+$0xFFFFFFF0]  }
0x115: {  	v44 =	vmov s31  }
0x116: {  	v35 =	vshrl.u32 v44, $0x3  }
0x117: {  	v35 =	vshll.u32 v35, v1  }
0x118: {  	v35 =	vbroadcast v35, $0x0  }
0x119: {  	[tilespmem:v43+s21+$0x0] =	vst.idx.msk $0xffff, v33  }
0x11a: {  	v45 =	vadd.s32 v17, v35;
	v33 =	vld [tilespmem:s2+$0x0];
	_ =	sdelay $0x4  }
0x11b: {  	[tilespmem:v45+s21+$0x0] =	vst.idx.msk $0xffff, v33  }
0x11c: {  	v46 =	vadd.s32 v18, v35;
	v33 =	vld [tilespmem:s2+$0x10];
	_ =	sdelay $0x4  }
0x11d: {  	[tilespmem:v46+s21+$0x0] =	vst.idx.msk $0xffff, v33  }
0x11e: {  	v47 =	vadd.s32 v19, v35;
	v33 =	vld [tilespmem:s2+$0x20];
	_ =	sdelay $0x4  }
0x11f: {  	[tilespmem:v47+s21+$0x0] =	vst.idx.msk $0xffff, v33  }
0x120: {  	s15 =	sadd.s32 $0xFFFFFFFE, s0;
	v48 =	vadd.s32 v20, v35;
	v33 =	vld [tilespmem:s2+$0x30]  }
0x121: {  	v49 =	vmov s15  }
0x122: {  	v35 =	vshrl.u32 v49, $0x3  }
0x123: {  	v35 =	vshll.u32 v35, v1  }
0x124: {  	v35 =	vbroadcast v35, $0x0  }
0x125: {  	[tilespmem:v48+s21+$0x0] =	vst.idx.msk $0xffff, v33  }
0x126: {  	v50 =	vadd.s32 v21, v35;
	v33 =	vld [tilespmem:s2+$0x40];
	_ =	sdelay $0x4  }
0x127: {  	[tilespmem:v50+s21+$0x0] =	vst.idx.msk $0xffff, v33  }
0x128: {  	v51 =	vadd.s32 v22, v35;
	v33 =	vld [tilespmem:s2+$0x50];
	_ =	sdelay $0x4  }
0x129: {  	[tilespmem:v51+s21+$0x0] =	vst.idx.msk $0xffff, v33  }
0x12a: {  	v52 =	vadd.s32 v23, v35;
	v33 =	vld [tilespmem:s2+$0x60];
	_ =	sdelay $0x4  }
0x12b: {  	[tilespmem:v52+s21+$0x0] =	vst.idx.msk $0xffff, v33  }
0x12c: {  	s16 =	sadd.s32 $0xFFFFFFFF, s0;
	v53 =	vadd.s32 v24, v35;
	v33 =	vld [tilespmem:s2+$0x70]  }
0x12d: {  	v54 =	vmov s16  }
0x12e: {  	v35 =	vshrl.u32 v54, $0x3  }
0x12f: {  	v35 =	vshll.u32 v35, v1  }
0x130: {  	v35 =	vbroadcast v35, $0x0  }
0x131: {  	[tilespmem:v53+s21+$0x0] =	vst.idx.msk $0xffff, v33  }
0x132: {  	v55 =	vadd.s32 v25, v35;
	v33 =	vld [tilespmem:s2+$0x80];
	_ =	sdelay $0x4  }
0x133: {  	[tilespmem:v55+s21+$0x0] =	vst.idx.msk $0xffff, v33  }
0x134: {  	v56 =	vadd.s32 v26, v35;
	v33 =	vld [tilespmem:s2+$0x90];
	_ =	sdelay $0x4  }
0x135: {  	[tilespmem:v56+s21+$0x0] =	vst.idx.msk $0xffff, v33  }
0x136: {  	v57 =	vadd.s32 v27, v35;
	v33 =	vld [tilespmem:s2+$0xA0];
	_ =	sdelay $0x4  }
0x137: {  	[tilespmem:v57+s21+$0x0] =	vst.idx.msk $0xffff, v33  }
0x138: {  	v58 =	vadd.s32 v28, v35;
	v33 =	vld [tilespmem:s2+$0xB0]  }
0x139: {  	v59 =	vmov s0  }
0x13a: {  	v35 =	vshrl.u32 v59, $0x3  }
0x13b: {  	v35 =	vshll.u32 v35, v1  }
0x13c: {  	v35 =	vbroadcast v35, $0x0  }
0x13d: {  	[tilespmem:v58+s21+$0x0] =	vst.idx.msk $0xffff, v33  }
0x13e: {  	v60 =	vadd.s32 v29, v35;
	v33 =	vld [tilespmem:s2+$0xC0];
	_ =	sdelay $0x4  }
0x13f: {  	[tilespmem:v60+s21+$0x0] =	vst.idx.msk $0xffff, v33  }
0x140: {  	v61 =	vadd.s32 v30, v35;
	v33 =	vld [tilespmem:s2+$0xD0];
	_ =	sdelay $0x4  }
0x141: {  	[tilespmem:v61+s21+$0x0] =	vst.idx.msk $0xffff, v33  }
0x142: {  	v62 =	vadd.s32 v31, v35;
	v33 =	vld [tilespmem:s2+$0xE0];
	_ =	sdelay $0x4  }
0x143: {  	[tilespmem:v62+s21+$0x0] =	vst.idx.msk $0xffff, v33  }
0x144: {  	v63 =	vadd.s32 v32, v35;
	v33 =	vld [tilespmem:s2+$0xF0]  }
0x145: {  	s31 =	sshll.u32 s28, $0x14  }
0x146: {  	s0 =	sor.u32 s4, s31  }
0x147: {  	s30 =	sshrl.u32 s0, $0x3  }
0x148: {  	s12 =	simm.s32 $0x200;
	s0 =	sadd.s32 s5, s30  }
0x149: {  	s15 =	simm.s32 $0xE488;
	s16 =	sadd.s32 $0x0, s0;
	s2 =	simm.s32 $0xE400;
	[tilespmem:v63+s21+$0x0] =	vst.idx.msk $0xffff, v33  }
.LBB2_5:
0x14a: {  	[hbm4b:s16+s1] =	stream.linear.scatter [tilespmem:s2], [sflag:$0x2], $0x80, $0x38;
	[tilespmem:$0x12800] =	vst v63  }
0x14b: {  	s16 =	smov.u32 s12;
	s2 =	smov.u32 s15;
	p1 =	sne.s32 s12, $0x7E00  }
.Ltmp3:
0x14c: {  	s12 =	sadd.s32 $0x200, s12;
	(pc) =	sbr.rel @p1 .LBB2_5-.Ltmp3, $2  }
0x14d: {  	_ =	sdelay $0x2  }
0x14e: {  	s15 =	sadd.s32 $0x88, s15;
	s16 =	sadd.s32 s16, s0  }
0x14f: {  	p1 =	sne.s32 s28, $0x31  }
.Ltmp4:
0x150: {  	_ = 	snop;
	(pc) =	sbr.rel @p1 .LBB2_8-.Ltmp4, $2  }
0x151: {  	_ =	sdelay $0x2  }
0x152: {  	[hbm4b:s16+s1] =	stream.linear.scatter [tilespmem:s2], [sflag:$0x2], $0x80, $0x38;
	[tilespmem:$0x12800] =	vst v63  }
.Ltmp5:
0x153: {  	(pc) =	sbr.rel .LBB2_9-.Ltmp5, $4  }
0x154: {  	_ = 	snop  }
0x155: {  	_ =	swait.ge [sflag:s20], $0x2000  }
0x156: {  	[sflag:s20] =	ssyncset.done $0x0  }
0x157: {  	[sflag:s20] =	ssyncadd.s32 $0xFFFFE000  }
.LBB2_8:
0x158: {  	s0 =	sshrl.u32 s29, $0x2  }
.Ltmp6:
0x159: {  	s0 =	sadd.s32 $0x200, s0;
	(pc) =	sbr.rel @p0 .LBB2_10-.Ltmp6, $4  }
0x15a: {  	[tilespmem:s14], [sflag:$0x1] =	stream.indirect.gather [hbm4b:s3+s11], $0x40, s0, s11, $0xb8;
	[tilespmem:$0x12800] =	vst v63  }
0x15b: {  	_ =	swait.ge [sflag:s20], $0x2000  }
0x15c: {  	[sflag:s20] =	ssyncset.done $0x0  }
0x15d: {  	[sflag:s20] =	ssyncadd.s32 $0xFFFFE000  }
.LBB2_9:
0x15e: {  	_ =	swait.ge [sflag:s22], $0x2000  }
0x15f: {  	[sflag:s22] =	ssyncset.done $0x0  }
0x160: {  	[sflag:s22] =	ssyncadd.s32 $0xFFFFE000  }
.LBB2_10:
0x161: {  	s0 =	simm.s32 $0x0  }
0x162: {  	v33 =	vmov s0  }
0x163: {  	v33 =	vshrl.u32 v33, $0x3  }
0x164: {  	v33 =	vshll.u32 v33, v1  }
0x165: {  	v33 =	vbroadcast v33, $0x0  }
0x166: {  	s31 =	simm.s32 $0x85F0  }
0x167: {  	v34 =	vld [tilespmem:s31+$0xFFFFFE10];
	v35 =	vadd.s32 v0, v33;
	_ =	sdelay $0x4  }
0x168: {  	[tilespmem:v35+s23+$0x0] =	vst.idx.msk $0xffff, v34  }
0x169: {  	v56 =	vadd.s32 v2, v33;
	v34 =	vld [tilespmem:s31+$0xFFFFFE20];
	_ =	sdelay $0x4  }
0x16a: {  	[tilespmem:v56+s23+$0x0] =	vst.idx.msk $0xffff, v34  }
0x16b: {  	v57 =	vadd.s32 v3, v33;
	v34 =	vld [tilespmem:s31+$0xFFFFFE30];
	_ =	sdelay $0x4  }
0x16c: {  	[tilespmem:v57+s23+$0x0] =	vst.idx.msk $0xffff, v34  }
0x16d: {  	s12 =	simm.s32 $0x1;
	v33 =	vadd.s32 v4, v33;
	v34 =	vld [tilespmem:s31+$0xFFFFFE40]  }
0x16e: {  	v58 =	vmov s12  }
0x16f: {  	v35 =	vshrl.u32 v58, $0x3  }
0x170: {  	v35 =	vshll.u32 v35, v1  }
0x171: {  	v35 =	vbroadcast v35, $0x0  }
0x172: {  	[tilespmem:v33+s23+$0x0] =	vst.idx.msk $0xffff, v34  }
0x173: {  	v59 =	vadd.s32 v5, v35;
	v33 =	vld [tilespmem:s31+$0xFFFFFE50];
	_ =	sdelay $0x4  }
0x174: {  	[tilespmem:v59+s23+$0x0] =	vst.idx.msk $0xffff, v33  }
0x175: {  	v60 =	vadd.s32 v6, v35;
	v33 =	vld [tilespmem:s31+$0xFFFFFE60];
	_ =	sdelay $0x4  }
0x176: {  	[tilespmem:v60+s23+$0x0] =	vst.idx.msk $0xffff, v33  }
0x177: {  	v61 =	vadd.s32 v7, v35;
	v33 =	vld [tilespmem:s31+$0xFFFFFE70];
	_ =	sdelay $0x4  }
0x178: {  	[tilespmem:v61+s23+$0x0] =	vst.idx.msk $0xffff, v33  }
0x179: {  	s15 =	simm.s32 $0x2;
	v62 =	vadd.s32 v8, v35;
	v33 =	vld [tilespmem:s31+$0xFFFFFE80]  }
0x17a: {  	v63 =	vmov s15  }
0x17b: {  	v35 =	vshrl.u32 v63, $0x3  }
0x17c: {  	v35 =	vshll.u32 v35, v1  }
0x17d: {  	v35 =	vbroadcast v35, $0x0  }
0x17e: {  	[tilespmem:v62+s23+$0x0] =	vst.idx.msk $0xffff, v33  }
0x17f: {  	v36 =	vadd.s32 v9, v35;
	v33 =	vld [tilespmem:s31+$0xFFFFFE90];
	_ =	sdelay $0x4  }
0x180: {  	[tilespmem:v36+s23+$0x0] =	vst.idx.msk $0xffff, v33  }
0x181: {  	v37 =	vadd.s32 v10, v35;
	v33 =	vld [tilespmem:s31+$0xFFFFFEA0];
	_ =	sdelay $0x4  }
0x182: {  	[tilespmem:v37+s23+$0x0] =	vst.idx.msk $0xffff, v33  }
0x183: {  	v38 =	vadd.s32 v11, v35;
	v33 =	vld [tilespmem:s31+$0xFFFFFEB0];
	_ =	sdelay $0x4  }
0x184: {  	[tilespmem:v38+s23+$0x0] =	vst.idx.msk $0xffff, v33  }
0x185: {  	s16 =	simm.s32 $0x3;
	v39 =	vadd.s32 v12, v35;
	v33 =	vld [tilespmem:s31+$0xFFFFFEC0]  }
0x186: {  	v40 =	vmov s16  }
0x187: {  	v35 =	vshrl.u32 v40, $0x3  }
0x188: {  	v35 =	vshll.u32 v35, v1  }
0x189: {  	v35 =	vbroadcast v35, $0x0  }
0x18a: {  	[tilespmem:v39+s23+$0x0] =	vst.idx.msk $0xffff, v33  }
0x18b: {  	v41 =	vadd.s32 v13, v35;
	v33 =	vld [tilespmem:s31+$0xFFFFFED0];
	_ =	sdelay $0x4  }
0x18c: {  	[tilespmem:v41+s23+$0x0] =	vst.idx.msk $0xffff, v33  }
0x18d: {  	v42 =	vadd.s32 v14, v35;
	v33 =	vld [tilespmem:s31+$0xFFFFFEE0];
	_ =	sdelay $0x4  }
0x18e: {  	[tilespmem:v42+s23+$0x0] =	vst.idx.msk $0xffff, v33  }
0x18f: {  	v43 =	vadd.s32 v15, v35;
	v33 =	vld [tilespmem:s31+$0xFFFFFEF0];
	_ =	sdelay $0x4  }
0x190: {  	[tilespmem:v43+s23+$0x0] =	vst.idx.msk $0xffff, v33  }
0x191: {  	s2 =	simm.s32 $0x4;
	v44 =	vadd.s32 v16, v35;
	v33 =	vld [tilespmem:s31+$0xFFFFFF00]  }
0x192: {  	v45 =	vmov s2  }
0x193: {  	v35 =	vshrl.u32 v45, $0x3  }
0x194: {  	v35 =	vshll.u32 v35, v1  }
0x195: {  	v35 =	vbroadcast v35, $0x0  }
0x196: {  	[tilespmem:v44+s23+$0x0] =	vst.idx.msk $0xffff, v33  }
0x197: {  	v46 =	vadd.s32 v17, v35;
	v33 =	vld [tilespmem:s31+$0xFFFFFF10];
	_ =	sdelay $0x4  }
0x198: {  	[tilespmem:v46+s23+$0x0] =	vst.idx.msk $0xffff, v33  }
0x199: {  	v47 =	vadd.s32 v18, v35;
	v33 =	vld [tilespmem:s31+$0xFFFFFF20];
	_ =	sdelay $0x4  }
0x19a: {  	[tilespmem:v47+s23+$0x0] =	vst.idx.msk $0xffff, v33  }
0x19b: {  	v48 =	vadd.s32 v19, v35;
	v33 =	vld [tilespmem:s31+$0xFFFFFF30];
	_ =	sdelay $0x4  }
0x19c: {  	[tilespmem:v48+s23+$0x0] =	vst.idx.msk $0xffff, v33  }
0x19d: {  	s12 =	simm.s32 $0x5;
	v49 =	vadd.s32 v20, v35;
	v33 =	vld [tilespmem:s31+$0xFFFFFF40]  }
0x19e: {  	v50 =	vmov s12  }
0x19f: {  	v35 =	vshrl.u32 v50, $0x3  }
0x1a0: {  	v35 =	vshll.u32 v35, v1  }
0x1a1: {  	v35 =	vbroadcast v35, $0x0  }
0x1a2: {  	[tilespmem:v49+s23+$0x0] =	vst.idx.msk $0xffff, v33  }
0x1a3: {  	v51 =	vadd.s32 v21, v35;
	v33 =	vld [tilespmem:s31+$0xFFFFFF50];
	_ =	sdelay $0x4  }
0x1a4: {  	[tilespmem:v51+s23+$0x0] =	vst.idx.msk $0xffff, v33  }
0x1a5: {  	v52 =	vadd.s32 v22, v35;
	v33 =	vld [tilespmem:s31+$0xFFFFFF60];
	_ =	sdelay $0x4  }
0x1a6: {  	[tilespmem:v52+s23+$0x0] =	vst.idx.msk $0xffff, v33  }
0x1a7: {  	v53 =	vadd.s32 v23, v35;
	v33 =	vld [tilespmem:s31+$0xFFFFFF70];
	_ =	sdelay $0x4  }
0x1a8: {  	[tilespmem:v53+s23+$0x0] =	vst.idx.msk $0xffff, v33  }
0x1a9: {  	s15 =	simm.s32 $0x6;
	v54 =	vadd.s32 v24, v35;
	v33 =	vld [tilespmem:s31+$0xFFFFFF80]  }
0x1aa: {  	v55 =	vmov s15  }
0x1ab: {  	v35 =	vshrl.u32 v55, $0x3  }
0x1ac: {  	v35 =	vshll.u32 v35, v1  }
0x1ad: {  	v35 =	vbroadcast v35, $0x0  }
0x1ae: {  	[tilespmem:v54+s23+$0x0] =	vst.idx.msk $0xffff, v33  }
0x1af: {  	v56 =	vadd.s32 v25, v35;
	v33 =	vld [tilespmem:s31+$0xFFFFFF90];
	_ =	sdelay $0x4  }
0x1b0: {  	[tilespmem:v56+s23+$0x0] =	vst.idx.msk $0xffff, v33  }
0x1b1: {  	v57 =	vadd.s32 v26, v35;
	v33 =	vld [tilespmem:s31+$0xFFFFFFA0];
	_ =	sdelay $0x4  }
0x1b2: {  	[tilespmem:v57+s23+$0x0] =	vst.idx.msk $0xffff, v33  }
0x1b3: {  	v58 =	vadd.s32 v27, v35;
	v33 =	vld [tilespmem:s31+$0xFFFFFFB0];
	_ =	sdelay $0x4  }
0x1b4: {  	[tilespmem:v58+s23+$0x0] =	vst.idx.msk $0xffff, v33  }
0x1b5: {  	s16 =	simm.s32 $0x7;
	v59 =	vadd.s32 v28, v35;
	v33 =	vld [tilespmem:s31+$0xFFFFFFC0]  }
0x1b6: {  	v60 =	vmov s16  }
0x1b7: {  	v35 =	vshrl.u32 v60, $0x3  }
0x1b8: {  	v35 =	vshll.u32 v35, v1  }
0x1b9: {  	v35 =	vbroadcast v35, $0x0  }
0x1ba: {  	[tilespmem:v59+s23+$0x0] =	vst.idx.msk $0xffff, v33  }
0x1bb: {  	v61 =	vadd.s32 v29, v35;
	v33 =	vld [tilespmem:s31+$0xFFFFFFD0];
	_ =	sdelay $0x4  }
0x1bc: {  	[tilespmem:v61+s23+$0x0] =	vst.idx.msk $0xffff, v33  }
0x1bd: {  	v62 =	vadd.s32 v30, v35;
	v33 =	vld [tilespmem:s31+$0xFFFFFFE0];
	_ =	sdelay $0x4  }
0x1be: {  	[tilespmem:v62+s23+$0x0] =	vst.idx.msk $0xffff, v33  }
0x1bf: {  	v63 =	vadd.s32 v31, v35;
	v33 =	vld [tilespmem:s31+$0xFFFFFFF0];
	_ =	sdelay $0x4  }
0x1c0: {  	[tilespmem:v63+s23+$0x0] =	vst.idx.msk $0xffff, v33  }
0x1c1: {  	s0 =	simm.s32 $0xF;
	s2 =	simm.s32 $0x17;
	s12 =	simm.s32 $0x8;
	v34 =	vadd.s32 v32, v35;
	v33 =	vld [tilespmem:s31+$0x0]  }
.LBB2_11:
0x1c2: {  	p0 =	sne.s32 s2, $0x7F;
	v35 =	vmov s12  }
0x1c3: {  	v35 =	vshrl.u32 v35, $0x3  }
0x1c4: {  	v35 =	vshll.u32 v35, v1  }
0x1c5: {  	v35 =	vbroadcast v35, $0x0  }
0x1c6: {  	s31 =	sadd.s32 $0x200, s31;
	[tilespmem:v34+s23+$0x0] =	vst.idx.msk $0xffff, v33  }
0x1c7: {  	v33 =	vld [tilespmem:s31+$0xFFFFFE10];
	v34 =	vadd.s32 v0, v35;
	_ =	sdelay $0x4  }
0x1c8: {  	[tilespmem:v34+s23+$0x0] =	vst.idx.msk $0xffff, v33  }
0x1c9: {  	v34 =	vadd.s32 v2, v35;
	v33 =	vld [tilespmem:s31+$0xFFFFFE20];
	_ =	sdelay $0x4  }
0x1ca: {  	[tilespmem:v34+s23+$0x0] =	vst.idx.msk $0xffff, v33  }
0x1cb: {  	v34 =	vadd.s32 v3, v35;
	v33 =	vld [tilespmem:s31+$0xFFFFFE30];
	_ =	sdelay $0x4  }
0x1cc: {  	[tilespmem:v34+s23+$0x0] =	vst.idx.msk $0xffff, v33  }
0x1cd: {  	s12 =	sadd.s32 $0xFFFFFFFA, s0;
	v34 =	vadd.s32 v4, v35;
	v33 =	vld [tilespmem:s31+$0xFFFFFE40]  }
0x1ce: {  	v35 =	vmov s12  }
0x1cf: {  	v35 =	vshrl.u32 v35, $0x3  }
0x1d0: {  	v35 =	vshll.u32 v35, v1  }
0x1d1: {  	v35 =	vbroadcast v35, $0x0  }
0x1d2: {  	[tilespmem:v34+s23+$0x0] =	vst.idx.msk $0xffff, v33  }
0x1d3: {  	v34 =	vadd.s32 v5, v35;
	v33 =	vld [tilespmem:s31+$0xFFFFFE50];
	_ =	sdelay $0x4  }
0x1d4: {  	[tilespmem:v34+s23+$0x0] =	vst.idx.msk $0xffff, v33  }
0x1d5: {  	v34 =	vadd.s32 v6, v35;
	v33 =	vld [tilespmem:s31+$0xFFFFFE60];
	_ =	sdelay $0x4  }
0x1d6: {  	[tilespmem:v34+s23+$0x0] =	vst.idx.msk $0xffff, v33  }
0x1d7: {  	v34 =	vadd.s32 v7, v35;
	v33 =	vld [tilespmem:s31+$0xFFFFFE70];
	_ =	sdelay $0x4  }
0x1d8: {  	[tilespmem:v34+s23+$0x0] =	vst.idx.msk $0xffff, v33  }
0x1d9: {  	s12 =	sadd.s32 $0xFFFFFFFB, s0;
	v34 =	vadd.s32 v8, v35;
	v33 =	vld [tilespmem:s31+$0xFFFFFE80]  }
0x1da: {  	v35 =	vmov s12  }
0x1db: {  	v35 =	vshrl.u32 v35, $0x3  }
0x1dc: {  	v35 =	vshll.u32 v35, v1  }
0x1dd: {  	v35 =	vbroadcast v35, $0x0  }
0x1de: {  	[tilespmem:v34+s23+$0x0] =	vst.idx.msk $0xffff, v33  }
0x1df: {  	v34 =	vadd.s32 v9, v35;
	v33 =	vld [tilespmem:s31+$0xFFFFFE90];
	_ =	sdelay $0x4  }
0x1e0: {  	[tilespmem:v34+s23+$0x0] =	vst.idx.msk $0xffff, v33  }
0x1e1: {  	v34 =	vadd.s32 v10, v35;
	v33 =	vld [tilespmem:s31+$0xFFFFFEA0];
	_ =	sdelay $0x4  }
0x1e2: {  	[tilespmem:v34+s23+$0x0] =	vst.idx.msk $0xffff, v33  }
0x1e3: {  	v34 =	vadd.s32 v11, v35;
	v33 =	vld [tilespmem:s31+$0xFFFFFEB0];
	_ =	sdelay $0x4  }
0x1e4: {  	[tilespmem:v34+s23+$0x0] =	vst.idx.msk $0xffff, v33  }
0x1e5: {  	s12 =	sadd.s32 $0xFFFFFFFC, s0;
	v34 =	vadd.s32 v12, v35;
	v33 =	vld [tilespmem:s31+$0xFFFFFEC0]  }
0x1e6: {  	v35 =	vmov s12  }
0x1e7: {  	v35 =	vshrl.u32 v35, $0x3  }
0x1e8: {  	v35 =	vshll.u32 v35, v1  }
0x1e9: {  	v35 =	vbroadcast v35, $0x0  }
0x1ea: {  	[tilespmem:v34+s23+$0x0] =	vst.idx.msk $0xffff, v33  }
0x1eb: {  	v34 =	vadd.s32 v13, v35;
	v33 =	vld [tilespmem:s31+$0xFFFFFED0];
	_ =	sdelay $0x4  }
0x1ec: {  	[tilespmem:v34+s23+$0x0] =	vst.idx.msk $0xffff, v33  }
0x1ed: {  	v34 =	vadd.s32 v14, v35;
	v33 =	vld [tilespmem:s31+$0xFFFFFEE0];
	_ =	sdelay $0x4  }
0x1ee: {  	[tilespmem:v34+s23+$0x0] =	vst.idx.msk $0xffff, v33  }
0x1ef: {  	v34 =	vadd.s32 v15, v35;
	v33 =	vld [tilespmem:s31+$0xFFFFFEF0];
	_ =	sdelay $0x4  }
0x1f0: {  	[tilespmem:v34+s23+$0x0] =	vst.idx.msk $0xffff, v33  }
0x1f1: {  	s12 =	sadd.s32 $0xFFFFFFFD, s0;
	v34 =	vadd.s32 v16, v35;
	v33 =	vld [tilespmem:s31+$0xFFFFFF00]  }
0x1f2: {  	v35 =	vmov s12  }
0x1f3: {  	v35 =	vshrl.u32 v35, $0x3  }
0x1f4: {  	v35 =	vshll.u32 v35, v1  }
0x1f5: {  	v35 =	vbroadcast v35, $0x0  }
0x1f6: {  	[tilespmem:v34+s23+$0x0] =	vst.idx.msk $0xffff, v33  }
0x1f7: {  	v34 =	vadd.s32 v17, v35;
	v33 =	vld [tilespmem:s31+$0xFFFFFF10];
	_ =	sdelay $0x4  }
0x1f8: {  	[tilespmem:v34+s23+$0x0] =	vst.idx.msk $0xffff, v33  }
0x1f9: {  	v34 =	vadd.s32 v18, v35;
	v33 =	vld [tilespmem:s31+$0xFFFFFF20];
	_ =	sdelay $0x4  }
0x1fa: {  	[tilespmem:v34+s23+$0x0] =	vst.idx.msk $0xffff, v33  }
0x1fb: {  	v34 =	vadd.s32 v19, v35;
	v33 =	vld [tilespmem:s31+$0xFFFFFF30];
	_ =	sdelay $0x4  }
0x1fc: {  	[tilespmem:v34+s23+$0x0] =	vst.idx.msk $0xffff, v33  }
0x1fd: {  	s12 =	sadd.s32 $0xFFFFFFFE, s0;
	v34 =	vadd.s32 v20, v35;
	v33 =	vld [tilespmem:s31+$0xFFFFFF40]  }
0x1fe: {  	v35 =	vmov s12  }
0x1ff: {  	v35 =	vshrl.u32 v35, $0x3  }
0x200: {  	v35 =	vshll.u32 v35, v1  }
0x201: {  	v35 =	vbroadcast v35, $0x0  }
0x202: {  	[tilespmem:v34+s23+$0x0] =	vst.idx.msk $0xffff, v33  }
0x203: {  	v34 =	vadd.s32 v21, v35;
	v33 =	vld [tilespmem:s31+$0xFFFFFF50];
	_ =	sdelay $0x4  }
0x204: {  	[tilespmem:v34+s23+$0x0] =	vst.idx.msk $0xffff, v33  }
0x205: {  	v34 =	vadd.s32 v22, v35;
	v33 =	vld [tilespmem:s31+$0xFFFFFF60];
	_ =	sdelay $0x4  }
0x206: {  	[tilespmem:v34+s23+$0x0] =	vst.idx.msk $0xffff, v33  }
0x207: {  	v34 =	vadd.s32 v23, v35;
	v33 =	vld [tilespmem:s31+$0xFFFFFF70];
	_ =	sdelay $0x4  }
0x208: {  	[tilespmem:v34+s23+$0x0] =	vst.idx.msk $0xffff, v33  }
0x209: {  	s12 =	sadd.s32 $0xFFFFFFFF, s0;
	v34 =	vadd.s32 v24, v35;
	v33 =	vld [tilespmem:s31+$0xFFFFFF80]  }
0x20a: {  	v35 =	vmov s12  }
0x20b: {  	v35 =	vshrl.u32 v35, $0x3  }
0x20c: {  	v35 =	vshll.u32 v35, v1  }
0x20d: {  	v35 =	vbroadcast v35, $0x0  }
0x20e: {  	[tilespmem:v34+s23+$0x0] =	vst.idx.msk $0xffff, v33  }
0x20f: {  	v34 =	vadd.s32 v25, v35;
	v33 =	vld [tilespmem:s31+$0xFFFFFF90];
	_ =	sdelay $0x4  }
0x210: {  	[tilespmem:v34+s23+$0x0] =	vst.idx.msk $0xffff, v33  }
0x211: {  	v34 =	vadd.s32 v26, v35;
	v33 =	vld [tilespmem:s31+$0xFFFFFFA0];
	_ =	sdelay $0x4  }
0x212: {  	[tilespmem:v34+s23+$0x0] =	vst.idx.msk $0xffff, v33  }
0x213: {  	v34 =	vadd.s32 v27, v35;
	v33 =	vld [tilespmem:s31+$0xFFFFFFB0];
	_ =	sdelay $0x4  }
0x214: {  	[tilespmem:v34+s23+$0x0] =	vst.idx.msk $0xffff, v33  }
0x215: {  	v34 =	vadd.s32 v28, v35;
	v33 =	vld [tilespmem:s31+$0xFFFFFFC0]  }
0x216: {  	v35 =	vmov s0;
	s0 =	smov.u32 s2  }
0x217: {  	v35 =	vshrl.u32 v35, $0x3  }
0x218: {  	v35 =	vshll.u32 v35, v1  }
0x219: {  	v35 =	vbroadcast v35, $0x0  }
0x21a: {  	[tilespmem:v34+s23+$0x0] =	vst.idx.msk $0xffff, v33  }
0x21b: {  	v34 =	vadd.s32 v29, v35;
	v33 =	vld [tilespmem:s31+$0xFFFFFFD0];
	_ =	sdelay $0x4  }
0x21c: {  	[tilespmem:v34+s23+$0x0] =	vst.idx.msk $0xffff, v33  }
0x21d: {  	v34 =	vadd.s32 v30, v35;
	v33 =	vld [tilespmem:s31+$0xFFFFFFE0];
	_ =	sdelay $0x4  }
0x21e: {  	[tilespmem:v34+s23+$0x0] =	vst.idx.msk $0xffff, v33  }
0x21f: {  	v34 =	vadd.s32 v31, v35;
	v33 =	vld [tilespmem:s31+$0xFFFFFFF0];
	_ =	sdelay $0x1  }
.Ltmp7:
0x220: {  	(pc) =	sbr.rel @p0 .LBB2_11-.Ltmp7, $3  }
0x221: {  	_ =	sdelay $0x1  }
0x222: {  	[tilespmem:v34+s23+$0x0] =	vst.idx.msk $0xffff, v33  }
0x223: {  	s2 =	sadd.s32 $0x8, s2;
	s12 =	sadd.s32 $0xFFFFFFF9, s0;
	v34 =	vadd.s32 v32, v35;
	v33 =	vld [tilespmem:s31+$0x0]  }
0x224: {  	v35 =	vmov s12  }
0x225: {  	v35 =	vshrl.u32 v35, $0x3  }
0x226: {  	v35 =	vshll.u32 v35, v1  }
0x227: {  	v35 =	vbroadcast v35, $0x0  }
0x228: {  	s2 =	sadd.s32 $0x200, s31;
	[tilespmem:v34+s23+$0x0] =	vst.idx.msk $0xffff, v33  }
0x229: {  	v33 =	vld [tilespmem:s2+$0xFFFFFE10];
	v53 =	vadd.s32 v0, v35;
	_ =	sdelay $0x4  }
0x22a: {  	[tilespmem:v53+s23+$0x0] =	vst.idx.msk $0xffff, v33  }
0x22b: {  	v54 =	vadd.s32 v2, v35;
	v33 =	vld [tilespmem:s2+$0xFFFFFE20];
	_ =	sdelay $0x4  }
0x22c: {  	[tilespmem:v54+s23+$0x0] =	vst.idx.msk $0xffff, v33  }
0x22d: {  	v55 =	vadd.s32 v3, v35;
	v33 =	vld [tilespmem:s2+$0xFFFFFE30];
	_ =	sdelay $0x4  }
0x22e: {  	[tilespmem:v55+s23+$0x0] =	vst.idx.msk $0xffff, v33  }
0x22f: {  	s15 =	sadd.s32 $0xFFFFFFFA, s0;
	v56 =	vadd.s32 v4, v35;
	v33 =	vld [tilespmem:s2+$0xFFFFFE40]  }
0x230: {  	v57 =	vmov s15  }
0x231: {  	v35 =	vshrl.u32 v57, $0x3  }
0x232: {  	v35 =	vshll.u32 v35, v1  }
0x233: {  	v35 =	vbroadcast v35, $0x0  }
0x234: {  	[tilespmem:v56+s23+$0x0] =	vst.idx.msk $0xffff, v33  }
0x235: {  	v58 =	vadd.s32 v5, v35;
	v33 =	vld [tilespmem:s2+$0xFFFFFE50];
	_ =	sdelay $0x4  }
0x236: {  	[tilespmem:v58+s23+$0x0] =	vst.idx.msk $0xffff, v33  }
0x237: {  	v59 =	vadd.s32 v6, v35;
	v33 =	vld [tilespmem:s2+$0xFFFFFE60];
	_ =	sdelay $0x4  }
0x238: {  	[tilespmem:v59+s23+$0x0] =	vst.idx.msk $0xffff, v33  }
0x239: {  	v60 =	vadd.s32 v7, v35;
	v33 =	vld [tilespmem:s2+$0xFFFFFE70];
	_ =	sdelay $0x4  }
0x23a: {  	[tilespmem:v60+s23+$0x0] =	vst.idx.msk $0xffff, v33  }
0x23b: {  	s16 =	sadd.s32 $0xFFFFFFFB, s0;
	v61 =	vadd.s32 v8, v35;
	v33 =	vld [tilespmem:s2+$0xFFFFFE80]  }
0x23c: {  	v62 =	vmov s16  }
0x23d: {  	v35 =	vshrl.u32 v62, $0x3  }
0x23e: {  	v35 =	vshll.u32 v35, v1  }
0x23f: {  	v35 =	vbroadcast v35, $0x0  }
0x240: {  	[tilespmem:v61+s23+$0x0] =	vst.idx.msk $0xffff, v33  }
0x241: {  	v63 =	vadd.s32 v9, v35;
	v33 =	vld [tilespmem:s2+$0xFFFFFE90];
	_ =	sdelay $0x4  }
0x242: {  	[tilespmem:v63+s23+$0x0] =	vst.idx.msk $0xffff, v33  }
0x243: {  	v36 =	vadd.s32 v10, v35;
	v33 =	vld [tilespmem:s2+$0xFFFFFEA0];
	_ =	sdelay $0x4  }
0x244: {  	[tilespmem:v36+s23+$0x0] =	vst.idx.msk $0xffff, v33  }
0x245: {  	v37 =	vadd.s32 v11, v35;
	v33 =	vld [tilespmem:s2+$0xFFFFFEB0];
	_ =	sdelay $0x4  }
0x246: {  	[tilespmem:v37+s23+$0x0] =	vst.idx.msk $0xffff, v33  }
0x247: {  	s31 =	sadd.s32 $0xFFFFFFFC, s0;
	v38 =	vadd.s32 v12, v35;
	v33 =	vld [tilespmem:s2+$0xFFFFFEC0]  }
0x248: {  	v39 =	vmov s31  }
0x249: {  	v35 =	vshrl.u32 v39, $0x3  }
0x24a: {  	v35 =	vshll.u32 v35, v1  }
0x24b: {  	v35 =	vbroadcast v35, $0x0  }
0x24c: {  	[tilespmem:v38+s23+$0x0] =	vst.idx.msk $0xffff, v33  }
0x24d: {  	v40 =	vadd.s32 v13, v35;
	v33 =	vld [tilespmem:s2+$0xFFFFFED0];
	_ =	sdelay $0x4  }
0x24e: {  	[tilespmem:v40+s23+$0x0] =	vst.idx.msk $0xffff, v33  }
0x24f: {  	v41 =	vadd.s32 v14, v35;
	v33 =	vld [tilespmem:s2+$0xFFFFFEE0];
	_ =	sdelay $0x4  }
0x250: {  	[tilespmem:v41+s23+$0x0] =	vst.idx.msk $0xffff, v33  }
0x251: {  	v42 =	vadd.s32 v15, v35;
	v33 =	vld [tilespmem:s2+$0xFFFFFEF0];
	_ =	sdelay $0x4  }
0x252: {  	[tilespmem:v42+s23+$0x0] =	vst.idx.msk $0xffff, v33  }
0x253: {  	s15 =	sadd.s32 $0xFFFFFFFD, s0;
	v43 =	vadd.s32 v16, v35;
	v33 =	vld [tilespmem:s2+$0xFFFFFF00]  }
0x254: {  	v44 =	vmov s15  }
0x255: {  	v35 =	vshrl.u32 v44, $0x3  }
0x256: {  	v35 =	vshll.u32 v35, v1  }
0x257: {  	v35 =	vbroadcast v35, $0x0  }
0x258: {  	[tilespmem:v43+s23+$0x0] =	vst.idx.msk $0xffff, v33  }
0x259: {  	v45 =	vadd.s32 v17, v35;
	v33 =	vld [tilespmem:s2+$0xFFFFFF10];
	_ =	sdelay $0x4  }
0x25a: {  	[tilespmem:v45+s23+$0x0] =	vst.idx.msk $0xffff, v33  }
0x25b: {  	v46 =	vadd.s32 v18, v35;
	v33 =	vld [tilespmem:s2+$0xFFFFFF20];
	_ =	sdelay $0x4  }
0x25c: {  	[tilespmem:v46+s23+$0x0] =	vst.idx.msk $0xffff, v33  }
0x25d: {  	v47 =	vadd.s32 v19, v35;
	v33 =	vld [tilespmem:s2+$0xFFFFFF30];
	_ =	sdelay $0x4  }
0x25e: {  	[tilespmem:v47+s23+$0x0] =	vst.idx.msk $0xffff, v33  }
0x25f: {  	s16 =	sadd.s32 $0xFFFFFFFE, s0;
	v48 =	vadd.s32 v20, v35;
	v33 =	vld [tilespmem:s2+$0xFFFFFF40]  }
0x260: {  	v49 =	vmov s16  }
0x261: {  	v35 =	vshrl.u32 v49, $0x3  }
0x262: {  	v35 =	vshll.u32 v35, v1  }
0x263: {  	v35 =	vbroadcast v35, $0x0  }
0x264: {  	[tilespmem:v48+s23+$0x0] =	vst.idx.msk $0xffff, v33  }
0x265: {  	v50 =	vadd.s32 v21, v35;
	v33 =	vld [tilespmem:s2+$0xFFFFFF50];
	_ =	sdelay $0x4  }
0x266: {  	[tilespmem:v50+s23+$0x0] =	vst.idx.msk $0xffff, v33  }
0x267: {  	v51 =	vadd.s32 v22, v35;
	v33 =	vld [tilespmem:s2+$0xFFFFFF60];
	_ =	sdelay $0x4  }
0x268: {  	[tilespmem:v51+s23+$0x0] =	vst.idx.msk $0xffff, v33  }
0x269: {  	v52 =	vadd.s32 v23, v35;
	v33 =	vld [tilespmem:s2+$0xFFFFFF70];
	_ =	sdelay $0x4  }
0x26a: {  	[tilespmem:v52+s23+$0x0] =	vst.idx.msk $0xffff, v33  }
0x26b: {  	s31 =	sadd.s32 $0xFFFFFFFF, s0;
	v53 =	vadd.s32 v24, v35;
	v33 =	vld [tilespmem:s2+$0xFFFFFF80]  }
0x26c: {  	v54 =	vmov s31  }
0x26d: {  	v35 =	vshrl.u32 v54, $0x3  }
0x26e: {  	v35 =	vshll.u32 v35, v1  }
0x26f: {  	v35 =	vbroadcast v35, $0x0  }
0x270: {  	[tilespmem:v53+s23+$0x0] =	vst.idx.msk $0xffff, v33  }
0x271: {  	v55 =	vadd.s32 v25, v35;
	v33 =	vld [tilespmem:s2+$0xFFFFFF90];
	_ =	sdelay $0x4  }
0x272: {  	[tilespmem:v55+s23+$0x0] =	vst.idx.msk $0xffff, v33  }
0x273: {  	v56 =	vadd.s32 v26, v35;
	v33 =	vld [tilespmem:s2+$0xFFFFFFA0];
	_ =	sdelay $0x4  }
0x274: {  	[tilespmem:v56+s23+$0x0] =	vst.idx.msk $0xffff, v33  }
0x275: {  	v57 =	vadd.s32 v27, v35;
	v33 =	vld [tilespmem:s2+$0xFFFFFFB0];
	_ =	sdelay $0x4  }
0x276: {  	[tilespmem:v57+s23+$0x0] =	vst.idx.msk $0xffff, v33  }
0x277: {  	v58 =	vadd.s32 v28, v35;
	v33 =	vld [tilespmem:s2+$0xFFFFFFC0]  }
0x278: {  	v59 =	vmov s0  }
0x279: {  	v35 =	vshrl.u32 v59, $0x3  }
0x27a: {  	v35 =	vshll.u32 v35, v1  }
0x27b: {  	v35 =	vbroadcast v35, $0x0  }
0x27c: {  	[tilespmem:v58+s23+$0x0] =	vst.idx.msk $0xffff, v33  }
0x27d: {  	v60 =	vadd.s32 v29, v35;
	v33 =	vld [tilespmem:s2+$0xFFFFFFD0];
	_ =	sdelay $0x4  }
0x27e: {  	[tilespmem:v60+s23+$0x0] =	vst.idx.msk $0xffff, v33  }
0x27f: {  	v61 =	vadd.s32 v30, v35;
	v33 =	vld [tilespmem:s2+$0xFFFFFFE0];
	_ =	sdelay $0x4  }
0x280: {  	[tilespmem:v61+s23+$0x0] =	vst.idx.msk $0xffff, v33  }
0x281: {  	v62 =	vadd.s32 v31, v35;
	v33 =	vld [tilespmem:s2+$0xFFFFFFF0];
	_ =	sdelay $0x4  }
0x282: {  	[tilespmem:v62+s23+$0x0] =	vst.idx.msk $0xffff, v33  }
0x283: {  	v63 =	vadd.s32 v32, v35;
	v33 =	vld [tilespmem:s2+$0x0];
	_ =	sdelay $0x3  }
0x284: {  	s12 =	simm.s32 $0x200;
	s0 =	sadd.s32 s30, s7  }
0x285: {  	s15 =	simm.s32 $0x10688;
	s16 =	sadd.s32 $0x0, s0;
	s2 =	simm.s32 $0x10600;
	[tilespmem:v63+s23+$0x0] =	vst.idx.msk $0xffff, v33  }
.LBB2_13:
0x286: {  	[hbm4b:s16+s1] =	stream.linear.scatter [tilespmem:s2], [sflag:$0x2], $0x80, $0x38;
	[tilespmem:$0x12800] =	vst v63  }
0x287: {  	s16 =	smov.u32 s12;
	s2 =	smov.u32 s15;
	p0 =	sne.s32 s12, $0x7E00  }
.Ltmp8:
0x288: {  	s12 =	sadd.s32 $0x200, s12;
	(pc) =	sbr.rel @p0 .LBB2_13-.Ltmp8, $2  }
0x289: {  	_ =	sdelay $0x2  }
0x28a: {  	s15 =	sadd.s32 $0x88, s15;
	s16 =	sadd.s32 s16, s0  }
0x28b: {  	[hbm4b:s16+s1] =	stream.linear.scatter [tilespmem:s2], [sflag:$0x2], $0x80, $0x38;
	[tilespmem:$0x12800] =	vst v63  }
0x28c: {  	p0 =	seq.s32 s28, $0x31  }
0x28d: {  	s31 =	sshrl.u32 @!p0 s29, $0x2  }
0x28e: {  	s2 =	simm.s32 @!p0 $0x80;
	s12 =	simm.s32 @!p0 $0x8400;
	s0 =	sadd.s32 @!p0 $0x280, s31  }
0x28f: {  	[tilespmem:s12], [sflag:$0x1] =	stream.indirect.gather @!p0 [hbm4b:s3+s2], $0x40, s0, s2, $0xb8;
	[tilespmem:$0x12800] =	vst v63  }
0x290: {  	s15 =	simm.s32 $0x0;
	_ =	swait.ge [sflag:s20], $0x2000  }
0x291: {  	v33 =	vmov s15;
	[sflag:s20] =	ssyncset.done $0x0  }
0x292: {  	v33 =	vshrl.u32 v33, $0x3;
	[sflag:s20] =	ssyncadd.s32 $0xFFFFE000  }
0x293: {  	v33 =	vshll.u32 v33, v1;
	_ =	swait.ge [sflag:s22], $0x2000  }
0x294: {  	v33 =	vbroadcast v33, $0x0;
	[sflag:s22] =	ssyncset.done $0x0  }
0x295: {  	s15 =	simm.s32 $0x0;
	[sflag:s22] =	ssyncadd.s32 $0xFFFFE000  }
0x296: {  	v35 =	vadd.s32 v0, v33;
	v34 =	vld [tilespmem:s15+$0xA400];
	_ =	sdelay $0x4  }
0x297: {  	[tilespmem:v35+s24+$0x0] =	vst.idx.msk $0xffff, v34  }
0x298: {  	v56 =	vadd.s32 v2, v33;
	v34 =	vld [tilespmem:s15+$0xA410];
	_ =	sdelay $0x4  }
0x299: {  	[tilespmem:v56+s24+$0x0] =	vst.idx.msk $0xffff, v34  }
0x29a: {  	v57 =	vadd.s32 v3, v33;
	v34 =	vld [tilespmem:s15+$0xA420];
	_ =	sdelay $0x4  }
0x29b: {  	[tilespmem:v57+s24+$0x0] =	vst.idx.msk $0xffff, v34  }
0x29c: {  	s16 =	simm.s32 $0x1;
	v33 =	vadd.s32 v4, v33;
	v34 =	vld [tilespmem:s15+$0xA430]  }
0x29d: {  	v58 =	vmov s16  }
0x29e: {  	v35 =	vshrl.u32 v58, $0x3  }
0x29f: {  	v35 =	vshll.u32 v35, v1  }
0x2a0: {  	v35 =	vbroadcast v35, $0x0  }
0x2a1: {  	[tilespmem:v33+s24+$0x0] =	vst.idx.msk $0xffff, v34  }
0x2a2: {  	v59 =	vadd.s32 v5, v35;
	v33 =	vld [tilespmem:s15+$0xA440];
	_ =	sdelay $0x4  }
0x2a3: {  	[tilespmem:v59+s24+$0x0] =	vst.idx.msk $0xffff, v33  }
0x2a4: {  	v60 =	vadd.s32 v6, v35;
	v33 =	vld [tilespmem:s15+$0xA450];
	_ =	sdelay $0x4  }
0x2a5: {  	[tilespmem:v60+s24+$0x0] =	vst.idx.msk $0xffff, v33  }
0x2a6: {  	v61 =	vadd.s32 v7, v35;
	v33 =	vld [tilespmem:s15+$0xA460];
	_ =	sdelay $0x4  }
0x2a7: {  	[tilespmem:v61+s24+$0x0] =	vst.idx.msk $0xffff, v33  }
0x2a8: {  	s2 =	simm.s32 $0x2;
	v62 =	vadd.s32 v8, v35;
	v33 =	vld [tilespmem:s15+$0xA470]  }
0x2a9: {  	v63 =	vmov s2  }
0x2aa: {  	v35 =	vshrl.u32 v63, $0x3  }
0x2ab: {  	v35 =	vshll.u32 v35, v1  }
0x2ac: {  	v35 =	vbroadcast v35, $0x0  }
0x2ad: {  	[tilespmem:v62+s24+$0x0] =	vst.idx.msk $0xffff, v33  }
0x2ae: {  	v36 =	vadd.s32 v9, v35;
	v33 =	vld [tilespmem:s15+$0xA480];
	_ =	sdelay $0x4  }
0x2af: {  	[tilespmem:v36+s24+$0x0] =	vst.idx.msk $0xffff, v33  }
0x2b0: {  	v37 =	vadd.s32 v10, v35;
	v33 =	vld [tilespmem:s15+$0xA490];
	_ =	sdelay $0x4  }
0x2b1: {  	[tilespmem:v37+s24+$0x0] =	vst.idx.msk $0xffff, v33  }
0x2b2: {  	v38 =	vadd.s32 v11, v35;
	v33 =	vld [tilespmem:s15+$0xA4A0];
	_ =	sdelay $0x4  }
0x2b3: {  	[tilespmem:v38+s24+$0x0] =	vst.idx.msk $0xffff, v33  }
0x2b4: {  	s12 =	simm.s32 $0x3;
	v39 =	vadd.s32 v12, v35;
	v33 =	vld [tilespmem:s15+$0xA4B0]  }
0x2b5: {  	v40 =	vmov s12  }
0x2b6: {  	v35 =	vshrl.u32 v40, $0x3  }
0x2b7: {  	v35 =	vshll.u32 v35, v1  }
0x2b8: {  	v35 =	vbroadcast v35, $0x0  }
0x2b9: {  	[tilespmem:v39+s24+$0x0] =	vst.idx.msk $0xffff, v33  }
0x2ba: {  	v41 =	vadd.s32 v13, v35;
	v33 =	vld [tilespmem:s15+$0xA4C0];
	_ =	sdelay $0x4  }
0x2bb: {  	[tilespmem:v41+s24+$0x0] =	vst.idx.msk $0xffff, v33  }
0x2bc: {  	v42 =	vadd.s32 v14, v35;
	v33 =	vld [tilespmem:s15+$0xA4D0];
	_ =	sdelay $0x4  }
0x2bd: {  	[tilespmem:v42+s24+$0x0] =	vst.idx.msk $0xffff, v33  }
0x2be: {  	v43 =	vadd.s32 v15, v35;
	v33 =	vld [tilespmem:s15+$0xA4E0];
	_ =	sdelay $0x4  }
0x2bf: {  	[tilespmem:v43+s24+$0x0] =	vst.idx.msk $0xffff, v33  }
0x2c0: {  	s16 =	simm.s32 $0x4;
	v44 =	vadd.s32 v16, v35;
	v33 =	vld [tilespmem:s15+$0xA4F0]  }
0x2c1: {  	v45 =	vmov s16  }
0x2c2: {  	v35 =	vshrl.u32 v45, $0x3  }
0x2c3: {  	v35 =	vshll.u32 v35, v1  }
0x2c4: {  	v35 =	vbroadcast v35, $0x0  }
0x2c5: {  	[tilespmem:v44+s24+$0x0] =	vst.idx.msk $0xffff, v33  }
0x2c6: {  	v46 =	vadd.s32 v17, v35;
	v33 =	vld [tilespmem:s15+$0xA500];
	_ =	sdelay $0x4  }
0x2c7: {  	[tilespmem:v46+s24+$0x0] =	vst.idx.msk $0xffff, v33  }
0x2c8: {  	v47 =	vadd.s32 v18, v35;
	v33 =	vld [tilespmem:s15+$0xA510];
	_ =	sdelay $0x4  }
0x2c9: {  	[tilespmem:v47+s24+$0x0] =	vst.idx.msk $0xffff, v33  }
0x2ca: {  	v48 =	vadd.s32 v19, v35;
	v33 =	vld [tilespmem:s15+$0xA520];
	_ =	sdelay $0x4  }
0x2cb: {  	[tilespmem:v48+s24+$0x0] =	vst.idx.msk $0xffff, v33  }
0x2cc: {  	s2 =	simm.s32 $0x5;
	v49 =	vadd.s32 v20, v35;
	v33 =	vld [tilespmem:s15+$0xA530]  }
0x2cd: {  	v50 =	vmov s2  }
0x2ce: {  	v35 =	vshrl.u32 v50, $0x3  }
0x2cf: {  	v35 =	vshll.u32 v35, v1  }
0x2d0: {  	v35 =	vbroadcast v35, $0x0  }
0x2d1: {  	[tilespmem:v49+s24+$0x0] =	vst.idx.msk $0xffff, v33  }
0x2d2: {  	v51 =	vadd.s32 v21, v35;
	v33 =	vld [tilespmem:s15+$0xA540];
	_ =	sdelay $0x4  }
0x2d3: {  	[tilespmem:v51+s24+$0x0] =	vst.idx.msk $0xffff, v33  }
0x2d4: {  	v52 =	vadd.s32 v22, v35;
	v33 =	vld [tilespmem:s15+$0xA550];
	_ =	sdelay $0x4  }
0x2d5: {  	[tilespmem:v52+s24+$0x0] =	vst.idx.msk $0xffff, v33  }
0x2d6: {  	v53 =	vadd.s32 v23, v35;
	v33 =	vld [tilespmem:s15+$0xA560];
	_ =	sdelay $0x4  }
0x2d7: {  	[tilespmem:v53+s24+$0x0] =	vst.idx.msk $0xffff, v33  }
0x2d8: {  	s12 =	simm.s32 $0x6;
	v54 =	vadd.s32 v24, v35;
	v33 =	vld [tilespmem:s15+$0xA570]  }
0x2d9: {  	v55 =	vmov s12  }
0x2da: {  	v35 =	vshrl.u32 v55, $0x3  }
0x2db: {  	v35 =	vshll.u32 v35, v1  }
0x2dc: {  	v35 =	vbroadcast v35, $0x0  }
0x2dd: {  	[tilespmem:v54+s24+$0x0] =	vst.idx.msk $0xffff, v33  }
0x2de: {  	v56 =	vadd.s32 v25, v35;
	v33 =	vld [tilespmem:s15+$0xA580];
	_ =	sdelay $0x4  }
0x2df: {  	[tilespmem:v56+s24+$0x0] =	vst.idx.msk $0xffff, v33  }
0x2e0: {  	v57 =	vadd.s32 v26, v35;
	v33 =	vld [tilespmem:s15+$0xA590];
	_ =	sdelay $0x4  }
0x2e1: {  	[tilespmem:v57+s24+$0x0] =	vst.idx.msk $0xffff, v33  }
0x2e2: {  	v58 =	vadd.s32 v27, v35;
	v33 =	vld [tilespmem:s15+$0xA5A0];
	_ =	sdelay $0x4  }
0x2e3: {  	[tilespmem:v58+s24+$0x0] =	vst.idx.msk $0xffff, v33  }
0x2e4: {  	s16 =	simm.s32 $0x7;
	v59 =	vadd.s32 v28, v35;
	v33 =	vld [tilespmem:s15+$0xA5B0]  }
0x2e5: {  	v60 =	vmov s16  }
0x2e6: {  	v35 =	vshrl.u32 v60, $0x3  }
0x2e7: {  	v35 =	vshll.u32 v35, v1  }
0x2e8: {  	v35 =	vbroadcast v35, $0x0  }
0x2e9: {  	[tilespmem:v59+s24+$0x0] =	vst.idx.msk $0xffff, v33  }
0x2ea: {  	v61 =	vadd.s32 v29, v35;
	v33 =	vld [tilespmem:s15+$0xA5C0];
	_ =	sdelay $0x4  }
0x2eb: {  	[tilespmem:v61+s24+$0x0] =	vst.idx.msk $0xffff, v33  }
0x2ec: {  	v62 =	vadd.s32 v30, v35;
	v33 =	vld [tilespmem:s15+$0xA5D0];
	_ =	sdelay $0x4  }
0x2ed: {  	[tilespmem:v62+s24+$0x0] =	vst.idx.msk $0xffff, v33  }
0x2ee: {  	v63 =	vadd.s32 v31, v35;
	v33 =	vld [tilespmem:s15+$0xA5E0];
	_ =	sdelay $0x4  }
0x2ef: {  	s0 =	simm.s32 $0xF;
	[tilespmem:v63+s24+$0x0] =	vst.idx.msk $0xffff, v33  }
0x2f0: {  	s2 =	simm.s32 $0x800;
	s12 =	simm.s32 $0x1000;
	s16 =	simm.s32 $0x8;
	v34 =	vadd.s32 v32, v35;
	v33 =	vld [tilespmem:s15+$0xA5F0]  }
.LBB2_15:
0x2f1: {  	p1 =	sne.s32 s12, $0x7800;
	v35 =	vmov s16  }
0x2f2: {  	v35 =	vshrl.u32 v35, $0x3  }
0x2f3: {  	v35 =	vshll.u32 v35, v1  }
0x2f4: {  	v35 =	vbroadcast v35, $0x0  }
0x2f5: {  	s15 =	sshra.s32 s2, $0x2;
	s2 =	smov.u32 s12;
	[tilespmem:v34+s24+$0x0] =	vst.idx.msk $0xffff, v33  }
0x2f6: {  	v33 =	vld [tilespmem:s15+$0xA400];
	v34 =	vadd.s32 v0, v35;
	_ =	sdelay $0x4  }
0x2f7: {  	[tilespmem:v34+s24+$0x0] =	vst.idx.msk $0xffff, v33  }
0x2f8: {  	v34 =	vadd.s32 v2, v35;
	v33 =	vld [tilespmem:s15+$0xA410];
	_ =	sdelay $0x4  }
0x2f9: {  	[tilespmem:v34+s24+$0x0] =	vst.idx.msk $0xffff, v33  }
0x2fa: {  	v34 =	vadd.s32 v3, v35;
	v33 =	vld [tilespmem:s15+$0xA420];
	_ =	sdelay $0x4  }
0x2fb: {  	[tilespmem:v34+s24+$0x0] =	vst.idx.msk $0xffff, v33  }
0x2fc: {  	s16 =	sadd.s32 $0xFFFFFFFA, s0;
	v34 =	vadd.s32 v4, v35;
	v33 =	vld [tilespmem:s15+$0xA430]  }
0x2fd: {  	v35 =	vmov s16  }
0x2fe: {  	v35 =	vshrl.u32 v35, $0x3  }
0x2ff: {  	v35 =	vshll.u32 v35, v1  }
0x300: {  	v35 =	vbroadcast v35, $0x0  }
0x301: {  	[tilespmem:v34+s24+$0x0] =	vst.idx.msk $0xffff, v33  }
0x302: {  	v34 =	vadd.s32 v5, v35;
	v33 =	vld [tilespmem:s15+$0xA440];
	_ =	sdelay $0x4  }
0x303: {  	[tilespmem:v34+s24+$0x0] =	vst.idx.msk $0xffff, v33  }
0x304: {  	v34 =	vadd.s32 v6, v35;
	v33 =	vld [tilespmem:s15+$0xA450];
	_ =	sdelay $0x4  }
0x305: {  	[tilespmem:v34+s24+$0x0] =	vst.idx.msk $0xffff, v33  }
0x306: {  	v34 =	vadd.s32 v7, v35;
	v33 =	vld [tilespmem:s15+$0xA460];
	_ =	sdelay $0x4  }
0x307: {  	[tilespmem:v34+s24+$0x0] =	vst.idx.msk $0xffff, v33  }
0x308: {  	s16 =	sadd.s32 $0xFFFFFFFB, s0;
	v34 =	vadd.s32 v8, v35;
	v33 =	vld [tilespmem:s15+$0xA470]  }
0x309: {  	v35 =	vmov s16  }
0x30a: {  	v35 =	vshrl.u32 v35, $0x3  }
0x30b: {  	v35 =	vshll.u32 v35, v1  }
0x30c: {  	v35 =	vbroadcast v35, $0x0  }
0x30d: {  	[tilespmem:v34+s24+$0x0] =	vst.idx.msk $0xffff, v33  }
0x30e: {  	v34 =	vadd.s32 v9, v35;
	v33 =	vld [tilespmem:s15+$0xA480];
	_ =	sdelay $0x4  }
0x30f: {  	[tilespmem:v34+s24+$0x0] =	vst.idx.msk $0xffff, v33  }
0x310: {  	v34 =	vadd.s32 v10, v35;
	v33 =	vld [tilespmem:s15+$0xA490];
	_ =	sdelay $0x4  }
0x311: {  	[tilespmem:v34+s24+$0x0] =	vst.idx.msk $0xffff, v33  }
0x312: {  	v34 =	vadd.s32 v11, v35;
	v33 =	vld [tilespmem:s15+$0xA4A0];
	_ =	sdelay $0x4  }
0x313: {  	[tilespmem:v34+s24+$0x0] =	vst.idx.msk $0xffff, v33  }
0x314: {  	s16 =	sadd.s32 $0xFFFFFFFC, s0;
	v34 =	vadd.s32 v12, v35;
	v33 =	vld [tilespmem:s15+$0xA4B0]  }
0x315: {  	v35 =	vmov s16  }
0x316: {  	v35 =	vshrl.u32 v35, $0x3  }
0x317: {  	v35 =	vshll.u32 v35, v1  }
0x318: {  	v35 =	vbroadcast v35, $0x0  }
0x319: {  	[tilespmem:v34+s24+$0x0] =	vst.idx.msk $0xffff, v33  }
0x31a: {  	v34 =	vadd.s32 v13, v35;
	v33 =	vld [tilespmem:s15+$0xA4C0];
	_ =	sdelay $0x4  }
0x31b: {  	[tilespmem:v34+s24+$0x0] =	vst.idx.msk $0xffff, v33  }
0x31c: {  	v34 =	vadd.s32 v14, v35;
	v33 =	vld [tilespmem:s15+$0xA4D0];
	_ =	sdelay $0x4  }
0x31d: {  	[tilespmem:v34+s24+$0x0] =	vst.idx.msk $0xffff, v33  }
0x31e: {  	v34 =	vadd.s32 v15, v35;
	v33 =	vld [tilespmem:s15+$0xA4E0];
	_ =	sdelay $0x4  }
0x31f: {  	[tilespmem:v34+s24+$0x0] =	vst.idx.msk $0xffff, v33  }
0x320: {  	s16 =	sadd.s32 $0xFFFFFFFD, s0;
	v34 =	vadd.s32 v16, v35;
	v33 =	vld [tilespmem:s15+$0xA4F0]  }
0x321: {  	v35 =	vmov s16  }
0x322: {  	v35 =	vshrl.u32 v35, $0x3  }
0x323: {  	v35 =	vshll.u32 v35, v1  }
0x324: {  	v35 =	vbroadcast v35, $0x0  }
0x325: {  	[tilespmem:v34+s24+$0x0] =	vst.idx.msk $0xffff, v33  }
0x326: {  	v34 =	vadd.s32 v17, v35;
	v33 =	vld [tilespmem:s15+$0xA500];
	_ =	sdelay $0x4  }
0x327: {  	[tilespmem:v34+s24+$0x0] =	vst.idx.msk $0xffff, v33  }
0x328: {  	v34 =	vadd.s32 v18, v35;
	v33 =	vld [tilespmem:s15+$0xA510];
	_ =	sdelay $0x4  }
0x329: {  	[tilespmem:v34+s24+$0x0] =	vst.idx.msk $0xffff, v33  }
0x32a: {  	v34 =	vadd.s32 v19, v35;
	v33 =	vld [tilespmem:s15+$0xA520];
	_ =	sdelay $0x4  }
0x32b: {  	[tilespmem:v34+s24+$0x0] =	vst.idx.msk $0xffff, v33  }
0x32c: {  	s16 =	sadd.s32 $0xFFFFFFFE, s0;
	v34 =	vadd.s32 v20, v35;
	v33 =	vld [tilespmem:s15+$0xA530]  }
0x32d: {  	v35 =	vmov s16  }
0x32e: {  	v35 =	vshrl.u32 v35, $0x3  }
0x32f: {  	v35 =	vshll.u32 v35, v1  }
0x330: {  	v35 =	vbroadcast v35, $0x0  }
0x331: {  	[tilespmem:v34+s24+$0x0] =	vst.idx.msk $0xffff, v33  }
0x332: {  	v34 =	vadd.s32 v21, v35;
	v33 =	vld [tilespmem:s15+$0xA540];
	_ =	sdelay $0x4  }
0x333: {  	[tilespmem:v34+s24+$0x0] =	vst.idx.msk $0xffff, v33  }
0x334: {  	v34 =	vadd.s32 v22, v35;
	v33 =	vld [tilespmem:s15+$0xA550];
	_ =	sdelay $0x4  }
0x335: {  	[tilespmem:v34+s24+$0x0] =	vst.idx.msk $0xffff, v33  }
0x336: {  	v34 =	vadd.s32 v23, v35;
	v33 =	vld [tilespmem:s15+$0xA560];
	_ =	sdelay $0x4  }
0x337: {  	[tilespmem:v34+s24+$0x0] =	vst.idx.msk $0xffff, v33  }
0x338: {  	s16 =	sadd.s32 $0xFFFFFFFF, s0;
	v34 =	vadd.s32 v24, v35;
	v33 =	vld [tilespmem:s15+$0xA570]  }
0x339: {  	v35 =	vmov s16  }
0x33a: {  	v35 =	vshrl.u32 v35, $0x3  }
0x33b: {  	v35 =	vshll.u32 v35, v1  }
0x33c: {  	v35 =	vbroadcast v35, $0x0  }
0x33d: {  	[tilespmem:v34+s24+$0x0] =	vst.idx.msk $0xffff, v33  }
0x33e: {  	v34 =	vadd.s32 v25, v35;
	v33 =	vld [tilespmem:s15+$0xA580];
	_ =	sdelay $0x4  }
0x33f: {  	[tilespmem:v34+s24+$0x0] =	vst.idx.msk $0xffff, v33  }
0x340: {  	v34 =	vadd.s32 v26, v35;
	v33 =	vld [tilespmem:s15+$0xA590];
	_ =	sdelay $0x4  }
0x341: {  	[tilespmem:v34+s24+$0x0] =	vst.idx.msk $0xffff, v33  }
0x342: {  	v34 =	vadd.s32 v27, v35;
	v33 =	vld [tilespmem:s15+$0xA5A0];
	_ =	sdelay $0x4  }
0x343: {  	[tilespmem:v34+s24+$0x0] =	vst.idx.msk $0xffff, v33  }
0x344: {  	v34 =	vadd.s32 v28, v35;
	v33 =	vld [tilespmem:s15+$0xA5B0]  }
0x345: {  	v35 =	vmov s0  }
0x346: {  	v35 =	vshrl.u32 v35, $0x3  }
0x347: {  	v35 =	vshll.u32 v35, v1  }
0x348: {  	v35 =	vbroadcast v35, $0x0  }
0x349: {  	[tilespmem:v34+s24+$0x0] =	vst.idx.msk $0xffff, v33  }
0x34a: {  	v34 =	vadd.s32 v29, v35;
	v33 =	vld [tilespmem:s15+$0xA5C0];
	_ =	sdelay $0x4  }
0x34b: {  	[tilespmem:v34+s24+$0x0] =	vst.idx.msk $0xffff, v33  }
0x34c: {  	v34 =	vadd.s32 v30, v35;
	v33 =	vld [tilespmem:s15+$0xA5D0];
	_ =	sdelay $0x4  }
0x34d: {  	[tilespmem:v34+s24+$0x0] =	vst.idx.msk $0xffff, v33  }
0x34e: {  	v34 =	vadd.s32 v31, v35;
	v33 =	vld [tilespmem:s15+$0xA5E0];
	_ =	sdelay $0x1  }
.Ltmp9:
0x34f: {  	(pc) =	sbr.rel @p1 .LBB2_15-.Ltmp9, $3  }
0x350: {  	_ =	sdelay $0x1  }
0x351: {  	s0 =	sadd.s32 $0x8, s0;
	[tilespmem:v34+s24+$0x0] =	vst.idx.msk $0xffff, v33  }
0x352: {  	s12 =	sadd.s32 $0x800, s12;
	s16 =	sadd.s32 $0xFFFFFFF9, s0;
	v34 =	vadd.s32 v32, v35;
	v33 =	vld [tilespmem:s15+$0xA5F0]  }
0x353: {  	v35 =	vmov s16  }
0x354: {  	v35 =	vshrl.u32 v35, $0x3  }
0x355: {  	v35 =	vshll.u32 v35, v1  }
0x356: {  	v35 =	vbroadcast v35, $0x0  }
0x357: {  	s2 =	sshra.s32 s2, $0x2;
	[tilespmem:v34+s24+$0x0] =	vst.idx.msk $0xffff, v33  }
0x358: {  	v33 =	vld [tilespmem:s2+$0xA400];
	v53 =	vadd.s32 v0, v35;
	_ =	sdelay $0x4  }
0x359: {  	[tilespmem:v53+s24+$0x0] =	vst.idx.msk $0xffff, v33  }
0x35a: {  	v54 =	vadd.s32 v2, v35;
	v33 =	vld [tilespmem:s2+$0xA410];
	_ =	sdelay $0x4  }
0x35b: {  	[tilespmem:v54+s24+$0x0] =	vst.idx.msk $0xffff, v33  }
0x35c: {  	v55 =	vadd.s32 v3, v35;
	v33 =	vld [tilespmem:s2+$0xA420];
	_ =	sdelay $0x4  }
0x35d: {  	[tilespmem:v55+s24+$0x0] =	vst.idx.msk $0xffff, v33  }
0x35e: {  	s12 =	sadd.s32 $0xFFFFFFFA, s0;
	v56 =	vadd.s32 v4, v35;
	v33 =	vld [tilespmem:s2+$0xA430]  }
0x35f: {  	v57 =	vmov s12  }
0x360: {  	v35 =	vshrl.u32 v57, $0x3  }
0x361: {  	v35 =	vshll.u32 v35, v1  }
0x362: {  	v35 =	vbroadcast v35, $0x0  }
0x363: {  	[tilespmem:v56+s24+$0x0] =	vst.idx.msk $0xffff, v33  }
0x364: {  	v58 =	vadd.s32 v5, v35;
	v33 =	vld [tilespmem:s2+$0xA440];
	_ =	sdelay $0x4  }
0x365: {  	[tilespmem:v58+s24+$0x0] =	vst.idx.msk $0xffff, v33  }
0x366: {  	v59 =	vadd.s32 v6, v35;
	v33 =	vld [tilespmem:s2+$0xA450];
	_ =	sdelay $0x4  }
0x367: {  	[tilespmem:v59+s24+$0x0] =	vst.idx.msk $0xffff, v33  }
0x368: {  	v60 =	vadd.s32 v7, v35;
	v33 =	vld [tilespmem:s2+$0xA460];
	_ =	sdelay $0x4  }
0x369: {  	[tilespmem:v60+s24+$0x0] =	vst.idx.msk $0xffff, v33  }
0x36a: {  	s16 =	sadd.s32 $0xFFFFFFFB, s0;
	v61 =	vadd.s32 v8, v35;
	v33 =	vld [tilespmem:s2+$0xA470]  }
0x36b: {  	v62 =	vmov s16  }
0x36c: {  	v35 =	vshrl.u32 v62, $0x3  }
0x36d: {  	v35 =	vshll.u32 v35, v1  }
0x36e: {  	v35 =	vbroadcast v35, $0x0  }
0x36f: {  	[tilespmem:v61+s24+$0x0] =	vst.idx.msk $0xffff, v33  }
0x370: {  	v63 =	vadd.s32 v9, v35;
	v33 =	vld [tilespmem:s2+$0xA480];
	_ =	sdelay $0x4  }
0x371: {  	[tilespmem:v63+s24+$0x0] =	vst.idx.msk $0xffff, v33  }
0x372: {  	v36 =	vadd.s32 v10, v35;
	v33 =	vld [tilespmem:s2+$0xA490];
	_ =	sdelay $0x4  }
0x373: {  	[tilespmem:v36+s24+$0x0] =	vst.idx.msk $0xffff, v33  }
0x374: {  	v37 =	vadd.s32 v11, v35;
	v33 =	vld [tilespmem:s2+$0xA4A0];
	_ =	sdelay $0x4  }
0x375: {  	[tilespmem:v37+s24+$0x0] =	vst.idx.msk $0xffff, v33  }
0x376: {  	s15 =	sadd.s32 $0xFFFFFFFC, s0;
	v38 =	vadd.s32 v12, v35;
	v33 =	vld [tilespmem:s2+$0xA4B0]  }
0x377: {  	v39 =	vmov s15  }
0x378: {  	v35 =	vshrl.u32 v39, $0x3  }
0x379: {  	v35 =	vshll.u32 v35, v1  }
0x37a: {  	v35 =	vbroadcast v35, $0x0  }
0x37b: {  	[tilespmem:v38+s24+$0x0] =	vst.idx.msk $0xffff, v33  }
0x37c: {  	v40 =	vadd.s32 v13, v35;
	v33 =	vld [tilespmem:s2+$0xA4C0];
	_ =	sdelay $0x4  }
0x37d: {  	[tilespmem:v40+s24+$0x0] =	vst.idx.msk $0xffff, v33  }
0x37e: {  	v41 =	vadd.s32 v14, v35;
	v33 =	vld [tilespmem:s2+$0xA4D0];
	_ =	sdelay $0x4  }
0x37f: {  	[tilespmem:v41+s24+$0x0] =	vst.idx.msk $0xffff, v33  }
0x380: {  	v42 =	vadd.s32 v15, v35;
	v33 =	vld [tilespmem:s2+$0xA4E0];
	_ =	sdelay $0x4  }
0x381: {  	[tilespmem:v42+s24+$0x0] =	vst.idx.msk $0xffff, v33  }
0x382: {  	s16 =	sadd.s32 $0xFFFFFFFD, s0;
	v43 =	vadd.s32 v16, v35;
	v33 =	vld [tilespmem:s2+$0xA4F0]  }
0x383: {  	v44 =	vmov s16  }
0x384: {  	v35 =	vshrl.u32 v44, $0x3  }
0x385: {  	v35 =	vshll.u32 v35, v1  }
0x386: {  	v35 =	vbroadcast v35, $0x0  }
0x387: {  	[tilespmem:v43+s24+$0x0] =	vst.idx.msk $0xffff, v33  }
0x388: {  	v45 =	vadd.s32 v17, v35;
	v33 =	vld [tilespmem:s2+$0xA500];
	_ =	sdelay $0x4  }
0x389: {  	[tilespmem:v45+s24+$0x0] =	vst.idx.msk $0xffff, v33  }
0x38a: {  	v46 =	vadd.s32 v18, v35;
	v33 =	vld [tilespmem:s2+$0xA510];
	_ =	sdelay $0x4  }
0x38b: {  	[tilespmem:v46+s24+$0x0] =	vst.idx.msk $0xffff, v33  }
0x38c: {  	v47 =	vadd.s32 v19, v35;
	v33 =	vld [tilespmem:s2+$0xA520];
	_ =	sdelay $0x4  }
0x38d: {  	[tilespmem:v47+s24+$0x0] =	vst.idx.msk $0xffff, v33  }
0x38e: {  	s15 =	sadd.s32 $0xFFFFFFFE, s0;
	v48 =	vadd.s32 v20, v35;
	v33 =	vld [tilespmem:s2+$0xA530]  }
0x38f: {  	v49 =	vmov s15  }
0x390: {  	v35 =	vshrl.u32 v49, $0x3  }
0x391: {  	v35 =	vshll.u32 v35, v1  }
0x392: {  	v35 =	vbroadcast v35, $0x0  }
0x393: {  	[tilespmem:v48+s24+$0x0] =	vst.idx.msk $0xffff, v33  }
0x394: {  	v50 =	vadd.s32 v21, v35;
	v33 =	vld [tilespmem:s2+$0xA540];
	_ =	sdelay $0x4  }
0x395: {  	[tilespmem:v50+s24+$0x0] =	vst.idx.msk $0xffff, v33  }
0x396: {  	v51 =	vadd.s32 v22, v35;
	v33 =	vld [tilespmem:s2+$0xA550];
	_ =	sdelay $0x4  }
0x397: {  	[tilespmem:v51+s24+$0x0] =	vst.idx.msk $0xffff, v33  }
0x398: {  	v52 =	vadd.s32 v23, v35;
	v33 =	vld [tilespmem:s2+$0xA560];
	_ =	sdelay $0x4  }
0x399: {  	[tilespmem:v52+s24+$0x0] =	vst.idx.msk $0xffff, v33  }
0x39a: {  	s16 =	sadd.s32 $0xFFFFFFFF, s0;
	v53 =	vadd.s32 v24, v35;
	v33 =	vld [tilespmem:s2+$0xA570]  }
0x39b: {  	v54 =	vmov s16  }
0x39c: {  	v35 =	vshrl.u32 v54, $0x3  }
0x39d: {  	v35 =	vshll.u32 v35, v1  }
0x39e: {  	v35 =	vbroadcast v35, $0x0  }
0x39f: {  	[tilespmem:v53+s24+$0x0] =	vst.idx.msk $0xffff, v33  }
0x3a0: {  	v55 =	vadd.s32 v25, v35;
	v33 =	vld [tilespmem:s2+$0xA580];
	_ =	sdelay $0x4  }
0x3a1: {  	[tilespmem:v55+s24+$0x0] =	vst.idx.msk $0xffff, v33  }
0x3a2: {  	v56 =	vadd.s32 v26, v35;
	v33 =	vld [tilespmem:s2+$0xA590];
	_ =	sdelay $0x4  }
0x3a3: {  	[tilespmem:v56+s24+$0x0] =	vst.idx.msk $0xffff, v33  }
0x3a4: {  	v57 =	vadd.s32 v27, v35;
	v33 =	vld [tilespmem:s2+$0xA5A0];
	_ =	sdelay $0x4  }
0x3a5: {  	[tilespmem:v57+s24+$0x0] =	vst.idx.msk $0xffff, v33  }
0x3a6: {  	v58 =	vadd.s32 v28, v35;
	v33 =	vld [tilespmem:s2+$0xA5B0]  }
0x3a7: {  	v59 =	vmov s0  }
0x3a8: {  	v35 =	vshrl.u32 v59, $0x3  }
0x3a9: {  	v35 =	vshll.u32 v35, v1  }
0x3aa: {  	v35 =	vbroadcast v35, $0x0  }
0x3ab: {  	[tilespmem:v58+s24+$0x0] =	vst.idx.msk $0xffff, v33  }
0x3ac: {  	v60 =	vadd.s32 v29, v35;
	v33 =	vld [tilespmem:s2+$0xA5C0];
	_ =	sdelay $0x4  }
0x3ad: {  	[tilespmem:v60+s24+$0x0] =	vst.idx.msk $0xffff, v33  }
0x3ae: {  	v61 =	vadd.s32 v30, v35;
	v33 =	vld [tilespmem:s2+$0xA5D0];
	_ =	sdelay $0x4  }
0x3af: {  	[tilespmem:v61+s24+$0x0] =	vst.idx.msk $0xffff, v33  }
0x3b0: {  	v62 =	vadd.s32 v31, v35;
	v33 =	vld [tilespmem:s2+$0xA5E0];
	_ =	sdelay $0x4  }
0x3b1: {  	[tilespmem:v62+s24+$0x0] =	vst.idx.msk $0xffff, v33  }
0x3b2: {  	v63 =	vadd.s32 v32, v35;
	v33 =	vld [tilespmem:s2+$0xA5F0];
	_ =	sdelay $0x3  }
0x3b3: {  	s12 =	simm.s32 $0x200;
	s0 =	sadd.s32 s30, s8  }
0x3b4: {  	s15 =	simm.s32 $0xE488;
	s16 =	sadd.s32 $0x0, s0;
	s2 =	simm.s32 $0xE400;
	[tilespmem:v63+s24+$0x0] =	vst.idx.msk $0xffff, v33  }
.LBB2_17:
0x3b5: {  	[hbm4b:s16+s1] =	stream.linear.scatter [tilespmem:s2], [sflag:$0x2], $0x80, $0x38;
	[tilespmem:$0x12800] =	vst v63  }
0x3b6: {  	s16 =	smov.u32 s12;
	s2 =	smov.u32 s15;
	p1 =	sne.s32 s12, $0x7E00  }
.Ltmp10:
0x3b7: {  	s12 =	sadd.s32 $0x200, s12;
	(pc) =	sbr.rel @p1 .LBB2_17-.Ltmp10, $2  }
0x3b8: {  	_ =	sdelay $0x2  }
0x3b9: {  	s15 =	sadd.s32 $0x88, s15;
	s16 =	sadd.s32 s16, s0  }
0x3ba: {  	[hbm4b:s16+s1] =	stream.linear.scatter [tilespmem:s2], [sflag:$0x2], $0x80, $0x38;
	[tilespmem:$0x12800] =	vst v63  }
0x3bb: {  	s0 =	sadd.s32 @!p0 $0x300, s31;
	s2 =	simm.s32 @!p0 $0x80;
	s12 =	simm.s32 @!p0 $0xA400  }
0x3bc: {  	[tilespmem:s12], [sflag:$0x1] =	stream.indirect.gather @!p0 [hbm4b:s3+s2], $0x40, s0, s2, $0xb8;
	[tilespmem:$0x12800] =	vst v63  }
0x3bd: {  	s2 =	simm.s32 $0x0;
	_ =	swait.ge [sflag:s20], $0x2000  }
0x3be: {  	v33 =	vmov s2;
	[sflag:s20] =	ssyncset.done $0x0  }
0x3bf: {  	v33 =	vshrl.u32 v33, $0x3;
	[sflag:s20] =	ssyncadd.s32 $0xFFFFE000  }
0x3c0: {  	v33 =	vshll.u32 v33, v1;
	_ =	swait.ge [sflag:s22], $0x2000  }
0x3c1: {  	v33 =	vbroadcast v33, $0x0;
	[sflag:s22] =	ssyncset.done $0x0  }
0x3c2: {  	s15 =	simm.s32 $0x0;
	[sflag:s22] =	ssyncadd.s32 $0xFFFFE000  }
0x3c3: {  	v35 =	vadd.s32 v0, v33;
	v34 =	vld [tilespmem:s15+$0xC400];
	_ =	sdelay $0x4  }
0x3c4: {  	[tilespmem:v35+s25+$0x0] =	vst.idx.msk $0xffff, v34  }
0x3c5: {  	v56 =	vadd.s32 v2, v33;
	v34 =	vld [tilespmem:s15+$0xC410];
	_ =	sdelay $0x4  }
0x3c6: {  	[tilespmem:v56+s25+$0x0] =	vst.idx.msk $0xffff, v34  }
0x3c7: {  	v57 =	vadd.s32 v3, v33;
	v34 =	vld [tilespmem:s15+$0xC420];
	_ =	sdelay $0x4  }
0x3c8: {  	[tilespmem:v57+s25+$0x0] =	vst.idx.msk $0xffff, v34  }
0x3c9: {  	s12 =	simm.s32 $0x1;
	v33 =	vadd.s32 v4, v33;
	v34 =	vld [tilespmem:s15+$0xC430]  }
0x3ca: {  	v58 =	vmov s12  }
0x3cb: {  	v35 =	vshrl.u32 v58, $0x3  }
0x3cc: {  	v35 =	vshll.u32 v35, v1  }
0x3cd: {  	v35 =	vbroadcast v35, $0x0  }
0x3ce: {  	[tilespmem:v33+s25+$0x0] =	vst.idx.msk $0xffff, v34  }
0x3cf: {  	v59 =	vadd.s32 v5, v35;
	v33 =	vld [tilespmem:s15+$0xC440];
	_ =	sdelay $0x4  }
0x3d0: {  	[tilespmem:v59+s25+$0x0] =	vst.idx.msk $0xffff, v33  }
0x3d1: {  	v60 =	vadd.s32 v6, v35;
	v33 =	vld [tilespmem:s15+$0xC450];
	_ =	sdelay $0x4  }
0x3d2: {  	[tilespmem:v60+s25+$0x0] =	vst.idx.msk $0xffff, v33  }
0x3d3: {  	v61 =	vadd.s32 v7, v35;
	v33 =	vld [tilespmem:s15+$0xC460];
	_ =	sdelay $0x4  }
0x3d4: {  	[tilespmem:v61+s25+$0x0] =	vst.idx.msk $0xffff, v33  }
0x3d5: {  	s16 =	simm.s32 $0x2;
	v62 =	vadd.s32 v8, v35;
	v33 =	vld [tilespmem:s15+$0xC470]  }
0x3d6: {  	v63 =	vmov s16  }
0x3d7: {  	v35 =	vshrl.u32 v63, $0x3  }
0x3d8: {  	v35 =	vshll.u32 v35, v1  }
0x3d9: {  	v35 =	vbroadcast v35, $0x0  }
0x3da: {  	[tilespmem:v62+s25+$0x0] =	vst.idx.msk $0xffff, v33  }
0x3db: {  	v36 =	vadd.s32 v9, v35;
	v33 =	vld [tilespmem:s15+$0xC480];
	_ =	sdelay $0x4  }
0x3dc: {  	[tilespmem:v36+s25+$0x0] =	vst.idx.msk $0xffff, v33  }
0x3dd: {  	v37 =	vadd.s32 v10, v35;
	v33 =	vld [tilespmem:s15+$0xC490];
	_ =	sdelay $0x4  }
0x3de: {  	[tilespmem:v37+s25+$0x0] =	vst.idx.msk $0xffff, v33  }
0x3df: {  	v38 =	vadd.s32 v11, v35;
	v33 =	vld [tilespmem:s15+$0xC4A0];
	_ =	sdelay $0x4  }
0x3e0: {  	[tilespmem:v38+s25+$0x0] =	vst.idx.msk $0xffff, v33  }
0x3e1: {  	s31 =	simm.s32 $0x3;
	v39 =	vadd.s32 v12, v35;
	v33 =	vld [tilespmem:s15+$0xC4B0]  }
0x3e2: {  	v40 =	vmov s31  }
0x3e3: {  	v35 =	vshrl.u32 v40, $0x3  }
0x3e4: {  	v35 =	vshll.u32 v35, v1  }
0x3e5: {  	v35 =	vbroadcast v35, $0x0  }
0x3e6: {  	[tilespmem:v39+s25+$0x0] =	vst.idx.msk $0xffff, v33  }
0x3e7: {  	v41 =	vadd.s32 v13, v35;
	v33 =	vld [tilespmem:s15+$0xC4C0];
	_ =	sdelay $0x4  }
0x3e8: {  	[tilespmem:v41+s25+$0x0] =	vst.idx.msk $0xffff, v33  }
0x3e9: {  	v42 =	vadd.s32 v14, v35;
	v33 =	vld [tilespmem:s15+$0xC4D0];
	_ =	sdelay $0x4  }
0x3ea: {  	[tilespmem:v42+s25+$0x0] =	vst.idx.msk $0xffff, v33  }
0x3eb: {  	v43 =	vadd.s32 v15, v35;
	v33 =	vld [tilespmem:s15+$0xC4E0];
	_ =	sdelay $0x4  }
0x3ec: {  	[tilespmem:v43+s25+$0x0] =	vst.idx.msk $0xffff, v33  }
0x3ed: {  	s2 =	simm.s32 $0x4;
	v44 =	vadd.s32 v16, v35;
	v33 =	vld [tilespmem:s15+$0xC4F0]  }
0x3ee: {  	v45 =	vmov s2  }
0x3ef: {  	v35 =	vshrl.u32 v45, $0x3  }
0x3f0: {  	v35 =	vshll.u32 v35, v1  }
0x3f1: {  	v35 =	vbroadcast v35, $0x0  }
0x3f2: {  	[tilespmem:v44+s25+$0x0] =	vst.idx.msk $0xffff, v33  }
0x3f3: {  	v46 =	vadd.s32 v17, v35;
	v33 =	vld [tilespmem:s15+$0xC500];
	_ =	sdelay $0x4  }
0x3f4: {  	[tilespmem:v46+s25+$0x0] =	vst.idx.msk $0xffff, v33  }
0x3f5: {  	v47 =	vadd.s32 v18, v35;
	v33 =	vld [tilespmem:s15+$0xC510];
	_ =	sdelay $0x4  }
0x3f6: {  	[tilespmem:v47+s25+$0x0] =	vst.idx.msk $0xffff, v33  }
0x3f7: {  	v48 =	vadd.s32 v19, v35;
	v33 =	vld [tilespmem:s15+$0xC520];
	_ =	sdelay $0x4  }
0x3f8: {  	[tilespmem:v48+s25+$0x0] =	vst.idx.msk $0xffff, v33  }
0x3f9: {  	s12 =	simm.s32 $0x5;
	v49 =	vadd.s32 v20, v35;
	v33 =	vld [tilespmem:s15+$0xC530]  }
0x3fa: {  	v50 =	vmov s12  }
0x3fb: {  	v35 =	vshrl.u32 v50, $0x3  }
0x3fc: {  	v35 =	vshll.u32 v35, v1  }
0x3fd: {  	v35 =	vbroadcast v35, $0x0  }
0x3fe: {  	[tilespmem:v49+s25+$0x0] =	vst.idx.msk $0xffff, v33  }
0x3ff: {  	v51 =	vadd.s32 v21, v35;
	v33 =	vld [tilespmem:s15+$0xC540];
	_ =	sdelay $0x4  }
0x400: {  	[tilespmem:v51+s25+$0x0] =	vst.idx.msk $0xffff, v33  }
0x401: {  	v52 =	vadd.s32 v22, v35;
	v33 =	vld [tilespmem:s15+$0xC550];
	_ =	sdelay $0x4  }
0x402: {  	[tilespmem:v52+s25+$0x0] =	vst.idx.msk $0xffff, v33  }
0x403: {  	v53 =	vadd.s32 v23, v35;
	v33 =	vld [tilespmem:s15+$0xC560];
	_ =	sdelay $0x4  }
0x404: {  	[tilespmem:v53+s25+$0x0] =	vst.idx.msk $0xffff, v33  }
0x405: {  	s16 =	simm.s32 $0x6;
	v54 =	vadd.s32 v24, v35;
	v33 =	vld [tilespmem:s15+$0xC570]  }
0x406: {  	v55 =	vmov s16  }
0x407: {  	v35 =	vshrl.u32 v55, $0x3  }
0x408: {  	v35 =	vshll.u32 v35, v1  }
0x409: {  	v35 =	vbroadcast v35, $0x0  }
0x40a: {  	[tilespmem:v54+s25+$0x0] =	vst.idx.msk $0xffff, v33  }
0x40b: {  	v56 =	vadd.s32 v25, v35;
	v33 =	vld [tilespmem:s15+$0xC580];
	_ =	sdelay $0x4  }
0x40c: {  	[tilespmem:v56+s25+$0x0] =	vst.idx.msk $0xffff, v33  }
0x40d: {  	v57 =	vadd.s32 v26, v35;
	v33 =	vld [tilespmem:s15+$0xC590];
	_ =	sdelay $0x4  }
0x40e: {  	[tilespmem:v57+s25+$0x0] =	vst.idx.msk $0xffff, v33  }
0x40f: {  	v58 =	vadd.s32 v27, v35;
	v33 =	vld [tilespmem:s15+$0xC5A0];
	_ =	sdelay $0x4  }
0x410: {  	[tilespmem:v58+s25+$0x0] =	vst.idx.msk $0xffff, v33  }
0x411: {  	s31 =	simm.s32 $0x7;
	v59 =	vadd.s32 v28, v35;
	v33 =	vld [tilespmem:s15+$0xC5B0]  }
0x412: {  	v60 =	vmov s31  }
0x413: {  	v35 =	vshrl.u32 v60, $0x3  }
0x414: {  	v35 =	vshll.u32 v35, v1  }
0x415: {  	v35 =	vbroadcast v35, $0x0  }
0x416: {  	[tilespmem:v59+s25+$0x0] =	vst.idx.msk $0xffff, v33  }
0x417: {  	v61 =	vadd.s32 v29, v35;
	v33 =	vld [tilespmem:s15+$0xC5C0];
	_ =	sdelay $0x4  }
0x418: {  	[tilespmem:v61+s25+$0x0] =	vst.idx.msk $0xffff, v33  }
0x419: {  	v62 =	vadd.s32 v30, v35;
	v33 =	vld [tilespmem:s15+$0xC5D0];
	_ =	sdelay $0x4  }
0x41a: {  	[tilespmem:v62+s25+$0x0] =	vst.idx.msk $0xffff, v33  }
0x41b: {  	v63 =	vadd.s32 v31, v35;
	v33 =	vld [tilespmem:s15+$0xC5E0];
	_ =	sdelay $0x4  }
0x41c: {  	s0 =	simm.s32 $0xF;
	[tilespmem:v63+s25+$0x0] =	vst.idx.msk $0xffff, v33  }
0x41d: {  	s16 =	simm.s32 $0x8;
	s2 =	simm.s32 $0x800;
	s12 =	simm.s32 $0x1000;
	v34 =	vadd.s32 v32, v35;
	v33 =	vld [tilespmem:s15+$0xC5F0]  }
.LBB2_19:
0x41e: {  	p1 =	sne.s32 s12, $0x7800;
	v35 =	vmov s16  }
0x41f: {  	v35 =	vshrl.u32 v35, $0x3  }
0x420: {  	v35 =	vshll.u32 v35, v1  }
0x421: {  	v35 =	vbroadcast v35, $0x0  }
0x422: {  	s15 =	sshra.s32 s2, $0x2;
	s2 =	smov.u32 s12;
	[tilespmem:v34+s25+$0x0] =	vst.idx.msk $0xffff, v33  }
0x423: {  	v33 =	vld [tilespmem:s15+$0xC400];
	v34 =	vadd.s32 v0, v35;
	_ =	sdelay $0x4  }
0x424: {  	[tilespmem:v34+s25+$0x0] =	vst.idx.msk $0xffff, v33  }
0x425: {  	v34 =	vadd.s32 v2, v35;
	v33 =	vld [tilespmem:s15+$0xC410];
	_ =	sdelay $0x4  }
0x426: {  	[tilespmem:v34+s25+$0x0] =	vst.idx.msk $0xffff, v33  }
0x427: {  	v34 =	vadd.s32 v3, v35;
	v33 =	vld [tilespmem:s15+$0xC420];
	_ =	sdelay $0x4  }
0x428: {  	[tilespmem:v34+s25+$0x0] =	vst.idx.msk $0xffff, v33  }
0x429: {  	s16 =	sadd.s32 $0xFFFFFFFA, s0;
	v34 =	vadd.s32 v4, v35;
	v33 =	vld [tilespmem:s15+$0xC430]  }
0x42a: {  	v35 =	vmov s16  }
0x42b: {  	v35 =	vshrl.u32 v35, $0x3  }
0x42c: {  	v35 =	vshll.u32 v35, v1  }
0x42d: {  	v35 =	vbroadcast v35, $0x0  }
0x42e: {  	[tilespmem:v34+s25+$0x0] =	vst.idx.msk $0xffff, v33  }
0x42f: {  	v34 =	vadd.s32 v5, v35;
	v33 =	vld [tilespmem:s15+$0xC440];
	_ =	sdelay $0x4  }
0x430: {  	[tilespmem:v34+s25+$0x0] =	vst.idx.msk $0xffff, v33  }
0x431: {  	v34 =	vadd.s32 v6, v35;
	v33 =	vld [tilespmem:s15+$0xC450];
	_ =	sdelay $0x4  }
0x432: {  	[tilespmem:v34+s25+$0x0] =	vst.idx.msk $0xffff, v33  }
0x433: {  	v34 =	vadd.s32 v7, v35;
	v33 =	vld [tilespmem:s15+$0xC460];
	_ =	sdelay $0x4  }
0x434: {  	[tilespmem:v34+s25+$0x0] =	vst.idx.msk $0xffff, v33  }
0x435: {  	s16 =	sadd.s32 $0xFFFFFFFB, s0;
	v34 =	vadd.s32 v8, v35;
	v33 =	vld [tilespmem:s15+$0xC470]  }
0x436: {  	v35 =	vmov s16  }
0x437: {  	v35 =	vshrl.u32 v35, $0x3  }
0x438: {  	v35 =	vshll.u32 v35, v1  }
0x439: {  	v35 =	vbroadcast v35, $0x0  }
0x43a: {  	[tilespmem:v34+s25+$0x0] =	vst.idx.msk $0xffff, v33  }
0x43b: {  	v34 =	vadd.s32 v9, v35;
	v33 =	vld [tilespmem:s15+$0xC480];
	_ =	sdelay $0x4  }
0x43c: {  	[tilespmem:v34+s25+$0x0] =	vst.idx.msk $0xffff, v33  }
0x43d: {  	v34 =	vadd.s32 v10, v35;
	v33 =	vld [tilespmem:s15+$0xC490];
	_ =	sdelay $0x4  }
0x43e: {  	[tilespmem:v34+s25+$0x0] =	vst.idx.msk $0xffff, v33  }
0x43f: {  	v34 =	vadd.s32 v11, v35;
	v33 =	vld [tilespmem:s15+$0xC4A0];
	_ =	sdelay $0x4  }
0x440: {  	[tilespmem:v34+s25+$0x0] =	vst.idx.msk $0xffff, v33  }
0x441: {  	s16 =	sadd.s32 $0xFFFFFFFC, s0;
	v34 =	vadd.s32 v12, v35;
	v33 =	vld [tilespmem:s15+$0xC4B0]  }
0x442: {  	v35 =	vmov s16  }
0x443: {  	v35 =	vshrl.u32 v35, $0x3  }
0x444: {  	v35 =	vshll.u32 v35, v1  }
0x445: {  	v35 =	vbroadcast v35, $0x0  }
0x446: {  	[tilespmem:v34+s25+$0x0] =	vst.idx.msk $0xffff, v33  }
0x447: {  	v34 =	vadd.s32 v13, v35;
	v33 =	vld [tilespmem:s15+$0xC4C0];
	_ =	sdelay $0x4  }
0x448: {  	[tilespmem:v34+s25+$0x0] =	vst.idx.msk $0xffff, v33  }
0x449: {  	v34 =	vadd.s32 v14, v35;
	v33 =	vld [tilespmem:s15+$0xC4D0];
	_ =	sdelay $0x4  }
0x44a: {  	[tilespmem:v34+s25+$0x0] =	vst.idx.msk $0xffff, v33  }
0x44b: {  	v34 =	vadd.s32 v15, v35;
	v33 =	vld [tilespmem:s15+$0xC4E0];
	_ =	sdelay $0x4  }
0x44c: {  	[tilespmem:v34+s25+$0x0] =	vst.idx.msk $0xffff, v33  }
0x44d: {  	s16 =	sadd.s32 $0xFFFFFFFD, s0;
	v34 =	vadd.s32 v16, v35;
	v33 =	vld [tilespmem:s15+$0xC4F0]  }
0x44e: {  	v35 =	vmov s16  }
0x44f: {  	v35 =	vshrl.u32 v35, $0x3  }
0x450: {  	v35 =	vshll.u32 v35, v1  }
0x451: {  	v35 =	vbroadcast v35, $0x0  }
0x452: {  	[tilespmem:v34+s25+$0x0] =	vst.idx.msk $0xffff, v33  }
0x453: {  	v34 =	vadd.s32 v17, v35;
	v33 =	vld [tilespmem:s15+$0xC500];
	_ =	sdelay $0x4  }
0x454: {  	[tilespmem:v34+s25+$0x0] =	vst.idx.msk $0xffff, v33  }
0x455: {  	v34 =	vadd.s32 v18, v35;
	v33 =	vld [tilespmem:s15+$0xC510];
	_ =	sdelay $0x4  }
0x456: {  	[tilespmem:v34+s25+$0x0] =	vst.idx.msk $0xffff, v33  }
0x457: {  	v34 =	vadd.s32 v19, v35;
	v33 =	vld [tilespmem:s15+$0xC520];
	_ =	sdelay $0x4  }
0x458: {  	[tilespmem:v34+s25+$0x0] =	vst.idx.msk $0xffff, v33  }
0x459: {  	s16 =	sadd.s32 $0xFFFFFFFE, s0;
	v34 =	vadd.s32 v20, v35;
	v33 =	vld [tilespmem:s15+$0xC530]  }
0x45a: {  	v35 =	vmov s16  }
0x45b: {  	v35 =	vshrl.u32 v35, $0x3  }
0x45c: {  	v35 =	vshll.u32 v35, v1  }
0x45d: {  	v35 =	vbroadcast v35, $0x0  }
0x45e: {  	[tilespmem:v34+s25+$0x0] =	vst.idx.msk $0xffff, v33  }
0x45f: {  	v34 =	vadd.s32 v21, v35;
	v33 =	vld [tilespmem:s15+$0xC540];
	_ =	sdelay $0x4  }
0x460: {  	[tilespmem:v34+s25+$0x0] =	vst.idx.msk $0xffff, v33  }
0x461: {  	v34 =	vadd.s32 v22, v35;
	v33 =	vld [tilespmem:s15+$0xC550];
	_ =	sdelay $0x4  }
0x462: {  	[tilespmem:v34+s25+$0x0] =	vst.idx.msk $0xffff, v33  }
0x463: {  	v34 =	vadd.s32 v23, v35;
	v33 =	vld [tilespmem:s15+$0xC560];
	_ =	sdelay $0x4  }
0x464: {  	[tilespmem:v34+s25+$0x0] =	vst.idx.msk $0xffff, v33  }
0x465: {  	s16 =	sadd.s32 $0xFFFFFFFF, s0;
	v34 =	vadd.s32 v24, v35;
	v33 =	vld [tilespmem:s15+$0xC570]  }
0x466: {  	v35 =	vmov s16  }
0x467: {  	v35 =	vshrl.u32 v35, $0x3  }
0x468: {  	v35 =	vshll.u32 v35, v1  }
0x469: {  	v35 =	vbroadcast v35, $0x0  }
0x46a: {  	[tilespmem:v34+s25+$0x0] =	vst.idx.msk $0xffff, v33  }
0x46b: {  	v34 =	vadd.s32 v25, v35;
	v33 =	vld [tilespmem:s15+$0xC580];
	_ =	sdelay $0x4  }
0x46c: {  	[tilespmem:v34+s25+$0x0] =	vst.idx.msk $0xffff, v33  }
0x46d: {  	v34 =	vadd.s32 v26, v35;
	v33 =	vld [tilespmem:s15+$0xC590];
	_ =	sdelay $0x4  }
0x46e: {  	[tilespmem:v34+s25+$0x0] =	vst.idx.msk $0xffff, v33  }
0x46f: {  	v34 =	vadd.s32 v27, v35;
	v33 =	vld [tilespmem:s15+$0xC5A0];
	_ =	sdelay $0x4  }
0x470: {  	[tilespmem:v34+s25+$0x0] =	vst.idx.msk $0xffff, v33  }
0x471: {  	v34 =	vadd.s32 v28, v35;
	v33 =	vld [tilespmem:s15+$0xC5B0]  }
0x472: {  	v35 =	vmov s0  }
0x473: {  	v35 =	vshrl.u32 v35, $0x3  }
0x474: {  	v35 =	vshll.u32 v35, v1  }
0x475: {  	v35 =	vbroadcast v35, $0x0  }
0x476: {  	[tilespmem:v34+s25+$0x0] =	vst.idx.msk $0xffff, v33  }
0x477: {  	v34 =	vadd.s32 v29, v35;
	v33 =	vld [tilespmem:s15+$0xC5C0];
	_ =	sdelay $0x4  }
0x478: {  	[tilespmem:v34+s25+$0x0] =	vst.idx.msk $0xffff, v33  }
0x479: {  	v34 =	vadd.s32 v30, v35;
	v33 =	vld [tilespmem:s15+$0xC5D0];
	_ =	sdelay $0x4  }
0x47a: {  	[tilespmem:v34+s25+$0x0] =	vst.idx.msk $0xffff, v33  }
0x47b: {  	v34 =	vadd.s32 v31, v35;
	v33 =	vld [tilespmem:s15+$0xC5E0];
	_ =	sdelay $0x1  }
.Ltmp11:
0x47c: {  	(pc) =	sbr.rel @p1 .LBB2_19-.Ltmp11, $3  }
0x47d: {  	_ =	sdelay $0x1  }
0x47e: {  	s0 =	sadd.s32 $0x8, s0;
	[tilespmem:v34+s25+$0x0] =	vst.idx.msk $0xffff, v33  }
0x47f: {  	s12 =	sadd.s32 $0x800, s12;
	s16 =	sadd.s32 $0xFFFFFFF9, s0;
	v34 =	vadd.s32 v32, v35;
	v33 =	vld [tilespmem:s15+$0xC5F0]  }
0x480: {  	v35 =	vmov s16  }
0x481: {  	v35 =	vshrl.u32 v35, $0x3  }
0x482: {  	v35 =	vshll.u32 v35, v1  }
0x483: {  	v35 =	vbroadcast v35, $0x0  }
0x484: {  	s2 =	sshra.s32 s2, $0x2;
	[tilespmem:v34+s25+$0x0] =	vst.idx.msk $0xffff, v33  }
0x485: {  	v33 =	vld [tilespmem:s2+$0xC400];
	v53 =	vadd.s32 v0, v35;
	_ =	sdelay $0x4  }
0x486: {  	[tilespmem:v53+s25+$0x0] =	vst.idx.msk $0xffff, v33  }
0x487: {  	v54 =	vadd.s32 v2, v35;
	v33 =	vld [tilespmem:s2+$0xC410];
	_ =	sdelay $0x4  }
0x488: {  	[tilespmem:v54+s25+$0x0] =	vst.idx.msk $0xffff, v33  }
0x489: {  	v55 =	vadd.s32 v3, v35;
	v33 =	vld [tilespmem:s2+$0xC420];
	_ =	sdelay $0x4  }
0x48a: {  	[tilespmem:v55+s25+$0x0] =	vst.idx.msk $0xffff, v33  }
0x48b: {  	s12 =	sadd.s32 $0xFFFFFFFA, s0;
	v56 =	vadd.s32 v4, v35;
	v33 =	vld [tilespmem:s2+$0xC430]  }
0x48c: {  	v57 =	vmov s12  }
0x48d: {  	v35 =	vshrl.u32 v57, $0x3  }
0x48e: {  	v35 =	vshll.u32 v35, v1  }
0x48f: {  	v35 =	vbroadcast v35, $0x0  }
0x490: {  	[tilespmem:v56+s25+$0x0] =	vst.idx.msk $0xffff, v33  }
0x491: {  	v58 =	vadd.s32 v5, v35;
	v33 =	vld [tilespmem:s2+$0xC440];
	_ =	sdelay $0x4  }
0x492: {  	[tilespmem:v58+s25+$0x0] =	vst.idx.msk $0xffff, v33  }
0x493: {  	v59 =	vadd.s32 v6, v35;
	v33 =	vld [tilespmem:s2+$0xC450];
	_ =	sdelay $0x4  }
0x494: {  	[tilespmem:v59+s25+$0x0] =	vst.idx.msk $0xffff, v33  }
0x495: {  	v60 =	vadd.s32 v7, v35;
	v33 =	vld [tilespmem:s2+$0xC460];
	_ =	sdelay $0x4  }
0x496: {  	[tilespmem:v60+s25+$0x0] =	vst.idx.msk $0xffff, v33  }
0x497: {  	s16 =	sadd.s32 $0xFFFFFFFB, s0;
	v61 =	vadd.s32 v8, v35;
	v33 =	vld [tilespmem:s2+$0xC470]  }
0x498: {  	v62 =	vmov s16  }
0x499: {  	v35 =	vshrl.u32 v62, $0x3  }
0x49a: {  	v35 =	vshll.u32 v35, v1  }
0x49b: {  	v35 =	vbroadcast v35, $0x0  }
0x49c: {  	[tilespmem:v61+s25+$0x0] =	vst.idx.msk $0xffff, v33  }
0x49d: {  	v63 =	vadd.s32 v9, v35;
	v33 =	vld [tilespmem:s2+$0xC480];
	_ =	sdelay $0x4  }
0x49e: {  	[tilespmem:v63+s25+$0x0] =	vst.idx.msk $0xffff, v33  }
0x49f: {  	v36 =	vadd.s32 v10, v35;
	v33 =	vld [tilespmem:s2+$0xC490];
	_ =	sdelay $0x4  }
0x4a0: {  	[tilespmem:v36+s25+$0x0] =	vst.idx.msk $0xffff, v33  }
0x4a1: {  	v37 =	vadd.s32 v11, v35;
	v33 =	vld [tilespmem:s2+$0xC4A0];
	_ =	sdelay $0x4  }
0x4a2: {  	[tilespmem:v37+s25+$0x0] =	vst.idx.msk $0xffff, v33  }
0x4a3: {  	s31 =	sadd.s32 $0xFFFFFFFC, s0;
	v38 =	vadd.s32 v12, v35;
	v33 =	vld [tilespmem:s2+$0xC4B0]  }
0x4a4: {  	v39 =	vmov s31  }
0x4a5: {  	v35 =	vshrl.u32 v39, $0x3  }
0x4a6: {  	v35 =	vshll.u32 v35, v1  }
0x4a7: {  	v35 =	vbroadcast v35, $0x0  }
0x4a8: {  	[tilespmem:v38+s25+$0x0] =	vst.idx.msk $0xffff, v33  }
0x4a9: {  	v40 =	vadd.s32 v13, v35;
	v33 =	vld [tilespmem:s2+$0xC4C0];
	_ =	sdelay $0x4  }
0x4aa: {  	[tilespmem:v40+s25+$0x0] =	vst.idx.msk $0xffff, v33  }
0x4ab: {  	v41 =	vadd.s32 v14, v35;
	v33 =	vld [tilespmem:s2+$0xC4D0];
	_ =	sdelay $0x4  }
0x4ac: {  	[tilespmem:v41+s25+$0x0] =	vst.idx.msk $0xffff, v33  }
0x4ad: {  	v42 =	vadd.s32 v15, v35;
	v33 =	vld [tilespmem:s2+$0xC4E0];
	_ =	sdelay $0x4  }
0x4ae: {  	[tilespmem:v42+s25+$0x0] =	vst.idx.msk $0xffff, v33  }
0x4af: {  	s15 =	sadd.s32 $0xFFFFFFFD, s0;
	v43 =	vadd.s32 v16, v35;
	v33 =	vld [tilespmem:s2+$0xC4F0]  }
0x4b0: {  	v44 =	vmov s15  }
0x4b1: {  	v35 =	vshrl.u32 v44, $0x3  }
0x4b2: {  	v35 =	vshll.u32 v35, v1  }
0x4b3: {  	v35 =	vbroadcast v35, $0x0  }
0x4b4: {  	[tilespmem:v43+s25+$0x0] =	vst.idx.msk $0xffff, v33  }
0x4b5: {  	v45 =	vadd.s32 v17, v35;
	v33 =	vld [tilespmem:s2+$0xC500];
	_ =	sdelay $0x4  }
0x4b6: {  	[tilespmem:v45+s25+$0x0] =	vst.idx.msk $0xffff, v33  }
0x4b7: {  	v46 =	vadd.s32 v18, v35;
	v33 =	vld [tilespmem:s2+$0xC510];
	_ =	sdelay $0x4  }
0x4b8: {  	[tilespmem:v46+s25+$0x0] =	vst.idx.msk $0xffff, v33  }
0x4b9: {  	v47 =	vadd.s32 v19, v35;
	v33 =	vld [tilespmem:s2+$0xC520];
	_ =	sdelay $0x4  }
0x4ba: {  	[tilespmem:v47+s25+$0x0] =	vst.idx.msk $0xffff, v33  }
0x4bb: {  	s16 =	sadd.s32 $0xFFFFFFFE, s0;
	v48 =	vadd.s32 v20, v35;
	v33 =	vld [tilespmem:s2+$0xC530]  }
0x4bc: {  	v49 =	vmov s16  }
0x4bd: {  	v35 =	vshrl.u32 v49, $0x3  }
0x4be: {  	v35 =	vshll.u32 v35, v1  }
0x4bf: {  	v35 =	vbroadcast v35, $0x0  }
0x4c0: {  	[tilespmem:v48+s25+$0x0] =	vst.idx.msk $0xffff, v33  }
0x4c1: {  	v50 =	vadd.s32 v21, v35;
	v33 =	vld [tilespmem:s2+$0xC540];
	_ =	sdelay $0x4  }
0x4c2: {  	[tilespmem:v50+s25+$0x0] =	vst.idx.msk $0xffff, v33  }
0x4c3: {  	v51 =	vadd.s32 v22, v35;
	v33 =	vld [tilespmem:s2+$0xC550];
	_ =	sdelay $0x4  }
0x4c4: {  	[tilespmem:v51+s25+$0x0] =	vst.idx.msk $0xffff, v33  }
0x4c5: {  	v52 =	vadd.s32 v23, v35;
	v33 =	vld [tilespmem:s2+$0xC560];
	_ =	sdelay $0x4  }
0x4c6: {  	[tilespmem:v52+s25+$0x0] =	vst.idx.msk $0xffff, v33  }
0x4c7: {  	s31 =	sadd.s32 $0xFFFFFFFF, s0;
	v53 =	vadd.s32 v24, v35;
	v33 =	vld [tilespmem:s2+$0xC570]  }
0x4c8: {  	v54 =	vmov s31  }
0x4c9: {  	v35 =	vshrl.u32 v54, $0x3  }
0x4ca: {  	v35 =	vshll.u32 v35, v1  }
0x4cb: {  	v35 =	vbroadcast v35, $0x0  }
0x4cc: {  	[tilespmem:v53+s25+$0x0] =	vst.idx.msk $0xffff, v33  }
0x4cd: {  	v55 =	vadd.s32 v25, v35;
	v33 =	vld [tilespmem:s2+$0xC580];
	_ =	sdelay $0x4  }
0x4ce: {  	[tilespmem:v55+s25+$0x0] =	vst.idx.msk $0xffff, v33  }
0x4cf: {  	v56 =	vadd.s32 v26, v35;
	v33 =	vld [tilespmem:s2+$0xC590];
	_ =	sdelay $0x4  }
0x4d0: {  	[tilespmem:v56+s25+$0x0] =	vst.idx.msk $0xffff, v33  }
0x4d1: {  	v57 =	vadd.s32 v27, v35;
	v33 =	vld [tilespmem:s2+$0xC5A0];
	_ =	sdelay $0x4  }
0x4d2: {  	[tilespmem:v57+s25+$0x0] =	vst.idx.msk $0xffff, v33  }
0x4d3: {  	v58 =	vadd.s32 v28, v35;
	v33 =	vld [tilespmem:s2+$0xC5B0]  }
0x4d4: {  	v59 =	vmov s0  }
0x4d5: {  	v35 =	vshrl.u32 v59, $0x3  }
0x4d6: {  	v35 =	vshll.u32 v35, v1  }
0x4d7: {  	v35 =	vbroadcast v35, $0x0  }
0x4d8: {  	[tilespmem:v58+s25+$0x0] =	vst.idx.msk $0xffff, v33  }
0x4d9: {  	v60 =	vadd.s32 v29, v35;
	v33 =	vld [tilespmem:s2+$0xC5C0];
	_ =	sdelay $0x4  }
0x4da: {  	[tilespmem:v60+s25+$0x0] =	vst.idx.msk $0xffff, v33  }
0x4db: {  	v61 =	vadd.s32 v30, v35;
	v33 =	vld [tilespmem:s2+$0xC5D0];
	_ =	sdelay $0x4  }
0x4dc: {  	[tilespmem:v61+s25+$0x0] =	vst.idx.msk $0xffff, v33  }
0x4dd: {  	v62 =	vadd.s32 v31, v35;
	v33 =	vld [tilespmem:s2+$0xC5E0];
	_ =	sdelay $0x4  }
0x4de: {  	[tilespmem:v62+s25+$0x0] =	vst.idx.msk $0xffff, v33  }
0x4df: {  	v63 =	vadd.s32 v32, v35;
	v33 =	vld [tilespmem:s2+$0xC5F0];
	_ =	sdelay $0x3  }
0x4e0: {  	s12 =	simm.s32 $0x200;
	s0 =	sadd.s32 s30, s9  }
0x4e1: {  	s15 =	simm.s32 $0x10688;
	s16 =	sadd.s32 $0x0, s0;
	s2 =	simm.s32 $0x10600;
	[tilespmem:v63+s25+$0x0] =	vst.idx.msk $0xffff, v33  }
.LBB2_21:
0x4e2: {  	[hbm4b:s16+s1] =	stream.linear.scatter [tilespmem:s2], [sflag:$0x2], $0x80, $0x38;
	[tilespmem:$0x12800] =	vst v63  }
0x4e3: {  	s16 =	smov.u32 s12;
	s2 =	smov.u32 s15;
	p1 =	sne.s32 s12, $0x7E00  }
.Ltmp12:
0x4e4: {  	s12 =	sadd.s32 $0x200, s12;
	(pc) =	sbr.rel @p1 .LBB2_21-.Ltmp12, $2  }
0x4e5: {  	_ =	sdelay $0x2  }
0x4e6: {  	s15 =	sadd.s32 $0x88, s15;
	s16 =	sadd.s32 s16, s0  }
.Ltmp13:
0x4e7: {  	(pc) =	sbr.rel @p0 .LBB2_24-.Ltmp13, $2  }
0x4e8: {  	_ =	sdelay $0x2  }
0x4e9: {  	[hbm4b:s16+s1] =	stream.linear.scatter [tilespmem:s2], [sflag:$0x2], $0x80, $0x38;
	[tilespmem:$0x12800] =	vst v63  }
.Ltmp14:
0x4ea: {  	(pc) =	sbr.rel .LBB2_2-.Ltmp14, $4  }
0x4eb: {  	_ = 	snop  }
0x4ec: {  	s0 =	sshrl.u32 s29, $0x2  }
0x4ed: {  	s28 =	sadd.s32 $0x1, s28;
	s0 =	sadd.s32 $0x380, s0  }
0x4ee: {  	[tilespmem:s19], [sflag:$0x1] =	stream.indirect.gather [hbm4b:s3+s11], $0x40, s0, s11, $0xb8;
	[tilespmem:$0x12800] =	vst v63  }
.LBB2_25:
0x4ef: {  	_ =	sfence.sel $0x180000  }
0x4f0: {  	[bflag:$0x0] =	sbarrier.arrive $0xFFFF  }
0x4f1: {  	_ =	strace $0x90000047  }
0x4f2: {  	s0 =	stileid.u32;
	[bflag:$0x2] =	sbarrier.arrive $0xFFFF  }
0x4f3: {  	p0 =	sne.s32 s0, $0x0;
	s0 =	rddreg [dreg:$0x2]  }
0x4f4: {  	s0 =	sadd.s32 @!p0 $0x100000, s0  }
0x4f5: {  	[sflag:s0] =	ssyncadd.tile.s32 @!p0 $0x1;
	_ =	shalt  }
.Lfunc_end2:
_tile_overlayer_lowered:
.L_overlay_start_2:
0x4f6: {  	(tag) =	ssettag $0x2  }
0x4f7: {  	s0 =	rddreg [dreg:$0x0];
	s2 =	stileid.u32  }
0x4f8: {  	s1 =	rddreg [dreg:$0x1];
	p0 =	sne.s32 s2, $0x0  }
0x4f9: {  	s3 =	rddreg [dreg:$0x2];
	[bflag:$0x3] =	sbarrier.arrive $0xFFFF;
	s2 =	simm.s32 @!p0 $0x1C03  }
0x4fa: {  	[timem:s3], [sflag:s2] =	dma.local @!p0 [hbm:s0], s1  }
0x4fb: {  	s0 =	simm.s32 @!p0 $0x3  }
0x4fc: {  	_ =	swait.ge @!p0 [sflag:s0], s1  }
0x4fd: {  	s1 =	ssub.s32 @!p0 $0x0, s1;
	[sflag:s0] =	ssyncset.done @!p0 $0x0  }
0x4fe: {  	[sflag:s0] =	ssyncadd.s32 @!p0 s1  }
0x4ff: {  	[bflag:$0x3] =	sbarrier.arrive $0xFFFF  }
0x500: {  	_ =	shalt  }

</sc_bundles>
